<compile_context>
chip_gen: v7x
topology: tpu7x:2x2x1
jax: 0.10.2.dev20260603
libtpu: 0.0.44.dev20260713+nightly
codegen_flags: <defaults>
</compile_context>

<pallas_src>
import functools

import jax
import jax.numpy as jnp
from jax import lax
from jax.experimental import pallas as pl
from jax.experimental.pallas import tpu as pltpu
from jax.experimental.pallas import tpu_sc as plsc

N = 10000
E = 320000
D = 128
H1 = 16
H2 = 2
NW = 32
LANES = 16

_MESH = plsc.VectorSubcoreMesh(core_axis_name="c", subcore_axis_name="s")


def _wid():
    return lax.axis_index("s") * 2 + lax.axis_index("c")


def _zero_vmem(ref, n):
    @plsc.parallel_loop(0, n // LANES, unroll=8)
    def _(i):
        ref[pl.ds(i * LANES, LANES)] = jnp.zeros((LANES,), jnp.float32)


def _zero_vmem2(ref, fg, n):
    @plsc.parallel_loop(0, n // LANES, unroll=8)
    def _(i):
        for f in range(fg):
            ref[f, pl.ds(i * LANES, LANES)] = jnp.zeros((LANES,), jnp.float32)


_EPT = E // NW


@functools.partial(
    pl.kernel,
    out_type=jax.ShapeDtypeStruct((NW, N), jnp.float32),
    mesh=_MESH,
    compiler_params=pltpu.CompilerParams(needs_layout_passes=False),
    scratch_types=[
        pltpu.VMEM((_EPT,), jnp.int32),
        pltpu.VMEM((_EPT,), jnp.float32),
        pltpu.VMEM((N,), jnp.float32),
    ],
)
def _deg_kernel(dst_hbm, ew_hbm, out_hbm, dst_v, ew_v, acc_v):
    w = _wid()
    pltpu.sync_copy(dst_hbm.at[pl.ds(w * _EPT, _EPT)], dst_v)
    pltpu.sync_copy(ew_hbm.at[pl.ds(w * _EPT, _EPT)], ew_v)
    _zero_vmem(acc_v, N)

    @plsc.parallel_loop(0, _EPT // LANES, unroll=8)
    def _(i):
        d = dst_v[pl.ds(i * LANES, LANES)]
        v = ew_v[pl.ds(i * LANES, LANES)]
        plsc.addupdate_scatter(acc_v, [d], v)

    pltpu.sync_copy(acc_v, out_hbm.at[w])


_FG1 = 4
_NC1 = H1 // _FG1 * 2
_EC1 = E // _NC1
_CH1 = 4000
_NSUB1 = _EC1 // _CH1
assert _EC1 % _CH1 == 0 and _CH1 % LANES == 0


def _edge_loop_fg(nvec, fg, src_v, dst_v, ew_v, h_v, acc_v, unroll=4):
    fvecs = [jnp.full((LANES,), f, jnp.int32) for f in range(fg)]

    @plsc.parallel_loop(0, nvec, unroll=unroll)
    def _(i):
        s = src_v[pl.ds(i * LANES, LANES)]
        d = dst_v[pl.ds(i * LANES, LANES)]
        v = ew_v[pl.ds(i * LANES, LANES)]
        for f in range(fg):
            g = plsc.load_gather(h_v, [fvecs[f], s])
            plsc.addupdate_scatter(acc_v, [fvecs[f], d], g * v)


@functools.partial(
    pl.kernel,
    out_type=jax.ShapeDtypeStruct((_NC1, H1 // _FG1, _FG1, N), jnp.float32),
    mesh=_MESH,
    compiler_params=pltpu.CompilerParams(needs_layout_passes=False),
    scratch_types=[
        pltpu.VMEM((_FG1, N), jnp.float32),
        pltpu.VMEM((_FG1, N), jnp.float32),
        pltpu.VMEM((2 * _CH1,), jnp.int32),
        pltpu.VMEM((2 * _CH1,), jnp.int32),
        pltpu.VMEM((2 * _CH1,), jnp.float32),
        pltpu.SemaphoreType.DMA,
        pltpu.SemaphoreType.DMA,
    ],
)
def _agg1_kernel(hsT_hbm, src_hbm, dst_hbm, ew_hbm, out_hbm,
                 h_v, acc_v, src_v, dst_v, ew_v, sem0, sem1):
    w = _wid()
    g = w % _FG1
    chunk = w // _FG1
    base = chunk * _EC1
    sems = (sem0, sem1)

    def fire(c):
        b = c % 2
        off = base + c * _CH1
        sl = pl.ds(b * _CH1, _CH1)
        return [
            pltpu.async_copy(src_hbm.at[pl.ds(off, _CH1)], src_v.at[sl], sems[b]),
            pltpu.async_copy(dst_hbm.at[pl.ds(off, _CH1)], dst_v.at[sl], sems[b]),
            pltpu.async_copy(ew_hbm.at[pl.ds(off, _CH1)], ew_v.at[sl], sems[b]),
        ]

    pending = {0: fire(0)}
    pltpu.sync_copy(hsT_hbm.at[g], h_v)
    _zero_vmem2(acc_v, _FG1, N)
    for c in range(_NSUB1):
        if c + 1 < _NSUB1:
            pending[(c + 1) % 2] = fire(c + 1)
        for desc in pending[c % 2]:
            desc.wait()
        sl = pl.ds((c % 2) * _CH1, _CH1)
        _edge_loop_fg(_CH1 // LANES, _FG1,
                      src_v.at[sl], dst_v.at[sl], ew_v.at[sl], h_v, acc_v)
    pltpu.sync_copy(acc_v, out_hbm.at[chunk, g])


_ECH = E // NW


@functools.partial(
    pl.kernel,
    out_type=jax.ShapeDtypeStruct((NW, H2, N), jnp.float32),
    mesh=_MESH,
    compiler_params=pltpu.CompilerParams(needs_layout_passes=False),
    scratch_types=[
        pltpu.VMEM((H2, N), jnp.float32),
        pltpu.VMEM((H2, N), jnp.float32),
        pltpu.VMEM((_ECH,), jnp.int32),
        pltpu.VMEM((_ECH,), jnp.int32),
        pltpu.VMEM((_ECH,), jnp.float32),
        pltpu.SemaphoreType.DMA,
    ],
)
def _agg2_kernel(hs2T_hbm, src_hbm, dst_hbm, ew_hbm, out_hbm,
                 h_v, acc_v, src_v, dst_v, ew_v, sem):
    w = _wid()
    off = w * _ECH
    pending = [
        pltpu.async_copy(src_hbm.at[pl.ds(off, _ECH)], src_v, sem),
        pltpu.async_copy(dst_hbm.at[pl.ds(off, _ECH)], dst_v, sem),
        pltpu.async_copy(ew_hbm.at[pl.ds(off, _ECH)], ew_v, sem),
    ]
    pltpu.sync_copy(hs2T_hbm.at[0], h_v)
    _zero_vmem2(acc_v, H2, N)
    for desc in pending:
        desc.wait()
    _edge_loop_fg(_ECH // LANES, H2, src_v, dst_v, ew_v, h_v, acc_v, unroll=8)
    pltpu.sync_copy(acc_v, out_hbm.at[w])


_NG = H1 // _FG1


def _mm_body(x_ref, w1t_ref, hT_ref):
    for g in range(_NG):
        hT_ref[g] = lax.dot_general(
            w1t_ref[g], x_ref[...], (((1,), (1,)), ((), ())),
            preferred_element_type=jnp.float32,
            precision=lax.Precision.HIGHEST)


def _scale_body(degp_ref, hT_ref, dinv_ref, hsT_ref):
    deg = jnp.sum(degp_ref[...], axis=0, keepdims=True) + 1.0
    dinv = jnp.where(deg > 0, lax.rsqrt(jnp.maximum(deg, 1e-12)), 0.0)
    dinv_ref[...] = dinv
    hsT_ref[...] = hT_ref[...] * dinv[None]


def _mid_body(p1_ref, hsT_ref, dinv_ref, w2t_ref, b1_ref, hs2T_ref):
    dinv = dinv_ref[...]
    agg = jnp.sum(p1_ref[...], axis=0)
    z = jnp.maximum(dinv[None] * (agg + hsT_ref[...]) + b1_ref[...], 0.0)
    h2 = jnp.zeros((H2, N), jnp.float32)
    for g in range(_NG):
        h2 = h2 + lax.dot_general(
            w2t_ref[g], z[g], (((1,), (0,)), ((), ())),
            preferred_element_type=jnp.float32,
            precision=lax.Precision.HIGHEST)
    hs2T_ref[0] = h2 * dinv


def _fin_body(p2_ref, hs2T_ref, dinv_ref, b2_ref, out_ref):
    agg = jnp.sum(p2_ref[...], axis=0)
    a = dinv_ref[...] * (agg + hs2T_ref[0]) + b2_ref[...]
    m = jnp.max(a, axis=0, keepdims=True)
    lse = m + jnp.log(jnp.sum(jnp.exp(a - m), axis=0, keepdims=True))
    out_ref[...] = a - lse


def kernel(x, edge_index, edge_weight, W1, b1, W2, b2):
    src = edge_index[0].astype(jnp.int32)
    dst = edge_index[1].astype(jnp.int32)
    ew = edge_weight.astype(jnp.float32)

    hT = pl.pallas_call(
        _mm_body,
        out_shape=jax.ShapeDtypeStruct((_NG, _FG1, N), jnp.float32),
    )(x, W1.T.reshape(_NG, _FG1, D))
    deg_part = _deg_kernel(dst, ew)

    dinv, hsT = pl.pallas_call(
        _scale_body,
        out_shape=(
            jax.ShapeDtypeStruct((1, N), jnp.float32),
            jax.ShapeDtypeStruct((_NG, _FG1, N), jnp.float32),
        ),
    )(deg_part, hT)

    p1 = _agg1_kernel(hsT, src, dst, ew)

    hs2T = pl.pallas_call(
        _mid_body,
        out_shape=jax.ShapeDtypeStruct((1, H2, N), jnp.float32),
    )(p1, hsT, dinv, W2.T.reshape(H2, _NG, _FG1).transpose(1, 0, 2),
      b1.reshape(_NG, _FG1, 1))

    p2 = _agg2_kernel(hs2T, src, dst, ew)

    outT = pl.pallas_call(
        _fin_body,
        out_shape=jax.ShapeDtypeStruct((H2, N), jnp.float32),
    )(p2, hs2T, dinv, b2.reshape(H2, 1))

    return outT.T

# --- scband reference (transcript-rebuilt; emitter-appended) ---
"""Pipeline reference for scband-gnn-16638703304727 (READ-ONLY COPY).

The authoritative reference and input builder live on the scoring server;
editing this copy changes nothing except your own understanding.
"""

import jax, jax.numpy as jnp
import numpy as np

N_NODES = 10000
N_EDGES = 320000
D_FEAT = 128
H1 = 16
H2 = 2


def setup_inputs(seed: int = 0) -> dict:
    key = jax.random.key(seed)
    k1, k2, k3, k4, k5, k6, k7 = jax.random.split(key, 7)
    x = jax.random.normal(k1, (N_NODES, D_FEAT), dtype=jnp.float32)
    edge_index = jax.random.randint(k2, (2, N_EDGES), 0, N_NODES, dtype=jnp.int64)
    edge_weight = jax.random.uniform(k3, (N_EDGES,), dtype=jnp.float32)
    # GCNConv parameters (glorot-style init)
    W1 = jax.random.normal(k4, (D_FEAT, H1), dtype=jnp.float32) * (1.0 / np.sqrt(D_FEAT))
    b1 = jnp.zeros((H1,), dtype=jnp.float32)
    W2 = jax.random.normal(k5, (H1, H2), dtype=jnp.float32) * (1.0 / np.sqrt(H1))
    b2 = jnp.zeros((H2,), dtype=jnp.float32)
    return {"x": x, "edge_index": edge_index, "edge_weight": edge_weight,
            "W1": W1, "b1": b1, "W2": W2, "b2": b2}


def _gcn_conv(x, src, dst, ew, W, b, num_nodes):
    # PyG GCNConv with add_self_loops=True and symmetric normalization
    loop = jnp.arange(num_nodes, dtype=src.dtype)
    src_sl = jnp.concatenate([src, loop])
    dst_sl = jnp.concatenate([dst, loop])
    ew_sl = jnp.concatenate([ew, jnp.ones((num_nodes,), dtype=ew.dtype)])
    deg = jnp.zeros((num_nodes,), dtype=ew.dtype).at[dst_sl].add(ew_sl)
    deg_inv_sqrt = jnp.where(deg > 0, jax.lax.rsqrt(jnp.maximum(deg, 1e-12)), 0.0)
    norm = deg_inv_sqrt[src_sl] * ew_sl * deg_inv_sqrt[dst_sl]
    h = x @ W
    msg = h[src_sl] * norm[:, None]
    out = jnp.zeros((num_nodes, W.shape[1]), dtype=h.dtype).at[dst_sl].add(msg)
    return out + b


def reference(x, edge_index, edge_weight, W1, b1, W2, b2):
    src = edge_index[0]
    dst = edge_index[1]
    n = x.shape[0]
    h = _gcn_conv(x, src, dst, edge_weight, W1, b1, n)
    h = jax.nn.relu(h)
    h = _gcn_conv(h, src, dst, edge_weight, W2, b2, n)
    return jax.nn.log_softmax(h, axis=1)

if __name__ == "__main__":
    import jax
    _d = setup_inputs()
    print(jax.jit(kernel)(*tuple(_d.values())))

</pallas_src>

<mosaic_0001>
#map = affine_map<(d0, d1) -> (0)>
#map1 = affine_map<(d0, d1) -> (0, 0)>
module attributes {stable_mosaic.version = 14 : i64} {
  func.func @_deg_kernel(%arg0: i32, %arg1: i32, %arg2: memref<320000xi32, #tpu.memory_space<hbm>>, %arg3: memref<320000xf32, #tpu.memory_space<hbm>>, %arg4: memref<32x10000xf32, #tpu.memory_space<hbm>>, %arg5: memref<10000xi32, #tpu.memory_space<vmem>>, %arg6: memref<10000xf32, #tpu.memory_space<vmem>>, %arg7: memref<10000xf32, #tpu.memory_space<vmem>>) attributes {dimension_semantics = [#tpu.dimension_semantics<core_parallel>, #tpu.dimension_semantics<subcore_parallel>], iteration_bounds = array<i64: 2, 16>, scalar_prefetch = 0 : i64, scratch_operands = 3 : i64, tpu.core_type = #tpu.core_type<sc_vector_subcore>, window_params = [{transform_indices = #map}, {transform_indices = #map}, {transform_indices = #map1}]} {
    %mul3A = arith.constant 2 : i32
    %mul3A_0 = arith.muli %arg1, %mul3A : i32
    %add3A = arith.addi %mul3A_0, %arg0 : i32
    %mul3A_1 = arith.constant 10000 : i32
    %mul3A_2 = arith.muli %add3A, %mul3A_1 : i32
    "tpu.region"() ({
      %run_scoped3A = tpu.sem_alloc : memref<!tpu.dma_semaphore, #tpu.memory_space<semaphore_mem>>
      %dma_start3A = tpu.memref_slice %arg2[%mul3A_2] : memref<320000xi32, #tpu.memory_space<hbm>> -> memref<10000xi32, #tpu.memory_space<hbm>>
      %dma_start3A_10 = tpu.memref_slice %arg2[%mul3A_2] : memref<320000xi32, #tpu.memory_space<hbm>> -> memref<10000xi32, #tpu.memory_space<hbm>>
      tpu.enqueue_dma source(%dma_start3A_10 : memref<10000xi32, #tpu.memory_space<hbm>>) target(%arg5 : memref<10000xi32, #tpu.memory_space<vmem>>) target_semaphore(%run_scoped3A : memref<!tpu.dma_semaphore, #tpu.memory_space<semaphore_mem>>)
      %dma_wait3A = tpu.memref_slice %arg2[%mul3A_2] : memref<320000xi32, #tpu.memory_space<hbm>> -> memref<10000xi32, #tpu.memory_space<hbm>>
      %dma_wait3A_11 = tpu.memref_slice %arg2[%mul3A_2] : memref<320000xi32, #tpu.memory_space<hbm>> -> memref<10000xi32, #tpu.memory_space<hbm>>
      tpu.wait_dma2 semaphore(%run_scoped3A : memref<!tpu.dma_semaphore, #tpu.memory_space<semaphore_mem>>) src(%dma_wait3A_11 : memref<10000xi32, #tpu.memory_space<hbm>>) dst(%arg5 : memref<10000xi32, #tpu.memory_space<vmem>>)
      tpu.yield
    }) : () -> ()
    %mul3A_3 = arith.constant 10000 : i32
    %mul3A_4 = arith.muli %add3A, %mul3A_3 : i32
    "tpu.region"() ({
      %run_scoped3A = tpu.sem_alloc : memref<!tpu.dma_semaphore, #tpu.memory_space<semaphore_mem>>
      %dma_start3A = tpu.memref_slice %arg3[%mul3A_4] : memref<320000xf32, #tpu.memory_space<hbm>> -> memref<10000xf32, #tpu.memory_space<hbm>>
      %dma_start3A_10 = tpu.memref_slice %arg3[%mul3A_4] : memref<320000xf32, #tpu.memory_space<hbm>> -> memref<10000xf32, #tpu.memory_space<hbm>>
      tpu.enqueue_dma source(%dma_start3A_10 : memref<10000xf32, #tpu.memory_space<hbm>>) target(%arg6 : memref<10000xf32, #tpu.memory_space<vmem>>) target_semaphore(%run_scoped3A : memref<!tpu.dma_semaphore, #tpu.memory_space<semaphore_mem>>)
      %dma_wait3A = tpu.memref_slice %arg3[%mul3A_4] : memref<320000xf32, #tpu.memory_space<hbm>> -> memref<10000xf32, #tpu.memory_space<hbm>>
      %dma_wait3A_11 = tpu.memref_slice %arg3[%mul3A_4] : memref<320000xf32, #tpu.memory_space<hbm>> -> memref<10000xf32, #tpu.memory_space<hbm>>
      tpu.wait_dma2 semaphore(%run_scoped3A : memref<!tpu.dma_semaphore, #tpu.memory_space<semaphore_mem>>) src(%dma_wait3A_11 : memref<10000xf32, #tpu.memory_space<hbm>>) dst(%arg6 : memref<10000xf32, #tpu.memory_space<vmem>>)
      tpu.yield
    }) : () -> ()
    %parallel_loop3A = arith.constant 0 : i32
    %parallel_loop3A_5 = arith.constant 625 : i32
    %parallel_loop3A_6 = arith.constant 1 : i32
    scf.for %parallel_loop3A_10 = %parallel_loop3A to %parallel_loop3A_5 step %parallel_loop3A_6  : i32 {
      %parallel_loop3A_11 = arith.constant 0.000000e+00 : f32
      %parallel_loop3A_12 = vector.broadcast %parallel_loop3A_11 : f32 to vector<16xf32>
      %parallel_loop3A_13 = arith.constant 16 : i32
      %parallel_loop3A_14 = arith.muli %parallel_loop3A_10, %parallel_loop3A_13 : i32
      %parallel_loop3A_15 = arith.index_cast %parallel_loop3A_14 : i32 to index
      %parallel_loop3A_16 = tpu.vector_load %arg7[%parallel_loop3A_15] {strides = array<i32>} : memref<10000xf32, #tpu.memory_space<vmem>>, vector<16xf32>,
      tpu.vector_store %arg7[%parallel_loop3A_15], %parallel_loop3A_12 {strides = array<i32>} : memref<10000xf32, #tpu.memory_space<vmem>>, vector<16xf32>,
    } {sc.loop_unroll_factor = 8 : i64, sc.parallel_access}
    %parallel_loop3A_7 = arith.constant 0 : i32
    %parallel_loop3A_8 = arith.constant 625 : i32
    %parallel_loop3A_9 = arith.constant 1 : i32
    scf.for %parallel_loop3A_10 = %parallel_loop3A_7 to %parallel_loop3A_8 step %parallel_loop3A_9  : i32 {
      %parallel_loop3A_11 = arith.constant 16 : i32
      %parallel_loop3A_12 = arith.muli %parallel_loop3A_10, %parallel_loop3A_11 : i32
      %parallel_loop3A_13 = arith.index_cast %parallel_loop3A_12 : i32 to index
      %parallel_loop3A_14 = tpu.vector_load %arg5[%parallel_loop3A_13] {strides = array<i32>} : memref<10000xi32, #tpu.memory_space<vmem>>, vector<16xi32>,
      %parallel_loop3A_15 = arith.constant 16 : i32
      %parallel_loop3A_16 = arith.muli %parallel_loop3A_10, %parallel_loop3A_15 : i32
      %parallel_loop3A_17 = arith.index_cast %parallel_loop3A_16 : i32 to index
      %parallel_loop3A_18 = tpu.vector_load %arg6[%parallel_loop3A_17] {strides = array<i32>} : memref<10000xf32, #tpu.memory_space<vmem>>, vector<16xf32>,
      tpu.vector_store_idx %arg7[%parallel_loop3A_14], %parallel_loop3A_18 {add = true} : memref<10000xf32, #tpu.memory_space<vmem>>[vector<16xi32>], vector<16xf32>,
    } {sc.loop_unroll_factor = 8 : i64, sc.parallel_access}
    "tpu.region"() ({
      %run_scoped3A = tpu.sem_alloc : memref<!tpu.dma_semaphore, #tpu.memory_space<semaphore_mem>>
      %dma_start3A = arith.constant 0 : i32
      %dma_start3A_10 = tpu.memref_slice %arg4[%add3A, %dma_start3A] : memref<32x10000xf32, #tpu.memory_space<hbm>> -> memref<1x10000xf32, #tpu.memory_space<hbm>>
      %dma_start3A_11 = tpu.memref_squeeze %dma_start3A_10 : memref<1x10000xf32, #tpu.memory_space<hbm>> -> memref<10000xf32, #tpu.memory_space<hbm>>
      %dma_start3A_12 = arith.constant 0 : i32
      %dma_start3A_13 = tpu.memref_slice %arg4[%add3A, %dma_start3A_12] : memref<32x10000xf32, #tpu.memory_space<hbm>> -> memref<1x10000xf32, #tpu.memory_space<hbm>>
      %dma_start3A_14 = tpu.memref_squeeze %dma_start3A_13 : memref<1x10000xf32, #tpu.memory_space<hbm>> -> memref<10000xf32, #tpu.memory_space<hbm>>
      tpu.enqueue_dma source(%arg7 : memref<10000xf32, #tpu.memory_space<vmem>>) target(%dma_start3A_14 : memref<10000xf32, #tpu.memory_space<hbm>>) target_semaphore(%run_scoped3A : memref<!tpu.dma_semaphore, #tpu.memory_space<semaphore_mem>>)
      %dma_wait3A = arith.constant 0 : i32
      %dma_wait3A_15 = tpu.memref_slice %arg4[%add3A, %dma_wait3A] : memref<32x10000xf32, #tpu.memory_space<hbm>> -> memref<1x10000xf32, #tpu.memory_space<hbm>>
      %dma_wait3A_16 = tpu.memref_squeeze %dma_wait3A_15 : memref<1x10000xf32, #tpu.memory_space<hbm>> -> memref<10000xf32, #tpu.memory_space<hbm>>
      %dma_wait3A_17 = arith.constant 0 : i32
      %dma_wait3A_18 = tpu.memref_slice %arg4[%add3A, %dma_wait3A_17] : memref<32x10000xf32, #tpu.memory_space<hbm>> -> memref<1x10000xf32, #tpu.memory_space<hbm>>
      %dma_wait3A_19 = tpu.memref_squeeze %dma_wait3A_18 : memref<1x10000xf32, #tpu.memory_space<hbm>> -> memref<10000xf32, #tpu.memory_space<hbm>>
      tpu.wait_dma2 semaphore(%run_scoped3A : memref<!tpu.dma_semaphore, #tpu.memory_space<semaphore_mem>>) src(%arg7 : memref<10000xf32, #tpu.memory_space<vmem>>) dst(%dma_wait3A_19 : memref<10000xf32, #tpu.memory_space<hbm>>)
      tpu.yield
    }) : () -> ()
    return
  }
}

#map = affine_map<(d0, d1) -> (0, 0, 0)>
#map1 = affine_map<(d0, d1) -> (0)>
module attributes {stable_mosaic.version = 14 : i64} {
  func.func @_agg2_kernel(%arg0: i32, %arg1: i32, %arg2: memref<1x2x10000xf32, #tpu.memory_space<hbm>>, %arg3: memref<320000xi32, #tpu.memory_space<hbm>>, %arg4: memref<320000xi32, #tpu.memory_space<hbm>>, %arg5: memref<320000xf32, #tpu.memory_space<hbm>>, %arg6: memref<32x2x10000xf32, #tpu.memory_space<hbm>>, %arg7: memref<2x10000xf32, #tpu.memory_space<vmem>>, %arg8: memref<2x10000xf32, #tpu.memory_space<vmem>>, %arg9: memref<10000xi32, #tpu.memory_space<vmem>>, %arg10: memref<10000xi32, #tpu.memory_space<vmem>>, %arg11: memref<10000xf32, #tpu.memory_space<vmem>>, %arg12: memref<!tpu.dma_semaphore, #tpu.memory_space<semaphore_mem>>) attributes {dimension_semantics = [#tpu.dimension_semantics<core_parallel>, #tpu.dimension_semantics<subcore_parallel>], iteration_bounds = array<i64: 2, 16>, scalar_prefetch = 0 : i64, scratch_operands = 6 : i64, tpu.core_type = #tpu.core_type<sc_vector_subcore>, window_params = [{transform_indices = #map}, {transform_indices = #map1}, {transform_indices = #map1}, {transform_indices = #map1}, {transform_indices = #map}]} {
    %mul3A = arith.constant 2 : i32
    %mul3A_0 = arith.muli %arg1, %mul3A : i32
    %add3A = arith.addi %mul3A_0, %arg0 : i32
    %mul3A_1 = arith.constant 10000 : i32
    %mul3A_2 = arith.muli %add3A, %mul3A_1 : i32
    %dma_start3A = tpu.memref_slice %arg3[%mul3A_2] : memref<320000xi32, #tpu.memory_space<hbm>> -> memref<10000xi32, #tpu.memory_space<hbm>>
    %dma_start3A_3 = tpu.memref_slice %arg3[%mul3A_2] : memref<320000xi32, #tpu.memory_space<hbm>> -> memref<10000xi32, #tpu.memory_space<hbm>>
    tpu.enqueue_dma source(%dma_start3A_3 : memref<10000xi32, #tpu.memory_space<hbm>>) target(%arg9 : memref<10000xi32, #tpu.memory_space<vmem>>) target_semaphore(%arg12 : memref<!tpu.dma_semaphore, #tpu.memory_space<semaphore_mem>>)
    %dma_start3A_4 = tpu.memref_slice %arg4[%mul3A_2] : memref<320000xi32, #tpu.memory_space<hbm>> -> memref<10000xi32, #tpu.memory_space<hbm>>
    %dma_start3A_5 = tpu.memref_slice %arg4[%mul3A_2] : memref<320000xi32, #tpu.memory_space<hbm>> -> memref<10000xi32, #tpu.memory_space<hbm>>
    tpu.enqueue_dma source(%dma_start3A_5 : memref<10000xi32, #tpu.memory_space<hbm>>) target(%arg10 : memref<10000xi32, #tpu.memory_space<vmem>>) target_semaphore(%arg12 : memref<!tpu.dma_semaphore, #tpu.memory_space<semaphore_mem>>)
    %dma_start3A_6 = tpu.memref_slice %arg5[%mul3A_2] : memref<320000xf32, #tpu.memory_space<hbm>> -> memref<10000xf32, #tpu.memory_space<hbm>>
    %dma_start3A_7 = tpu.memref_slice %arg5[%mul3A_2] : memref<320000xf32, #tpu.memory_space<hbm>> -> memref<10000xf32, #tpu.memory_space<hbm>>
    tpu.enqueue_dma source(%dma_start3A_7 : memref<10000xf32, #tpu.memory_space<hbm>>) target(%arg11 : memref<10000xf32, #tpu.memory_space<vmem>>) target_semaphore(%arg12 : memref<!tpu.dma_semaphore, #tpu.memory_space<semaphore_mem>>)
    %run_scoped3A = arith.constant 0 : i32
    "tpu.region"() ({
      %run_scoped3A_21 = tpu.sem_alloc : memref<!tpu.dma_semaphore, #tpu.memory_space<semaphore_mem>>
      %dma_start3A_22 = arith.constant 0 : i32
      %dma_start3A_23 = arith.constant 0 : i32
      %dma_start3A_24 = tpu.memref_slice %arg2[%run_scoped3A, %dma_start3A_22, %dma_start3A_23] : memref<1x2x10000xf32, #tpu.memory_space<hbm>> -> memref<1x2x10000xf32, #tpu.memory_space<hbm>>
      %dma_start3A_25 = tpu.memref_squeeze %dma_start3A_24 : memref<1x2x10000xf32, #tpu.memory_space<hbm>> -> memref<2x10000xf32, #tpu.memory_space<hbm>>
      %dma_start3A_26 = arith.constant 0 : i32
      %dma_start3A_27 = arith.constant 0 : i32
      %dma_start3A_28 = tpu.memref_slice %arg2[%run_scoped3A, %dma_start3A_26, %dma_start3A_27] : memref<1x2x10000xf32, #tpu.memory_space<hbm>> -> memref<1x2x10000xf32, #tpu.memory_space<hbm>>
      %dma_start3A_29 = tpu.memref_squeeze %dma_start3A_28 : memref<1x2x10000xf32, #tpu.memory_space<hbm>> -> memref<2x10000xf32, #tpu.memory_space<hbm>>
      tpu.enqueue_dma source(%dma_start3A_29 : memref<2x10000xf32, #tpu.memory_space<hbm>>) target(%arg7 : memref<2x10000xf32, #tpu.memory_space<vmem>>) target_semaphore(%run_scoped3A_21 : memref<!tpu.dma_semaphore, #tpu.memory_space<semaphore_mem>>)
      %dma_wait3A_30 = arith.constant 0 : i32
      %dma_wait3A_31 = arith.constant 0 : i32
      %dma_wait3A_32 = tpu.memref_slice %arg2[%run_scoped3A, %dma_wait3A_30, %dma_wait3A_31] : memref<1x2x10000xf32, #tpu.memory_space<hbm>> -> memref<1x2x10000xf32, #tpu.memory_space<hbm>>
      %dma_wait3A_33 = tpu.memref_squeeze %dma_wait3A_32 : memref<1x2x10000xf32, #tpu.memory_space<hbm>> -> memref<2x10000xf32, #tpu.memory_space<hbm>>
      %dma_wait3A_34 = arith.constant 0 : i32
      %dma_wait3A_35 = arith.constant 0 : i32
      %dma_wait3A_36 = tpu.memref_slice %arg2[%run_scoped3A, %dma_wait3A_34, %dma_wait3A_35] : memref<1x2x10000xf32, #tpu.memory_space<hbm>> -> memref<1x2x10000xf32, #tpu.memory_space<hbm>>
      %dma_wait3A_37 = tpu.memref_squeeze %dma_wait3A_36 : memref<1x2x10000xf32, #tpu.memory_space<hbm>> -> memref<2x10000xf32, #tpu.memory_space<hbm>>
      tpu.wait_dma2 semaphore(%run_scoped3A_21 : memref<!tpu.dma_semaphore, #tpu.memory_space<semaphore_mem>>) src(%dma_wait3A_37 : memref<2x10000xf32, #tpu.memory_space<hbm>>) dst(%arg7 : memref<2x10000xf32, #tpu.memory_space<vmem>>)
      tpu.yield
    }) : () -> ()
    %parallel_loop3A = arith.constant 0 : i32
    %parallel_loop3A_8 = arith.constant 625 : i32
    %parallel_loop3A_9 = arith.constant 1 : i32
    scf.for %parallel_loop3A_21 = %parallel_loop3A to %parallel_loop3A_8 step %parallel_loop3A_9  : i32 {
      %parallel_loop3A_22 = arith.constant 0.000000e+00 : f32
      %parallel_loop3A_23 = vector.broadcast %parallel_loop3A_22 : f32 to vector<16xf32>
      %parallel_loop3A_24 = arith.constant 16 : i32
      %parallel_loop3A_25 = arith.muli %parallel_loop3A_21, %parallel_loop3A_24 : i32
      %parallel_loop3A_26 = arith.constant 0 : i32
      %parallel_loop3A_27 = arith.index_cast %parallel_loop3A_26 : i32 to index
      %parallel_loop3A_28 = arith.index_cast %parallel_loop3A_25 : i32 to index
      %parallel_loop3A_29 = tpu.vector_load %arg8[%parallel_loop3A_27, %parallel_loop3A_28] {strides = array<i32>} : memref<2x10000xf32, #tpu.memory_space<vmem>>, vector<16xf32>,
      tpu.vector_store %arg8[%parallel_loop3A_27, %parallel_loop3A_28], %parallel_loop3A_23 {strides = array<i32>} : memref<2x10000xf32, #tpu.memory_space<vmem>>, vector<16xf32>,
      %parallel_loop3A_30 = arith.constant 0.000000e+00 : f32
      %parallel_loop3A_31 = vector.broadcast %parallel_loop3A_30 : f32 to vector<16xf32>
      %parallel_loop3A_32 = arith.constant 16 : i32
      %parallel_loop3A_33 = arith.muli %parallel_loop3A_21, %parallel_loop3A_32 : i32
      %parallel_loop3A_34 = arith.constant 1 : i32
      %parallel_loop3A_35 = arith.index_cast %parallel_loop3A_34 : i32 to index
      %parallel_loop3A_36 = arith.index_cast %parallel_loop3A_33 : i32 to index
      %parallel_loop3A_37 = tpu.vector_load %arg8[%parallel_loop3A_35, %parallel_loop3A_36] {strides = array<i32>} : memref<2x10000xf32, #tpu.memory_space<vmem>>, vector<16xf32>,
      tpu.vector_store %arg8[%parallel_loop3A_35, %parallel_loop3A_36], %parallel_loop3A_31 {strides = array<i32>} : memref<2x10000xf32, #tpu.memory_space<vmem>>, vector<16xf32>,
    } {sc.loop_unroll_factor = 8 : i64, sc.parallel_access}
    %dma_wait3A = tpu.memref_slice %arg3[%mul3A_2] : memref<320000xi32, #tpu.memory_space<hbm>> -> memref<10000xi32, #tpu.memory_space<hbm>>
    %dma_wait3A_10 = tpu.memref_slice %arg3[%mul3A_2] : memref<320000xi32, #tpu.memory_space<hbm>> -> memref<10000xi32, #tpu.memory_space<hbm>>
    tpu.wait_dma2 semaphore(%arg12 : memref<!tpu.dma_semaphore, #tpu.memory_space<semaphore_mem>>) src(%dma_wait3A_10 : memref<10000xi32, #tpu.memory_space<hbm>>) dst(%arg9 : memref<10000xi32, #tpu.memory_space<vmem>>)
    %dma_wait3A_11 = tpu.memref_slice %arg4[%mul3A_2] : memref<320000xi32, #tpu.memory_space<hbm>> -> memref<10000xi32, #tpu.memory_space<hbm>>
    %dma_wait3A_12 = tpu.memref_slice %arg4[%mul3A_2] : memref<320000xi32, #tpu.memory_space<hbm>> -> memref<10000xi32, #tpu.memory_space<hbm>>
    tpu.wait_dma2 semaphore(%arg12 : memref<!tpu.dma_semaphore, #tpu.memory_space<semaphore_mem>>) src(%dma_wait3A_12 : memref<10000xi32, #tpu.memory_space<hbm>>) dst(%arg10 : memref<10000xi32, #tpu.memory_space<vmem>>)
    %dma_wait3A_13 = tpu.memref_slice %arg5[%mul3A_2] : memref<320000xf32, #tpu.memory_space<hbm>> -> memref<10000xf32, #tpu.memory_space<hbm>>
    %dma_wait3A_14 = tpu.memref_slice %arg5[%mul3A_2] : memref<320000xf32, #tpu.memory_space<hbm>> -> memref<10000xf32, #tpu.memory_space<hbm>>
    tpu.wait_dma2 semaphore(%arg12 : memref<!tpu.dma_semaphore, #tpu.memory_space<semaphore_mem>>) src(%dma_wait3A_14 : memref<10000xf32, #tpu.memory_space<hbm>>) dst(%arg11 : memref<10000xf32, #tpu.memory_space<vmem>>)
    %broadcast_in_dim3A = arith.constant 0 : i32
    %broadcast_in_dim3A_15 = vector.broadcast %broadcast_in_dim3A : i32 to vector<16xi32>
    %broadcast_in_dim3A_16 = arith.constant 1 : i32
    %broadcast_in_dim3A_17 = vector.broadcast %broadcast_in_dim3A_16 : i32 to vector<16xi32>
    %parallel_loop3A_18 = arith.constant 0 : i32
    %parallel_loop3A_19 = arith.constant 625 : i32
    %parallel_loop3A_20 = arith.constant 1 : i32
    scf.for %parallel_loop3A_21 = %parallel_loop3A_18 to %parallel_loop3A_19 step %parallel_loop3A_20  : i32 {
      %parallel_loop3A_22 = arith.constant 16 : i32
      %parallel_loop3A_23 = arith.muli %parallel_loop3A_21, %parallel_loop3A_22 : i32
      %parallel_loop3A_24 = arith.index_cast %parallel_loop3A_23 : i32 to index
      %parallel_loop3A_25 = tpu.vector_load %arg9[%parallel_loop3A_24] {strides = array<i32>} : memref<10000xi32, #tpu.memory_space<vmem>>, vector<16xi32>,
      %parallel_loop3A_26 = arith.constant 16 : i32
      %parallel_loop3A_27 = arith.muli %parallel_loop3A_21, %parallel_loop3A_26 : i32
      %parallel_loop3A_28 = arith.index_cast %parallel_loop3A_27 : i32 to index
      %parallel_loop3A_29 = tpu.vector_load %arg10[%parallel_loop3A_28] {strides = array<i32>} : memref<10000xi32, #tpu.memory_space<vmem>>, vector<16xi32>,
      %parallel_loop3A_30 = arith.constant 16 : i32
      %parallel_loop3A_31 = arith.muli %parallel_loop3A_21, %parallel_loop3A_30 : i32
      %parallel_loop3A_32 = arith.index_cast %parallel_loop3A_31 : i32 to index
      %parallel_loop3A_33 = tpu.vector_load %arg11[%parallel_loop3A_32] {strides = array<i32>} : memref<10000xf32, #tpu.memory_space<vmem>>, vector<16xf32>,
      %parallel_loop3A_34 = tpu.vector_load_idx %arg7[%broadcast_in_dim3A_15, %parallel_loop3A_25] : memref<2x10000xf32, #tpu.memory_space<vmem>>[vector<16xi32>, vector<16xi32>], vector<16xf32>,
      %parallel_loop3A_35 = arith.mulf %parallel_loop3A_34, %parallel_loop3A_33 : vector<16xf32>
      tpu.vector_store_idx %arg8[%broadcast_in_dim3A_15, %parallel_loop3A_29], %parallel_loop3A_35 {add = true} : memref<2x10000xf32, #tpu.memory_space<vmem>>[vector<16xi32>, vector<16xi32>], vector<16xf32>,
      %parallel_loop3A_36 = tpu.vector_load_idx %arg7[%broadcast_in_dim3A_17, %parallel_loop3A_25] : memref<2x10000xf32, #tpu.memory_space<vmem>>[vector<16xi32>, vector<16xi32>], vector<16xf32>,
      %parallel_loop3A_37 = arith.mulf %parallel_loop3A_36, %parallel_loop3A_33 : vector<16xf32>
      tpu.vector_store_idx %arg8[%broadcast_in_dim3A_17, %parallel_loop3A_29], %parallel_loop3A_37 {add = true} : memref<2x10000xf32, #tpu.memory_space<vmem>>[vector<16xi32>, vector<16xi32>], vector<16xf32>,
    } {sc.loop_unroll_factor = 8 : i64, sc.parallel_access}
    "tpu.region"() ({
      %run_scoped3A_21 = tpu.sem_alloc : memref<!tpu.dma_semaphore, #tpu.memory_space<semaphore_mem>>
      %dma_start3A_22 = arith.constant 0 : i32
      %dma_start3A_23 = arith.constant 0 : i32
      %dma_start3A_24 = tpu.memref_slice %arg6[%add3A, %dma_start3A_22, %dma_start3A_23] : memref<32x2x10000xf32, #tpu.memory_space<hbm>> -> memref<1x2x10000xf32, #tpu.memory_space<hbm>>
      %dma_start3A_25 = tpu.memref_squeeze %dma_start3A_24 : memref<1x2x10000xf32, #tpu.memory_space<hbm>> -> memref<2x10000xf32, #tpu.memory_space<hbm>>
      %dma_start3A_26 = arith.constant 0 : i32
      %dma_start3A_27 = arith.constant 0 : i32
      %dma_start3A_28 = tpu.memref_slice %arg6[%add3A, %dma_start3A_26, %dma_start3A_27] : memref<32x2x10000xf32, #tpu.memory_space<hbm>> -> memref<1x2x10000xf32, #tpu.memory_space<hbm>>
      %dma_start3A_29 = tpu.memref_squeeze %dma_start3A_28 : memref<1x2x10000xf32, #tpu.memory_space<hbm>> -> memref<2x10000xf32, #tpu.memory_space<hbm>>
      tpu.enqueue_dma source(%arg8 : memref<2x10000xf32, #tpu.memory_space<vmem>>) target(%dma_start3A_29 : memref<2x10000xf32, #tpu.memory_space<hbm>>) target_semaphore(%run_scoped3A_21 : memref<!tpu.dma_semaphore, #tpu.memory_space<semaphore_mem>>)
      %dma_wait3A_30 = arith.constant 0 : i32
      %dma_wait3A_31 = arith.constant 0 : i32
      %dma_wait3A_32 = tpu.memref_slice %arg6[%add3A, %dma_wait3A_30, %dma_wait3A_31] : memref<32x2x10000xf32, #tpu.memory_space<hbm>> -> memref<1x2x10000xf32, #tpu.memory_space<hbm>>
      %dma_wait3A_33 = tpu.memref_squeeze %dma_wait3A_32 : memref<1x2x10000xf32, #tpu.memory_space<hbm>> -> memref<2x10000xf32, #tpu.memory_space<hbm>>
      %dma_wait3A_34 = arith.constant 0 : i32
      %dma_wait3A_35 = arith.constant 0 : i32
      %dma_wait3A_36 = tpu.memref_slice %arg6[%add3A, %dma_wait3A_34, %dma_wait3A_35] : memref<32x2x10000xf32, #tpu.memory_space<hbm>> -> memref<1x2x10000xf32, #tpu.memory_space<hbm>>
      %dma_wait3A_37 = tpu.memref_squeeze %dma_wait3A_36 : memref<1x2x10000xf32, #tpu.memory_space<hbm>> -> memref<2x10000xf32, #tpu.memory_space<hbm>>
      tpu.wait_dma2 semaphore(%run_scoped3A_21 : memref<!tpu.dma_semaphore, #tpu.memory_space<semaphore_mem>>) src(%arg8 : memref<2x10000xf32, #tpu.memory_space<vmem>>) dst(%dma_wait3A_37 : memref<2x10000xf32, #tpu.memory_space<hbm>>)
      tpu.yield
    }) : () -> ()
    return
  }
}

#map = affine_map<(d0, d1) -> (0, 0, 0)>
#map1 = affine_map<(d0, d1) -> (0)>
#map2 = affine_map<(d0, d1) -> (0, 0, 0, 0)>
module attributes {stable_mosaic.version = 14 : i64} {
  func.func @_agg1_kernel(%arg0: i32, %arg1: i32, %arg2: memref<4x4x10000xf32, #tpu.memory_space<hbm>>, %arg3: memref<320000xi32, #tpu.memory_space<hbm>>, %arg4: memref<320000xi32, #tpu.memory_space<hbm>>, %arg5: memref<320000xf32, #tpu.memory_space<hbm>>, %arg6: memref<8x4x4x10000xf32, #tpu.memory_space<hbm>>, %arg7: memref<4x10000xf32, #tpu.memory_space<vmem>>, %arg8: memref<4x10000xf32, #tpu.memory_space<vmem>>, %arg9: memref<8000xi32, #tpu.memory_space<vmem>>, %arg10: memref<8000xi32, #tpu.memory_space<vmem>>, %arg11: memref<8000xf32, #tpu.memory_space<vmem>>, %arg12: memref<!tpu.dma_semaphore, #tpu.memory_space<semaphore_mem>>, %arg13: memref<!tpu.dma_semaphore, #tpu.memory_space<semaphore_mem>>) attributes {dimension_semantics = [#tpu.dimension_semantics<core_parallel>, #tpu.dimension_semantics<subcore_parallel>], iteration_bounds = array<i64: 2, 16>, scalar_prefetch = 0 : i64, scratch_operands = 7 : i64, tpu.core_type = #tpu.core_type<sc_vector_subcore>, window_params = [{transform_indices = #map}, {transform_indices = #map1}, {transform_indices = #map1}, {transform_indices = #map1}, {transform_indices = #map2}]} {
    %mul3A = arith.constant 2 : i32
    %mul3A_0 = arith.muli %arg1, %mul3A : i32
    %add3A = arith.addi %mul3A_0, %arg0 : i32
    %jit3A = arith.constant 4 : i32
    %eq3A = arith.constant 0 : i32
    %eq3A_1 = arith.cmpi eq, %jit3A, %eq3A : i32
    %jit3A_2 = arith.constant 1 : i32
    %select_n3A = arith.select %eq3A_1, %jit3A_2, %jit3A : i32
    %rem3A = arith.remsi %add3A, %select_n3A : i32
    %ne3A = arith.constant 0 : i32
    %ne3A_3 = arith.cmpi ne, %rem3A, %ne3A : i32
    %lt3A = arith.constant 0 : i32
    %lt3A_4 = arith.cmpi slt, %rem3A, %lt3A : i32
    %lt3A_5 = arith.constant 0 : i32
    %lt3A_6 = arith.cmpi slt, %select_n3A, %lt3A_5 : i32
    %ne3A_7 = arith.xori %lt3A_4, %lt3A_6 : i1
    %and3A = arith.andi %ne3A_7, %ne3A_3 : i1
    %add3A_8 = arith.addi %rem3A, %select_n3A : i32
    %select_n3A_9 = arith.select %and3A, %add3A_8, %rem3A : i32
    %jit3A_10 = arith.constant 4 : i32
    %div3A = arith.divsi %add3A, %jit3A_10 : i32
    %sign3A = arith.constant 0 : i32
    %sign3A_11 = arith.cmpi sgt, %add3A, %sign3A : i32
    %sign3A_12 = arith.extui %sign3A_11 : i1 to i32
    %sign3A_13 = arith.constant 0 : i32
    %sign3A_14 = arith.cmpi slt, %add3A, %sign3A_13 : i32
    %sign3A_15 = arith.extui %sign3A_14 : i1 to i32
    %sign3A_16 = arith.subi %sign3A_12, %sign3A_15 : i32
    %sign3A_17 = arith.constant 0 : i32
    %sign3A_18 = arith.cmpi sgt, %jit3A_10, %sign3A_17 : i32
    %sign3A_19 = arith.extui %sign3A_18 : i1 to i32
    %sign3A_20 = arith.constant 0 : i32
    %sign3A_21 = arith.cmpi slt, %jit3A_10, %sign3A_20 : i32
    %sign3A_22 = arith.extui %sign3A_21 : i1 to i32
    %sign3A_23 = arith.subi %sign3A_19, %sign3A_22 : i32
    %ne3A_24 = arith.cmpi ne, %sign3A_16, %sign3A_23 : i32
    %rem3A_25 = arith.remsi %add3A, %jit3A_10 : i32
    %ne3A_26 = arith.constant 0 : i32
    %ne3A_27 = arith.cmpi ne, %rem3A_25, %ne3A_26 : i32
    %and3A_28 = arith.andi %ne3A_24, %ne3A_27 : i1
    %sub3A = arith.constant 1 : i32
    %sub3A_29 = arith.subi %div3A, %sub3A : i32
    %select_n3A_30 = arith.select %and3A_28, %sub3A_29, %div3A : i32
    %mul3A_31 = arith.constant 40000 : i32
    %mul3A_32 = arith.muli %select_n3A_30, %mul3A_31 : i32
    %add3A_33 = arith.constant 0 : i32
    %add3A_34 = arith.addi %mul3A_32, %add3A_33 : i32
    %dma_start3A = arith.constant 0 : i32
    %dma_start3A_35 = tpu.memref_slice %arg9[%dma_start3A] : memref<8000xi32, #tpu.memory_space<vmem>> -> memref<4000xi32, #tpu.memory_space<vmem>>
    %dma_start3A_36 = tpu.memref_slice %arg3[%add3A_34] : memref<320000xi32, #tpu.memory_space<hbm>> -> memref<4000xi32, #tpu.memory_space<hbm>>
    %dma_start3A_37 = arith.constant 0 : i32
    %dma_start3A_38 = tpu.memref_slice %arg9[%dma_start3A_37] : memref<8000xi32, #tpu.memory_space<vmem>> -> memref<4000xi32, #tpu.memory_space<vmem>>
    %dma_start3A_39 = tpu.memref_slice %arg3[%add3A_34] : memref<320000xi32, #tpu.memory_space<hbm>> -> memref<4000xi32, #tpu.memory_space<hbm>>
    tpu.enqueue_dma source(%dma_start3A_39 : memref<4000xi32, #tpu.memory_space<hbm>>) target(%dma_start3A_38 : memref<4000xi32, #tpu.memory_space<vmem>>) target_semaphore(%arg12 : memref<!tpu.dma_semaphore, #tpu.memory_space<semaphore_mem>>)
    %dma_start3A_40 = arith.constant 0 : i32
    %dma_start3A_41 = tpu.memref_slice %arg10[%dma_start3A_40] : memref<8000xi32, #tpu.memory_space<vmem>> -> memref<4000xi32, #tpu.memory_space<vmem>>
    %dma_start3A_42 = tpu.memref_slice %arg4[%add3A_34] : memref<320000xi32, #tpu.memory_space<hbm>> -> memref<4000xi32, #tpu.memory_space<hbm>>
    %dma_start3A_43 = arith.constant 0 : i32
    %dma_start3A_44 = tpu.memref_slice %arg10[%dma_start3A_43] : memref<8000xi32, #tpu.memory_space<vmem>> -> memref<4000xi32, #tpu.memory_space<vmem>>
    %dma_start3A_45 = tpu.memref_slice %arg4[%add3A_34] : memref<320000xi32, #tpu.memory_space<hbm>> -> memref<4000xi32, #tpu.memory_space<hbm>>
    tpu.enqueue_dma source(%dma_start3A_45 : memref<4000xi32, #tpu.memory_space<hbm>>) target(%dma_start3A_44 : memref<4000xi32, #tpu.memory_space<vmem>>) target_semaphore(%arg12 : memref<!tpu.dma_semaphore, #tpu.memory_space<semaphore_mem>>)
    %dma_start3A_46 = arith.constant 0 : i32
    %dma_start3A_47 = tpu.memref_slice %arg11[%dma_start3A_46] : memref<8000xf32, #tpu.memory_space<vmem>> -> memref<4000xf32, #tpu.memory_space<vmem>>
    %dma_start3A_48 = tpu.memref_slice %arg5[%add3A_34] : memref<320000xf32, #tpu.memory_space<hbm>> -> memref<4000xf32, #tpu.memory_space<hbm>>
    %dma_start3A_49 = arith.constant 0 : i32
    %dma_start3A_50 = tpu.memref_slice %arg11[%dma_start3A_49] : memref<8000xf32, #tpu.memory_space<vmem>> -> memref<4000xf32, #tpu.memory_space<vmem>>
    %dma_start3A_51 = tpu.memref_slice %arg5[%add3A_34] : memref<320000xf32, #tpu.memory_space<hbm>> -> memref<4000xf32, #tpu.memory_space<hbm>>
    tpu.enqueue_dma source(%dma_start3A_51 : memref<4000xf32, #tpu.memory_space<hbm>>) target(%dma_start3A_50 : memref<4000xf32, #tpu.memory_space<vmem>>) target_semaphore(%arg12 : memref<!tpu.dma_semaphore, #tpu.memory_space<semaphore_mem>>)
    "tpu.region"() ({
      %run_scoped3A = tpu.sem_alloc : memref<!tpu.dma_semaphore, #tpu.memory_space<semaphore_mem>>
      %dma_start3A_522 = arith.constant 0 : i32
      %dma_start3A_523 = arith.constant 0 : i32
      %dma_start3A_524 = tpu.memref_slice %arg2[%select_n3A_9, %dma_start3A_522, %dma_start3A_523] : memref<4x4x10000xf32, #tpu.memory_space<hbm>> -> memref<1x4x10000xf32, #tpu.memory_space<hbm>>
      %dma_start3A_525 = tpu.memref_squeeze %dma_start3A_524 : memref<1x4x10000xf32, #tpu.memory_space<hbm>> -> memref<4x10000xf32, #tpu.memory_space<hbm>>
      %dma_start3A_526 = arith.constant 0 : i32
      %dma_start3A_527 = arith.constant 0 : i32
      %dma_start3A_528 = tpu.memref_slice %arg2[%select_n3A_9, %dma_start3A_526, %dma_start3A_527] : memref<4x4x10000xf32, #tpu.memory_space<hbm>> -> memref<1x4x10000xf32, #tpu.memory_space<hbm>>
      %dma_start3A_529 = tpu.memref_squeeze %dma_start3A_528 : memref<1x4x10000xf32, #tpu.memory_space<hbm>> -> memref<4x10000xf32, #tpu.memory_space<hbm>>
      tpu.enqueue_dma source(%dma_start3A_529 : memref<4x10000xf32, #tpu.memory_space<hbm>>) target(%arg7 : memref<4x10000xf32, #tpu.memory_space<vmem>>) target_semaphore(%run_scoped3A : memref<!tpu.dma_semaphore, #tpu.memory_space<semaphore_mem>>)
      %dma_wait3A_530 = arith.constant 0 : i32
      %dma_wait3A_531 = arith.constant 0 : i32
      %dma_wait3A_532 = tpu.memref_slice %arg2[%select_n3A_9, %dma_wait3A_530, %dma_wait3A_531] : memref<4x4x10000xf32, #tpu.memory_space<hbm>> -> memref<1x4x10000xf32, #tpu.memory_space<hbm>>
      %dma_wait3A_533 = tpu.memref_squeeze %dma_wait3A_532 : memref<1x4x10000xf32, #tpu.memory_space<hbm>> -> memref<4x10000xf32, #tpu.memory_space<hbm>>
      %dma_wait3A_534 = arith.constant 0 : i32
      %dma_wait3A_535 = arith.constant 0 : i32
      %dma_wait3A_536 = tpu.memref_slice %arg2[%select_n3A_9, %dma_wait3A_534, %dma_wait3A_535] : memref<4x4x10000xf32, #tpu.memory_space<hbm>> -> memref<1x4x10000xf32, #tpu.memory_space<hbm>>
      %dma_wait3A_537 = tpu.memref_squeeze %dma_wait3A_536 : memref<1x4x10000xf32, #tpu.memory_space<hbm>> -> memref<4x10000xf32, #tpu.memory_space<hbm>>
      tpu.wait_dma2 semaphore(%run_scoped3A : memref<!tpu.dma_semaphore, #tpu.memory_space<semaphore_mem>>) src(%dma_wait3A_537 : memref<4x10000xf32, #tpu.memory_space<hbm>>) dst(%arg7 : memref<4x10000xf32, #tpu.memory_space<vmem>>)
      tpu.yield
    }) : () -> ()
    %parallel_loop3A = arith.constant 0 : i32
    %parallel_loop3A_52 = arith.constant 625 : i32
    %parallel_loop3A_53 = arith.constant 1 : i32
    scf.for %parallel_loop3A_522 = %parallel_loop3A to %parallel_loop3A_52 step %parallel_loop3A_53  : i32 {
      %parallel_loop3A_523 = arith.constant 0.000000e+00 : f32
      %parallel_loop3A_524 = vector.broadcast %parallel_loop3A_523 : f32 to vector<16xf32>
      %parallel_loop3A_525 = arith.constant 16 : i32
      %parallel_loop3A_526 = arith.muli %parallel_loop3A_522, %parallel_loop3A_525 : i32
      %parallel_loop3A_527 = arith.constant 0 : i32
      %parallel_loop3A_528 = arith.index_cast %parallel_loop3A_527 : i32 to index
      %parallel_loop3A_529 = arith.index_cast %parallel_loop3A_526 : i32 to index
      %parallel_loop3A_530 = tpu.vector_load %arg8[%parallel_loop3A_528, %parallel_loop3A_529] {strides = array<i32>} : memref<4x10000xf32, #tpu.memory_space<vmem>>, vector<16xf32>,
      tpu.vector_store %arg8[%parallel_loop3A_528, %parallel_loop3A_529], %parallel_loop3A_524 {strides = array<i32>} : memref<4x10000xf32, #tpu.memory_space<vmem>>, vector<16xf32>,
      %parallel_loop3A_531 = arith.constant 0.000000e+00 : f32
      %parallel_loop3A_532 = vector.broadcast %parallel_loop3A_531 : f32 to vector<16xf32>
      %parallel_loop3A_533 = arith.constant 16 : i32
      %parallel_loop3A_534 = arith.muli %parallel_loop3A_522, %parallel_loop3A_533 : i32
      %parallel_loop3A_535 = arith.constant 1 : i32
      %parallel_loop3A_536 = arith.index_cast %parallel_loop3A_535 : i32 to index
      %parallel_loop3A_537 = arith.index_cast %parallel_loop3A_534 : i32 to index
      %parallel_loop3A_538 = tpu.vector_load %arg8[%parallel_loop3A_536, %parallel_loop3A_537] {strides = array<i32>} : memref<4x10000xf32, #tpu.memory_space<vmem>>, vector<16xf32>,
      tpu.vector_store %arg8[%parallel_loop3A_536, %parallel_loop3A_537], %parallel_loop3A_532 {strides = array<i32>} : memref<4x10000xf32, #tpu.memory_space<vmem>>, vector<16xf32>,
      %parallel_loop3A_539 = arith.constant 0.000000e+00 : f32
      %parallel_loop3A_540 = vector.broadcast %parallel_loop3A_539 : f32 to vector<16xf32>
      %parallel_loop3A_541 = arith.constant 16 : i32
      %parallel_loop3A_542 = arith.muli %parallel_loop3A_522, %parallel_loop3A_541 : i32
      %parallel_loop3A_543 = arith.constant 2 : i32
      %parallel_loop3A_544 = arith.index_cast %parallel_loop3A_543 : i32 to index
      %parallel_loop3A_545 = arith.index_cast %parallel_loop3A_542 : i32 to index
      %parallel_loop3A_546 = tpu.vector_load %arg8[%parallel_loop3A_544, %parallel_loop3A_545] {strides = array<i32>} : memref<4x10000xf32, #tpu.memory_space<vmem>>, vector<16xf32>,
      tpu.vector_store %arg8[%parallel_loop3A_544, %parallel_loop3A_545], %parallel_loop3A_540 {strides = array<i32>} : memref<4x10000xf32, #tpu.memory_space<vmem>>, vector<16xf32>,
      %parallel_loop3A_547 = arith.constant 0.000000e+00 : f32
      %parallel_loop3A_548 = vector.broadcast %parallel_loop3A_547 : f32 to vector<16xf32>
      %parallel_loop3A_549 = arith.constant 16 : i32
      %parallel_loop3A_550 = arith.muli %parallel_loop3A_522, %parallel_loop3A_549 : i32
      %parallel_loop3A_551 = arith.constant 3 : i32
      %parallel_loop3A_552 = arith.index_cast %parallel_loop3A_551 : i32 to index
      %parallel_loop3A_553 = arith.index_cast %parallel_loop3A_550 : i32 to index
      %parallel_loop3A_554 = tpu.vector_load %arg8[%parallel_loop3A_552, %parallel_loop3A_553] {strides = array<i32>} : memref<4x10000xf32, #tpu.memory_space<vmem>>, vector<16xf32>,
      tpu.vector_store %arg8[%parallel_loop3A_552, %parallel_loop3A_553], %parallel_loop3A_548 {strides = array<i32>} : memref<4x10000xf32, #tpu.memory_space<vmem>>, vector<16xf32>,
    } {sc.loop_unroll_factor = 8 : i64, sc.parallel_access}
    %add3A_54 = arith.constant 4000 : i32
    %add3A_55 = arith.addi %mul3A_32, %add3A_54 : i32
    %dma_start3A_56 = arith.constant 4000 : i32
    %dma_start3A_57 = tpu.memref_slice %arg9[%dma_start3A_56] : memref<8000xi32, #tpu.memory_space<vmem>> -> memref<4000xi32, #tpu.memory_space<vmem>>
    %dma_start3A_58 = tpu.memref_slice %arg3[%add3A_55] : memref<320000xi32, #tpu.memory_space<hbm>> -> memref<4000xi32, #tpu.memory_space<hbm>>
    %dma_start3A_59 = arith.constant 4000 : i32
    %dma_start3A_60 = tpu.memref_slice %arg9[%dma_start3A_59] : memref<8000xi32, #tpu.memory_space<vmem>> -> memref<4000xi32, #tpu.memory_space<vmem>>
    %dma_start3A_61 = tpu.memref_slice %arg3[%add3A_55] : memref<320000xi32, #tpu.memory_space<hbm>> -> memref<4000xi32, #tpu.memory_space<hbm>>
    tpu.enqueue_dma source(%dma_start3A_61 : memref<4000xi32, #tpu.memory_space<hbm>>) target(%dma_start3A_60 : memref<4000xi32, #tpu.memory_space<vmem>>) target_semaphore(%arg13 : memref<!tpu.dma_semaphore, #tpu.memory_space<semaphore_mem>>)
    %dma_start3A_62 = arith.constant 4000 : i32
    %dma_start3A_63 = tpu.memref_slice %arg10[%dma_start3A_62] : memref<8000xi32, #tpu.memory_space<vmem>> -> memref<4000xi32, #tpu.memory_space<vmem>>
    %dma_start3A_64 = tpu.memref_slice %arg4[%add3A_55] : memref<320000xi32, #tpu.memory_space<hbm>> -> memref<4000xi32, #tpu.memory_space<hbm>>
    %dma_start3A_65 = arith.constant 4000 : i32
    %dma_start3A_66 = tpu.memref_slice %arg10[%dma_start3A_65] : memref<8000xi32, #tpu.memory_space<vmem>> -> memref<4000xi32, #tpu.memory_space<vmem>>
    %dma_start3A_67 = tpu.memref_slice %arg4[%add3A_55] : memref<320000xi32, #tpu.memory_space<hbm>> -> memref<4000xi32, #tpu.memory_space<hbm>>
    tpu.enqueue_dma source(%dma_start3A_67 : memref<4000xi32, #tpu.memory_space<hbm>>) target(%dma_start3A_66 : memref<4000xi32, #tpu.memory_space<vmem>>) target_semaphore(%arg13 : memref<!tpu.dma_semaphore, #tpu.memory_space<semaphore_mem>>)
    %dma_start3A_68 = arith.constant 4000 : i32
    %dma_start3A_69 = tpu.memref_slice %arg11[%dma_start3A_68] : memref<8000xf32, #tpu.memory_space<vmem>> -> memref<4000xf32, #tpu.memory_space<vmem>>
    %dma_start3A_70 = tpu.memref_slice %arg5[%add3A_55] : memref<320000xf32, #tpu.memory_space<hbm>> -> memref<4000xf32, #tpu.memory_space<hbm>>
    %dma_start3A_71 = arith.constant 4000 : i32
    %dma_start3A_72 = tpu.memref_slice %arg11[%dma_start3A_71] : memref<8000xf32, #tpu.memory_space<vmem>> -> memref<4000xf32, #tpu.memory_space<vmem>>
    %dma_start3A_73 = tpu.memref_slice %arg5[%add3A_55] : memref<320000xf32, #tpu.memory_space<hbm>> -> memref<4000xf32, #tpu.memory_space<hbm>>
    tpu.enqueue_dma source(%dma_start3A_73 : memref<4000xf32, #tpu.memory_space<hbm>>) target(%dma_start3A_72 : memref<4000xf32, #tpu.memory_space<vmem>>) target_semaphore(%arg13 : memref<!tpu.dma_semaphore, #tpu.memory_space<semaphore_mem>>)
    %dma_wait3A = arith.constant 0 : i32
    %dma_wait3A_74 = tpu.memref_slice %arg9[%dma_wait3A] : memref<8000xi32, #tpu.memory_space<vmem>> -> memref<4000xi32, #tpu.memory_space<vmem>>
    %dma_wait3A_75 = tpu.memref_slice %arg3[%add3A_34] : memref<320000xi32, #tpu.memory_space<hbm>> -> memref<4000xi32, #tpu.memory_space<hbm>>
    %dma_wait3A_76 = arith.constant 0 : i32
    %dma_wait3A_77 = tpu.memref_slice %arg9[%dma_wait3A_76] : memref<8000xi32, #tpu.memory_space<vmem>> -> memref<4000xi32, #tpu.memory_space<vmem>>
    %dma_wait3A_78 = tpu.memref_slice %arg3[%add3A_34] : memref<320000xi32, #tpu.memory_space<hbm>> -> memref<4000xi32, #tpu.memory_space<hbm>>
    tpu.wait_dma2 semaphore(%arg12 : memref<!tpu.dma_semaphore, #tpu.memory_space<semaphore_mem>>) src(%dma_wait3A_78 : memref<4000xi32, #tpu.memory_space<hbm>>) dst(%dma_wait3A_77 : memref<4000xi32, #tpu.memory_space<vmem>>)
    %dma_wait3A_79 = arith.constant 0 : i32
    %dma_wait3A_80 = tpu.memref_slice %arg10[%dma_wait3A_79] : memref<8000xi32, #tpu.memory_space<vmem>> -> memref<4000xi32, #tpu.memory_space<vmem>>
    %dma_wait3A_81 = tpu.memref_slice %arg4[%add3A_34] : memref<320000xi32, #tpu.memory_space<hbm>> -> memref<4000xi32, #tpu.memory_space<hbm>>
    %dma_wait3A_82 = arith.constant 0 : i32
    %dma_wait3A_83 = tpu.memref_slice %arg10[%dma_wait3A_82] : memref<8000xi32, #tpu.memory_space<vmem>> -> memref<4000xi32, #tpu.memory_space<vmem>>
    %dma_wait3A_84 = tpu.memref_slice %arg4[%add3A_34] : memref<320000xi32, #tpu.memory_space<hbm>> -> memref<4000xi32, #tpu.memory_space<hbm>>
    tpu.wait_dma2 semaphore(%arg12 : memref<!tpu.dma_semaphore, #tpu.memory_space<semaphore_mem>>) src(%dma_wait3A_84 : memref<4000xi32, #tpu.memory_space<hbm>>) dst(%dma_wait3A_83 : memref<4000xi32, #tpu.memory_space<vmem>>)
    %dma_wait3A_85 = arith.constant 0 : i32
    %dma_wait3A_86 = tpu.memref_slice %arg11[%dma_wait3A_85] : memref<8000xf32, #tpu.memory_space<vmem>> -> memref<4000xf32, #tpu.memory_space<vmem>>
    %dma_wait3A_87 = tpu.memref_slice %arg5[%add3A_34] : memref<320000xf32, #tpu.memory_space<hbm>> -> memref<4000xf32, #tpu.memory_space<hbm>>
    %dma_wait3A_88 = arith.constant 0 : i32
    %dma_wait3A_89 = tpu.memref_slice %arg11[%dma_wait3A_88] : memref<8000xf32, #tpu.memory_space<vmem>> -> memref<4000xf32, #tpu.memory_space<vmem>>
    %dma_wait3A_90 = tpu.memref_slice %arg5[%add3A_34] : memref<320000xf32, #tpu.memory_space<hbm>> -> memref<4000xf32, #tpu.memory_space<hbm>>
    tpu.wait_dma2 semaphore(%arg12 : memref<!tpu.dma_semaphore, #tpu.memory_space<semaphore_mem>>) src(%dma_wait3A_90 : memref<4000xf32, #tpu.memory_space<hbm>>) dst(%dma_wait3A_89 : memref<4000xf32, #tpu.memory_space<vmem>>)
    %broadcast_in_dim3A = arith.constant 0 : i32
    %broadcast_in_dim3A_91 = vector.broadcast %broadcast_in_dim3A : i32 to vector<16xi32>
    %broadcast_in_dim3A_92 = arith.constant 1 : i32
    %broadcast_in_dim3A_93 = vector.broadcast %broadcast_in_dim3A_92 : i32 to vector<16xi32>
    %broadcast_in_dim3A_94 = arith.constant 2 : i32
    %broadcast_in_dim3A_95 = vector.broadcast %broadcast_in_dim3A_94 : i32 to vector<16xi32>
    %broadcast_in_dim3A_96 = arith.constant 3 : i32
    %broadcast_in_dim3A_97 = vector.broadcast %broadcast_in_dim3A_96 : i32 to vector<16xi32>
    %parallel_loop3A_98 = arith.constant 0 : i32
    %parallel_loop3A_99 = arith.constant 250 : i32
    %parallel_loop3A_100 = arith.constant 1 : i32
    scf.for %parallel_loop3A_522 = %parallel_loop3A_98 to %parallel_loop3A_99 step %parallel_loop3A_100  : i32 {
      %parallel_loop3A_523 = arith.constant 16 : i32
      %parallel_loop3A_524 = arith.muli %parallel_loop3A_522, %parallel_loop3A_523 : i32
      %parallel_loop3A_525 = arith.constant 0 : i32
      %parallel_loop3A_526 = tpu.memref_slice %arg9[%parallel_loop3A_525] : memref<8000xi32, #tpu.memory_space<vmem>> -> memref<4000xi32, #tpu.memory_space<vmem>>
      %parallel_loop3A_527 = arith.index_cast %parallel_loop3A_524 : i32 to index
      %parallel_loop3A_528 = tpu.vector_load %parallel_loop3A_526[%parallel_loop3A_527] {strides = array<i32>} : memref<4000xi32, #tpu.memory_space<vmem>>, vector<16xi32>,
      %parallel_loop3A_529 = arith.constant 16 : i32
      %parallel_loop3A_530 = arith.muli %parallel_loop3A_522, %parallel_loop3A_529 : i32
      %parallel_loop3A_531 = arith.constant 0 : i32
      %parallel_loop3A_532 = tpu.memref_slice %arg10[%parallel_loop3A_531] : memref<8000xi32, #tpu.memory_space<vmem>> -> memref<4000xi32, #tpu.memory_space<vmem>>
      %parallel_loop3A_533 = arith.index_cast %parallel_loop3A_530 : i32 to index
      %parallel_loop3A_534 = tpu.vector_load %parallel_loop3A_532[%parallel_loop3A_533] {strides = array<i32>} : memref<4000xi32, #tpu.memory_space<vmem>>, vector<16xi32>,
      %parallel_loop3A_535 = arith.constant 16 : i32
      %parallel_loop3A_536 = arith.muli %parallel_loop3A_522, %parallel_loop3A_535 : i32
      %parallel_loop3A_537 = arith.constant 0 : i32
      %parallel_loop3A_538 = tpu.memref_slice %arg11[%parallel_loop3A_537] : memref<8000xf32, #tpu.memory_space<vmem>> -> memref<4000xf32, #tpu.memory_space<vmem>>
      %parallel_loop3A_539 = arith.index_cast %parallel_loop3A_536 : i32 to index
      %parallel_loop3A_540 = tpu.vector_load %parallel_loop3A_538[%parallel_loop3A_539] {strides = array<i32>} : memref<4000xf32, #tpu.memory_space<vmem>>, vector<16xf32>,
      %parallel_loop3A_541 = tpu.vector_load_idx %arg7[%broadcast_in_dim3A_91, %parallel_loop3A_528] : memref<4x10000xf32, #tpu.memory_space<vmem>>[vector<16xi32>, vector<16xi32>], vector<16xf32>,
      %parallel_loop3A_542 = arith.mulf %parallel_loop3A_541, %parallel_loop3A_540 : vector<16xf32>
      tpu.vector_store_idx %arg8[%broadcast_in_dim3A_91, %parallel_loop3A_534], %parallel_loop3A_542 {add = true} : memref<4x10000xf32, #tpu.memory_space<vmem>>[vector<16xi32>, vector<16xi32>], vector<16xf32>,
      %parallel_loop3A_543 = tpu.vector_load_idx %arg7[%broadcast_in_dim3A_93, %parallel_loop3A_528] : memref<4x10000xf32, #tpu.memory_space<vmem>>[vector<16xi32>, vector<16xi32>], vector<16xf32>,
      %parallel_loop3A_544 = arith.mulf %parallel_loop3A_543, %parallel_loop3A_540 : vector<16xf32>
      tpu.vector_store_idx %arg8[%broadcast_in_dim3A_93, %parallel_loop3A_534], %parallel_loop3A_544 {add = true} : memref<4x10000xf32, #tpu.memory_space<vmem>>[vector<16xi32>, vector<16xi32>], vector<16xf32>,
      %parallel_loop3A_545 = tpu.vector_load_idx %arg7[%broadcast_in_dim3A_95, %parallel_loop3A_528] : memref<4x10000xf32, #tpu.memory_space<vmem>>[vector<16xi32>, vector<16xi32>], vector<16xf32>,
      %parallel_loop3A_546 = arith.mulf %parallel_loop3A_545, %parallel_loop3A_540 : vector<16xf32>
      tpu.vector_store_idx %arg8[%broadcast_in_dim3A_95, %parallel_loop3A_534], %parallel_loop3A_546 {add = true} : memref<4x10000xf32, #tpu.memory_space<vmem>>[vector<16xi32>, vector<16xi32>], vector<16xf32>,
      %parallel_loop3A_547 = tpu.vector_load_idx %arg7[%broadcast_in_dim3A_97, %parallel_loop3A_528] : memref<4x10000xf32, #tpu.memory_space<vmem>>[vector<16xi32>, vector<16xi32>], vector<16xf32>,
      %parallel_loop3A_548 = arith.mulf %parallel_loop3A_547, %parallel_loop3A_540 : vector<16xf32>
      tpu.vector_store_idx %arg8[%broadcast_in_dim3A_97, %parallel_loop3A_534], %parallel_loop3A_548 {add = true} : memref<4x10000xf32, #tpu.memory_space<vmem>>[vector<16xi32>, vector<16xi32>], vector<16xf32>,
    } {sc.loop_unroll_factor = 4 : i64, sc.parallel_access}
    %add3A_101 = arith.constant 8000 : i32
    %add3A_102 = arith.addi %mul3A_32, %add3A_101 : i32
    %dma_start3A_103 = arith.constant 0 : i32
    %dma_start3A_104 = tpu.memref_slice %arg9[%dma_start3A_103] : memref<8000xi32, #tpu.memory_space<vmem>> -> memref<4000xi32, #tpu.memory_space<vmem>>
    %dma_start3A_105 = tpu.memref_slice %arg3[%add3A_102] : memref<320000xi32, #tpu.memory_space<hbm>> -> memref<4000xi32, #tpu.memory_space<hbm>>
    %dma_start3A_106 = arith.constant 0 : i32
    %dma_start3A_107 = tpu.memref_slice %arg9[%dma_start3A_106] : memref<8000xi32, #tpu.memory_space<vmem>> -> memref<4000xi32, #tpu.memory_space<vmem>>
    %dma_start3A_108 = tpu.memref_slice %arg3[%add3A_102] : memref<320000xi32, #tpu.memory_space<hbm>> -> memref<4000xi32, #tpu.memory_space<hbm>>
    tpu.enqueue_dma source(%dma_start3A_108 : memref<4000xi32, #tpu.memory_space<hbm>>) target(%dma_start3A_107 : memref<4000xi32, #tpu.memory_space<vmem>>) target_semaphore(%arg12 : memref<!tpu.dma_semaphore, #tpu.memory_space<semaphore_mem>>)
    %dma_start3A_109 = arith.constant 0 : i32
    %dma_start3A_110 = tpu.memref_slice %arg10[%dma_start3A_109] : memref<8000xi32, #tpu.memory_space<vmem>> -> memref<4000xi32, #tpu.memory_space<vmem>>
    %dma_start3A_111 = tpu.memref_slice %arg4[%add3A_102] : memref<320000xi32, #tpu.memory_space<hbm>> -> memref<4000xi32, #tpu.memory_space<hbm>>
    %dma_start3A_112 = arith.constant 0 : i32
    %dma_start3A_113 = tpu.memref_slice %arg10[%dma_start3A_112] : memref<8000xi32, #tpu.memory_space<vmem>> -> memref<4000xi32, #tpu.memory_space<vmem>>
    %dma_start3A_114 = tpu.memref_slice %arg4[%add3A_102] : memref<320000xi32, #tpu.memory_space<hbm>> -> memref<4000xi32, #tpu.memory_space<hbm>>
    tpu.enqueue_dma source(%dma_start3A_114 : memref<4000xi32, #tpu.memory_space<hbm>>) target(%dma_start3A_113 : memref<4000xi32, #tpu.memory_space<vmem>>) target_semaphore(%arg12 : memref<!tpu.dma_semaphore, #tpu.memory_space<semaphore_mem>>)
    %dma_start3A_115 = arith.constant 0 : i32
    %dma_start3A_116 = tpu.memref_slice %arg11[%dma_start3A_115] : memref<8000xf32, #tpu.memory_space<vmem>> -> memref<4000xf32, #tpu.memory_space<vmem>>
    %dma_start3A_117 = tpu.memref_slice %arg5[%add3A_102] : memref<320000xf32, #tpu.memory_space<hbm>> -> memref<4000xf32, #tpu.memory_space<hbm>>
    %dma_start3A_118 = arith.constant 0 : i32
    %dma_start3A_119 = tpu.memref_slice %arg11[%dma_start3A_118] : memref<8000xf32, #tpu.memory_space<vmem>> -> memref<4000xf32, #tpu.memory_space<vmem>>
    %dma_start3A_120 = tpu.memref_slice %arg5[%add3A_102] : memref<320000xf32, #tpu.memory_space<hbm>> -> memref<4000xf32, #tpu.memory_space<hbm>>
    tpu.enqueue_dma source(%dma_start3A_120 : memref<4000xf32, #tpu.memory_space<hbm>>) target(%dma_start3A_119 : memref<4000xf32, #tpu.memory_space<vmem>>) target_semaphore(%arg12 : memref<!tpu.dma_semaphore, #tpu.memory_space<semaphore_mem>>)
    %dma_wait3A_121 = arith.constant 4000 : i32
    %dma_wait3A_122 = tpu.memref_slice %arg9[%dma_wait3A_121] : memref<8000xi32, #tpu.memory_space<vmem>> -> memref<4000xi32, #tpu.memory_space<vmem>>
    %dma_wait3A_123 = tpu.memref_slice %arg3[%add3A_55] : memref<320000xi32, #tpu.memory_space<hbm>> -> memref<4000xi32, #tpu.memory_space<hbm>>
    %dma_wait3A_124 = arith.constant 4000 : i32
    %dma_wait3A_125 = tpu.memref_slice %arg9[%dma_wait3A_124] : memref<8000xi32, #tpu.memory_space<vmem>> -> memref<4000xi32, #tpu.memory_space<vmem>>
    %dma_wait3A_126 = tpu.memref_slice %arg3[%add3A_55] : memref<320000xi32, #tpu.memory_space<hbm>> -> memref<4000xi32, #tpu.memory_space<hbm>>
    tpu.wait_dma2 semaphore(%arg13 : memref<!tpu.dma_semaphore, #tpu.memory_space<semaphore_mem>>) src(%dma_wait3A_126 : memref<4000xi32, #tpu.memory_space<hbm>>) dst(%dma_wait3A_125 : memref<4000xi32, #tpu.memory_space<vmem>>)
    %dma_wait3A_127 = arith.constant 4000 : i32
    %dma_wait3A_128 = tpu.memref_slice %arg10[%dma_wait3A_127] : memref<8000xi32, #tpu.memory_space<vmem>> -> memref<4000xi32, #tpu.memory_space<vmem>>
    %dma_wait3A_129 = tpu.memref_slice %arg4[%add3A_55] : memref<320000xi32, #tpu.memory_space<hbm>> -> memref<4000xi32, #tpu.memory_space<hbm>>
    %dma_wait3A_130 = arith.constant 4000 : i32
    %dma_wait3A_131 = tpu.memref_slice %arg10[%dma_wait3A_130] : memref<8000xi32, #tpu.memory_space<vmem>> -> memref<4000xi32, #tpu.memory_space<vmem>>
    %dma_wait3A_132 = tpu.memref_slice %arg4[%add3A_55] : memref<320000xi32, #tpu.memory_space<hbm>> -> memref<4000xi32, #tpu.memory_space<hbm>>
    tpu.wait_dma2 semaphore(%arg13 : memref<!tpu.dma_semaphore, #tpu.memory_space<semaphore_mem>>) src(%dma_wait3A_132 : memref<4000xi32, #tpu.memory_space<hbm>>) dst(%dma_wait3A_131 : memref<4000xi32, #tpu.memory_space<vmem>>)
    %dma_wait3A_133 = arith.constant 4000 : i32
    %dma_wait3A_134 = tpu.memref_slice %arg11[%dma_wait3A_133] : memref<8000xf32, #tpu.memory_space<vmem>> -> memref<4000xf32, #tpu.memory_space<vmem>>
    %dma_wait3A_135 = tpu.memref_slice %arg5[%add3A_55] : memref<320000xf32, #tpu.memory_space<hbm>> -> memref<4000xf32, #tpu.memory_space<hbm>>
    %dma_wait3A_136 = arith.constant 4000 : i32
    %dma_wait3A_137 = tpu.memref_slice %arg11[%dma_wait3A_136] : memref<8000xf32, #tpu.memory_space<vmem>> -> memref<4000xf32, #tpu.memory_space<vmem>>
    %dma_wait3A_138 = tpu.memref_slice %arg5[%add3A_55] : memref<320000xf32, #tpu.memory_space<hbm>> -> memref<4000xf32, #tpu.memory_space<hbm>>
    tpu.wait_dma2 semaphore(%arg13 : memref<!tpu.dma_semaphore, #tpu.memory_space<semaphore_mem>>) src(%dma_wait3A_138 : memref<4000xf32, #tpu.memory_space<hbm>>) dst(%dma_wait3A_137 : memref<4000xf32, #tpu.memory_space<vmem>>)
    %broadcast_in_dim3A_139 = arith.constant 0 : i32
    %broadcast_in_dim3A_140 = vector.broadcast %broadcast_in_dim3A_139 : i32 to vector<16xi32>
    %broadcast_in_dim3A_141 = arith.constant 1 : i32
    %broadcast_in_dim3A_142 = vector.broadcast %broadcast_in_dim3A_141 : i32 to vector<16xi32>
    %broadcast_in_dim3A_143 = arith.constant 2 : i32
    %broadcast_in_dim3A_144 = vector.broadcast %broadcast_in_dim3A_143 : i32 to vector<16xi32>
    %broadcast_in_dim3A_145 = arith.constant 3 : i32
    %broadcast_in_dim3A_146 = vector.broadcast %broadcast_in_dim3A_145 : i32 to vector<16xi32>
    %parallel_loop3A_147 = arith.constant 0 : i32
    %parallel_loop3A_148 = arith.constant 250 : i32
    %parallel_loop3A_149 = arith.constant 1 : i32
    scf.for %parallel_loop3A_522 = %parallel_loop3A_147 to %parallel_loop3A_148 step %parallel_loop3A_149  : i32 {
      %parallel_loop3A_523 = arith.constant 16 : i32
      %parallel_loop3A_524 = arith.muli %parallel_loop3A_522, %parallel_loop3A_523 : i32
      %parallel_loop3A_525 = arith.constant 4000 : i32
      %parallel_loop3A_526 = tpu.memref_slice %arg9[%parallel_loop3A_525] : memref<8000xi32, #tpu.memory_space<vmem>> -> memref<4000xi32, #tpu.memory_space<vmem>>
      %parallel_loop3A_527 = arith.index_cast %parallel_loop3A_524 : i32 to index
      %parallel_loop3A_528 = tpu.vector_load %parallel_loop3A_526[%parallel_loop3A_527] {strides = array<i32>} : memref<4000xi32, #tpu.memory_space<vmem>>, vector<16xi32>,
      %parallel_loop3A_529 = arith.constant 16 : i32
      %parallel_loop3A_530 = arith.muli %parallel_loop3A_522, %parallel_loop3A_529 : i32
      %parallel_loop3A_531 = arith.constant 4000 : i32
      %parallel_loop3A_532 = tpu.memref_slice %arg10[%parallel_loop3A_531] : memref<8000xi32, #tpu.memory_space<vmem>> -> memref<4000xi32, #tpu.memory_space<vmem>>
      %parallel_loop3A_533 = arith.index_cast %parallel_loop3A_530 : i32 to index
      %parallel_loop3A_534 = tpu.vector_load %parallel_loop3A_532[%parallel_loop3A_533] {strides = array<i32>} : memref<4000xi32, #tpu.memory_space<vmem>>, vector<16xi32>,
      %parallel_loop3A_535 = arith.constant 16 : i32
      %parallel_loop3A_536 = arith.muli %parallel_loop3A_522, %parallel_loop3A_535 : i32
      %parallel_loop3A_537 = arith.constant 4000 : i32
      %parallel_loop3A_538 = tpu.memref_slice %arg11[%parallel_loop3A_537] : memref<8000xf32, #tpu.memory_space<vmem>> -> memref<4000xf32, #tpu.memory_space<vmem>>
      %parallel_loop3A_539 = arith.index_cast %parallel_loop3A_536 : i32 to index
      %parallel_loop3A_540 = tpu.vector_load %parallel_loop3A_538[%parallel_loop3A_539] {strides = array<i32>} : memref<4000xf32, #tpu.memory_space<vmem>>, vector<16xf32>,
      %parallel_loop3A_541 = tpu.vector_load_idx %arg7[%broadcast_in_dim3A_140, %parallel_loop3A_528] : memref<4x10000xf32, #tpu.memory_space<vmem>>[vector<16xi32>, vector<16xi32>], vector<16xf32>,
      %parallel_loop3A_542 = arith.mulf %parallel_loop3A_541, %parallel_loop3A_540 : vector<16xf32>
      tpu.vector_store_idx %arg8[%broadcast_in_dim3A_140, %parallel_loop3A_534], %parallel_loop3A_542 {add = true} : memref<4x10000xf32, #tpu.memory_space<vmem>>[vector<16xi32>, vector<16xi32>], vector<16xf32>,
      %parallel_loop3A_543 = tpu.vector_load_idx %arg7[%broadcast_in_dim3A_142, %parallel_loop3A_528] : memref<4x10000xf32, #tpu.memory_space<vmem>>[vector<16xi32>, vector<16xi32>], vector<16xf32>,
      %parallel_loop3A_544 = arith.mulf %parallel_loop3A_543, %parallel_loop3A_540 : vector<16xf32>
      tpu.vector_store_idx %arg8[%broadcast_in_dim3A_142, %parallel_loop3A_534], %parallel_loop3A_544 {add = true} : memref<4x10000xf32, #tpu.memory_space<vmem>>[vector<16xi32>, vector<16xi32>], vector<16xf32>,
      %parallel_loop3A_545 = tpu.vector_load_idx %arg7[%broadcast_in_dim3A_144, %parallel_loop3A_528] : memref<4x10000xf32, #tpu.memory_space<vmem>>[vector<16xi32>, vector<16xi32>], vector<16xf32>,
      %parallel_loop3A_546 = arith.mulf %parallel_loop3A_545, %parallel_loop3A_540 : vector<16xf32>
      tpu.vector_store_idx %arg8[%broadcast_in_dim3A_144, %parallel_loop3A_534], %parallel_loop3A_546 {add = true} : memref<4x10000xf32, #tpu.memory_space<vmem>>[vector<16xi32>, vector<16xi32>], vector<16xf32>,
      %parallel_loop3A_547 = tpu.vector_load_idx %arg7[%broadcast_in_dim3A_146, %parallel_loop3A_528] : memref<4x10000xf32, #tpu.memory_space<vmem>>[vector<16xi32>, vector<16xi32>], vector<16xf32>,
      %parallel_loop3A_548 = arith.mulf %parallel_loop3A_547, %parallel_loop3A_540 : vector<16xf32>
      tpu.vector_store_idx %arg8[%broadcast_in_dim3A_146, %parallel_loop3A_534], %parallel_loop3A_548 {add = true} : memref<4x10000xf32, #tpu.memory_space<vmem>>[vector<16xi32>, vector<16xi32>], vector<16xf32>,
    } {sc.loop_unroll_factor = 4 : i64, sc.parallel_access}
    %add3A_150 = arith.constant 12000 : i32
    %add3A_151 = arith.addi %mul3A_32, %add3A_150 : i32
    %dma_start3A_152 = arith.constant 4000 : i32
    %dma_start3A_153 = tpu.memref_slice %arg9[%dma_start3A_152] : memref<8000xi32, #tpu.memory_space<vmem>> -> memref<4000xi32, #tpu.memory_space<vmem>>
    %dma_start3A_154 = tpu.memref_slice %arg3[%add3A_151] : memref<320000xi32, #tpu.memory_space<hbm>> -> memref<4000xi32, #tpu.memory_space<hbm>>
    %dma_start3A_155 = arith.constant 4000 : i32
    %dma_start3A_156 = tpu.memref_slice %arg9[%dma_start3A_155] : memref<8000xi32, #tpu.memory_space<vmem>> -> memref<4000xi32, #tpu.memory_space<vmem>>
    %dma_start3A_157 = tpu.memref_slice %arg3[%add3A_151] : memref<320000xi32, #tpu.memory_space<hbm>> -> memref<4000xi32, #tpu.memory_space<hbm>>
    tpu.enqueue_dma source(%dma_start3A_157 : memref<4000xi32, #tpu.memory_space<hbm>>) target(%dma_start3A_156 : memref<4000xi32, #tpu.memory_space<vmem>>) target_semaphore(%arg13 : memref<!tpu.dma_semaphore, #tpu.memory_space<semaphore_mem>>)
    %dma_start3A_158 = arith.constant 4000 : i32
    %dma_start3A_159 = tpu.memref_slice %arg10[%dma_start3A_158] : memref<8000xi32, #tpu.memory_space<vmem>> -> memref<4000xi32, #tpu.memory_space<vmem>>
    %dma_start3A_160 = tpu.memref_slice %arg4[%add3A_151] : memref<320000xi32, #tpu.memory_space<hbm>> -> memref<4000xi32, #tpu.memory_space<hbm>>
    %dma_start3A_161 = arith.constant 4000 : i32
    %dma_start3A_162 = tpu.memref_slice %arg10[%dma_start3A_161] : memref<8000xi32, #tpu.memory_space<vmem>> -> memref<4000xi32, #tpu.memory_space<vmem>>
    %dma_start3A_163 = tpu.memref_slice %arg4[%add3A_151] : memref<320000xi32, #tpu.memory_space<hbm>> -> memref<4000xi32, #tpu.memory_space<hbm>>
    tpu.enqueue_dma source(%dma_start3A_163 : memref<4000xi32, #tpu.memory_space<hbm>>) target(%dma_start3A_162 : memref<4000xi32, #tpu.memory_space<vmem>>) target_semaphore(%arg13 : memref<!tpu.dma_semaphore, #tpu.memory_space<semaphore_mem>>)
    %dma_start3A_164 = arith.constant 4000 : i32
    %dma_start3A_165 = tpu.memref_slice %arg11[%dma_start3A_164] : memref<8000xf32, #tpu.memory_space<vmem>> -> memref<4000xf32, #tpu.memory_space<vmem>>
    %dma_start3A_166 = tpu.memref_slice %arg5[%add3A_151] : memref<320000xf32, #tpu.memory_space<hbm>> -> memref<4000xf32, #tpu.memory_space<hbm>>
    %dma_start3A_167 = arith.constant 4000 : i32
    %dma_start3A_168 = tpu.memref_slice %arg11[%dma_start3A_167] : memref<8000xf32, #tpu.memory_space<vmem>> -> memref<4000xf32, #tpu.memory_space<vmem>>
    %dma_start3A_169 = tpu.memref_slice %arg5[%add3A_151] : memref<320000xf32, #tpu.memory_space<hbm>> -> memref<4000xf32, #tpu.memory_space<hbm>>
    tpu.enqueue_dma source(%dma_start3A_169 : memref<4000xf32, #tpu.memory_space<hbm>>) target(%dma_start3A_168 : memref<4000xf32, #tpu.memory_space<vmem>>) target_semaphore(%arg13 : memref<!tpu.dma_semaphore, #tpu.memory_space<semaphore_mem>>)
    %dma_wait3A_170 = arith.constant 0 : i32
    %dma_wait3A_171 = tpu.memref_slice %arg9[%dma_wait3A_170] : memref<8000xi32, #tpu.memory_space<vmem>> -> memref<4000xi32, #tpu.memory_space<vmem>>
    %dma_wait3A_172 = tpu.memref_slice %arg3[%add3A_102] : memref<320000xi32, #tpu.memory_space<hbm>> -> memref<4000xi32, #tpu.memory_space<hbm>>
    %dma_wait3A_173 = arith.constant 0 : i32
    %dma_wait3A_174 = tpu.memref_slice %arg9[%dma_wait3A_173] : memref<8000xi32, #tpu.memory_space<vmem>> -> memref<4000xi32, #tpu.memory_space<vmem>>
    %dma_wait3A_175 = tpu.memref_slice %arg3[%add3A_102] : memref<320000xi32, #tpu.memory_space<hbm>> -> memref<4000xi32, #tpu.memory_space<hbm>>
    tpu.wait_dma2 semaphore(%arg12 : memref<!tpu.dma_semaphore, #tpu.memory_space<semaphore_mem>>) src(%dma_wait3A_175 : memref<4000xi32, #tpu.memory_space<hbm>>) dst(%dma_wait3A_174 : memref<4000xi32, #tpu.memory_space<vmem>>)
    %dma_wait3A_176 = arith.constant 0 : i32
    %dma_wait3A_177 = tpu.memref_slice %arg10[%dma_wait3A_176] : memref<8000xi32, #tpu.memory_space<vmem>> -> memref<4000xi32, #tpu.memory_space<vmem>>
    %dma_wait3A_178 = tpu.memref_slice %arg4[%add3A_102] : memref<320000xi32, #tpu.memory_space<hbm>> -> memref<4000xi32, #tpu.memory_space<hbm>>
    %dma_wait3A_179 = arith.constant 0 : i32
    %dma_wait3A_180 = tpu.memref_slice %arg10[%dma_wait3A_179] : memref<8000xi32, #tpu.memory_space<vmem>> -> memref<4000xi32, #tpu.memory_space<vmem>>
    %dma_wait3A_181 = tpu.memref_slice %arg4[%add3A_102] : memref<320000xi32, #tpu.memory_space<hbm>> -> memref<4000xi32, #tpu.memory_space<hbm>>
    tpu.wait_dma2 semaphore(%arg12 : memref<!tpu.dma_semaphore, #tpu.memory_space<semaphore_mem>>) src(%dma_wait3A_181 : memref<4000xi32, #tpu.memory_space<hbm>>) dst(%dma_wait3A_180 : memref<4000xi32, #tpu.memory_space<vmem>>)
    %dma_wait3A_182 = arith.constant 0 : i32
    %dma_wait3A_183 = tpu.memref_slice %arg11[%dma_wait3A_182] : memref<8000xf32, #tpu.memory_space<vmem>> -> memref<4000xf32, #tpu.memory_space<vmem>>
    %dma_wait3A_184 = tpu.memref_slice %arg5[%add3A_102] : memref<320000xf32, #tpu.memory_space<hbm>> -> memref<4000xf32, #tpu.memory_space<hbm>>
    %dma_wait3A_185 = arith.constant 0 : i32
    %dma_wait3A_186 = tpu.memref_slice %arg11[%dma_wait3A_185] : memref<8000xf32, #tpu.memory_space<vmem>> -> memref<4000xf32, #tpu.memory_space<vmem>>
    %dma_wait3A_187 = tpu.memref_slice %arg5[%add3A_102] : memref<320000xf32, #tpu.memory_space<hbm>> -> memref<4000xf32, #tpu.memory_space<hbm>>
    tpu.wait_dma2 semaphore(%arg12 : memref<!tpu.dma_semaphore, #tpu.memory_space<semaphore_mem>>) src(%dma_wait3A_187 : memref<4000xf32, #tpu.memory_space<hbm>>) dst(%dma_wait3A_186 : memref<4000xf32, #tpu.memory_space<vmem>>)
    %broadcast_in_dim3A_188 = arith.constant 0 : i32
    %broadcast_in_dim3A_189 = vector.broadcast %broadcast_in_dim3A_188 : i32 to vector<16xi32>
    %broadcast_in_dim3A_190 = arith.constant 1 : i32
    %broadcast_in_dim3A_191 = vector.broadcast %broadcast_in_dim3A_190 : i32 to vector<16xi32>
    %broadcast_in_dim3A_192 = arith.constant 2 : i32
    %broadcast_in_dim3A_193 = vector.broadcast %broadcast_in_dim3A_192 : i32 to vector<16xi32>
    %broadcast_in_dim3A_194 = arith.constant 3 : i32
    %broadcast_in_dim3A_195 = vector.broadcast %broadcast_in_dim3A_194 : i32 to vector<16xi32>
    %parallel_loop3A_196 = arith.constant 0 : i32
    %parallel_loop3A_197 = arith.constant 250 : i32
    %parallel_loop3A_198 = arith.constant 1 : i32
    scf.for %parallel_loop3A_522 = %parallel_loop3A_196 to %parallel_loop3A_197 step %parallel_loop3A_198  : i32 {
      %parallel_loop3A_523 = arith.constant 16 : i32
      %parallel_loop3A_524 = arith.muli %parallel_loop3A_522, %parallel_loop3A_523 : i32
      %parallel_loop3A_525 = arith.constant 0 : i32
      %parallel_loop3A_526 = tpu.memref_slice %arg9[%parallel_loop3A_525] : memref<8000xi32, #tpu.memory_space<vmem>> -> memref<4000xi32, #tpu.memory_space<vmem>>
      %parallel_loop3A_527 = arith.index_cast %parallel_loop3A_524 : i32 to index
      %parallel_loop3A_528 = tpu.vector_load %parallel_loop3A_526[%parallel_loop3A_527] {strides = array<i32>} : memref<4000xi32, #tpu.memory_space<vmem>>, vector<16xi32>,
      %parallel_loop3A_529 = arith.constant 16 : i32
      %parallel_loop3A_530 = arith.muli %parallel_loop3A_522, %parallel_loop3A_529 : i32
      %parallel_loop3A_531 = arith.constant 0 : i32
      %parallel_loop3A_532 = tpu.memref_slice %arg10[%parallel_loop3A_531] : memref<8000xi32, #tpu.memory_space<vmem>> -> memref<4000xi32, #tpu.memory_space<vmem>>
      %parallel_loop3A_533 = arith.index_cast %parallel_loop3A_530 : i32 to index
      %parallel_loop3A_534 = tpu.vector_load %parallel_loop3A_532[%parallel_loop3A_533] {strides = array<i32>} : memref<4000xi32, #tpu.memory_space<vmem>>, vector<16xi32>,
      %parallel_loop3A_535 = arith.constant 16 : i32
      %parallel_loop3A_536 = arith.muli %parallel_loop3A_522, %parallel_loop3A_535 : i32
      %parallel_loop3A_537 = arith.constant 0 : i32
      %parallel_loop3A_538 = tpu.memref_slice %arg11[%parallel_loop3A_537] : memref<8000xf32, #tpu.memory_space<vmem>> -> memref<4000xf32, #tpu.memory_space<vmem>>
      %parallel_loop3A_539 = arith.index_cast %parallel_loop3A_536 : i32 to index
      %parallel_loop3A_540 = tpu.vector_load %parallel_loop3A_538[%parallel_loop3A_539] {strides = array<i32>} : memref<4000xf32, #tpu.memory_space<vmem>>, vector<16xf32>,
      %parallel_loop3A_541 = tpu.vector_load_idx %arg7[%broadcast_in_dim3A_189, %parallel_loop3A_528] : memref<4x10000xf32, #tpu.memory_space<vmem>>[vector<16xi32>, vector<16xi32>], vector<16xf32>,
      %parallel_loop3A_542 = arith.mulf %parallel_loop3A_541, %parallel_loop3A_540 : vector<16xf32>
      tpu.vector_store_idx %arg8[%broadcast_in_dim3A_189, %parallel_loop3A_534], %parallel_loop3A_542 {add = true} : memref<4x10000xf32, #tpu.memory_space<vmem>>[vector<16xi32>, vector<16xi32>], vector<16xf32>,
      %parallel_loop3A_543 = tpu.vector_load_idx %arg7[%broadcast_in_dim3A_191, %parallel_loop3A_528] : memref<4x10000xf32, #tpu.memory_space<vmem>>[vector<16xi32>, vector<16xi32>], vector<16xf32>,
      %parallel_loop3A_544 = arith.mulf %parallel_loop3A_543, %parallel_loop3A_540 : vector<16xf32>
      tpu.vector_store_idx %arg8[%broadcast_in_dim3A_191, %parallel_loop3A_534], %parallel_loop3A_544 {add = true} : memref<4x10000xf32, #tpu.memory_space<vmem>>[vector<16xi32>, vector<16xi32>], vector<16xf32>,
      %parallel_loop3A_545 = tpu.vector_load_idx %arg7[%broadcast_in_dim3A_193, %parallel_loop3A_528] : memref<4x10000xf32, #tpu.memory_space<vmem>>[vector<16xi32>, vector<16xi32>], vector<16xf32>,
      %parallel_loop3A_546 = arith.mulf %parallel_loop3A_545, %parallel_loop3A_540 : vector<16xf32>
      tpu.vector_store_idx %arg8[%broadcast_in_dim3A_193, %parallel_loop3A_534], %parallel_loop3A_546 {add = true} : memref<4x10000xf32, #tpu.memory_space<vmem>>[vector<16xi32>, vector<16xi32>], vector<16xf32>,
      %parallel_loop3A_547 = tpu.vector_load_idx %arg7[%broadcast_in_dim3A_195, %parallel_loop3A_528] : memref<4x10000xf32, #tpu.memory_space<vmem>>[vector<16xi32>, vector<16xi32>], vector<16xf32>,
      %parallel_loop3A_548 = arith.mulf %parallel_loop3A_547, %parallel_loop3A_540 : vector<16xf32>
      tpu.vector_store_idx %arg8[%broadcast_in_dim3A_195, %parallel_loop3A_534], %parallel_loop3A_548 {add = true} : memref<4x10000xf32, #tpu.memory_space<vmem>>[vector<16xi32>, vector<16xi32>], vector<16xf32>,
    } {sc.loop_unroll_factor = 4 : i64, sc.parallel_access}
    %add3A_199 = arith.constant 16000 : i32
    %add3A_200 = arith.addi %mul3A_32, %add3A_199 : i32
    %dma_start3A_201 = arith.constant 0 : i32
    %dma_start3A_202 = tpu.memref_slice %arg9[%dma_start3A_201] : memref<8000xi32, #tpu.memory_space<vmem>> -> memref<4000xi32, #tpu.memory_space<vmem>>
    %dma_start3A_203 = tpu.memref_slice %arg3[%add3A_200] : memref<320000xi32, #tpu.memory_space<hbm>> -> memref<4000xi32, #tpu.memory_space<hbm>>
    %dma_start3A_204 = arith.constant 0 : i32
    %dma_start3A_205 = tpu.memref_slice %arg9[%dma_start3A_204] : memref<8000xi32, #tpu.memory_space<vmem>> -> memref<4000xi32, #tpu.memory_space<vmem>>
    %dma_start3A_206 = tpu.memref_slice %arg3[%add3A_200] : memref<320000xi32, #tpu.memory_space<hbm>> -> memref<4000xi32, #tpu.memory_space<hbm>>
    tpu.enqueue_dma source(%dma_start3A_206 : memref<4000xi32, #tpu.memory_space<hbm>>) target(%dma_start3A_205 : memref<4000xi32, #tpu.memory_space<vmem>>) target_semaphore(%arg12 : memref<!tpu.dma_semaphore, #tpu.memory_space<semaphore_mem>>)
    %dma_start3A_207 = arith.constant 0 : i32
    %dma_start3A_208 = tpu.memref_slice %arg10[%dma_start3A_207] : memref<8000xi32, #tpu.memory_space<vmem>> -> memref<4000xi32, #tpu.memory_space<vmem>>
    %dma_start3A_209 = tpu.memref_slice %arg4[%add3A_200] : memref<320000xi32, #tpu.memory_space<hbm>> -> memref<4000xi32, #tpu.memory_space<hbm>>
    %dma_start3A_210 = arith.constant 0 : i32
    %dma_start3A_211 = tpu.memref_slice %arg10[%dma_start3A_210] : memref<8000xi32, #tpu.memory_space<vmem>> -> memref<4000xi32, #tpu.memory_space<vmem>>
    %dma_start3A_212 = tpu.memref_slice %arg4[%add3A_200] : memref<320000xi32, #tpu.memory_space<hbm>> -> memref<4000xi32, #tpu.memory_space<hbm>>
    tpu.enqueue_dma source(%dma_start3A_212 : memref<4000xi32, #tpu.memory_space<hbm>>) target(%dma_start3A_211 : memref<4000xi32, #tpu.memory_space<vmem>>) target_semaphore(%arg12 : memref<!tpu.dma_semaphore, #tpu.memory_space<semaphore_mem>>)
    %dma_start3A_213 = arith.constant 0 : i32
    %dma_start3A_214 = tpu.memref_slice %arg11[%dma_start3A_213] : memref<8000xf32, #tpu.memory_space<vmem>> -> memref<4000xf32, #tpu.memory_space<vmem>>
    %dma_start3A_215 = tpu.memref_slice %arg5[%add3A_200] : memref<320000xf32, #tpu.memory_space<hbm>> -> memref<4000xf32, #tpu.memory_space<hbm>>
    %dma_start3A_216 = arith.constant 0 : i32
    %dma_start3A_217 = tpu.memref_slice %arg11[%dma_start3A_216] : memref<8000xf32, #tpu.memory_space<vmem>> -> memref<4000xf32, #tpu.memory_space<vmem>>
    %dma_start3A_218 = tpu.memref_slice %arg5[%add3A_200] : memref<320000xf32, #tpu.memory_space<hbm>> -> memref<4000xf32, #tpu.memory_space<hbm>>
    tpu.enqueue_dma source(%dma_start3A_218 : memref<4000xf32, #tpu.memory_space<hbm>>) target(%dma_start3A_217 : memref<4000xf32, #tpu.memory_space<vmem>>) target_semaphore(%arg12 : memref<!tpu.dma_semaphore, #tpu.memory_space<semaphore_mem>>)
    %dma_wait3A_219 = arith.constant 4000 : i32
    %dma_wait3A_220 = tpu.memref_slice %arg9[%dma_wait3A_219] : memref<8000xi32, #tpu.memory_space<vmem>> -> memref<4000xi32, #tpu.memory_space<vmem>>
    %dma_wait3A_221 = tpu.memref_slice %arg3[%add3A_151] : memref<320000xi32, #tpu.memory_space<hbm>> -> memref<4000xi32, #tpu.memory_space<hbm>>
    %dma_wait3A_222 = arith.constant 4000 : i32
    %dma_wait3A_223 = tpu.memref_slice %arg9[%dma_wait3A_222] : memref<8000xi32, #tpu.memory_space<vmem>> -> memref<4000xi32, #tpu.memory_space<vmem>>
    %dma_wait3A_224 = tpu.memref_slice %arg3[%add3A_151] : memref<320000xi32, #tpu.memory_space<hbm>> -> memref<4000xi32, #tpu.memory_space<hbm>>
    tpu.wait_dma2 semaphore(%arg13 : memref<!tpu.dma_semaphore, #tpu.memory_space<semaphore_mem>>) src(%dma_wait3A_224 : memref<4000xi32, #tpu.memory_space<hbm>>) dst(%dma_wait3A_223 : memref<4000xi32, #tpu.memory_space<vmem>>)
    %dma_wait3A_225 = arith.constant 4000 : i32
    %dma_wait3A_226 = tpu.memref_slice %arg10[%dma_wait3A_225] : memref<8000xi32, #tpu.memory_space<vmem>> -> memref<4000xi32, #tpu.memory_space<vmem>>
    %dma_wait3A_227 = tpu.memref_slice %arg4[%add3A_151] : memref<320000xi32, #tpu.memory_space<hbm>> -> memref<4000xi32, #tpu.memory_space<hbm>>
    %dma_wait3A_228 = arith.constant 4000 : i32
    %dma_wait3A_229 = tpu.memref_slice %arg10[%dma_wait3A_228] : memref<8000xi32, #tpu.memory_space<vmem>> -> memref<4000xi32, #tpu.memory_space<vmem>>
    %dma_wait3A_230 = tpu.memref_slice %arg4[%add3A_151] : memref<320000xi32, #tpu.memory_space<hbm>> -> memref<4000xi32, #tpu.memory_space<hbm>>
    tpu.wait_dma2 semaphore(%arg13 : memref<!tpu.dma_semaphore, #tpu.memory_space<semaphore_mem>>) src(%dma_wait3A_230 : memref<4000xi32, #tpu.memory_space<hbm>>) dst(%dma_wait3A_229 : memref<4000xi32, #tpu.memory_space<vmem>>)
    %dma_wait3A_231 = arith.constant 4000 : i32
    %dma_wait3A_232 = tpu.memref_slice %arg11[%dma_wait3A_231] : memref<8000xf32, #tpu.memory_space<vmem>> -> memref<4000xf32, #tpu.memory_space<vmem>>
    %dma_wait3A_233 = tpu.memref_slice %arg5[%add3A_151] : memref<320000xf32, #tpu.memory_space<hbm>> -> memref<4000xf32, #tpu.memory_space<hbm>>
    %dma_wait3A_234 = arith.constant 4000 : i32
    %dma_wait3A_235 = tpu.memref_slice %arg11[%dma_wait3A_234] : memref<8000xf32, #tpu.memory_space<vmem>> -> memref<4000xf32, #tpu.memory_space<vmem>>
    %dma_wait3A_236 = tpu.memref_slice %arg5[%add3A_151] : memref<320000xf32, #tpu.memory_space<hbm>> -> memref<4000xf32, #tpu.memory_space<hbm>>
    tpu.wait_dma2 semaphore(%arg13 : memref<!tpu.dma_semaphore, #tpu.memory_space<semaphore_mem>>) src(%dma_wait3A_236 : memref<4000xf32, #tpu.memory_space<hbm>>) dst(%dma_wait3A_235 : memref<4000xf32, #tpu.memory_space<vmem>>)
    %broadcast_in_dim3A_237 = arith.constant 0 : i32
    %broadcast_in_dim3A_238 = vector.broadcast %broadcast_in_dim3A_237 : i32 to vector<16xi32>
    %broadcast_in_dim3A_239 = arith.constant 1 : i32
    %broadcast_in_dim3A_240 = vector.broadcast %broadcast_in_dim3A_239 : i32 to vector<16xi32>
    %broadcast_in_dim3A_241 = arith.constant 2 : i32
    %broadcast_in_dim3A_242 = vector.broadcast %broadcast_in_dim3A_241 : i32 to vector<16xi32>
    %broadcast_in_dim3A_243 = arith.constant 3 : i32
    %broadcast_in_dim3A_244 = vector.broadcast %broadcast_in_dim3A_243 : i32 to vector<16xi32>
    %parallel_loop3A_245 = arith.constant 0 : i32
    %parallel_loop3A_246 = arith.constant 250 : i32
    %parallel_loop3A_247 = arith.constant 1 : i32
    scf.for %parallel_loop3A_522 = %parallel_loop3A_245 to %parallel_loop3A_246 step %parallel_loop3A_247  : i32 {
      %parallel_loop3A_523 = arith.constant 16 : i32
      %parallel_loop3A_524 = arith.muli %parallel_loop3A_522, %parallel_loop3A_523 : i32
      %parallel_loop3A_525 = arith.constant 4000 : i32
      %parallel_loop3A_526 = tpu.memref_slice %arg9[%parallel_loop3A_525] : memref<8000xi32, #tpu.memory_space<vmem>> -> memref<4000xi32, #tpu.memory_space<vmem>>
      %parallel_loop3A_527 = arith.index_cast %parallel_loop3A_524 : i32 to index
      %parallel_loop3A_528 = tpu.vector_load %parallel_loop3A_526[%parallel_loop3A_527] {strides = array<i32>} : memref<4000xi32, #tpu.memory_space<vmem>>, vector<16xi32>,
      %parallel_loop3A_529 = arith.constant 16 : i32
      %parallel_loop3A_530 = arith.muli %parallel_loop3A_522, %parallel_loop3A_529 : i32
      %parallel_loop3A_531 = arith.constant 4000 : i32
      %parallel_loop3A_532 = tpu.memref_slice %arg10[%parallel_loop3A_531] : memref<8000xi32, #tpu.memory_space<vmem>> -> memref<4000xi32, #tpu.memory_space<vmem>>
      %parallel_loop3A_533 = arith.index_cast %parallel_loop3A_530 : i32 to index
      %parallel_loop3A_534 = tpu.vector_load %parallel_loop3A_532[%parallel_loop3A_533] {strides = array<i32>} : memref<4000xi32, #tpu.memory_space<vmem>>, vector<16xi32>,
      %parallel_loop3A_535 = arith.constant 16 : i32
      %parallel_loop3A_536 = arith.muli %parallel_loop3A_522, %parallel_loop3A_535 : i32
      %parallel_loop3A_537 = arith.constant 4000 : i32
      %parallel_loop3A_538 = tpu.memref_slice %arg11[%parallel_loop3A_537] : memref<8000xf32, #tpu.memory_space<vmem>> -> memref<4000xf32, #tpu.memory_space<vmem>>
      %parallel_loop3A_539 = arith.index_cast %parallel_loop3A_536 : i32 to index
      %parallel_loop3A_540 = tpu.vector_load %parallel_loop3A_538[%parallel_loop3A_539] {strides = array<i32>} : memref<4000xf32, #tpu.memory_space<vmem>>, vector<16xf32>,
      %parallel_loop3A_541 = tpu.vector_load_idx %arg7[%broadcast_in_dim3A_238, %parallel_loop3A_528] : memref<4x10000xf32, #tpu.memory_space<vmem>>[vector<16xi32>, vector<16xi32>], vector<16xf32>,
      %parallel_loop3A_542 = arith.mulf %parallel_loop3A_541, %parallel_loop3A_540 : vector<16xf32>
      tpu.vector_store_idx %arg8[%broadcast_in_dim3A_238, %parallel_loop3A_534], %parallel_loop3A_542 {add = true} : memref<4x10000xf32, #tpu.memory_space<vmem>>[vector<16xi32>, vector<16xi32>], vector<16xf32>,
      %parallel_loop3A_543 = tpu.vector_load_idx %arg7[%broadcast_in_dim3A_240, %parallel_loop3A_528] : memref<4x10000xf32, #tpu.memory_space<vmem>>[vector<16xi32>, vector<16xi32>], vector<16xf32>,
      %parallel_loop3A_544 = arith.mulf %parallel_loop3A_543, %parallel_loop3A_540 : vector<16xf32>
      tpu.vector_store_idx %arg8[%broadcast_in_dim3A_240, %parallel_loop3A_534], %parallel_loop3A_544 {add = true} : memref<4x10000xf32, #tpu.memory_space<vmem>>[vector<16xi32>, vector<16xi32>], vector<16xf32>,
      %parallel_loop3A_545 = tpu.vector_load_idx %arg7[%broadcast_in_dim3A_242, %parallel_loop3A_528] : memref<4x10000xf32, #tpu.memory_space<vmem>>[vector<16xi32>, vector<16xi32>], vector<16xf32>,
      %parallel_loop3A_546 = arith.mulf %parallel_loop3A_545, %parallel_loop3A_540 : vector<16xf32>
      tpu.vector_store_idx %arg8[%broadcast_in_dim3A_242, %parallel_loop3A_534], %parallel_loop3A_546 {add = true} : memref<4x10000xf32, #tpu.memory_space<vmem>>[vector<16xi32>, vector<16xi32>], vector<16xf32>,
      %parallel_loop3A_547 = tpu.vector_load_idx %arg7[%broadcast_in_dim3A_244, %parallel_loop3A_528] : memref<4x10000xf32, #tpu.memory_space<vmem>>[vector<16xi32>, vector<16xi32>], vector<16xf32>,
      %parallel_loop3A_548 = arith.mulf %parallel_loop3A_547, %parallel_loop3A_540 : vector<16xf32>
      tpu.vector_store_idx %arg8[%broadcast_in_dim3A_244, %parallel_loop3A_534], %parallel_loop3A_548 {add = true} : memref<4x10000xf32, #tpu.memory_space<vmem>>[vector<16xi32>, vector<16xi32>], vector<16xf32>,
    } {sc.loop_unroll_factor = 4 : i64, sc.parallel_access}
    %add3A_248 = arith.constant 20000 : i32
    %add3A_249 = arith.addi %mul3A_32, %add3A_248 : i32
    %dma_start3A_250 = arith.constant 4000 : i32
    %dma_start3A_251 = tpu.memref_slice %arg9[%dma_start3A_250] : memref<8000xi32, #tpu.memory_space<vmem>> -> memref<4000xi32, #tpu.memory_space<vmem>>
    %dma_start3A_252 = tpu.memref_slice %arg3[%add3A_249] : memref<320000xi32, #tpu.memory_space<hbm>> -> memref<4000xi32, #tpu.memory_space<hbm>>
    %dma_start3A_253 = arith.constant 4000 : i32
    %dma_start3A_254 = tpu.memref_slice %arg9[%dma_start3A_253] : memref<8000xi32, #tpu.memory_space<vmem>> -> memref<4000xi32, #tpu.memory_space<vmem>>
    %dma_start3A_255 = tpu.memref_slice %arg3[%add3A_249] : memref<320000xi32, #tpu.memory_space<hbm>> -> memref<4000xi32, #tpu.memory_space<hbm>>
    tpu.enqueue_dma source(%dma_start3A_255 : memref<4000xi32, #tpu.memory_space<hbm>>) target(%dma_start3A_254 : memref<4000xi32, #tpu.memory_space<vmem>>) target_semaphore(%arg13 : memref<!tpu.dma_semaphore, #tpu.memory_space<semaphore_mem>>)
    %dma_start3A_256 = arith.constant 4000 : i32
    %dma_start3A_257 = tpu.memref_slice %arg10[%dma_start3A_256] : memref<8000xi32, #tpu.memory_space<vmem>> -> memref<4000xi32, #tpu.memory_space<vmem>>
    %dma_start3A_258 = tpu.memref_slice %arg4[%add3A_249] : memref<320000xi32, #tpu.memory_space<hbm>> -> memref<4000xi32, #tpu.memory_space<hbm>>
    %dma_start3A_259 = arith.constant 4000 : i32
    %dma_start3A_260 = tpu.memref_slice %arg10[%dma_start3A_259] : memref<8000xi32, #tpu.memory_space<vmem>> -> memref<4000xi32, #tpu.memory_space<vmem>>
    %dma_start3A_261 = tpu.memref_slice %arg4[%add3A_249] : memref<320000xi32, #tpu.memory_space<hbm>> -> memref<4000xi32, #tpu.memory_space<hbm>>
    tpu.enqueue_dma source(%dma_start3A_261 : memref<4000xi32, #tpu.memory_space<hbm>>) target(%dma_start3A_260 : memref<4000xi32, #tpu.memory_space<vmem>>) target_semaphore(%arg13 : memref<!tpu.dma_semaphore, #tpu.memory_space<semaphore_mem>>)
    %dma_start3A_262 = arith.constant 4000 : i32
    %dma_start3A_263 = tpu.memref_slice %arg11[%dma_start3A_262] : memref<8000xf32, #tpu.memory_space<vmem>> -> memref<4000xf32, #tpu.memory_space<vmem>>
    %dma_start3A_264 = tpu.memref_slice %arg5[%add3A_249] : memref<320000xf32, #tpu.memory_space<hbm>> -> memref<4000xf32, #tpu.memory_space<hbm>>
    %dma_start3A_265 = arith.constant 4000 : i32
    %dma_start3A_266 = tpu.memref_slice %arg11[%dma_start3A_265] : memref<8000xf32, #tpu.memory_space<vmem>> -> memref<4000xf32, #tpu.memory_space<vmem>>
    %dma_start3A_267 = tpu.memref_slice %arg5[%add3A_249] : memref<320000xf32, #tpu.memory_space<hbm>> -> memref<4000xf32, #tpu.memory_space<hbm>>
    tpu.enqueue_dma source(%dma_start3A_267 : memref<4000xf32, #tpu.memory_space<hbm>>) target(%dma_start3A_266 : memref<4000xf32, #tpu.memory_space<vmem>>) target_semaphore(%arg13 : memref<!tpu.dma_semaphore, #tpu.memory_space<semaphore_mem>>)
    %dma_wait3A_268 = arith.constant 0 : i32
    %dma_wait3A_269 = tpu.memref_slice %arg9[%dma_wait3A_268] : memref<8000xi32, #tpu.memory_space<vmem>> -> memref<4000xi32, #tpu.memory_space<vmem>>
    %dma_wait3A_270 = tpu.memref_slice %arg3[%add3A_200] : memref<320000xi32, #tpu.memory_space<hbm>> -> memref<4000xi32, #tpu.memory_space<hbm>>
    %dma_wait3A_271 = arith.constant 0 : i32
    %dma_wait3A_272 = tpu.memref_slice %arg9[%dma_wait3A_271] : memref<8000xi32, #tpu.memory_space<vmem>> -> memref<4000xi32, #tpu.memory_space<vmem>>
    %dma_wait3A_273 = tpu.memref_slice %arg3[%add3A_200] : memref<320000xi32, #tpu.memory_space<hbm>> -> memref<4000xi32, #tpu.memory_space<hbm>>
    tpu.wait_dma2 semaphore(%arg12 : memref<!tpu.dma_semaphore, #tpu.memory_space<semaphore_mem>>) src(%dma_wait3A_273 : memref<4000xi32, #tpu.memory_space<hbm>>) dst(%dma_wait3A_272 : memref<4000xi32, #tpu.memory_space<vmem>>)
    %dma_wait3A_274 = arith.constant 0 : i32
    %dma_wait3A_275 = tpu.memref_slice %arg10[%dma_wait3A_274] : memref<8000xi32, #tpu.memory_space<vmem>> -> memref<4000xi32, #tpu.memory_space<vmem>>
    %dma_wait3A_276 = tpu.memref_slice %arg4[%add3A_200] : memref<320000xi32, #tpu.memory_space<hbm>> -> memref<4000xi32, #tpu.memory_space<hbm>>
    %dma_wait3A_277 = arith.constant 0 : i32
    %dma_wait3A_278 = tpu.memref_slice %arg10[%dma_wait3A_277] : memref<8000xi32, #tpu.memory_space<vmem>> -> memref<4000xi32, #tpu.memory_space<vmem>>
    %dma_wait3A_279 = tpu.memref_slice %arg4[%add3A_200] : memref<320000xi32, #tpu.memory_space<hbm>> -> memref<4000xi32, #tpu.memory_space<hbm>>
    tpu.wait_dma2 semaphore(%arg12 : memref<!tpu.dma_semaphore, #tpu.memory_space<semaphore_mem>>) src(%dma_wait3A_279 : memref<4000xi32, #tpu.memory_space<hbm>>) dst(%dma_wait3A_278 : memref<4000xi32, #tpu.memory_space<vmem>>)
    %dma_wait3A_280 = arith.constant 0 : i32
    %dma_wait3A_281 = tpu.memref_slice %arg11[%dma_wait3A_280] : memref<8000xf32, #tpu.memory_space<vmem>> -> memref<4000xf32, #tpu.memory_space<vmem>>
    %dma_wait3A_282 = tpu.memref_slice %arg5[%add3A_200] : memref<320000xf32, #tpu.memory_space<hbm>> -> memref<4000xf32, #tpu.memory_space<hbm>>
    %dma_wait3A_283 = arith.constant 0 : i32
    %dma_wait3A_284 = tpu.memref_slice %arg11[%dma_wait3A_283] : memref<8000xf32, #tpu.memory_space<vmem>> -> memref<4000xf32, #tpu.memory_space<vmem>>
    %dma_wait3A_285 = tpu.memref_slice %arg5[%add3A_200] : memref<320000xf32, #tpu.memory_space<hbm>> -> memref<4000xf32, #tpu.memory_space<hbm>>
    tpu.wait_dma2 semaphore(%arg12 : memref<!tpu.dma_semaphore, #tpu.memory_space<semaphore_mem>>) src(%dma_wait3A_285 : memref<4000xf32, #tpu.memory_space<hbm>>) dst(%dma_wait3A_284 : memref<4000xf32, #tpu.memory_space<vmem>>)
    %broadcast_in_dim3A_286 = arith.constant 0 : i32
    %broadcast_in_dim3A_287 = vector.broadcast %broadcast_in_dim3A_286 : i32 to vector<16xi32>
    %broadcast_in_dim3A_288 = arith.constant 1 : i32
    %broadcast_in_dim3A_289 = vector.broadcast %broadcast_in_dim3A_288 : i32 to vector<16xi32>
    %broadcast_in_dim3A_290 = arith.constant 2 : i32
    %broadcast_in_dim3A_291 = vector.broadcast %broadcast_in_dim3A_290 : i32 to vector<16xi32>
    %broadcast_in_dim3A_292 = arith.constant 3 : i32
    %broadcast_in_dim3A_293 = vector.broadcast %broadcast_in_dim3A_292 : i32 to vector<16xi32>
    %parallel_loop3A_294 = arith.constant 0 : i32
    %parallel_loop3A_295 = arith.constant 250 : i32
    %parallel_loop3A_296 = arith.constant 1 : i32
    scf.for %parallel_loop3A_522 = %parallel_loop3A_294 to %parallel_loop3A_295 step %parallel_loop3A_296  : i32 {
      %parallel_loop3A_523 = arith.constant 16 : i32
      %parallel_loop3A_524 = arith.muli %parallel_loop3A_522, %parallel_loop3A_523 : i32
      %parallel_loop3A_525 = arith.constant 0 : i32
      %parallel_loop3A_526 = tpu.memref_slice %arg9[%parallel_loop3A_525] : memref<8000xi32, #tpu.memory_space<vmem>> -> memref<4000xi32, #tpu.memory_space<vmem>>
      %parallel_loop3A_527 = arith.index_cast %parallel_loop3A_524 : i32 to index
      %parallel_loop3A_528 = tpu.vector_load %parallel_loop3A_526[%parallel_loop3A_527] {strides = array<i32>} : memref<4000xi32, #tpu.memory_space<vmem>>, vector<16xi32>,
      %parallel_loop3A_529 = arith.constant 16 : i32
      %parallel_loop3A_530 = arith.muli %parallel_loop3A_522, %parallel_loop3A_529 : i32
      %parallel_loop3A_531 = arith.constant 0 : i32
      %parallel_loop3A_532 = tpu.memref_slice %arg10[%parallel_loop3A_531] : memref<8000xi32, #tpu.memory_space<vmem>> -> memref<4000xi32, #tpu.memory_space<vmem>>
      %parallel_loop3A_533 = arith.index_cast %parallel_loop3A_530 : i32 to index
      %parallel_loop3A_534 = tpu.vector_load %parallel_loop3A_532[%parallel_loop3A_533] {strides = array<i32>} : memref<4000xi32, #tpu.memory_space<vmem>>, vector<16xi32>,
      %parallel_loop3A_535 = arith.constant 16 : i32
      %parallel_loop3A_536 = arith.muli %parallel_loop3A_522, %parallel_loop3A_535 : i32
      %parallel_loop3A_537 = arith.constant 0 : i32
      %parallel_loop3A_538 = tpu.memref_slice %arg11[%parallel_loop3A_537] : memref<8000xf32, #tpu.memory_space<vmem>> -> memref<4000xf32, #tpu.memory_space<vmem>>
      %parallel_loop3A_539 = arith.index_cast %parallel_loop3A_536 : i32 to index
      %parallel_loop3A_540 = tpu.vector_load %parallel_loop3A_538[%parallel_loop3A_539] {strides = array<i32>} : memref<4000xf32, #tpu.memory_space<vmem>>, vector<16xf32>,
      %parallel_loop3A_541 = tpu.vector_load_idx %arg7[%broadcast_in_dim3A_287, %parallel_loop3A_528] : memref<4x10000xf32, #tpu.memory_space<vmem>>[vector<16xi32>, vector<16xi32>], vector<16xf32>,
      %parallel_loop3A_542 = arith.mulf %parallel_loop3A_541, %parallel_loop3A_540 : vector<16xf32>
      tpu.vector_store_idx %arg8[%broadcast_in_dim3A_287, %parallel_loop3A_534], %parallel_loop3A_542 {add = true} : memref<4x10000xf32, #tpu.memory_space<vmem>>[vector<16xi32>, vector<16xi32>], vector<16xf32>,
      %parallel_loop3A_543 = tpu.vector_load_idx %arg7[%broadcast_in_dim3A_289, %parallel_loop3A_528] : memref<4x10000xf32, #tpu.memory_space<vmem>>[vector<16xi32>, vector<16xi32>], vector<16xf32>,
      %parallel_loop3A_544 = arith.mulf %parallel_loop3A_543, %parallel_loop3A_540 : vector<16xf32>
      tpu.vector_store_idx %arg8[%broadcast_in_dim3A_289, %parallel_loop3A_534], %parallel_loop3A_544 {add = true} : memref<4x10000xf32, #tpu.memory_space<vmem>>[vector<16xi32>, vector<16xi32>], vector<16xf32>,
      %parallel_loop3A_545 = tpu.vector_load_idx %arg7[%broadcast_in_dim3A_291, %parallel_loop3A_528] : memref<4x10000xf32, #tpu.memory_space<vmem>>[vector<16xi32>, vector<16xi32>], vector<16xf32>,
      %parallel_loop3A_546 = arith.mulf %parallel_loop3A_545, %parallel_loop3A_540 : vector<16xf32>
      tpu.vector_store_idx %arg8[%broadcast_in_dim3A_291, %parallel_loop3A_534], %parallel_loop3A_546 {add = true} : memref<4x10000xf32, #tpu.memory_space<vmem>>[vector<16xi32>, vector<16xi32>], vector<16xf32>,
      %parallel_loop3A_547 = tpu.vector_load_idx %arg7[%broadcast_in_dim3A_293, %parallel_loop3A_528] : memref<4x10000xf32, #tpu.memory_space<vmem>>[vector<16xi32>, vector<16xi32>], vector<16xf32>,
      %parallel_loop3A_548 = arith.mulf %parallel_loop3A_547, %parallel_loop3A_540 : vector<16xf32>
      tpu.vector_store_idx %arg8[%broadcast_in_dim3A_293, %parallel_loop3A_534], %parallel_loop3A_548 {add = true} : memref<4x10000xf32, #tpu.memory_space<vmem>>[vector<16xi32>, vector<16xi32>], vector<16xf32>,
    } {sc.loop_unroll_factor = 4 : i64, sc.parallel_access}
    %add3A_297 = arith.constant 24000 : i32
    %add3A_298 = arith.addi %mul3A_32, %add3A_297 : i32
    %dma_start3A_299 = arith.constant 0 : i32
    %dma_start3A_300 = tpu.memref_slice %arg9[%dma_start3A_299] : memref<8000xi32, #tpu.memory_space<vmem>> -> memref<4000xi32, #tpu.memory_space<vmem>>
    %dma_start3A_301 = tpu.memref_slice %arg3[%add3A_298] : memref<320000xi32, #tpu.memory_space<hbm>> -> memref<4000xi32, #tpu.memory_space<hbm>>
    %dma_start3A_302 = arith.constant 0 : i32
    %dma_start3A_303 = tpu.memref_slice %arg9[%dma_start3A_302] : memref<8000xi32, #tpu.memory_space<vmem>> -> memref<4000xi32, #tpu.memory_space<vmem>>
    %dma_start3A_304 = tpu.memref_slice %arg3[%add3A_298] : memref<320000xi32, #tpu.memory_space<hbm>> -> memref<4000xi32, #tpu.memory_space<hbm>>
    tpu.enqueue_dma source(%dma_start3A_304 : memref<4000xi32, #tpu.memory_space<hbm>>) target(%dma_start3A_303 : memref<4000xi32, #tpu.memory_space<vmem>>) target_semaphore(%arg12 : memref<!tpu.dma_semaphore, #tpu.memory_space<semaphore_mem>>)
    %dma_start3A_305 = arith.constant 0 : i32
    %dma_start3A_306 = tpu.memref_slice %arg10[%dma_start3A_305] : memref<8000xi32, #tpu.memory_space<vmem>> -> memref<4000xi32, #tpu.memory_space<vmem>>
    %dma_start3A_307 = tpu.memref_slice %arg4[%add3A_298] : memref<320000xi32, #tpu.memory_space<hbm>> -> memref<4000xi32, #tpu.memory_space<hbm>>
    %dma_start3A_308 = arith.constant 0 : i32
    %dma_start3A_309 = tpu.memref_slice %arg10[%dma_start3A_308] : memref<8000xi32, #tpu.memory_space<vmem>> -> memref<4000xi32, #tpu.memory_space<vmem>>
    %dma_start3A_310 = tpu.memref_slice %arg4[%add3A_298] : memref<320000xi32, #tpu.memory_space<hbm>> -> memref<4000xi32, #tpu.memory_space<hbm>>
    tpu.enqueue_dma source(%dma_start3A_310 : memref<4000xi32, #tpu.memory_space<hbm>>) target(%dma_start3A_309 : memref<4000xi32, #tpu.memory_space<vmem>>) target_semaphore(%arg12 : memref<!tpu.dma_semaphore, #tpu.memory_space<semaphore_mem>>)
    %dma_start3A_311 = arith.constant 0 : i32
    %dma_start3A_312 = tpu.memref_slice %arg11[%dma_start3A_311] : memref<8000xf32, #tpu.memory_space<vmem>> -> memref<4000xf32, #tpu.memory_space<vmem>>
    %dma_start3A_313 = tpu.memref_slice %arg5[%add3A_298] : memref<320000xf32, #tpu.memory_space<hbm>> -> memref<4000xf32, #tpu.memory_space<hbm>>
    %dma_start3A_314 = arith.constant 0 : i32
    %dma_start3A_315 = tpu.memref_slice %arg11[%dma_start3A_314] : memref<8000xf32, #tpu.memory_space<vmem>> -> memref<4000xf32, #tpu.memory_space<vmem>>
    %dma_start3A_316 = tpu.memref_slice %arg5[%add3A_298] : memref<320000xf32, #tpu.memory_space<hbm>> -> memref<4000xf32, #tpu.memory_space<hbm>>
    tpu.enqueue_dma source(%dma_start3A_316 : memref<4000xf32, #tpu.memory_space<hbm>>) target(%dma_start3A_315 : memref<4000xf32, #tpu.memory_space<vmem>>) target_semaphore(%arg12 : memref<!tpu.dma_semaphore, #tpu.memory_space<semaphore_mem>>)
    %dma_wait3A_317 = arith.constant 4000 : i32
    %dma_wait3A_318 = tpu.memref_slice %arg9[%dma_wait3A_317] : memref<8000xi32, #tpu.memory_space<vmem>> -> memref<4000xi32, #tpu.memory_space<vmem>>
    %dma_wait3A_319 = tpu.memref_slice %arg3[%add3A_249] : memref<320000xi32, #tpu.memory_space<hbm>> -> memref<4000xi32, #tpu.memory_space<hbm>>
    %dma_wait3A_320 = arith.constant 4000 : i32
    %dma_wait3A_321 = tpu.memref_slice %arg9[%dma_wait3A_320] : memref<8000xi32, #tpu.memory_space<vmem>> -> memref<4000xi32, #tpu.memory_space<vmem>>
    %dma_wait3A_322 = tpu.memref_slice %arg3[%add3A_249] : memref<320000xi32, #tpu.memory_space<hbm>> -> memref<4000xi32, #tpu.memory_space<hbm>>
    tpu.wait_dma2 semaphore(%arg13 : memref<!tpu.dma_semaphore, #tpu.memory_space<semaphore_mem>>) src(%dma_wait3A_322 : memref<4000xi32, #tpu.memory_space<hbm>>) dst(%dma_wait3A_321 : memref<4000xi32, #tpu.memory_space<vmem>>)
    %dma_wait3A_323 = arith.constant 4000 : i32
    %dma_wait3A_324 = tpu.memref_slice %arg10[%dma_wait3A_323] : memref<8000xi32, #tpu.memory_space<vmem>> -> memref<4000xi32, #tpu.memory_space<vmem>>
    %dma_wait3A_325 = tpu.memref_slice %arg4[%add3A_249] : memref<320000xi32, #tpu.memory_space<hbm>> -> memref<4000xi32, #tpu.memory_space<hbm>>
    %dma_wait3A_326 = arith.constant 4000 : i32
    %dma_wait3A_327 = tpu.memref_slice %arg10[%dma_wait3A_326] : memref<8000xi32, #tpu.memory_space<vmem>> -> memref<4000xi32, #tpu.memory_space<vmem>>
    %dma_wait3A_328 = tpu.memref_slice %arg4[%add3A_249] : memref<320000xi32, #tpu.memory_space<hbm>> -> memref<4000xi32, #tpu.memory_space<hbm>>
    tpu.wait_dma2 semaphore(%arg13 : memref<!tpu.dma_semaphore, #tpu.memory_space<semaphore_mem>>) src(%dma_wait3A_328 : memref<4000xi32, #tpu.memory_space<hbm>>) dst(%dma_wait3A_327 : memref<4000xi32, #tpu.memory_space<vmem>>)
    %dma_wait3A_329 = arith.constant 4000 : i32
    %dma_wait3A_330 = tpu.memref_slice %arg11[%dma_wait3A_329] : memref<8000xf32, #tpu.memory_space<vmem>> -> memref<4000xf32, #tpu.memory_space<vmem>>
    %dma_wait3A_331 = tpu.memref_slice %arg5[%add3A_249] : memref<320000xf32, #tpu.memory_space<hbm>> -> memref<4000xf32, #tpu.memory_space<hbm>>
    %dma_wait3A_332 = arith.constant 4000 : i32
    %dma_wait3A_333 = tpu.memref_slice %arg11[%dma_wait3A_332] : memref<8000xf32, #tpu.memory_space<vmem>> -> memref<4000xf32, #tpu.memory_space<vmem>>
    %dma_wait3A_334 = tpu.memref_slice %arg5[%add3A_249] : memref<320000xf32, #tpu.memory_space<hbm>> -> memref<4000xf32, #tpu.memory_space<hbm>>
    tpu.wait_dma2 semaphore(%arg13 : memref<!tpu.dma_semaphore, #tpu.memory_space<semaphore_mem>>) src(%dma_wait3A_334 : memref<4000xf32, #tpu.memory_space<hbm>>) dst(%dma_wait3A_333 : memref<4000xf32, #tpu.memory_space<vmem>>)
    %broadcast_in_dim3A_335 = arith.constant 0 : i32
    %broadcast_in_dim3A_336 = vector.broadcast %broadcast_in_dim3A_335 : i32 to vector<16xi32>
    %broadcast_in_dim3A_337 = arith.constant 1 : i32
    %broadcast_in_dim3A_338 = vector.broadcast %broadcast_in_dim3A_337 : i32 to vector<16xi32>
    %broadcast_in_dim3A_339 = arith.constant 2 : i32
    %broadcast_in_dim3A_340 = vector.broadcast %broadcast_in_dim3A_339 : i32 to vector<16xi32>
    %broadcast_in_dim3A_341 = arith.constant 3 : i32
    %broadcast_in_dim3A_342 = vector.broadcast %broadcast_in_dim3A_341 : i32 to vector<16xi32>
    %parallel_loop3A_343 = arith.constant 0 : i32
    %parallel_loop3A_344 = arith.constant 250 : i32
    %parallel_loop3A_345 = arith.constant 1 : i32
    scf.for %parallel_loop3A_522 = %parallel_loop3A_343 to %parallel_loop3A_344 step %parallel_loop3A_345  : i32 {
      %parallel_loop3A_523 = arith.constant 16 : i32
      %parallel_loop3A_524 = arith.muli %parallel_loop3A_522, %parallel_loop3A_523 : i32
      %parallel_loop3A_525 = arith.constant 4000 : i32
      %parallel_loop3A_526 = tpu.memref_slice %arg9[%parallel_loop3A_525] : memref<8000xi32, #tpu.memory_space<vmem>> -> memref<4000xi32, #tpu.memory_space<vmem>>
      %parallel_loop3A_527 = arith.index_cast %parallel_loop3A_524 : i32 to index
      %parallel_loop3A_528 = tpu.vector_load %parallel_loop3A_526[%parallel_loop3A_527] {strides = array<i32>} : memref<4000xi32, #tpu.memory_space<vmem>>, vector<16xi32>,
      %parallel_loop3A_529 = arith.constant 16 : i32
      %parallel_loop3A_530 = arith.muli %parallel_loop3A_522, %parallel_loop3A_529 : i32
      %parallel_loop3A_531 = arith.constant 4000 : i32
      %parallel_loop3A_532 = tpu.memref_slice %arg10[%parallel_loop3A_531] : memref<8000xi32, #tpu.memory_space<vmem>> -> memref<4000xi32, #tpu.memory_space<vmem>>
      %parallel_loop3A_533 = arith.index_cast %parallel_loop3A_530 : i32 to index
      %parallel_loop3A_534 = tpu.vector_load %parallel_loop3A_532[%parallel_loop3A_533] {strides = array<i32>} : memref<4000xi32, #tpu.memory_space<vmem>>, vector<16xi32>,
      %parallel_loop3A_535 = arith.constant 16 : i32
      %parallel_loop3A_536 = arith.muli %parallel_loop3A_522, %parallel_loop3A_535 : i32
      %parallel_loop3A_537 = arith.constant 4000 : i32
      %parallel_loop3A_538 = tpu.memref_slice %arg11[%parallel_loop3A_537] : memref<8000xf32, #tpu.memory_space<vmem>> -> memref<4000xf32, #tpu.memory_space<vmem>>
      %parallel_loop3A_539 = arith.index_cast %parallel_loop3A_536 : i32 to index
      %parallel_loop3A_540 = tpu.vector_load %parallel_loop3A_538[%parallel_loop3A_539] {strides = array<i32>} : memref<4000xf32, #tpu.memory_space<vmem>>, vector<16xf32>,
      %parallel_loop3A_541 = tpu.vector_load_idx %arg7[%broadcast_in_dim3A_336, %parallel_loop3A_528] : memref<4x10000xf32, #tpu.memory_space<vmem>>[vector<16xi32>, vector<16xi32>], vector<16xf32>,
      %parallel_loop3A_542 = arith.mulf %parallel_loop3A_541, %parallel_loop3A_540 : vector<16xf32>
      tpu.vector_store_idx %arg8[%broadcast_in_dim3A_336, %parallel_loop3A_534], %parallel_loop3A_542 {add = true} : memref<4x10000xf32, #tpu.memory_space<vmem>>[vector<16xi32>, vector<16xi32>], vector<16xf32>,
      %parallel_loop3A_543 = tpu.vector_load_idx %arg7[%broadcast_in_dim3A_338, %parallel_loop3A_528] : memref<4x10000xf32, #tpu.memory_space<vmem>>[vector<16xi32>, vector<16xi32>], vector<16xf32>,
      %parallel_loop3A_544 = arith.mulf %parallel_loop3A_543, %parallel_loop3A_540 : vector<16xf32>
      tpu.vector_store_idx %arg8[%broadcast_in_dim3A_338, %parallel_loop3A_534], %parallel_loop3A_544 {add = true} : memref<4x10000xf32, #tpu.memory_space<vmem>>[vector<16xi32>, vector<16xi32>], vector<16xf32>,
      %parallel_loop3A_545 = tpu.vector_load_idx %arg7[%broadcast_in_dim3A_340, %parallel_loop3A_528] : memref<4x10000xf32, #tpu.memory_space<vmem>>[vector<16xi32>, vector<16xi32>], vector<16xf32>,
      %parallel_loop3A_546 = arith.mulf %parallel_loop3A_545, %parallel_loop3A_540 : vector<16xf32>
      tpu.vector_store_idx %arg8[%broadcast_in_dim3A_340, %parallel_loop3A_534], %parallel_loop3A_546 {add = true} : memref<4x10000xf32, #tpu.memory_space<vmem>>[vector<16xi32>, vector<16xi32>], vector<16xf32>,
      %parallel_loop3A_547 = tpu.vector_load_idx %arg7[%broadcast_in_dim3A_342, %parallel_loop3A_528] : memref<4x10000xf32, #tpu.memory_space<vmem>>[vector<16xi32>, vector<16xi32>], vector<16xf32>,
      %parallel_loop3A_548 = arith.mulf %parallel_loop3A_547, %parallel_loop3A_540 : vector<16xf32>
      tpu.vector_store_idx %arg8[%broadcast_in_dim3A_342, %parallel_loop3A_534], %parallel_loop3A_548 {add = true} : memref<4x10000xf32, #tpu.memory_space<vmem>>[vector<16xi32>, vector<16xi32>], vector<16xf32>,
    } {sc.loop_unroll_factor = 4 : i64, sc.parallel_access}
    %add3A_346 = arith.constant 28000 : i32
    %add3A_347 = arith.addi %mul3A_32, %add3A_346 : i32
    %dma_start3A_348 = arith.constant 4000 : i32
    %dma_start3A_349 = tpu.memref_slice %arg9[%dma_start3A_348] : memref<8000xi32, #tpu.memory_space<vmem>> -> memref<4000xi32, #tpu.memory_space<vmem>>
    %dma_start3A_350 = tpu.memref_slice %arg3[%add3A_347] : memref<320000xi32, #tpu.memory_space<hbm>> -> memref<4000xi32, #tpu.memory_space<hbm>>
    %dma_start3A_351 = arith.constant 4000 : i32
    %dma_start3A_352 = tpu.memref_slice %arg9[%dma_start3A_351] : memref<8000xi32, #tpu.memory_space<vmem>> -> memref<4000xi32, #tpu.memory_space<vmem>>
    %dma_start3A_353 = tpu.memref_slice %arg3[%add3A_347] : memref<320000xi32, #tpu.memory_space<hbm>> -> memref<4000xi32, #tpu.memory_space<hbm>>
    tpu.enqueue_dma source(%dma_start3A_353 : memref<4000xi32, #tpu.memory_space<hbm>>) target(%dma_start3A_352 : memref<4000xi32, #tpu.memory_space<vmem>>) target_semaphore(%arg13 : memref<!tpu.dma_semaphore, #tpu.memory_space<semaphore_mem>>)
    %dma_start3A_354 = arith.constant 4000 : i32
    %dma_start3A_355 = tpu.memref_slice %arg10[%dma_start3A_354] : memref<8000xi32, #tpu.memory_space<vmem>> -> memref<4000xi32, #tpu.memory_space<vmem>>
    %dma_start3A_356 = tpu.memref_slice %arg4[%add3A_347] : memref<320000xi32, #tpu.memory_space<hbm>> -> memref<4000xi32, #tpu.memory_space<hbm>>
    %dma_start3A_357 = arith.constant 4000 : i32
    %dma_start3A_358 = tpu.memref_slice %arg10[%dma_start3A_357] : memref<8000xi32, #tpu.memory_space<vmem>> -> memref<4000xi32, #tpu.memory_space<vmem>>
    %dma_start3A_359 = tpu.memref_slice %arg4[%add3A_347] : memref<320000xi32, #tpu.memory_space<hbm>> -> memref<4000xi32, #tpu.memory_space<hbm>>
    tpu.enqueue_dma source(%dma_start3A_359 : memref<4000xi32, #tpu.memory_space<hbm>>) target(%dma_start3A_358 : memref<4000xi32, #tpu.memory_space<vmem>>) target_semaphore(%arg13 : memref<!tpu.dma_semaphore, #tpu.memory_space<semaphore_mem>>)
    %dma_start3A_360 = arith.constant 4000 : i32
    %dma_start3A_361 = tpu.memref_slice %arg11[%dma_start3A_360] : memref<8000xf32, #tpu.memory_space<vmem>> -> memref<4000xf32, #tpu.memory_space<vmem>>
    %dma_start3A_362 = tpu.memref_slice %arg5[%add3A_347] : memref<320000xf32, #tpu.memory_space<hbm>> -> memref<4000xf32, #tpu.memory_space<hbm>>
    %dma_start3A_363 = arith.constant 4000 : i32
    %dma_start3A_364 = tpu.memref_slice %arg11[%dma_start3A_363] : memref<8000xf32, #tpu.memory_space<vmem>> -> memref<4000xf32, #tpu.memory_space<vmem>>
    %dma_start3A_365 = tpu.memref_slice %arg5[%add3A_347] : memref<320000xf32, #tpu.memory_space<hbm>> -> memref<4000xf32, #tpu.memory_space<hbm>>
    tpu.enqueue_dma source(%dma_start3A_365 : memref<4000xf32, #tpu.memory_space<hbm>>) target(%dma_start3A_364 : memref<4000xf32, #tpu.memory_space<vmem>>) target_semaphore(%arg13 : memref<!tpu.dma_semaphore, #tpu.memory_space<semaphore_mem>>)
    %dma_wait3A_366 = arith.constant 0 : i32
    %dma_wait3A_367 = tpu.memref_slice %arg9[%dma_wait3A_366] : memref<8000xi32, #tpu.memory_space<vmem>> -> memref<4000xi32, #tpu.memory_space<vmem>>
    %dma_wait3A_368 = tpu.memref_slice %arg3[%add3A_298] : memref<320000xi32, #tpu.memory_space<hbm>> -> memref<4000xi32, #tpu.memory_space<hbm>>
    %dma_wait3A_369 = arith.constant 0 : i32
    %dma_wait3A_370 = tpu.memref_slice %arg9[%dma_wait3A_369] : memref<8000xi32, #tpu.memory_space<vmem>> -> memref<4000xi32, #tpu.memory_space<vmem>>
    %dma_wait3A_371 = tpu.memref_slice %arg3[%add3A_298] : memref<320000xi32, #tpu.memory_space<hbm>> -> memref<4000xi32, #tpu.memory_space<hbm>>
    tpu.wait_dma2 semaphore(%arg12 : memref<!tpu.dma_semaphore, #tpu.memory_space<semaphore_mem>>) src(%dma_wait3A_371 : memref<4000xi32, #tpu.memory_space<hbm>>) dst(%dma_wait3A_370 : memref<4000xi32, #tpu.memory_space<vmem>>)
    %dma_wait3A_372 = arith.constant 0 : i32
    %dma_wait3A_373 = tpu.memref_slice %arg10[%dma_wait3A_372] : memref<8000xi32, #tpu.memory_space<vmem>> -> memref<4000xi32, #tpu.memory_space<vmem>>
    %dma_wait3A_374 = tpu.memref_slice %arg4[%add3A_298] : memref<320000xi32, #tpu.memory_space<hbm>> -> memref<4000xi32, #tpu.memory_space<hbm>>
    %dma_wait3A_375 = arith.constant 0 : i32
    %dma_wait3A_376 = tpu.memref_slice %arg10[%dma_wait3A_375] : memref<8000xi32, #tpu.memory_space<vmem>> -> memref<4000xi32, #tpu.memory_space<vmem>>
    %dma_wait3A_377 = tpu.memref_slice %arg4[%add3A_298] : memref<320000xi32, #tpu.memory_space<hbm>> -> memref<4000xi32, #tpu.memory_space<hbm>>
    tpu.wait_dma2 semaphore(%arg12 : memref<!tpu.dma_semaphore, #tpu.memory_space<semaphore_mem>>) src(%dma_wait3A_377 : memref<4000xi32, #tpu.memory_space<hbm>>) dst(%dma_wait3A_376 : memref<4000xi32, #tpu.memory_space<vmem>>)
    %dma_wait3A_378 = arith.constant 0 : i32
    %dma_wait3A_379 = tpu.memref_slice %arg11[%dma_wait3A_378] : memref<8000xf32, #tpu.memory_space<vmem>> -> memref<4000xf32, #tpu.memory_space<vmem>>
    %dma_wait3A_380 = tpu.memref_slice %arg5[%add3A_298] : memref<320000xf32, #tpu.memory_space<hbm>> -> memref<4000xf32, #tpu.memory_space<hbm>>
    %dma_wait3A_381 = arith.constant 0 : i32
    %dma_wait3A_382 = tpu.memref_slice %arg11[%dma_wait3A_381] : memref<8000xf32, #tpu.memory_space<vmem>> -> memref<4000xf32, #tpu.memory_space<vmem>>
    %dma_wait3A_383 = tpu.memref_slice %arg5[%add3A_298] : memref<320000xf32, #tpu.memory_space<hbm>> -> memref<4000xf32, #tpu.memory_space<hbm>>
    tpu.wait_dma2 semaphore(%arg12 : memref<!tpu.dma_semaphore, #tpu.memory_space<semaphore_mem>>) src(%dma_wait3A_383 : memref<4000xf32, #tpu.memory_space<hbm>>) dst(%dma_wait3A_382 : memref<4000xf32, #tpu.memory_space<vmem>>)
    %broadcast_in_dim3A_384 = arith.constant 0 : i32
    %broadcast_in_dim3A_385 = vector.broadcast %broadcast_in_dim3A_384 : i32 to vector<16xi32>
    %broadcast_in_dim3A_386 = arith.constant 1 : i32
    %broadcast_in_dim3A_387 = vector.broadcast %broadcast_in_dim3A_386 : i32 to vector<16xi32>
    %broadcast_in_dim3A_388 = arith.constant 2 : i32
    %broadcast_in_dim3A_389 = vector.broadcast %broadcast_in_dim3A_388 : i32 to vector<16xi32>
    %broadcast_in_dim3A_390 = arith.constant 3 : i32
    %broadcast_in_dim3A_391 = vector.broadcast %broadcast_in_dim3A_390 : i32 to vector<16xi32>
    %parallel_loop3A_392 = arith.constant 0 : i32
    %parallel_loop3A_393 = arith.constant 250 : i32
    %parallel_loop3A_394 = arith.constant 1 : i32
    scf.for %parallel_loop3A_522 = %parallel_loop3A_392 to %parallel_loop3A_393 step %parallel_loop3A_394  : i32 {
      %parallel_loop3A_523 = arith.constant 16 : i32
      %parallel_loop3A_524 = arith.muli %parallel_loop3A_522, %parallel_loop3A_523 : i32
      %parallel_loop3A_525 = arith.constant 0 : i32
      %parallel_loop3A_526 = tpu.memref_slice %arg9[%parallel_loop3A_525] : memref<8000xi32, #tpu.memory_space<vmem>> -> memref<4000xi32, #tpu.memory_space<vmem>>
      %parallel_loop3A_527 = arith.index_cast %parallel_loop3A_524 : i32 to index
      %parallel_loop3A_528 = tpu.vector_load %parallel_loop3A_526[%parallel_loop3A_527] {strides = array<i32>} : memref<4000xi32, #tpu.memory_space<vmem>>, vector<16xi32>,
      %parallel_loop3A_529 = arith.constant 16 : i32
      %parallel_loop3A_530 = arith.muli %parallel_loop3A_522, %parallel_loop3A_529 : i32
      %parallel_loop3A_531 = arith.constant 0 : i32
      %parallel_loop3A_532 = tpu.memref_slice %arg10[%parallel_loop3A_531] : memref<8000xi32, #tpu.memory_space<vmem>> -> memref<4000xi32, #tpu.memory_space<vmem>>
      %parallel_loop3A_533 = arith.index_cast %parallel_loop3A_530 : i32 to index
      %parallel_loop3A_534 = tpu.vector_load %parallel_loop3A_532[%parallel_loop3A_533] {strides = array<i32>} : memref<4000xi32, #tpu.memory_space<vmem>>, vector<16xi32>,
      %parallel_loop3A_535 = arith.constant 16 : i32
      %parallel_loop3A_536 = arith.muli %parallel_loop3A_522, %parallel_loop3A_535 : i32
      %parallel_loop3A_537 = arith.constant 0 : i32
      %parallel_loop3A_538 = tpu.memref_slice %arg11[%parallel_loop3A_537] : memref<8000xf32, #tpu.memory_space<vmem>> -> memref<4000xf32, #tpu.memory_space<vmem>>
      %parallel_loop3A_539 = arith.index_cast %parallel_loop3A_536 : i32 to index
      %parallel_loop3A_540 = tpu.vector_load %parallel_loop3A_538[%parallel_loop3A_539] {strides = array<i32>} : memref<4000xf32, #tpu.memory_space<vmem>>, vector<16xf32>,
      %parallel_loop3A_541 = tpu.vector_load_idx %arg7[%broadcast_in_dim3A_385, %parallel_loop3A_528] : memref<4x10000xf32, #tpu.memory_space<vmem>>[vector<16xi32>, vector<16xi32>], vector<16xf32>,
      %parallel_loop3A_542 = arith.mulf %parallel_loop3A_541, %parallel_loop3A_540 : vector<16xf32>
      tpu.vector_store_idx %arg8[%broadcast_in_dim3A_385, %parallel_loop3A_534], %parallel_loop3A_542 {add = true} : memref<4x10000xf32, #tpu.memory_space<vmem>>[vector<16xi32>, vector<16xi32>], vector<16xf32>,
      %parallel_loop3A_543 = tpu.vector_load_idx %arg7[%broadcast_in_dim3A_387, %parallel_loop3A_528] : memref<4x10000xf32, #tpu.memory_space<vmem>>[vector<16xi32>, vector<16xi32>], vector<16xf32>,
      %parallel_loop3A_544 = arith.mulf %parallel_loop3A_543, %parallel_loop3A_540 : vector<16xf32>
      tpu.vector_store_idx %arg8[%broadcast_in_dim3A_387, %parallel_loop3A_534], %parallel_loop3A_544 {add = true} : memref<4x10000xf32, #tpu.memory_space<vmem>>[vector<16xi32>, vector<16xi32>], vector<16xf32>,
      %parallel_loop3A_545 = tpu.vector_load_idx %arg7[%broadcast_in_dim3A_389, %parallel_loop3A_528] : memref<4x10000xf32, #tpu.memory_space<vmem>>[vector<16xi32>, vector<16xi32>], vector<16xf32>,
      %parallel_loop3A_546 = arith.mulf %parallel_loop3A_545, %parallel_loop3A_540 : vector<16xf32>
      tpu.vector_store_idx %arg8[%broadcast_in_dim3A_389, %parallel_loop3A_534], %parallel_loop3A_546 {add = true} : memref<4x10000xf32, #tpu.memory_space<vmem>>[vector<16xi32>, vector<16xi32>], vector<16xf32>,
      %parallel_loop3A_547 = tpu.vector_load_idx %arg7[%broadcast_in_dim3A_391, %parallel_loop3A_528] : memref<4x10000xf32, #tpu.memory_space<vmem>>[vector<16xi32>, vector<16xi32>], vector<16xf32>,
      %parallel_loop3A_548 = arith.mulf %parallel_loop3A_547, %parallel_loop3A_540 : vector<16xf32>
      tpu.vector_store_idx %arg8[%broadcast_in_dim3A_391, %parallel_loop3A_534], %parallel_loop3A_548 {add = true} : memref<4x10000xf32, #tpu.memory_space<vmem>>[vector<16xi32>, vector<16xi32>], vector<16xf32>,
    } {sc.loop_unroll_factor = 4 : i64, sc.parallel_access}
    %add3A_395 = arith.constant 32000 : i32
    %add3A_396 = arith.addi %mul3A_32, %add3A_395 : i32
    %dma_start3A_397 = arith.constant 0 : i32
    %dma_start3A_398 = tpu.memref_slice %arg9[%dma_start3A_397] : memref<8000xi32, #tpu.memory_space<vmem>> -> memref<4000xi32, #tpu.memory_space<vmem>>
    %dma_start3A_399 = tpu.memref_slice %arg3[%add3A_396] : memref<320000xi32, #tpu.memory_space<hbm>> -> memref<4000xi32, #tpu.memory_space<hbm>>
    %dma_start3A_400 = arith.constant 0 : i32
    %dma_start3A_401 = tpu.memref_slice %arg9[%dma_start3A_400] : memref<8000xi32, #tpu.memory_space<vmem>> -> memref<4000xi32, #tpu.memory_space<vmem>>
    %dma_start3A_402 = tpu.memref_slice %arg3[%add3A_396] : memref<320000xi32, #tpu.memory_space<hbm>> -> memref<4000xi32, #tpu.memory_space<hbm>>
    tpu.enqueue_dma source(%dma_start3A_402 : memref<4000xi32, #tpu.memory_space<hbm>>) target(%dma_start3A_401 : memref<4000xi32, #tpu.memory_space<vmem>>) target_semaphore(%arg12 : memref<!tpu.dma_semaphore, #tpu.memory_space<semaphore_mem>>)
    %dma_start3A_403 = arith.constant 0 : i32
    %dma_start3A_404 = tpu.memref_slice %arg10[%dma_start3A_403] : memref<8000xi32, #tpu.memory_space<vmem>> -> memref<4000xi32, #tpu.memory_space<vmem>>
    %dma_start3A_405 = tpu.memref_slice %arg4[%add3A_396] : memref<320000xi32, #tpu.memory_space<hbm>> -> memref<4000xi32, #tpu.memory_space<hbm>>
    %dma_start3A_406 = arith.constant 0 : i32
    %dma_start3A_407 = tpu.memref_slice %arg10[%dma_start3A_406] : memref<8000xi32, #tpu.memory_space<vmem>> -> memref<4000xi32, #tpu.memory_space<vmem>>
    %dma_start3A_408 = tpu.memref_slice %arg4[%add3A_396] : memref<320000xi32, #tpu.memory_space<hbm>> -> memref<4000xi32, #tpu.memory_space<hbm>>
    tpu.enqueue_dma source(%dma_start3A_408 : memref<4000xi32, #tpu.memory_space<hbm>>) target(%dma_start3A_407 : memref<4000xi32, #tpu.memory_space<vmem>>) target_semaphore(%arg12 : memref<!tpu.dma_semaphore, #tpu.memory_space<semaphore_mem>>)
    %dma_start3A_409 = arith.constant 0 : i32
    %dma_start3A_410 = tpu.memref_slice %arg11[%dma_start3A_409] : memref<8000xf32, #tpu.memory_space<vmem>> -> memref<4000xf32, #tpu.memory_space<vmem>>
    %dma_start3A_411 = tpu.memref_slice %arg5[%add3A_396] : memref<320000xf32, #tpu.memory_space<hbm>> -> memref<4000xf32, #tpu.memory_space<hbm>>
    %dma_start3A_412 = arith.constant 0 : i32
    %dma_start3A_413 = tpu.memref_slice %arg11[%dma_start3A_412] : memref<8000xf32, #tpu.memory_space<vmem>> -> memref<4000xf32, #tpu.memory_space<vmem>>
    %dma_start3A_414 = tpu.memref_slice %arg5[%add3A_396] : memref<320000xf32, #tpu.memory_space<hbm>> -> memref<4000xf32, #tpu.memory_space<hbm>>
    tpu.enqueue_dma source(%dma_start3A_414 : memref<4000xf32, #tpu.memory_space<hbm>>) target(%dma_start3A_413 : memref<4000xf32, #tpu.memory_space<vmem>>) target_semaphore(%arg12 : memref<!tpu.dma_semaphore, #tpu.memory_space<semaphore_mem>>)
    %dma_wait3A_415 = arith.constant 4000 : i32
    %dma_wait3A_416 = tpu.memref_slice %arg9[%dma_wait3A_415] : memref<8000xi32, #tpu.memory_space<vmem>> -> memref<4000xi32, #tpu.memory_space<vmem>>
    %dma_wait3A_417 = tpu.memref_slice %arg3[%add3A_347] : memref<320000xi32, #tpu.memory_space<hbm>> -> memref<4000xi32, #tpu.memory_space<hbm>>
    %dma_wait3A_418 = arith.constant 4000 : i32
    %dma_wait3A_419 = tpu.memref_slice %arg9[%dma_wait3A_418] : memref<8000xi32, #tpu.memory_space<vmem>> -> memref<4000xi32, #tpu.memory_space<vmem>>
    %dma_wait3A_420 = tpu.memref_slice %arg3[%add3A_347] : memref<320000xi32, #tpu.memory_space<hbm>> -> memref<4000xi32, #tpu.memory_space<hbm>>
    tpu.wait_dma2 semaphore(%arg13 : memref<!tpu.dma_semaphore, #tpu.memory_space<semaphore_mem>>) src(%dma_wait3A_420 : memref<4000xi32, #tpu.memory_space<hbm>>) dst(%dma_wait3A_419 : memref<4000xi32, #tpu.memory_space<vmem>>)
    %dma_wait3A_421 = arith.constant 4000 : i32
    %dma_wait3A_422 = tpu.memref_slice %arg10[%dma_wait3A_421] : memref<8000xi32, #tpu.memory_space<vmem>> -> memref<4000xi32, #tpu.memory_space<vmem>>
    %dma_wait3A_423 = tpu.memref_slice %arg4[%add3A_347] : memref<320000xi32, #tpu.memory_space<hbm>> -> memref<4000xi32, #tpu.memory_space<hbm>>
    %dma_wait3A_424 = arith.constant 4000 : i32
    %dma_wait3A_425 = tpu.memref_slice %arg10[%dma_wait3A_424] : memref<8000xi32, #tpu.memory_space<vmem>> -> memref<4000xi32, #tpu.memory_space<vmem>>
    %dma_wait3A_426 = tpu.memref_slice %arg4[%add3A_347] : memref<320000xi32, #tpu.memory_space<hbm>> -> memref<4000xi32, #tpu.memory_space<hbm>>
    tpu.wait_dma2 semaphore(%arg13 : memref<!tpu.dma_semaphore, #tpu.memory_space<semaphore_mem>>) src(%dma_wait3A_426 : memref<4000xi32, #tpu.memory_space<hbm>>) dst(%dma_wait3A_425 : memref<4000xi32, #tpu.memory_space<vmem>>)
    %dma_wait3A_427 = arith.constant 4000 : i32
    %dma_wait3A_428 = tpu.memref_slice %arg11[%dma_wait3A_427] : memref<8000xf32, #tpu.memory_space<vmem>> -> memref<4000xf32, #tpu.memory_space<vmem>>
    %dma_wait3A_429 = tpu.memref_slice %arg5[%add3A_347] : memref<320000xf32, #tpu.memory_space<hbm>> -> memref<4000xf32, #tpu.memory_space<hbm>>
    %dma_wait3A_430 = arith.constant 4000 : i32
    %dma_wait3A_431 = tpu.memref_slice %arg11[%dma_wait3A_430] : memref<8000xf32, #tpu.memory_space<vmem>> -> memref<4000xf32, #tpu.memory_space<vmem>>
    %dma_wait3A_432 = tpu.memref_slice %arg5[%add3A_347] : memref<320000xf32, #tpu.memory_space<hbm>> -> memref<4000xf32, #tpu.memory_space<hbm>>
    tpu.wait_dma2 semaphore(%arg13 : memref<!tpu.dma_semaphore, #tpu.memory_space<semaphore_mem>>) src(%dma_wait3A_432 : memref<4000xf32, #tpu.memory_space<hbm>>) dst(%dma_wait3A_431 : memref<4000xf32, #tpu.memory_space<vmem>>)
    %broadcast_in_dim3A_433 = arith.constant 0 : i32
    %broadcast_in_dim3A_434 = vector.broadcast %broadcast_in_dim3A_433 : i32 to vector<16xi32>
    %broadcast_in_dim3A_435 = arith.constant 1 : i32
    %broadcast_in_dim3A_436 = vector.broadcast %broadcast_in_dim3A_435 : i32 to vector<16xi32>
    %broadcast_in_dim3A_437 = arith.constant 2 : i32
    %broadcast_in_dim3A_438 = vector.broadcast %broadcast_in_dim3A_437 : i32 to vector<16xi32>
    %broadcast_in_dim3A_439 = arith.constant 3 : i32
    %broadcast_in_dim3A_440 = vector.broadcast %broadcast_in_dim3A_439 : i32 to vector<16xi32>
    %parallel_loop3A_441 = arith.constant 0 : i32
    %parallel_loop3A_442 = arith.constant 250 : i32
    %parallel_loop3A_443 = arith.constant 1 : i32
    scf.for %parallel_loop3A_522 = %parallel_loop3A_441 to %parallel_loop3A_442 step %parallel_loop3A_443  : i32 {
      %parallel_loop3A_523 = arith.constant 16 : i32
      %parallel_loop3A_524 = arith.muli %parallel_loop3A_522, %parallel_loop3A_523 : i32
      %parallel_loop3A_525 = arith.constant 4000 : i32
      %parallel_loop3A_526 = tpu.memref_slice %arg9[%parallel_loop3A_525] : memref<8000xi32, #tpu.memory_space<vmem>> -> memref<4000xi32, #tpu.memory_space<vmem>>
      %parallel_loop3A_527 = arith.index_cast %parallel_loop3A_524 : i32 to index
      %parallel_loop3A_528 = tpu.vector_load %parallel_loop3A_526[%parallel_loop3A_527] {strides = array<i32>} : memref<4000xi32, #tpu.memory_space<vmem>>, vector<16xi32>,
      %parallel_loop3A_529 = arith.constant 16 : i32
      %parallel_loop3A_530 = arith.muli %parallel_loop3A_522, %parallel_loop3A_529 : i32
      %parallel_loop3A_531 = arith.constant 4000 : i32
      %parallel_loop3A_532 = tpu.memref_slice %arg10[%parallel_loop3A_531] : memref<8000xi32, #tpu.memory_space<vmem>> -> memref<4000xi32, #tpu.memory_space<vmem>>
      %parallel_loop3A_533 = arith.index_cast %parallel_loop3A_530 : i32 to index
      %parallel_loop3A_534 = tpu.vector_load %parallel_loop3A_532[%parallel_loop3A_533] {strides = array<i32>} : memref<4000xi32, #tpu.memory_space<vmem>>, vector<16xi32>,
      %parallel_loop3A_535 = arith.constant 16 : i32
      %parallel_loop3A_536 = arith.muli %parallel_loop3A_522, %parallel_loop3A_535 : i32
      %parallel_loop3A_537 = arith.constant 4000 : i32
      %parallel_loop3A_538 = tpu.memref_slice %arg11[%parallel_loop3A_537] : memref<8000xf32, #tpu.memory_space<vmem>> -> memref<4000xf32, #tpu.memory_space<vmem>>
      %parallel_loop3A_539 = arith.index_cast %parallel_loop3A_536 : i32 to index
      %parallel_loop3A_540 = tpu.vector_load %parallel_loop3A_538[%parallel_loop3A_539] {strides = array<i32>} : memref<4000xf32, #tpu.memory_space<vmem>>, vector<16xf32>,
      %parallel_loop3A_541 = tpu.vector_load_idx %arg7[%broadcast_in_dim3A_434, %parallel_loop3A_528] : memref<4x10000xf32, #tpu.memory_space<vmem>>[vector<16xi32>, vector<16xi32>], vector<16xf32>,
      %parallel_loop3A_542 = arith.mulf %parallel_loop3A_541, %parallel_loop3A_540 : vector<16xf32>
      tpu.vector_store_idx %arg8[%broadcast_in_dim3A_434, %parallel_loop3A_534], %parallel_loop3A_542 {add = true} : memref<4x10000xf32, #tpu.memory_space<vmem>>[vector<16xi32>, vector<16xi32>], vector<16xf32>,
      %parallel_loop3A_543 = tpu.vector_load_idx %arg7[%broadcast_in_dim3A_436, %parallel_loop3A_528] : memref<4x10000xf32, #tpu.memory_space<vmem>>[vector<16xi32>, vector<16xi32>], vector<16xf32>,
      %parallel_loop3A_544 = arith.mulf %parallel_loop3A_543, %parallel_loop3A_540 : vector<16xf32>
      tpu.vector_store_idx %arg8[%broadcast_in_dim3A_436, %parallel_loop3A_534], %parallel_loop3A_544 {add = true} : memref<4x10000xf32, #tpu.memory_space<vmem>>[vector<16xi32>, vector<16xi32>], vector<16xf32>,
      %parallel_loop3A_545 = tpu.vector_load_idx %arg7[%broadcast_in_dim3A_438, %parallel_loop3A_528] : memref<4x10000xf32, #tpu.memory_space<vmem>>[vector<16xi32>, vector<16xi32>], vector<16xf32>,
      %parallel_loop3A_546 = arith.mulf %parallel_loop3A_545, %parallel_loop3A_540 : vector<16xf32>
      tpu.vector_store_idx %arg8[%broadcast_in_dim3A_438, %parallel_loop3A_534], %parallel_loop3A_546 {add = true} : memref<4x10000xf32, #tpu.memory_space<vmem>>[vector<16xi32>, vector<16xi32>], vector<16xf32>,
      %parallel_loop3A_547 = tpu.vector_load_idx %arg7[%broadcast_in_dim3A_440, %parallel_loop3A_528] : memref<4x10000xf32, #tpu.memory_space<vmem>>[vector<16xi32>, vector<16xi32>], vector<16xf32>,
      %parallel_loop3A_548 = arith.mulf %parallel_loop3A_547, %parallel_loop3A_540 : vector<16xf32>
      tpu.vector_store_idx %arg8[%broadcast_in_dim3A_440, %parallel_loop3A_534], %parallel_loop3A_548 {add = true} : memref<4x10000xf32, #tpu.memory_space<vmem>>[vector<16xi32>, vector<16xi32>], vector<16xf32>,
    } {sc.loop_unroll_factor = 4 : i64, sc.parallel_access}
    %add3A_444 = arith.constant 36000 : i32
    %add3A_445 = arith.addi %mul3A_32, %add3A_444 : i32
    %dma_start3A_446 = arith.constant 4000 : i32
    %dma_start3A_447 = tpu.memref_slice %arg9[%dma_start3A_446] : memref<8000xi32, #tpu.memory_space<vmem>> -> memref<4000xi32, #tpu.memory_space<vmem>>
    %dma_start3A_448 = tpu.memref_slice %arg3[%add3A_445] : memref<320000xi32, #tpu.memory_space<hbm>> -> memref<4000xi32, #tpu.memory_space<hbm>>
    %dma_start3A_449 = arith.constant 4000 : i32
    %dma_start3A_450 = tpu.memref_slice %arg9[%dma_start3A_449] : memref<8000xi32, #tpu.memory_space<vmem>> -> memref<4000xi32, #tpu.memory_space<vmem>>
    %dma_start3A_451 = tpu.memref_slice %arg3[%add3A_445] : memref<320000xi32, #tpu.memory_space<hbm>> -> memref<4000xi32, #tpu.memory_space<hbm>>
    tpu.enqueue_dma source(%dma_start3A_451 : memref<4000xi32, #tpu.memory_space<hbm>>) target(%dma_start3A_450 : memref<4000xi32, #tpu.memory_space<vmem>>) target_semaphore(%arg13 : memref<!tpu.dma_semaphore, #tpu.memory_space<semaphore_mem>>)
    %dma_start3A_452 = arith.constant 4000 : i32
    %dma_start3A_453 = tpu.memref_slice %arg10[%dma_start3A_452] : memref<8000xi32, #tpu.memory_space<vmem>> -> memref<4000xi32, #tpu.memory_space<vmem>>
    %dma_start3A_454 = tpu.memref_slice %arg4[%add3A_445] : memref<320000xi32, #tpu.memory_space<hbm>> -> memref<4000xi32, #tpu.memory_space<hbm>>
    %dma_start3A_455 = arith.constant 4000 : i32
    %dma_start3A_456 = tpu.memref_slice %arg10[%dma_start3A_455] : memref<8000xi32, #tpu.memory_space<vmem>> -> memref<4000xi32, #tpu.memory_space<vmem>>
    %dma_start3A_457 = tpu.memref_slice %arg4[%add3A_445] : memref<320000xi32, #tpu.memory_space<hbm>> -> memref<4000xi32, #tpu.memory_space<hbm>>
    tpu.enqueue_dma source(%dma_start3A_457 : memref<4000xi32, #tpu.memory_space<hbm>>) target(%dma_start3A_456 : memref<4000xi32, #tpu.memory_space<vmem>>) target_semaphore(%arg13 : memref<!tpu.dma_semaphore, #tpu.memory_space<semaphore_mem>>)
    %dma_start3A_458 = arith.constant 4000 : i32
    %dma_start3A_459 = tpu.memref_slice %arg11[%dma_start3A_458] : memref<8000xf32, #tpu.memory_space<vmem>> -> memref<4000xf32, #tpu.memory_space<vmem>>
    %dma_start3A_460 = tpu.memref_slice %arg5[%add3A_445] : memref<320000xf32, #tpu.memory_space<hbm>> -> memref<4000xf32, #tpu.memory_space<hbm>>
    %dma_start3A_461 = arith.constant 4000 : i32
    %dma_start3A_462 = tpu.memref_slice %arg11[%dma_start3A_461] : memref<8000xf32, #tpu.memory_space<vmem>> -> memref<4000xf32, #tpu.memory_space<vmem>>
    %dma_start3A_463 = tpu.memref_slice %arg5[%add3A_445] : memref<320000xf32, #tpu.memory_space<hbm>> -> memref<4000xf32, #tpu.memory_space<hbm>>
    tpu.enqueue_dma source(%dma_start3A_463 : memref<4000xf32, #tpu.memory_space<hbm>>) target(%dma_start3A_462 : memref<4000xf32, #tpu.memory_space<vmem>>) target_semaphore(%arg13 : memref<!tpu.dma_semaphore, #tpu.memory_space<semaphore_mem>>)
    %dma_wait3A_464 = arith.constant 0 : i32
    %dma_wait3A_465 = tpu.memref_slice %arg9[%dma_wait3A_464] : memref<8000xi32, #tpu.memory_space<vmem>> -> memref<4000xi32, #tpu.memory_space<vmem>>
    %dma_wait3A_466 = tpu.memref_slice %arg3[%add3A_396] : memref<320000xi32, #tpu.memory_space<hbm>> -> memref<4000xi32, #tpu.memory_space<hbm>>
    %dma_wait3A_467 = arith.constant 0 : i32
    %dma_wait3A_468 = tpu.memref_slice %arg9[%dma_wait3A_467] : memref<8000xi32, #tpu.memory_space<vmem>> -> memref<4000xi32, #tpu.memory_space<vmem>>
    %dma_wait3A_469 = tpu.memref_slice %arg3[%add3A_396] : memref<320000xi32, #tpu.memory_space<hbm>> -> memref<4000xi32, #tpu.memory_space<hbm>>
    tpu.wait_dma2 semaphore(%arg12 : memref<!tpu.dma_semaphore, #tpu.memory_space<semaphore_mem>>) src(%dma_wait3A_469 : memref<4000xi32, #tpu.memory_space<hbm>>) dst(%dma_wait3A_468 : memref<4000xi32, #tpu.memory_space<vmem>>)
    %dma_wait3A_470 = arith.constant 0 : i32
    %dma_wait3A_471 = tpu.memref_slice %arg10[%dma_wait3A_470] : memref<8000xi32, #tpu.memory_space<vmem>> -> memref<4000xi32, #tpu.memory_space<vmem>>
    %dma_wait3A_472 = tpu.memref_slice %arg4[%add3A_396] : memref<320000xi32, #tpu.memory_space<hbm>> -> memref<4000xi32, #tpu.memory_space<hbm>>
    %dma_wait3A_473 = arith.constant 0 : i32
    %dma_wait3A_474 = tpu.memref_slice %arg10[%dma_wait3A_473] : memref<8000xi32, #tpu.memory_space<vmem>> -> memref<4000xi32, #tpu.memory_space<vmem>>
    %dma_wait3A_475 = tpu.memref_slice %arg4[%add3A_396] : memref<320000xi32, #tpu.memory_space<hbm>> -> memref<4000xi32, #tpu.memory_space<hbm>>
    tpu.wait_dma2 semaphore(%arg12 : memref<!tpu.dma_semaphore, #tpu.memory_space<semaphore_mem>>) src(%dma_wait3A_475 : memref<4000xi32, #tpu.memory_space<hbm>>) dst(%dma_wait3A_474 : memref<4000xi32, #tpu.memory_space<vmem>>)
    %dma_wait3A_476 = arith.constant 0 : i32
    %dma_wait3A_477 = tpu.memref_slice %arg11[%dma_wait3A_476] : memref<8000xf32, #tpu.memory_space<vmem>> -> memref<4000xf32, #tpu.memory_space<vmem>>
    %dma_wait3A_478 = tpu.memref_slice %arg5[%add3A_396] : memref<320000xf32, #tpu.memory_space<hbm>> -> memref<4000xf32, #tpu.memory_space<hbm>>
    %dma_wait3A_479 = arith.constant 0 : i32
    %dma_wait3A_480 = tpu.memref_slice %arg11[%dma_wait3A_479] : memref<8000xf32, #tpu.memory_space<vmem>> -> memref<4000xf32, #tpu.memory_space<vmem>>
    %dma_wait3A_481 = tpu.memref_slice %arg5[%add3A_396] : memref<320000xf32, #tpu.memory_space<hbm>> -> memref<4000xf32, #tpu.memory_space<hbm>>
    tpu.wait_dma2 semaphore(%arg12 : memref<!tpu.dma_semaphore, #tpu.memory_space<semaphore_mem>>) src(%dma_wait3A_481 : memref<4000xf32, #tpu.memory_space<hbm>>) dst(%dma_wait3A_480 : memref<4000xf32, #tpu.memory_space<vmem>>)
    %broadcast_in_dim3A_482 = arith.constant 0 : i32
    %broadcast_in_dim3A_483 = vector.broadcast %broadcast_in_dim3A_482 : i32 to vector<16xi32>
    %broadcast_in_dim3A_484 = arith.constant 1 : i32
    %broadcast_in_dim3A_485 = vector.broadcast %broadcast_in_dim3A_484 : i32 to vector<16xi32>
    %broadcast_in_dim3A_486 = arith.constant 2 : i32
    %broadcast_in_dim3A_487 = vector.broadcast %broadcast_in_dim3A_486 : i32 to vector<16xi32>
    %broadcast_in_dim3A_488 = arith.constant 3 : i32
    %broadcast_in_dim3A_489 = vector.broadcast %broadcast_in_dim3A_488 : i32 to vector<16xi32>
    %parallel_loop3A_490 = arith.constant 0 : i32
    %parallel_loop3A_491 = arith.constant 250 : i32
    %parallel_loop3A_492 = arith.constant 1 : i32
    scf.for %parallel_loop3A_522 = %parallel_loop3A_490 to %parallel_loop3A_491 step %parallel_loop3A_492  : i32 {
      %parallel_loop3A_523 = arith.constant 16 : i32
      %parallel_loop3A_524 = arith.muli %parallel_loop3A_522, %parallel_loop3A_523 : i32
      %parallel_loop3A_525 = arith.constant 0 : i32
      %parallel_loop3A_526 = tpu.memref_slice %arg9[%parallel_loop3A_525] : memref<8000xi32, #tpu.memory_space<vmem>> -> memref<4000xi32, #tpu.memory_space<vmem>>
      %parallel_loop3A_527 = arith.index_cast %parallel_loop3A_524 : i32 to index
      %parallel_loop3A_528 = tpu.vector_load %parallel_loop3A_526[%parallel_loop3A_527] {strides = array<i32>} : memref<4000xi32, #tpu.memory_space<vmem>>, vector<16xi32>,
      %parallel_loop3A_529 = arith.constant 16 : i32
      %parallel_loop3A_530 = arith.muli %parallel_loop3A_522, %parallel_loop3A_529 : i32
      %parallel_loop3A_531 = arith.constant 0 : i32
      %parallel_loop3A_532 = tpu.memref_slice %arg10[%parallel_loop3A_531] : memref<8000xi32, #tpu.memory_space<vmem>> -> memref<4000xi32, #tpu.memory_space<vmem>>
      %parallel_loop3A_533 = arith.index_cast %parallel_loop3A_530 : i32 to index
      %parallel_loop3A_534 = tpu.vector_load %parallel_loop3A_532[%parallel_loop3A_533] {strides = array<i32>} : memref<4000xi32, #tpu.memory_space<vmem>>, vector<16xi32>,
      %parallel_loop3A_535 = arith.constant 16 : i32
      %parallel_loop3A_536 = arith.muli %parallel_loop3A_522, %parallel_loop3A_535 : i32
      %parallel_loop3A_537 = arith.constant 0 : i32
      %parallel_loop3A_538 = tpu.memref_slice %arg11[%parallel_loop3A_537] : memref<8000xf32, #tpu.memory_space<vmem>> -> memref<4000xf32, #tpu.memory_space<vmem>>
      %parallel_loop3A_539 = arith.index_cast %parallel_loop3A_536 : i32 to index
      %parallel_loop3A_540 = tpu.vector_load %parallel_loop3A_538[%parallel_loop3A_539] {strides = array<i32>} : memref<4000xf32, #tpu.memory_space<vmem>>, vector<16xf32>,
      %parallel_loop3A_541 = tpu.vector_load_idx %arg7[%broadcast_in_dim3A_483, %parallel_loop3A_528] : memref<4x10000xf32, #tpu.memory_space<vmem>>[vector<16xi32>, vector<16xi32>], vector<16xf32>,
      %parallel_loop3A_542 = arith.mulf %parallel_loop3A_541, %parallel_loop3A_540 : vector<16xf32>
      tpu.vector_store_idx %arg8[%broadcast_in_dim3A_483, %parallel_loop3A_534], %parallel_loop3A_542 {add = true} : memref<4x10000xf32, #tpu.memory_space<vmem>>[vector<16xi32>, vector<16xi32>], vector<16xf32>,
      %parallel_loop3A_543 = tpu.vector_load_idx %arg7[%broadcast_in_dim3A_485, %parallel_loop3A_528] : memref<4x10000xf32, #tpu.memory_space<vmem>>[vector<16xi32>, vector<16xi32>], vector<16xf32>,
      %parallel_loop3A_544 = arith.mulf %parallel_loop3A_543, %parallel_loop3A_540 : vector<16xf32>
      tpu.vector_store_idx %arg8[%broadcast_in_dim3A_485, %parallel_loop3A_534], %parallel_loop3A_544 {add = true} : memref<4x10000xf32, #tpu.memory_space<vmem>>[vector<16xi32>, vector<16xi32>], vector<16xf32>,
      %parallel_loop3A_545 = tpu.vector_load_idx %arg7[%broadcast_in_dim3A_487, %parallel_loop3A_528] : memref<4x10000xf32, #tpu.memory_space<vmem>>[vector<16xi32>, vector<16xi32>], vector<16xf32>,
      %parallel_loop3A_546 = arith.mulf %parallel_loop3A_545, %parallel_loop3A_540 : vector<16xf32>
      tpu.vector_store_idx %arg8[%broadcast_in_dim3A_487, %parallel_loop3A_534], %parallel_loop3A_546 {add = true} : memref<4x10000xf32, #tpu.memory_space<vmem>>[vector<16xi32>, vector<16xi32>], vector<16xf32>,
      %parallel_loop3A_547 = tpu.vector_load_idx %arg7[%broadcast_in_dim3A_489, %parallel_loop3A_528] : memref<4x10000xf32, #tpu.memory_space<vmem>>[vector<16xi32>, vector<16xi32>], vector<16xf32>,
      %parallel_loop3A_548 = arith.mulf %parallel_loop3A_547, %parallel_loop3A_540 : vector<16xf32>
      tpu.vector_store_idx %arg8[%broadcast_in_dim3A_489, %parallel_loop3A_534], %parallel_loop3A_548 {add = true} : memref<4x10000xf32, #tpu.memory_space<vmem>>[vector<16xi32>, vector<16xi32>], vector<16xf32>,
    } {sc.loop_unroll_factor = 4 : i64, sc.parallel_access}
    %dma_wait3A_493 = arith.constant 4000 : i32
    %dma_wait3A_494 = tpu.memref_slice %arg9[%dma_wait3A_493] : memref<8000xi32, #tpu.memory_space<vmem>> -> memref<4000xi32, #tpu.memory_space<vmem>>
    %dma_wait3A_495 = tpu.memref_slice %arg3[%add3A_445] : memref<320000xi32, #tpu.memory_space<hbm>> -> memref<4000xi32, #tpu.memory_space<hbm>>
    %dma_wait3A_496 = arith.constant 4000 : i32
    %dma_wait3A_497 = tpu.memref_slice %arg9[%dma_wait3A_496] : memref<8000xi32, #tpu.memory_space<vmem>> -> memref<4000xi32, #tpu.memory_space<vmem>>
    %dma_wait3A_498 = tpu.memref_slice %arg3[%add3A_445] : memref<320000xi32, #tpu.memory_space<hbm>> -> memref<4000xi32, #tpu.memory_space<hbm>>
    tpu.wait_dma2 semaphore(%arg13 : memref<!tpu.dma_semaphore, #tpu.memory_space<semaphore_mem>>) src(%dma_wait3A_498 : memref<4000xi32, #tpu.memory_space<hbm>>) dst(%dma_wait3A_497 : memref<4000xi32, #tpu.memory_space<vmem>>)
    %dma_wait3A_499 = arith.constant 4000 : i32
    %dma_wait3A_500 = tpu.memref_slice %arg10[%dma_wait3A_499] : memref<8000xi32, #tpu.memory_space<vmem>> -> memref<4000xi32, #tpu.memory_space<vmem>>
    %dma_wait3A_501 = tpu.memref_slice %arg4[%add3A_445] : memref<320000xi32, #tpu.memory_space<hbm>> -> memref<4000xi32, #tpu.memory_space<hbm>>
    %dma_wait3A_502 = arith.constant 4000 : i32
    %dma_wait3A_503 = tpu.memref_slice %arg10[%dma_wait3A_502] : memref<8000xi32, #tpu.memory_space<vmem>> -> memref<4000xi32, #tpu.memory_space<vmem>>
    %dma_wait3A_504 = tpu.memref_slice %arg4[%add3A_445] : memref<320000xi32, #tpu.memory_space<hbm>> -> memref<4000xi32, #tpu.memory_space<hbm>>
    tpu.wait_dma2 semaphore(%arg13 : memref<!tpu.dma_semaphore, #tpu.memory_space<semaphore_mem>>) src(%dma_wait3A_504 : memref<4000xi32, #tpu.memory_space<hbm>>) dst(%dma_wait3A_503 : memref<4000xi32, #tpu.memory_space<vmem>>)
    %dma_wait3A_505 = arith.constant 4000 : i32
    %dma_wait3A_506 = tpu.memref_slice %arg11[%dma_wait3A_505] : memref<8000xf32, #tpu.memory_space<vmem>> -> memref<4000xf32, #tpu.memory_space<vmem>>
    %dma_wait3A_507 = tpu.memref_slice %arg5[%add3A_445] : memref<320000xf32, #tpu.memory_space<hbm>> -> memref<4000xf32, #tpu.memory_space<hbm>>
    %dma_wait3A_508 = arith.constant 4000 : i32
    %dma_wait3A_509 = tpu.memref_slice %arg11[%dma_wait3A_508] : memref<8000xf32, #tpu.memory_space<vmem>> -> memref<4000xf32, #tpu.memory_space<vmem>>
    %dma_wait3A_510 = tpu.memref_slice %arg5[%add3A_445] : memref<320000xf32, #tpu.memory_space<hbm>> -> memref<4000xf32, #tpu.memory_space<hbm>>
    tpu.wait_dma2 semaphore(%arg13 : memref<!tpu.dma_semaphore, #tpu.memory_space<semaphore_mem>>) src(%dma_wait3A_510 : memref<4000xf32, #tpu.memory_space<hbm>>) dst(%dma_wait3A_509 : memref<4000xf32, #tpu.memory_space<vmem>>)
    %broadcast_in_dim3A_511 = arith.constant 0 : i32
    %broadcast_in_dim3A_512 = vector.broadcast %broadcast_in_dim3A_511 : i32 to vector<16xi32>
    %broadcast_in_dim3A_513 = arith.constant 1 : i32
    %broadcast_in_dim3A_514 = vector.broadcast %broadcast_in_dim3A_513 : i32 to vector<16xi32>
    %broadcast_in_dim3A_515 = arith.constant 2 : i32
    %broadcast_in_dim3A_516 = vector.broadcast %broadcast_in_dim3A_515 : i32 to vector<16xi32>
    %broadcast_in_dim3A_517 = arith.constant 3 : i32
    %broadcast_in_dim3A_518 = vector.broadcast %broadcast_in_dim3A_517 : i32 to vector<16xi32>
    %parallel_loop3A_519 = arith.constant 0 : i32
    %parallel_loop3A_520 = arith.constant 250 : i32
    %parallel_loop3A_521 = arith.constant 1 : i32
    scf.for %parallel_loop3A_522 = %parallel_loop3A_519 to %parallel_loop3A_520 step %parallel_loop3A_521  : i32 {
      %parallel_loop3A_523 = arith.constant 16 : i32
      %parallel_loop3A_524 = arith.muli %parallel_loop3A_522, %parallel_loop3A_523 : i32
      %parallel_loop3A_525 = arith.constant 4000 : i32
      %parallel_loop3A_526 = tpu.memref_slice %arg9[%parallel_loop3A_525] : memref<8000xi32, #tpu.memory_space<vmem>> -> memref<4000xi32, #tpu.memory_space<vmem>>
      %parallel_loop3A_527 = arith.index_cast %parallel_loop3A_524 : i32 to index
      %parallel_loop3A_528 = tpu.vector_load %parallel_loop3A_526[%parallel_loop3A_527] {strides = array<i32>} : memref<4000xi32, #tpu.memory_space<vmem>>, vector<16xi32>,
      %parallel_loop3A_529 = arith.constant 16 : i32
      %parallel_loop3A_530 = arith.muli %parallel_loop3A_522, %parallel_loop3A_529 : i32
      %parallel_loop3A_531 = arith.constant 4000 : i32
      %parallel_loop3A_532 = tpu.memref_slice %arg10[%parallel_loop3A_531] : memref<8000xi32, #tpu.memory_space<vmem>> -> memref<4000xi32, #tpu.memory_space<vmem>>
      %parallel_loop3A_533 = arith.index_cast %parallel_loop3A_530 : i32 to index
      %parallel_loop3A_534 = tpu.vector_load %parallel_loop3A_532[%parallel_loop3A_533] {strides = array<i32>} : memref<4000xi32, #tpu.memory_space<vmem>>, vector<16xi32>,
      %parallel_loop3A_535 = arith.constant 16 : i32
      %parallel_loop3A_536 = arith.muli %parallel_loop3A_522, %parallel_loop3A_535 : i32
      %parallel_loop3A_537 = arith.constant 4000 : i32
      %parallel_loop3A_538 = tpu.memref_slice %arg11[%parallel_loop3A_537] : memref<8000xf32, #tpu.memory_space<vmem>> -> memref<4000xf32, #tpu.memory_space<vmem>>
      %parallel_loop3A_539 = arith.index_cast %parallel_loop3A_536 : i32 to index
      %parallel_loop3A_540 = tpu.vector_load %parallel_loop3A_538[%parallel_loop3A_539] {strides = array<i32>} : memref<4000xf32, #tpu.memory_space<vmem>>, vector<16xf32>,
      %parallel_loop3A_541 = tpu.vector_load_idx %arg7[%broadcast_in_dim3A_512, %parallel_loop3A_528] : memref<4x10000xf32, #tpu.memory_space<vmem>>[vector<16xi32>, vector<16xi32>], vector<16xf32>,
      %parallel_loop3A_542 = arith.mulf %parallel_loop3A_541, %parallel_loop3A_540 : vector<16xf32>
      tpu.vector_store_idx %arg8[%broadcast_in_dim3A_512, %parallel_loop3A_534], %parallel_loop3A_542 {add = true} : memref<4x10000xf32, #tpu.memory_space<vmem>>[vector<16xi32>, vector<16xi32>], vector<16xf32>,
      %parallel_loop3A_543 = tpu.vector_load_idx %arg7[%broadcast_in_dim3A_514, %parallel_loop3A_528] : memref<4x10000xf32, #tpu.memory_space<vmem>>[vector<16xi32>, vector<16xi32>], vector<16xf32>,
      %parallel_loop3A_544 = arith.mulf %parallel_loop3A_543, %parallel_loop3A_540 : vector<16xf32>
      tpu.vector_store_idx %arg8[%broadcast_in_dim3A_514, %parallel_loop3A_534], %parallel_loop3A_544 {add = true} : memref<4x10000xf32, #tpu.memory_space<vmem>>[vector<16xi32>, vector<16xi32>], vector<16xf32>,
      %parallel_loop3A_545 = tpu.vector_load_idx %arg7[%broadcast_in_dim3A_516, %parallel_loop3A_528] : memref<4x10000xf32, #tpu.memory_space<vmem>>[vector<16xi32>, vector<16xi32>], vector<16xf32>,
      %parallel_loop3A_546 = arith.mulf %parallel_loop3A_545, %parallel_loop3A_540 : vector<16xf32>
      tpu.vector_store_idx %arg8[%broadcast_in_dim3A_516, %parallel_loop3A_534], %parallel_loop3A_546 {add = true} : memref<4x10000xf32, #tpu.memory_space<vmem>>[vector<16xi32>, vector<16xi32>], vector<16xf32>,
      %parallel_loop3A_547 = tpu.vector_load_idx %arg7[%broadcast_in_dim3A_518, %parallel_loop3A_528] : memref<4x10000xf32, #tpu.memory_space<vmem>>[vector<16xi32>, vector<16xi32>], vector<16xf32>,
      %parallel_loop3A_548 = arith.mulf %parallel_loop3A_547, %parallel_loop3A_540 : vector<16xf32>
      tpu.vector_store_idx %arg8[%broadcast_in_dim3A_518, %parallel_loop3A_534], %parallel_loop3A_548 {add = true} : memref<4x10000xf32, #tpu.memory_space<vmem>>[vector<16xi32>, vector<16xi32>], vector<16xf32>,
    } {sc.loop_unroll_factor = 4 : i64, sc.parallel_access}
    "tpu.region"() ({
      %run_scoped3A = tpu.sem_alloc : memref<!tpu.dma_semaphore, #tpu.memory_space<semaphore_mem>>
      %dma_start3A_522 = arith.constant 0 : i32
      %dma_start3A_523 = arith.constant 0 : i32
      %dma_start3A_524 = tpu.memref_slice %arg6[%select_n3A_30, %select_n3A_9, %dma_start3A_522, %dma_start3A_523] : memref<8x4x4x10000xf32, #tpu.memory_space<hbm>> -> memref<1x1x4x10000xf32, #tpu.memory_space<hbm>>
      %dma_start3A_525 = tpu.memref_squeeze %dma_start3A_524 : memref<1x1x4x10000xf32, #tpu.memory_space<hbm>> -> memref<4x10000xf32, #tpu.memory_space<hbm>>
      %dma_start3A_526 = arith.constant 0 : i32
      %dma_start3A_527 = arith.constant 0 : i32
      %dma_start3A_528 = tpu.memref_slice %arg6[%select_n3A_30, %select_n3A_9, %dma_start3A_526, %dma_start3A_527] : memref<8x4x4x10000xf32, #tpu.memory_space<hbm>> -> memref<1x1x4x10000xf32, #tpu.memory_space<hbm>>
      %dma_start3A_529 = tpu.memref_squeeze %dma_start3A_528 : memref<1x1x4x10000xf32, #tpu.memory_space<hbm>> -> memref<4x10000xf32, #tpu.memory_space<hbm>>
      tpu.enqueue_dma source(%arg8 : memref<4x10000xf32, #tpu.memory_space<vmem>>) target(%dma_start3A_529 : memref<4x10000xf32, #tpu.memory_space<hbm>>) target_semaphore(%run_scoped3A : memref<!tpu.dma_semaphore, #tpu.memory_space<semaphore_mem>>)
      %dma_wait3A_530 = arith.constant 0 : i32
      %dma_wait3A_531 = arith.constant 0 : i32
      %dma_wait3A_532 = tpu.memref_slice %arg6[%select_n3A_30, %select_n3A_9, %dma_wait3A_530, %dma_wait3A_531] : memref<8x4x4x10000xf32, #tpu.memory_space<hbm>> -> memref<1x1x4x10000xf32, #tpu.memory_space<hbm>>
      %dma_wait3A_533 = tpu.memref_squeeze %dma_wait3A_532 : memref<1x1x4x10000xf32, #tpu.memory_space<hbm>> -> memref<4x10000xf32, #tpu.memory_space<hbm>>
      %dma_wait3A_534 = arith.constant 0 : i32
      %dma_wait3A_535 = arith.constant 0 : i32
      %dma_wait3A_536 = tpu.memref_slice %arg6[%select_n3A_30, %select_n3A_9, %dma_wait3A_534, %dma_wait3A_535] : memref<8x4x4x10000xf32, #tpu.memory_space<hbm>> -> memref<1x1x4x10000xf32, #tpu.memory_space<hbm>>
      %dma_wait3A_537 = tpu.memref_squeeze %dma_wait3A_536 : memref<1x1x4x10000xf32, #tpu.memory_space<hbm>> -> memref<4x10000xf32, #tpu.memory_space<hbm>>
      tpu.wait_dma2 semaphore(%run_scoped3A : memref<!tpu.dma_semaphore, #tpu.memory_space<semaphore_mem>>) src(%arg8 : memref<4x10000xf32, #tpu.memory_space<vmem>>) dst(%dma_wait3A_537 : memref<4x10000xf32, #tpu.memory_space<hbm>>)
      tpu.yield
    }) : () -> ()
    return
  }
}

module attributes {stable_mosaic.version = 14 : i64} {
  func.func @_scale_body(%arg0: memref<32x10000xf32, #tpu.memory_space<vmem>>, %arg1: memref<4x4x10000xf32, #tpu.memory_space<vmem>>, %arg2: memref<1x10000xf32, #tpu.memory_space<vmem>>, %arg3: memref<4x4x10000xf32, #tpu.memory_space<vmem>>) attributes {dimension_semantics = [], scalar_prefetch = 0 : i64, scratch_operands = 0 : i64, tpu.core_type = #tpu.core_type<tc>} {
    %get3A = arith.constant 0 : index
    %get3A_0 = arith.constant 0 : index
    %get3A_1 = vector.load %arg0[%get3A, %get3A_0] : memref<32x10000xf32, #tpu.memory_space<vmem>>, vector<32x10000xf32>
    %reduce_sum3A = arith.constant dense<0.000000e+00> : vector<10000xf32>
    %reduce_sum3A_2 = vector.multi_reduction <add>, %get3A_1, %reduce_sum3A [0] : vector<32x10000xf32> to vector<10000xf32>
    %broadcast_in_dim3A = vector.shape_cast %reduce_sum3A_2 : vector<10000xf32> to vector<1x10000xf32>
    %add3A = arith.constant 1.000000e+00 : f32
    %add3A_3 = vector.broadcast %add3A : f32 to vector<1x10000xf32>
    %add3A_4 = arith.addf %broadcast_in_dim3A, %add3A_3 : vector<1x10000xf32>
    %gt3A = arith.constant 0.000000e+00 : f32
    %gt3A_5 = vector.broadcast %gt3A : f32 to vector<1x10000xf32>
    %gt3A_6 = arith.cmpf ogt, %add3A_4, %gt3A_5 : vector<1x10000xf32>
    %max3A = arith.constant 9.99999996E-13 : f32
    %max3A_7 = vector.broadcast %max3A : f32 to vector<1x10000xf32>
    %max3A_8 = arith.maximumf %add3A_4, %max3A_7 : vector<1x10000xf32>
    %rsqrt3A = math.rsqrt %max3A_8 : vector<1x10000xf32>
    %jit3A = arith.constant 0.000000e+00 : f32
    %broadcast_in_dim3A_9 = vector.broadcast %jit3A : f32 to vector<1x10000xf32>
    %select_n3A = arith.select %gt3A_6, %rsqrt3A, %broadcast_in_dim3A_9 : vector<1x10000xi1>, vector<1x10000xf32>
    %swap3A = arith.constant 0 : index
    %swap3A_10 = arith.constant 0 : index
    %swap3A_11 = vector.load %arg2[%swap3A, %swap3A_10] : memref<1x10000xf32, #tpu.memory_space<vmem>>, vector<1x10000xf32>
    tpu.vector_store %arg2[%swap3A, %swap3A_10], %select_n3A {strides = array<i32>} : memref<1x10000xf32, #tpu.memory_space<vmem>>, vector<1x10000xf32>,
    %get3A_12 = arith.constant 0 : index
    %get3A_13 = arith.constant 0 : index
    %get3A_14 = arith.constant 0 : index
    %get3A_15 = vector.load %arg1[%get3A_12, %get3A_13, %get3A_14] : memref<4x4x10000xf32, #tpu.memory_space<vmem>>, vector<4x4x10000xf32>
    %broadcast_in_dim3A_16 = vector.shape_cast %select_n3A : vector<1x10000xf32> to vector<1x1x10000xf32>
    %mul3A = vector.broadcast %broadcast_in_dim3A_16 : vector<1x1x10000xf32> to vector<4x4x10000xf32>
    %mul3A_17 = arith.mulf %get3A_15, %mul3A : vector<4x4x10000xf32>
    %swap3A_18 = arith.constant 0 : index
    %swap3A_19 = arith.constant 0 : index
    %swap3A_20 = arith.constant 0 : index
    %swap3A_21 = vector.load %arg3[%swap3A_18, %swap3A_19, %swap3A_20] : memref<4x4x10000xf32, #tpu.memory_space<vmem>>, vector<4x4x10000xf32>
    tpu.vector_store %arg3[%swap3A_18, %swap3A_19, %swap3A_20], %mul3A_17 {strides = array<i32>} : memref<4x4x10000xf32, #tpu.memory_space<vmem>>, vector<4x4x10000xf32>,
    return
  }
}

module attributes {stable_mosaic.version = 14 : i64} {
  func.func @_mm_body(%arg0: memref<10000x128xf32, #tpu.memory_space<vmem>>, %arg1: memref<4x4x128xf32, #tpu.memory_space<vmem>>, %arg2: memref<4x4x10000xf32, #tpu.memory_space<vmem>>) attributes {dimension_semantics = [], scalar_prefetch = 0 : i64, scratch_operands = 0 : i64, tpu.core_type = #tpu.core_type<tc>} {
    %get3A = arith.constant 0 : index
    %get3A_0 = arith.constant 0 : index
    %get3A_1 = arith.constant 0 : index
    %get3A_2 = vector.load %arg1[%get3A, %get3A_0, %get3A_1] : memref<4x4x128xf32, #tpu.memory_space<vmem>>, vector<1x4x128xf32>
    %get3A_3 = vector.shape_cast %get3A_2 : vector<1x4x128xf32> to vector<4x128xf32>
    %get3A_4 = arith.constant 0 : index
    %get3A_5 = arith.constant 0 : index
    %get3A_6 = vector.load %arg0[%get3A_4, %get3A_5] : memref<10000x128xf32, #tpu.memory_space<vmem>>, vector<10000x128xf32>
    %dot_general3A = arith.constant dense<0.000000e+00> : vector<4x10000xf32>
    %dot_general3A_7 = tpu.matmul %get3A_3, %get3A_6, %dot_general3A {dimension_numbers = #tpu.dot_dimension_numbers<[1], [1], [0], [0], [0, 0, 1, 0], [], []>, precision = #tpu.contract_precision<fp32>, transpose_lhs_hint = false} : vector<4x128xf32>, vector<10000x128xf32>, vector<4x10000xf32> -> vector<4x10000xf32>
    %swap3A = arith.constant 0 : index
    %swap3A_8 = arith.constant 0 : index
    %swap3A_9 = arith.constant 0 : index
    %swap3A_10 = vector.load %arg2[%swap3A, %swap3A_8, %swap3A_9] : memref<4x4x10000xf32, #tpu.memory_space<vmem>>, vector<1x4x10000xf32>
    %swap3A_11 = vector.shape_cast %swap3A_10 : vector<1x4x10000xf32> to vector<4x10000xf32>
    %swap3A_12 = vector.shape_cast %dot_general3A_7 : vector<4x10000xf32> to vector<1x4x10000xf32>
    tpu.vector_store %arg2[%swap3A, %swap3A_8, %swap3A_9], %swap3A_12 {strides = array<i32>} : memref<4x4x10000xf32, #tpu.memory_space<vmem>>, vector<1x4x10000xf32>,
    %get3A_13 = arith.constant 1 : index
    %get3A_14 = arith.constant 0 : index
    %get3A_15 = arith.constant 0 : index
    %get3A_16 = vector.load %arg1[%get3A_13, %get3A_14, %get3A_15] : memref<4x4x128xf32, #tpu.memory_space<vmem>>, vector<1x4x128xf32>
    %get3A_17 = vector.shape_cast %get3A_16 : vector<1x4x128xf32> to vector<4x128xf32>
    %get3A_18 = arith.constant 0 : index
    %get3A_19 = arith.constant 0 : index
    %get3A_20 = vector.load %arg0[%get3A_18, %get3A_19] : memref<10000x128xf32, #tpu.memory_space<vmem>>, vector<10000x128xf32>
    %dot_general3A_21 = arith.constant dense<0.000000e+00> : vector<4x10000xf32>
    %dot_general3A_22 = tpu.matmul %get3A_17, %get3A_20, %dot_general3A_21 {dimension_numbers = #tpu.dot_dimension_numbers<[1], [1], [0], [0], [0, 0, 1, 0], [], []>, precision = #tpu.contract_precision<fp32>, transpose_lhs_hint = false} : vector<4x128xf32>, vector<10000x128xf32>, vector<4x10000xf32> -> vector<4x10000xf32>
    %swap3A_23 = arith.constant 1 : index
    %swap3A_24 = arith.constant 0 : index
    %swap3A_25 = arith.constant 0 : index
    %swap3A_26 = vector.load %arg2[%swap3A_23, %swap3A_24, %swap3A_25] : memref<4x4x10000xf32, #tpu.memory_space<vmem>>, vector<1x4x10000xf32>
    %swap3A_27 = vector.shape_cast %swap3A_26 : vector<1x4x10000xf32> to vector<4x10000xf32>
    %swap3A_28 = vector.shape_cast %dot_general3A_22 : vector<4x10000xf32> to vector<1x4x10000xf32>
    tpu.vector_store %arg2[%swap3A_23, %swap3A_24, %swap3A_25], %swap3A_28 {strides = array<i32>} : memref<4x4x10000xf32, #tpu.memory_space<vmem>>, vector<1x4x10000xf32>,
    %get3A_29 = arith.constant 2 : index
    %get3A_30 = arith.constant 0 : index
    %get3A_31 = arith.constant 0 : index
    %get3A_32 = vector.load %arg1[%get3A_29, %get3A_30, %get3A_31] : memref<4x4x128xf32, #tpu.memory_space<vmem>>, vector<1x4x128xf32>
    %get3A_33 = vector.shape_cast %get3A_32 : vector<1x4x128xf32> to vector<4x128xf32>
    %get3A_34 = arith.constant 0 : index
    %get3A_35 = arith.constant 0 : index
    %get3A_36 = vector.load %arg0[%get3A_34, %get3A_35] : memref<10000x128xf32, #tpu.memory_space<vmem>>, vector<10000x128xf32>
    %dot_general3A_37 = arith.constant dense<0.000000e+00> : vector<4x10000xf32>
    %dot_general3A_38 = tpu.matmul %get3A_33, %get3A_36, %dot_general3A_37 {dimension_numbers = #tpu.dot_dimension_numbers<[1], [1], [0], [0], [0, 0, 1, 0], [], []>, precision = #tpu.contract_precision<fp32>, transpose_lhs_hint = false} : vector<4x128xf32>, vector<10000x128xf32>, vector<4x10000xf32> -> vector<4x10000xf32>
    %swap3A_39 = arith.constant 2 : index
    %swap3A_40 = arith.constant 0 : index
    %swap3A_41 = arith.constant 0 : index
    %swap3A_42 = vector.load %arg2[%swap3A_39, %swap3A_40, %swap3A_41] : memref<4x4x10000xf32, #tpu.memory_space<vmem>>, vector<1x4x10000xf32>
    %swap3A_43 = vector.shape_cast %swap3A_42 : vector<1x4x10000xf32> to vector<4x10000xf32>
    %swap3A_44 = vector.shape_cast %dot_general3A_38 : vector<4x10000xf32> to vector<1x4x10000xf32>
    tpu.vector_store %arg2[%swap3A_39, %swap3A_40, %swap3A_41], %swap3A_44 {strides = array<i32>} : memref<4x4x10000xf32, #tpu.memory_space<vmem>>, vector<1x4x10000xf32>,
    %get3A_45 = arith.constant 3 : index
    %get3A_46 = arith.constant 0 : index
    %get3A_47 = arith.constant 0 : index
    %get3A_48 = vector.load %arg1[%get3A_45, %get3A_46, %get3A_47] : memref<4x4x128xf32, #tpu.memory_space<vmem>>, vector<1x4x128xf32>
    %get3A_49 = vector.shape_cast %get3A_48 : vector<1x4x128xf32> to vector<4x128xf32>
    %get3A_50 = arith.constant 0 : index
    %get3A_51 = arith.constant 0 : index
    %get3A_52 = vector.load %arg0[%get3A_50, %get3A_51] : memref<10000x128xf32, #tpu.memory_space<vmem>>, vector<10000x128xf32>
    %dot_general3A_53 = arith.constant dense<0.000000e+00> : vector<4x10000xf32>
    %dot_general3A_54 = tpu.matmul %get3A_49, %get3A_52, %dot_general3A_53 {dimension_numbers = #tpu.dot_dimension_numbers<[1], [1], [0], [0], [0, 0, 1, 0], [], []>, precision = #tpu.contract_precision<fp32>, transpose_lhs_hint = false} : vector<4x128xf32>, vector<10000x128xf32>, vector<4x10000xf32> -> vector<4x10000xf32>
    %swap3A_55 = arith.constant 3 : index
    %swap3A_56 = arith.constant 0 : index
    %swap3A_57 = arith.constant 0 : index
    %swap3A_58 = vector.load %arg2[%swap3A_55, %swap3A_56, %swap3A_57] : memref<4x4x10000xf32, #tpu.memory_space<vmem>>, vector<1x4x10000xf32>
    %swap3A_59 = vector.shape_cast %swap3A_58 : vector<1x4x10000xf32> to vector<4x10000xf32>
    %swap3A_60 = vector.shape_cast %dot_general3A_54 : vector<4x10000xf32> to vector<1x4x10000xf32>
    tpu.vector_store %arg2[%swap3A_55, %swap3A_56, %swap3A_57], %swap3A_60 {strides = array<i32>} : memref<4x4x10000xf32, #tpu.memory_space<vmem>>, vector<1x4x10000xf32>,
    return
  }
}

module attributes {stable_mosaic.version = 14 : i64} {
  func.func @_mid_body(%arg0: memref<8x4x4x10000xf32, #tpu.memory_space<vmem>>, %arg1: memref<4x4x10000xf32, #tpu.memory_space<vmem>>, %arg2: memref<1x10000xf32, #tpu.memory_space<vmem>>, %arg3: memref<4x2x4xf32, #tpu.memory_space<vmem>>, %arg4: memref<4x4x1xf32, #tpu.memory_space<vmem>>, %arg5: memref<1x2x10000xf32, #tpu.memory_space<vmem>>) attributes {dimension_semantics = [], scalar_prefetch = 0 : i64, scratch_operands = 0 : i64, tpu.core_type = #tpu.core_type<tc>} {
    %get3A = arith.constant 0 : index
    %get3A_0 = arith.constant 0 : index
    %get3A_1 = vector.load %arg2[%get3A, %get3A_0] : memref<1x10000xf32, #tpu.memory_space<vmem>>, vector<1x10000xf32>
    %get3A_2 = arith.constant 0 : index
    %get3A_3 = arith.constant 0 : index
    %get3A_4 = arith.constant 0 : index
    %get3A_5 = arith.constant 0 : index
    %get3A_6 = vector.load %arg0[%get3A_2, %get3A_3, %get3A_4, %get3A_5] : memref<8x4x4x10000xf32, #tpu.memory_space<vmem>>, vector<8x4x4x10000xf32>
    %reduce_sum3A = arith.constant dense<0.000000e+00> : vector<4x4x10000xf32>
    %reduce_sum3A_7 = vector.multi_reduction <add>, %get3A_6, %reduce_sum3A [0] : vector<8x4x4x10000xf32> to vector<4x4x10000xf32>
    %broadcast_in_dim3A = vector.shape_cast %get3A_1 : vector<1x10000xf32> to vector<1x1x10000xf32>
    %get3A_8 = arith.constant 0 : index
    %get3A_9 = arith.constant 0 : index
    %get3A_10 = arith.constant 0 : index
    %get3A_11 = vector.load %arg1[%get3A_8, %get3A_9, %get3A_10] : memref<4x4x10000xf32, #tpu.memory_space<vmem>>, vector<4x4x10000xf32>
    %add3A = arith.addf %reduce_sum3A_7, %get3A_11 : vector<4x4x10000xf32>
    %mul3A = vector.broadcast %broadcast_in_dim3A : vector<1x1x10000xf32> to vector<4x4x10000xf32>
    %mul3A_12 = arith.mulf %mul3A, %add3A : vector<4x4x10000xf32>
    %get3A_13 = arith.constant 0 : index
    %get3A_14 = arith.constant 0 : index
    %get3A_15 = arith.constant 0 : index
    %get3A_16 = vector.load %arg4[%get3A_13, %get3A_14, %get3A_15] : memref<4x4x1xf32, #tpu.memory_space<vmem>>, vector<4x4x1xf32>
    %add3A_17 = vector.broadcast %get3A_16 : vector<4x4x1xf32> to vector<4x4x10000xf32>
    %add3A_18 = arith.addf %mul3A_12, %add3A_17 : vector<4x4x10000xf32>
    %max3A = arith.constant 0.000000e+00 : f32
    %max3A_19 = vector.broadcast %max3A : f32 to vector<4x4x10000xf32>
    %max3A_20 = arith.maximumf %add3A_18, %max3A_19 : vector<4x4x10000xf32>
    %broadcast_in_dim3A_21 = arith.constant 0.000000e+00 : f32
    %broadcast_in_dim3A_22 = vector.broadcast %broadcast_in_dim3A_21 : f32 to vector<2x10000xf32>
    %get3A_23 = arith.constant 0 : index
    %get3A_24 = arith.constant 0 : index
    %get3A_25 = arith.constant 0 : index
    %get3A_26 = vector.load %arg3[%get3A_23, %get3A_24, %get3A_25] : memref<4x2x4xf32, #tpu.memory_space<vmem>>, vector<1x2x4xf32>
    %get3A_27 = vector.shape_cast %get3A_26 : vector<1x2x4xf32> to vector<2x4xf32>
    %slice3A = vector.extract_strided_slice %max3A_20 {offsets = [0, 0, 0], sizes = [1, 4, 10000], strides = [1, 1, 1]} : vector<4x4x10000xf32> to vector<1x4x10000xf32>
    %squeeze3A = vector.shape_cast %slice3A : vector<1x4x10000xf32> to vector<4x10000xf32>
    %dot_general3A = arith.constant dense<0.000000e+00> : vector<2x10000xf32>
    %dot_general3A_28 = tpu.matmul %get3A_27, %squeeze3A, %dot_general3A {dimension_numbers = #tpu.dot_dimension_numbers<[1], [0], [0], [1], [0, 0, 1, 1], [], []>, precision = #tpu.contract_precision<fp32>, transpose_lhs_hint = false} : vector<2x4xf32>, vector<4x10000xf32>, vector<2x10000xf32> -> vector<2x10000xf32>
    %add3A_29 = arith.addf %broadcast_in_dim3A_22, %dot_general3A_28 : vector<2x10000xf32>
    %get3A_30 = arith.constant 1 : index
    %get3A_31 = arith.constant 0 : index
    %get3A_32 = arith.constant 0 : index
    %get3A_33 = vector.load %arg3[%get3A_30, %get3A_31, %get3A_32] : memref<4x2x4xf32, #tpu.memory_space<vmem>>, vector<1x2x4xf32>
    %get3A_34 = vector.shape_cast %get3A_33 : vector<1x2x4xf32> to vector<2x4xf32>
    %slice3A_35 = vector.extract_strided_slice %max3A_20 {offsets = [1, 0, 0], sizes = [1, 4, 10000], strides = [1, 1, 1]} : vector<4x4x10000xf32> to vector<1x4x10000xf32>
    %squeeze3A_36 = vector.shape_cast %slice3A_35 : vector<1x4x10000xf32> to vector<4x10000xf32>
    %dot_general3A_37 = arith.constant dense<0.000000e+00> : vector<2x10000xf32>
    %dot_general3A_38 = tpu.matmul %get3A_34, %squeeze3A_36, %dot_general3A_37 {dimension_numbers = #tpu.dot_dimension_numbers<[1], [0], [0], [1], [0, 0, 1, 1], [], []>, precision = #tpu.contract_precision<fp32>, transpose_lhs_hint = false} : vector<2x4xf32>, vector<4x10000xf32>, vector<2x10000xf32> -> vector<2x10000xf32>
    %add3A_39 = arith.addf %add3A_29, %dot_general3A_38 : vector<2x10000xf32>
    %get3A_40 = arith.constant 2 : index
    %get3A_41 = arith.constant 0 : index
    %get3A_42 = arith.constant 0 : index
    %get3A_43 = vector.load %arg3[%get3A_40, %get3A_41, %get3A_42] : memref<4x2x4xf32, #tpu.memory_space<vmem>>, vector<1x2x4xf32>
    %get3A_44 = vector.shape_cast %get3A_43 : vector<1x2x4xf32> to vector<2x4xf32>
    %slice3A_45 = vector.extract_strided_slice %max3A_20 {offsets = [2, 0, 0], sizes = [1, 4, 10000], strides = [1, 1, 1]} : vector<4x4x10000xf32> to vector<1x4x10000xf32>
    %squeeze3A_46 = vector.shape_cast %slice3A_45 : vector<1x4x10000xf32> to vector<4x10000xf32>
    %dot_general3A_47 = arith.constant dense<0.000000e+00> : vector<2x10000xf32>
    %dot_general3A_48 = tpu.matmul %get3A_44, %squeeze3A_46, %dot_general3A_47 {dimension_numbers = #tpu.dot_dimension_numbers<[1], [0], [0], [1], [0, 0, 1, 1], [], []>, precision = #tpu.contract_precision<fp32>, transpose_lhs_hint = false} : vector<2x4xf32>, vector<4x10000xf32>, vector<2x10000xf32> -> vector<2x10000xf32>
    %add3A_49 = arith.addf %add3A_39, %dot_general3A_48 : vector<2x10000xf32>
    %get3A_50 = arith.constant 3 : index
    %get3A_51 = arith.constant 0 : index
    %get3A_52 = arith.constant 0 : index
    %get3A_53 = vector.load %arg3[%get3A_50, %get3A_51, %get3A_52] : memref<4x2x4xf32, #tpu.memory_space<vmem>>, vector<1x2x4xf32>
    %get3A_54 = vector.shape_cast %get3A_53 : vector<1x2x4xf32> to vector<2x4xf32>
    %slice3A_55 = vector.extract_strided_slice %max3A_20 {offsets = [3, 0, 0], sizes = [1, 4, 10000], strides = [1, 1, 1]} : vector<4x4x10000xf32> to vector<1x4x10000xf32>
    %squeeze3A_56 = vector.shape_cast %slice3A_55 : vector<1x4x10000xf32> to vector<4x10000xf32>
    %dot_general3A_57 = arith.constant dense<0.000000e+00> : vector<2x10000xf32>
    %dot_general3A_58 = tpu.matmul %get3A_54, %squeeze3A_56, %dot_general3A_57 {dimension_numbers = #tpu.dot_dimension_numbers<[1], [0], [0], [1], [0, 0, 1, 1], [], []>, precision = #tpu.contract_precision<fp32>, transpose_lhs_hint = false} : vector<2x4xf32>, vector<4x10000xf32>, vector<2x10000xf32> -> vector<2x10000xf32>
    %add3A_59 = arith.addf %add3A_49, %dot_general3A_58 : vector<2x10000xf32>
    %mul3A_60 = vector.broadcast %get3A_1 : vector<1x10000xf32> to vector<2x10000xf32>
    %mul3A_61 = arith.mulf %add3A_59, %mul3A_60 : vector<2x10000xf32>
    %swap3A = arith.constant 0 : index
    %swap3A_62 = arith.constant 0 : index
    %swap3A_63 = arith.constant 0 : index
    %swap3A_64 = vector.load %arg5[%swap3A, %swap3A_62, %swap3A_63] : memref<1x2x10000xf32, #tpu.memory_space<vmem>>, vector<1x2x10000xf32>
    %swap3A_65 = vector.shape_cast %swap3A_64 : vector<1x2x10000xf32> to vector<2x10000xf32>
    %swap3A_66 = vector.shape_cast %mul3A_61 : vector<2x10000xf32> to vector<1x2x10000xf32>
    tpu.vector_store %arg5[%swap3A, %swap3A_62, %swap3A_63], %swap3A_66 {strides = array<i32>} : memref<1x2x10000xf32, #tpu.memory_space<vmem>>, vector<1x2x10000xf32>,
    return
  }
}

module attributes {stable_mosaic.version = 14 : i64} {
  func.func @_fin_body(%arg0: memref<32x2x10000xf32, #tpu.memory_space<vmem>>, %arg1: memref<1x2x10000xf32, #tpu.memory_space<vmem>>, %arg2: memref<1x10000xf32, #tpu.memory_space<vmem>>, %arg3: memref<2x1xf32, #tpu.memory_space<vmem>>, %arg4: memref<2x10000xf32, #tpu.memory_space<vmem>>) attributes {dimension_semantics = [], scalar_prefetch = 0 : i64, scratch_operands = 0 : i64, tpu.core_type = #tpu.core_type<tc>} {
    %get3A = arith.constant 0 : index
    %get3A_0 = arith.constant 0 : index
    %get3A_1 = arith.constant 0 : index
    %get3A_2 = vector.load %arg0[%get3A, %get3A_0, %get3A_1] : memref<32x2x10000xf32, #tpu.memory_space<vmem>>, vector<32x2x10000xf32>
    %reduce_sum3A = arith.constant dense<0.000000e+00> : vector<2x10000xf32>
    %reduce_sum3A_3 = vector.multi_reduction <add>, %get3A_2, %reduce_sum3A [0] : vector<32x2x10000xf32> to vector<2x10000xf32>
    %get3A_4 = arith.constant 0 : index
    %get3A_5 = arith.constant 0 : index
    %get3A_6 = vector.load %arg2[%get3A_4, %get3A_5] : memref<1x10000xf32, #tpu.memory_space<vmem>>, vector<1x10000xf32>
    %get3A_7 = arith.constant 0 : index
    %get3A_8 = arith.constant 0 : index
    %get3A_9 = arith.constant 0 : index
    %get3A_10 = vector.load %arg1[%get3A_7, %get3A_8, %get3A_9] : memref<1x2x10000xf32, #tpu.memory_space<vmem>>, vector<1x2x10000xf32>
    %get3A_11 = vector.shape_cast %get3A_10 : vector<1x2x10000xf32> to vector<2x10000xf32>
    %add3A = arith.addf %reduce_sum3A_3, %get3A_11 : vector<2x10000xf32>
    %mul3A = vector.broadcast %get3A_6 : vector<1x10000xf32> to vector<2x10000xf32>
    %mul3A_12 = arith.mulf %mul3A, %add3A : vector<2x10000xf32>
    %get3A_13 = arith.constant 0 : index
    %get3A_14 = arith.constant 0 : index
    %get3A_15 = vector.load %arg3[%get3A_13, %get3A_14] : memref<2x1xf32, #tpu.memory_space<vmem>>, vector<2x1xf32>
    %add3A_16 = vector.broadcast %get3A_15 : vector<2x1xf32> to vector<2x10000xf32>
    %add3A_17 = arith.addf %mul3A_12, %add3A_16 : vector<2x10000xf32>
    %reduce_max3A = arith.constant dense<0xFF800000> : vector<10000xf32>
    %reduce_max3A_18 = vector.multi_reduction <maximumf>, %add3A_17, %reduce_max3A [0] : vector<2x10000xf32> to vector<10000xf32>
    %broadcast_in_dim3A = vector.shape_cast %reduce_max3A_18 : vector<10000xf32> to vector<1x10000xf32>
    %sub3A = vector.broadcast %broadcast_in_dim3A : vector<1x10000xf32> to vector<2x10000xf32>
    %sub3A_19 = arith.subf %add3A_17, %sub3A : vector<2x10000xf32>
    %exp3A = math.exp %sub3A_19 : vector<2x10000xf32>
    %reduce_sum3A_20 = arith.constant dense<0.000000e+00> : vector<10000xf32>
    %reduce_sum3A_21 = vector.multi_reduction <add>, %exp3A, %reduce_sum3A_20 [0] : vector<2x10000xf32> to vector<10000xf32>
    %broadcast_in_dim3A_22 = vector.shape_cast %reduce_sum3A_21 : vector<10000xf32> to vector<1x10000xf32>
    %log3A = math.log %broadcast_in_dim3A_22 : vector<1x10000xf32>
    %add3A_23 = arith.addf %broadcast_in_dim3A, %log3A : vector<1x10000xf32>
    %sub3A_24 = vector.broadcast %add3A_23 : vector<1x10000xf32> to vector<2x10000xf32>
    %sub3A_25 = arith.subf %add3A_17, %sub3A_24 : vector<2x10000xf32>
    %swap3A = arith.constant 0 : index
    %swap3A_26 = arith.constant 0 : index
    %swap3A_27 = vector.load %arg4[%swap3A, %swap3A_26] : memref<2x10000xf32, #tpu.memory_space<vmem>>, vector<2x10000xf32>
    tpu.vector_store %arg4[%swap3A, %swap3A_26], %sub3A_25 {strides = array<i32>} : memref<2x10000xf32, #tpu.memory_space<vmem>>, vector<2x10000xf32>,
    return
  }
}

</mosaic_0001>

<sc_bundles>
// kernel: kernel.12.cloned.1.call-start
scs
__scs_entry_jumppad:
0x0: {  	(pc) =	sbr.rel $0x88, $3  }
0x1: {  	(tag) =	ssettag $0x0;
	lr =	simm.s32 $0x1  }
0x2: {  	[smem:$0x3F9A] =	sst lr;
	_ =	strace $0xD0000000  }
0x3: {  	_ = 	snop  }
0x4: {  	_ = 	snop  }
0x5: {  	_ = 	snop  }
0x6: {  	_ = 	snop  }
0x7: {  	_ = 	snop  }
__scs_overlays_trampoline_lowered:
0x8: {  	[smem:$0x3FA9] =	sst s0  }
0x9: {  	[smem:$0x3FAA] =	sst s1  }
0xa: {  	[smem:$0x3FAB] =	sst s2  }
0xb: {  	[smem:$0x3FAC] =	sst s3  }
0xc: {  	[smem:$0x3FAD] =	sst s4  }
0xd: {  	[smem:$0x3FAE] =	sst s5  }
0xe: {  	[smem:$0x3FAF] =	sst s6  }
0xf: {  	[smem:$0x3FB0] =	sst s7  }
0x10: {  	[smem:$0x3FB1] =	sst s8  }
0x11: {  	[smem:$0x3FB2] =	sst s9;
	s0 =	simm.s32 @!p0 $0x0  }
0x12: {  	s1 =	sld [smem:$0x3F98];
	s0 =	simm.s32 @p0 $0x1  }
0x13: {  	[smem:$0x3FB3] =	sst s0;
	s0 =	simm.s32 @!p1 $0x0  }
0x14: {  	s2 =	sld [smem:$0x3F97];
	s0 =	simm.s32 @p1 $0x1  }
0x15: {  	[smem:$0x3FB4] =	sst s0;
	s0 =	simm.s32 @!p2 $0x0  }
0x16: {  	s3 =	sld [smem:$0x3FDB];
	s0 =	simm.s32 @p2 $0x1  }
0x17: {  	s4 =	simm.s32 $0x1BF5;
	[smem:$0x3FB6] =	sst s0  }
0x18: {  	s0 =	sld [smem:$0x3F99];
	_ =	swait.ge [sflag:s4], $0x0  }
0x19: {  	s7 =	sld [smem:$0x3F9A]  }
0x1a: {  	s8 =	sadd.s32 $0xFFFFE003, lr  }
0x1b: {  	s9 =	sadd.s32 $0xFFFFFEF7, lr;
	s5 =	simm.s32 $0xFFFFFFFF;
	p2 =	slt.u32 s8, $0xFFFFF086  }
0x1c: {  	p1 =	slt.u32 s9, $0xF7A;
	s5 =	simm.s32 @!p2 $0x0  }
0x1d: {  	s5 =	simm.s32 @p1 $0x1;
	p0 =	seq.s32 s7, s2  }
0x1e: {  	s7 =	smul.u32 @!p0 $0xF7A, s2;
	p2 =	seq.s32 @!p0 s5, $0x0  }
0x1f: {  	s9 =	smul.u32 $0xF7A, s1;
	s8 =	simm.s32 @!p0 $0x1BF5;
	p2 =	por !p2, p0  }
0x20: {  	[sflag:s8] =	ssyncset.s32 @!p0 $0xFFFFF086;
	s6 =	sadd.s32 @!p0 s3, s7;
	s7 =	simm.s32 @!p0 $0x108  }
0x21: {  	s3 =	sadd.s32 s3, s9;
	s6 =	sadd.s32 @!p0 $0x88, s6;
	s7 =	simm.s32 @p2 $0x1082  }
0x22: {  	[simem:s7], [sflag:s8] =	dma.local @!p0 [hbm:s6], $0xF7A  }
0x23: {  	s9 =	sor.u32 $0xD0000000, s2;
	s6 =	simm.s32 $0x108;
	_ =	swait.ge @!p0 [sflag:s8], $0x0  }
0x24: {  	s3 =	sadd.s32 $0x88, s3;
	s6 =	simm.s32 @!p1 $0x1082;
	[sflag:s4] =	ssyncset.s32 $0xFFFFF086  }
0x25: {  	[simem:s6], [sflag:s4] =	dma.local [hbm:s3], $0xF7A  }
0x26: {  	[smem:$0x3F9A] =	sst s1;
	(tag) =	ssettag s2;
	_ =	strace s9  }
0x27: {  	s1 =	sld [smem:$0x3FAA]  }
0x28: {  	s2 =	sld [smem:$0x3FAB]  }
0x29: {  	s4 =	sld [smem:$0x3FAD]  }
0x2a: {  	p0 =	seq.s32 s5, $0x0;
	s5 =	sld [smem:$0x3FAE]  }
0x2b: {  	s6 =	sld [smem:$0x3FAF]  }
0x2c: {  	s7 =	sld [smem:$0x3FB0]  }
0x2d: {  	s3 =	simm.s32 $0x108;
	s8 =	sld [smem:$0x3FB1]  }
0x2e: {  	s3 =	simm.s32 @!p0 $0x1082;
	s9 =	sld [smem:$0x3FB2]  }
0x2f: {  	lr =	sadd.s32 s0, s3;
	s0 =	sld [smem:$0x3FA9]  }
0x30: {  	s3 =	sld [smem:$0x3FAC]  }
0x31: {  	[smem:$0x3FB5] =	sst s10  }
0x32: {  	s10 =	sld [smem:$0x3FB3];
	_ =	sdelay $0x3  }
0x33: {  	p0 =	seq.s32 s10, $0x1;
	s10 =	sld [smem:$0x3FB5];
	_ =	sdelay $0x3  }
0x34: {  	[smem:$0x3FB5] =	sst s10  }
0x35: {  	s10 =	sld [smem:$0x3FB4];
	_ =	sdelay $0x3  }
0x36: {  	p1 =	seq.s32 s10, $0x1;
	s10 =	sld [smem:$0x3FB5];
	_ =	sdelay $0x3  }
0x37: {  	[smem:$0x3FB5] =	sst s10  }
0x38: {  	s10 =	sld [smem:$0x3FB6]  }
0x39: {  	_ = 	snop;
	(pc) =	sbr.ind lr, $3  }
0x3a: {  	_ = 	snop  }
0x3b: {  	_ = 	snop  }
0x3c: {  	p2 =	seq.s32 s10, $0x1;
	s10 =	sld [smem:$0x3FB5]  }
0x3d: {  	_ =	shalt  }
0x3e: {  	_ =	shalt  }
0x3f: {  	_ =	shalt  }
0x40: {  	_ =	shalt  }
0x41: {  	_ =	shalt  }
0x42: {  	_ =	shalt  }
0x43: {  	_ =	shalt  }
0x44: {  	_ =	shalt  }
0x45: {  	_ =	shalt  }
0x46: {  	_ =	shalt  }
0x47: {  	_ =	shalt  }
0x48: {  	_ =	shalt  }
0x49: {  	_ =	shalt  }
0x4a: {  	_ =	shalt  }
0x4b: {  	_ =	shalt  }
0x4c: {  	_ =	shalt  }
0x4d: {  	_ =	shalt  }
0x4e: {  	_ =	shalt  }
0x4f: {  	_ =	shalt  }
0x50: {  	_ =	shalt  }
0x51: {  	_ =	shalt  }
0x52: {  	_ =	shalt  }
0x53: {  	_ =	shalt  }
0x54: {  	_ =	shalt  }
0x55: {  	_ =	shalt  }
0x56: {  	_ =	shalt  }
0x57: {  	_ =	shalt  }
0x58: {  	_ =	shalt  }
0x59: {  	_ =	shalt  }
0x5a: {  	_ =	shalt  }
0x5b: {  	_ =	shalt  }
0x5c: {  	_ =	shalt  }
0x5d: {  	_ =	shalt  }
0x5e: {  	_ =	shalt  }
0x5f: {  	_ =	shalt  }
0x60: {  	_ =	shalt  }
0x61: {  	_ =	shalt  }
0x62: {  	_ =	shalt  }
0x63: {  	_ =	shalt  }
0x64: {  	_ =	shalt  }
0x65: {  	_ =	shalt  }
0x66: {  	_ =	shalt  }
0x67: {  	_ =	shalt  }
0x68: {  	_ =	shalt  }
0x69: {  	_ =	shalt  }
0x6a: {  	_ =	shalt  }
0x6b: {  	_ =	shalt  }
0x6c: {  	_ =	shalt  }
0x6d: {  	_ =	shalt  }
0x6e: {  	_ =	shalt  }
0x6f: {  	_ =	shalt  }
0x70: {  	_ =	shalt  }
0x71: {  	_ =	shalt  }
0x72: {  	_ =	shalt  }
0x73: {  	_ =	shalt  }
0x74: {  	_ =	shalt  }
0x75: {  	_ =	shalt  }
0x76: {  	_ =	shalt  }
0x77: {  	_ =	shalt  }
0x78: {  	_ =	shalt  }
0x79: {  	_ =	shalt  }
0x7a: {  	_ =	shalt  }
0x7b: {  	_ =	shalt  }
0x7c: {  	_ =	shalt  }
0x7d: {  	_ =	shalt  }
0x7e: {  	_ =	shalt  }
0x7f: {  	_ =	shalt  }
0x80: {  	_ =	shalt  }
0x81: {  	_ =	shalt  }
0x82: {  	_ =	shalt  }
0x83: {  	_ =	shalt  }
0x84: {  	_ =	shalt  }
0x85: {  	_ =	shalt  }
0x86: {  	_ =	shalt  }
0x87: {  	_ =	shalt  }
.Lfunc_end0:
.L_simem_size_0:
called_computation.1_lowered:
.L_overlay_start_0:
0x88: {  	s2 =	sld [smem:$0x3FD9]  }
0x89: {  	s3 =	sld [smem:$0x3FFE];
	_ =	sdelay $0x1  }
0x8a: {  	s1 =	srdreg.scid  }
0x8b: {  	s0 =	sand.u32 $0x1, s1  }
0x8c: {  	s17 =	sshll.u32 s0, $0xA;
	s2 =	sadd.s32 s3, s2  }
0x8d: {  	s2 =	sadd.s32 s2, s17  }
0x8e: {  	[smem:$0x3FC1] =	sst s2  }
0x8f: {  	_ = 	snop  }
0x90: {  	s2 =	sld [smem:$0x3FC7];
	(tm) =	ssettm $0x1  }
0x91: {  	s18 =	sld [smem:$0x3FFB];
	_ =	sdelay $0x3  }
0x92: {  	_ =	strace s18  }
0x93: {  	s3 =	sld [smem:$0x3FFC];
	_ =	sdelay $0x3  }
0x94: {  	_ =	strace s3  }
0x95: {  	s3 =	sld [smem:$0x3FFD];
	_ =	sdelay $0x3  }
0x96: {  	_ =	strace s3  }
0x97: {  	_ =	strace $0x8FFFFFFF  }
0x98: {  	s19 =	sld [smem:$0x3FDB];
	_ =	sdelay $0x1  }
0x99: {  	s4 =	simm.s32 $_scs_section_size  }
0x9a: {  	s5 =	simm.s32 $_size__tile_overlayer_lowered;
	s6 =	simm.s32 $_tile_overlayer_lowered  }
0x9b: {  	s22 =	simm.s32 $0x1BFF;
	s21 =	sshll.u32 s6, $0x1;
	s3 =	sadd.s32 s4, s19  }
0x9c: {  	s7 =	simm.s32 $0x0;
	s20 =	sshll.u32 s5, $0x1;
	s5 =	sadd.s32 s21, s3  }
0x9d: {  	[timem:s7], [sflag:s22] =	dma.local [hbm:s5], s20  }
0x9e: {  	_ =	swait.ge [sflag:s22], s20  }
0x9f: {  	s4 =	ssub.s32 $0x0, s20;
	[sflag:s22] =	ssyncset.done $0x0  }
0xa0: {  	[sflag:s22] =	ssyncadd.s32 s4;
	_ =	sdelay $0x1  }
0xa1: {  	s23 =	simm.s32 $0x1B8B  }
0xa2: {  	_ =	swait.ge [sflag:s23], $0x1  }
0xa3: {  	[sflag:s23] =	ssyncset.done $0x0  }
0xa4: {  	s25 =	simm.s32 $0x1B8E;
	s24 =	sld [smem:$0x3FFE];
	[sflag:s23] =	ssyncadd.s32 $0xFFFFFFFF  }
0xa5: {  	s26 =	simm.s32 $execute0_lowered;
	[smem:$0x3FD2] =	sst s25  }
0xa6: {  	s5 =	sshll.u32 s26, $0x1;
	_ =	strace $0x80000049;
	[dreg:$0x1] =	wrdreg $0xFFFFFFFF  }
0xa7: {  	s28 =	simm.s32 $_size_execute0_lowered;
	s3 =	sadd.s32 s3, s5;
	[dreg:$0x0] =	wrdreg $0x0  }
0xa8: {  	s5 =	sshll.u32 s28, $0x1;
	[dreg:$0x2] =	wrdreg s3  }
0xa9: {  	[dreg:$0x3] =	wrdreg s5  }
0xaa: {  	[dreg:$0x4] =	wrdreg $0xC0  }
0xab: {  	_ =	task [dreg:s7], $0x5FFFF  }
0xac: {  	[dreg:$0x1] =	wrdreg $0xFFFFFFFF  }
0xad: {  	[dreg:$0x0] =	wrdreg $0x60  }
0xae: {  	[dreg:$0x2] =	wrdreg s24  }
0xaf: {  	[dreg:$0x3] =	wrdreg s2  }
0xb0: {  	[dreg:$0x4] =	wrdreg $0x9  }
0xb1: {  	_ =	task.clear_ibuf [dreg:s7], $0x5FFFF;
	_ =	strace $0x90000049  }
0xb2: {  	s29 =	simm.s32 $0x9;
	_ =	strace $0x8000004B  }
0xb3: {  	_ =	swait.ge [sflag:s29], $0x1  }
0xb4: {  	[sflag:s29] =	ssyncadd.s32 $0xFFFFFFFF  }
0xb5: {  	_ =	strace $0x9000004B  }
0xb6: {  	_ =	sfence  }
0xb7: {  	s30 =	sld [smem:$0x0];
	_ =	sdelay $0x2  }
0xb8: {  	s31 =	sshll.u32 s1, $0xD;
	s1 =	sshrl.u32 s1, $0x2  }
0xb9: {  	s3 =	sand.u32 $0x4000, s31;
	s1 =	sadd.s32 s1, s30  }
0xba: {  	s0 =	sor.u32 s3, s0;
	s1 =	sshll.u32 s1, $0x11  }
0xbb: {  	s0 =	sor.u32 s1, s0  }
0xbc: {  	s0 =	sadd.s32 $0x8F2B, s0  }
0xbd: {  	[sflag:s0] =	ssyncadd.remote.s32 $0x1  }
0xbe: {  	_ =	sfence.sel $0xFFFF  }
0xbf: {  	[dreg:$0x0] =	wrdreg $0xFFFFFFFF;
	(pc) =	sbr.abs _section_cstart, $3  }
0xc0: {  	[dreg:$0x1] =	wrdreg $0xFFFFFFFF  }
0xc1: {  	_ =	task.clear_ibuf [dreg:s7], $0x2FFFF;
	_ =	strace $0x9FFFFFFF  }
0xc2: {  	(tm) =	ssettm $0x7FFFFFFF  }
0xc3: {  	_ =	shalt  }
tec
execute0_lowered:
.L_overlay_start_1:
0x0: {  	(tag) =	ssettag $0x1  }
0x1: {  	s5 =	stileid.u32;
	s0 =	srdreg.scid  }
0x2: {  	s2 =	rddreg [dreg:$0x0];
	s1 =	sshll.u32 s5, $0x1;
	s5 =	sshrl.u32 s5, $0x1  }
0x3: {  	s4 =	rddreg [dreg:$0x1];
	s0 =	sand.u32 $0x1, s0;
	s7 =	smul.u32 $0x27800, s5  }
0x4: {  	s8 =	sadd.s32 $0x2400, s2;
	s1 =	sand.u32 $0x2, s1;
	s5 =	smul.u32 $0x9C40, s5  }
0x5: {  	s9 =	sadd.s32 $0xC200, s2;
	s1 =	sor.u32 s0, s1;
	s0 =	ssub.s32 $0x2, s0  }
0x6: {  	s3 =	smul.u32 $0x9E00, s1;
	s1 =	simm.s32 $0x0;
	s5 =	sshrl.u32 s5, $0x3  }
0x7: {  	s16 =	sshrl.u32 s0, $0x1;
	[smem:$0x7FF] =	sst s1;
	s17 =	sadd.s32 $0x1F4, s5  }
0x8: {  	s20 =	sadd.s32 $0x3E8, s5;
	s6 =	sshrl.u32 s3, $0x3;
	s18 =	sadd.s32 s8, s17  }
0x9: {  	s3 =	sadd.s32 s7, s3;
	s19 =	sadd.s32 s9, s17;
	[dreg:$0x3] =	wrdreg s18  }
0xa: {  	s7 =	ssub.s32 s0, s16;
	s0 =	sadd.s32 s4, s17;
	[dreg:$0x4] =	wrdreg s19  }
0xb: {  	s21 =	sadd.s32 s8, s20;
	[dreg:$0x5] =	wrdreg s0  }
0xc: {  	s22 =	sadd.s32 $0x5DC, s5;
	s10 =	sadd.s32 s9, s20;
	[dreg:$0x6] =	wrdreg s21  }
0xd: {  	s23 =	sadd.s32 s8, s22;
	[dreg:$0x7] =	wrdreg s10  }
0xe: {  	s25 =	sadd.s32 $0x7D0, s5;
	s24 =	sadd.s32 s9, s22;
	[dreg:$0x9] =	wrdreg s23  }
0xf: {  	s11 =	sadd.s32 $0x9C4, s5;
	s26 =	sadd.s32 s8, s25;
	[dreg:$0xa] =	wrdreg s24  }
0x10: {  	s13 =	sadd.s32 $0xBB8, s5;
	s12 =	sadd.s32 s8, s11;
	[dreg:$0xc] =	wrdreg s26  }
0x11: {  	s14 =	sadd.s32 s9, s11;
	s15 =	sadd.s32 s8, s13;
	[dreg:$0xf] =	wrdreg s12  }
0x12: {  	s16 =	sadd.s32 s9, s13;
	s17 =	sadd.s32 $0xDAC, s5;
	[dreg:$0x10] =	wrdreg s14  }
0x13: {  	s6 =	sadd.s32 s6, s2;
	s3 =	sshrl.u32 s3, $0x3;
	[dreg:$0x12] =	wrdreg s15  }
0x14: {  	s0 =	sadd.s32 s4, s22;
	s10 =	sadd.s32 s9, s25;
	[dreg:$0x13] =	wrdreg s16  }
0x15: {  	s18 =	sadd.s32 s8, s17;
	s19 =	sadd.s32 s9, s17;
	s22 =	sadd.s32 s4, s17  }
0x16: {  	s23 =	sadd.s32 s8, s5;
	s24 =	sadd.s32 s9, s5;
	s21 =	sadd.s32 $0x1194, s5  }
0x17: {  	s12 =	simm.s32 $0x1;
	s14 =	simm.s32 $0x2;
	[dreg:$0xb] =	wrdreg s0  }
0x18: {  	s15 =	simm.s32 $0x0;
	s3 =	sadd.s32 s3, s2;
	[dreg:$0xd] =	wrdreg s10  }
0x19: {  	s2 =	sadd.s32 s4, s20;
	s0 =	sadd.s32 s4, s25;
	[dreg:$0x15] =	wrdreg s18  }
0x1a: {  	[dreg:$0x16] =	wrdreg s19;
	s20 =	sadd.s32 $0xFA0, s5;
	s25 =	sadd.s32 s4, s5  }
0x1b: {  	s31 =	sadd.s32 s8, s21;
	s26 =	sadd.s32 s9, s21;
	[dreg:$0x8] =	wrdreg s2  }
0x1c: {  	s5 =	simm.s32 $0x13C00;
	s10 =	simm.s32 $0x16B20;
	[dreg:$0xe] =	wrdreg s0  }
0x1d: {  	s2 =	sadd.s32 s4, s11;
	s0 =	sadd.s32 s4, s13;
	s28 =	sadd.s32 s8, s20  }
0x1e: {  	s29 =	sadd.s32 s9, s20;
	s30 =	sadd.s32 s4, s20;
	s3 =	sadd.s32 $0x1B000, s3  }
0x1f: {  	s8 =	simm.s32 $0x3;
	s9 =	simm.s32 $0x14BA0;
	[dreg:$0x11] =	wrdreg s2  }
0x20: {  	s11 =	simm.s32 $0x18AA0;
	s13 =	simm.s32 $0x9E00;
	[dreg:$0x14] =	wrdreg s0  }
0x21: {  	s0 =	sadd.s32 s4, s21;
	s2 =	sadd.s32 $0x16000, s6;
	s4 =	smax.u32 s7, $0x1  }
0x22: {  	v0 =	vimm.f32 $0.0e+00;
	s6 =	simm.s32 $0x15B80;
	s7 =	simm.s32 $0x17B00;
	_ =	strace $0x8000004A  }
.LBB2_1:
0x23: {  	[tilespmem:s5], [sflag:$0x1] =	stream.linear.gather [hbm4b:s23+s1], $0xFA0, $0x38;
	[tilespmem:$0x19A80] =	vst v63  }
0x24: {  	_ = 	snop  }
0x25: {  	[tilespmem:s6], [sflag:$0x1] =	stream.linear.gather [hbm4b:s24+s1], $0xFA0, $0x38;
	[tilespmem:$0x19A80] =	vst v63  }
0x26: {  	_ = 	snop  }
0x27: {  	[tilespmem:s7], [sflag:$0x1] =	stream.linear.gather [hbm4b:s25+s1], $0xFA0, $0x38;
	[tilespmem:$0x19A80] =	vst v63  }
0x28: {  	_ = 	snop  }
0x29: {  	[tilespmem:s1], [sflag:$0x3] =	stream.linear.gather [hbm4b:s2+s1], $0x9E00, $0x38;
	[tilespmem:$0x19A80] =	vst v63  }
0x2a: {  	_ =	swait.ge [sflag:s8], $0x9E00  }
0x2b: {  	[sflag:s8] =	ssyncset.done $0x0  }
0x2c: {  	s16 =	simm.s32 $0x9F00;
	[sflag:s8] =	ssyncadd.s32 $0xFFFF6200  }
0x2d: {  	[tilespmem:s16+$0xFFFFFF00] =	vst v0  }
0x2e: {  	[tilespmem:s16+$0xF0] =	vst v0  }
0x2f: {  	[tilespmem:s16+$0x70] =	vst v0  }
0x30: {  	[tilespmem:s16+$0xFFFFFFF0] =	vst v0  }
0x31: {  	[tilespmem:s16+$0xFFFFFF70] =	vst v0  }
0x32: {  	[tilespmem:s16+$0xE0] =	vst v0  }
0x33: {  	[tilespmem:s16+$0x60] =	vst v0  }
0x34: {  	[tilespmem:s16+$0xFFFFFFE0] =	vst v0  }
0x35: {  	[tilespmem:s16+$0xFFFFFF60] =	vst v0  }
0x36: {  	[tilespmem:s16+$0xD0] =	vst v0  }
0x37: {  	[tilespmem:s16+$0x50] =	vst v0  }
0x38: {  	[tilespmem:s16+$0xFFFFFFD0] =	vst v0  }
0x39: {  	[tilespmem:s16+$0xFFFFFF50] =	vst v0  }
0x3a: {  	[tilespmem:s16+$0xC0] =	vst v0  }
0x3b: {  	[tilespmem:s16+$0x40] =	vst v0  }
0x3c: {  	[tilespmem:s16+$0xFFFFFFC0] =	vst v0  }
0x3d: {  	[tilespmem:s16+$0xFFFFFF40] =	vst v0  }
0x3e: {  	[tilespmem:s16+$0xB0] =	vst v0  }
0x3f: {  	[tilespmem:s16+$0x30] =	vst v0  }
0x40: {  	[tilespmem:s16+$0xFFFFFFB0] =	vst v0  }
0x41: {  	[tilespmem:s16+$0xFFFFFF30] =	vst v0  }
0x42: {  	[tilespmem:s16+$0xA0] =	vst v0  }
0x43: {  	[tilespmem:s16+$0x20] =	vst v0  }
0x44: {  	[tilespmem:s16+$0xFFFFFFA0] =	vst v0  }
0x45: {  	[tilespmem:s16+$0xFFFFFF20] =	vst v0  }
0x46: {  	[tilespmem:s16+$0x90] =	vst v0  }
0x47: {  	[tilespmem:s16+$0x10] =	vst v0  }
0x48: {  	[tilespmem:s16+$0xFFFFFF90] =	vst v0  }
0x49: {  	[tilespmem:s16+$0xFFFFFF10] =	vst v0  }
0x4a: {  	[tilespmem:s16+$0x80] =	vst v0  }
0x4b: {  	s17 =	simm.s32 $0x0;
	[tilespmem:s16+$0x0] =	vst v0  }
.LBB2_2:
0x4c: {  	s17 =	sadd.s32 $0x8, s17;
	[tilespmem:s16+$0xFFFFFF80] =	vst v0;
	s16 =	sadd.s32 $0x200, s16  }
0x4d: {  	[tilespmem:s16+$0xFFFFFF00] =	vst v0;
	p0 =	slt.u32 s17, $0x268  }
0x4e: {  	[tilespmem:s16+$0xF0] =	vst v0  }
0x4f: {  	[tilespmem:s16+$0x70] =	vst v0  }
0x50: {  	[tilespmem:s16+$0xFFFFFFF0] =	vst v0  }
0x51: {  	[tilespmem:s16+$0xFFFFFF70] =	vst v0  }
0x52: {  	[tilespmem:s16+$0xE0] =	vst v0  }
0x53: {  	[tilespmem:s16+$0x60] =	vst v0  }
0x54: {  	[tilespmem:s16+$0xFFFFFFE0] =	vst v0  }
0x55: {  	[tilespmem:s16+$0xFFFFFF60] =	vst v0  }
0x56: {  	[tilespmem:s16+$0xD0] =	vst v0  }
0x57: {  	[tilespmem:s16+$0x50] =	vst v0  }
0x58: {  	[tilespmem:s16+$0xFFFFFFD0] =	vst v0  }
0x59: {  	[tilespmem:s16+$0xFFFFFF50] =	vst v0  }
0x5a: {  	[tilespmem:s16+$0xC0] =	vst v0  }
0x5b: {  	[tilespmem:s16+$0x40] =	vst v0  }
0x5c: {  	[tilespmem:s16+$0xFFFFFFC0] =	vst v0  }
0x5d: {  	[tilespmem:s16+$0xFFFFFF40] =	vst v0  }
0x5e: {  	[tilespmem:s16+$0xB0] =	vst v0  }
0x5f: {  	[tilespmem:s16+$0x30] =	vst v0  }
0x60: {  	[tilespmem:s16+$0xFFFFFFB0] =	vst v0  }
0x61: {  	[tilespmem:s16+$0xFFFFFF30] =	vst v0  }
0x62: {  	[tilespmem:s16+$0xA0] =	vst v0  }
0x63: {  	[tilespmem:s16+$0x20] =	vst v0  }
0x64: {  	[tilespmem:s16+$0xFFFFFFA0] =	vst v0  }
0x65: {  	[tilespmem:s16+$0xFFFFFF20] =	vst v0  }
0x66: {  	[tilespmem:s16+$0x90] =	vst v0  }
.Ltmp0:
0x67: {  	[tilespmem:s16+$0x10] =	vst v0;
	(pc) =	sbr.rel @p0 .LBB2_2-.Ltmp0, $4  }
0x68: {  	[tilespmem:s16+$0xFFFFFF90] =	vst v0  }
0x69: {  	[tilespmem:s16+$0xFFFFFF10] =	vst v0  }
0x6a: {  	[tilespmem:s16+$0x80] =	vst v0  }
0x6b: {  	[tilespmem:s16+$0x0] =	vst v0  }
0x6c: {  	[tilespmem:s16+$0xFFFFFF80] =	vst v0  }
0x6d: {  	[tilespmem:$0x13A00] =	vst v0  }
0x6e: {  	[tilespmem:$0x13A80] =	vst v0  }
0x6f: {  	[tilespmem:$0x13B00] =	vst v0  }
0x70: {  	[tilespmem:$0x13B80] =	vst v0;
	s16 =	rddreg [dreg:$0x3]  }
0x71: {  	[tilespmem:s9], [sflag:$0x2] =	stream.linear.gather [hbm4b:s16+s1], $0xFA0, $0x38;
	[tilespmem:$0x19A80] =	vst v63  }
0x72: {  	s19 =	rddreg [dreg:$0x4]  }
0x73: {  	[tilespmem:s10], [sflag:$0x2] =	stream.linear.gather [hbm4b:s19+s1], $0xFA0, $0x38;
	[tilespmem:$0x19A80] =	vst v63  }
0x74: {  	s20 =	rddreg [dreg:$0x5]  }
0x75: {  	[tilespmem:s11], [sflag:$0x2] =	stream.linear.gather [hbm4b:s20+s1], $0xFA0, $0x38;
	[tilespmem:$0x19A80] =	vst v63  }
0x76: {  	_ =	swait.ge [sflag:s12], $0xFA0  }
0x77: {  	[sflag:s12] =	ssyncset.done $0x0  }
0x78: {  	[sflag:s12] =	ssyncadd.s32 $0xFFFFF060  }
0x79: {  	_ =	swait.ge [sflag:s12], $0xFA0  }
0x7a: {  	[sflag:s12] =	ssyncset.done $0x0  }
0x7b: {  	[sflag:s12] =	ssyncadd.s32 $0xFFFFF060  }
0x7c: {  	_ =	swait.ge [sflag:s12], $0xFA0  }
0x7d: {  	[sflag:s12] =	ssyncset.done $0x0  }
0x7e: {  	s21 =	simm.s32 $0x13C20;
	[sflag:s12] =	ssyncadd.s32 $0xFFFFF060  }
0x7f: {  	v1 =	vld [tilespmem:s21+$0x10];
	_ =	sdelay $0x2  }
0x80: {  	v2 =	vld [tilespmem:s21+$0xFFFFFFF0]  }
0x81: {  	v3 =	vld [tilespmem:s21+$0xFFFFFFE0]  }
0x82: {  	s17 =	simm.s32 $0x15BA0;
	v4 =	vshll.u32 v1, $0x2  }
0x83: {  	v6 =	vld [tilespmem:s17+$0x10];
	v1 =	vand.u32 $0x7F, v1;
	v4 =	vand.u32 $0xFFFFFE00, v4  }
0x84: {  	v7 =	vld [tilespmem:s21+$0x0];
	v5 =	vor.u32 v1, v4  }
0x85: {  	v1 =	vshll.u32 v2, $0x2  }
0x86: {  	v8 =	vld [tilespmem:s17+$0xFFFFFFE0];
	v2 =	vand.u32 $0x7F, v2;
	v4 =	vshll.u32 v3, $0x2;
	v1 =	vand.u32 $0xFFFFFE00, v1  }
0x87: {  	s18 =	simm.s32 $0x17B20;
	v10 =	vld [tilespmem:s17+$0xFFFFFFF0];
	v3 =	vand.u32 $0x7F, v3;
	v9 =	vor.u32 v2, v1;
	v1 =	vand.u32 $0xFFFFFE00, v4  }
0x88: {  	s16 =	simm.s32 $0x0;
	v4 =	vld [tilespmem:s18+$0x10];
	v11 =	vor.u32 v3, v1;
	v1 =	vshll.u32 v6, $0x2  }
0x89: {  	v2 =	vand.u32 $0x7F, v6;
	v6 =	vshll.u32 v7, $0x2;
	v1 =	vand.u32 $0xFFFFFE00, v1;
	v3 =	vld.idx.msk [tilespmem:v5+s16+$0x0], $0xffff  }
0x8a: {  	v12 =	vld [tilespmem:s17+$0x0];
	v7 =	vand.u32 $0x7F, v7;
	v15 =	vor.u32 v2, v1;
	v1 =	vand.u32 $0xFFFFFE00, v6  }
0x8b: {  	v2 =	vshll.u32 v8, $0x2;
	v7 =	vor.u32 v7, v1;
	v1 =	vld [tilespmem:s18+$0xFFFFFFE0]  }
0x8c: {  	v14 =	vor.u32 $0x80, v5;
	v16 =	vand.u32 $0xFFFFFE00, v2;
	v2 =	vld [tilespmem:s18+$0xFFFFFFF0]  }
0x8d: {  	v6 =	vld.idx.msk [tilespmem:v11+s16+$0x0], $0xffff  }
0x8e: {  	v17 =	vshll.u32 v10, $0x2;
	v8 =	vand.u32 $0x7F, v8;
	v13 =	vld.idx.msk [tilespmem:v9+s16+$0x0], $0xffff;
	v3 =	vmul.f32 v3, v4  }
0x8f: {  	v10 =	vand.u32 $0x7F, v10;
	v17 =	vand.u32 $0xFFFFFE00, v17;
	v8 =	vor.u32 v8, v16  }
0x90: {  	v16 =	vor.u32 v10, v17;
	[tilespmem:v15+s13+$0x0] =	vst.idx.add.f32.msk $0xffff, v3  }
0x91: {  	v10 =	vor.u32 $0x80, v11;
	v14 =	vld.idx.msk [tilespmem:v14+s16+$0x0], $0xffff  }
0x92: {  	v17 =	vor.u32 $0x80, v9;
	v18 =	vld.idx.msk [tilespmem:v7+s16+$0x0], $0xffff;
	v6 =	vmul.f32 v6, v1  }
0x93: {  	v19 =	vshll.u32 v12, $0x2;
	v20 =	vor.u32 $0x80, v15;
	v3 =	vld [tilespmem:s18+$0x0];
	v13 =	vmul.f32 v13, v2  }
0x94: {  	v12 =	vand.u32 $0x7F, v12;
	v19 =	vand.u32 $0xFFFFFE00, v19;
	[tilespmem:v8+s13+$0x0] =	vst.idx.add.f32.msk $0xffff, v6;
	v6 =	vor.u32 $0x100, v5  }
0x95: {  	v19 =	vor.u32 v12, v19;
	[tilespmem:v16+s13+$0x0] =	vst.idx.add.f32.msk $0xffff, v13  }
0x96: {  	v12 =	vor.u32 $0x80, v7;
	v10 =	vld.idx.msk [tilespmem:v10+s16+$0x0], $0xffff;
	v13 =	vmul.f32 v14, v4  }
0x97: {  	v14 =	vld.idx.msk [tilespmem:v17+s16+$0x0], $0xffff  }
0x98: {  	v18 =	vmul.f32 v18, v3;
	v17 =	vor.u32 $0x80, v8;
	[tilespmem:v20+s13+$0x0] =	vst.idx.add.f32.msk $0xffff, v13  }
0x99: {  	v13 =	vor.u32 $0x80, v16;
	v6 =	vld.idx.msk [tilespmem:v6+s16+$0x0], $0xffff  }
0x9a: {  	[tilespmem:v19+s13+$0x0] =	vst.idx.add.f32.msk $0xffff, v18;
	v20 =	vor.u32 $0x100, v11  }
0x9b: {  	v18 =	vor.u32 $0x100, v15;
	v12 =	vld.idx.msk [tilespmem:v12+s16+$0x0], $0xffff;
	v10 =	vmul.f32 v10, v1  }
0x9c: {  	v21 =	vor.u32 $0x180, v5;
	v14 =	vmul.f32 v14, v2  }
0x9d: {  	v22 =	vor.u32 $0x80, v19;
	[tilespmem:v17+s13+$0x0] =	vst.idx.add.f32.msk $0xffff, v10  }
0x9e: {  	v17 =	vor.u32 $0x100, v9;
	[tilespmem:v13+s13+$0x0] =	vst.idx.add.f32.msk $0xffff, v14;
	v5 =	vmul.f32 v6, v4  }
0x9f: {  	v23 =	vor.u32 $0x100, v7;
	v20 =	vld.idx.msk [tilespmem:v20+s16+$0x0], $0xffff  }
0xa0: {  	v10 =	vmul.f32 v12, v3;
	[tilespmem:v18+s13+$0x0] =	vst.idx.add.f32.msk $0xffff, v5  }
0xa1: {  	v15 =	vor.u32 $0x180, v15;
	v12 =	vor.u32 $0x100, v8;
	v14 =	vld.idx.msk [tilespmem:v21+s16+$0x0], $0xffff  }
0xa2: {  	v13 =	vor.u32 $0x100, v16;
	v8 =	vor.u32 $0x180, v8;
	v6 =	vor.u32 $0x180, v9;
	[tilespmem:v22+s13+$0x0] =	vst.idx.add.f32.msk $0xffff, v10  }
0xa3: {  	v9 =	vor.u32 $0x180, v19;
	v10 =	vor.u32 $0x180, v7;
	v7 =	vor.u32 $0x180, v16;
	v16 =	vld.idx.msk [tilespmem:v17+s16+$0x0], $0xffff  }
0xa4: {  	s19 =	simm.s32 $0x0;
	s20 =	simm.s32 $0x0;
	s21 =	simm.s32 $0x13C60;
	v5 =	vor.u32 $0x180, v11;
	v11 =	vor.u32 $0x100, v19;
	v17 =	vld.idx.msk [tilespmem:v23+s16+$0x0], $0xffff;
	v18 =	vmul.f32 v20, v1  }
.LBB2_4:
0xa5: {  	v19 =	vld [tilespmem:s21+$0x10];
	s20 =	sadd.s32 $0x4, s20  }
0xa6: {  	v4 =	vmul.f32 v14, v4;
	v20 =	vld [tilespmem:s21+$0xFFFFFFF0];
	p0 =	slt.u32 s20, $0xF4  }
0xa7: {  	v14 =	vld [tilespmem:s21+$0x0]  }
0xa8: {  	v16 =	vmul.f32 v16, v2;
	[tilespmem:v15+s13+$0x0] =	vst.idx.add.f32.msk $0xffff, v4  }
0xa9: {  	v15 =	vmul.f32 v17, v3;
	v4 =	vld [tilespmem:s21+$0xFFFFFFE0]  }
0xaa: {  	v17 =	vshll.u32 v19, $0x2;
	[tilespmem:v12+s13+$0x0] =	vst.idx.add.f32.msk $0xffff, v18  }
0xab: {  	v18 =	vand.u32 $0x7F, v19;
	v12 =	vshll.u32 v20, $0x2;
	v17 =	vand.u32 $0xFFFFFE00, v17;
	[tilespmem:v13+s13+$0x0] =	vst.idx.add.f32.msk $0xffff, v16  }
0xac: {  	s17 =	sadd.s32 $0x40, s17;
	v12 =	vand.u32 $0xFFFFFE00, v12;
	v13 =	vshll.u32 v14, $0x2;
	v16 =	vor.u32 v18, v17;
	[tilespmem:v11+s13+$0x0] =	vst.idx.add.f32.msk $0xffff, v15  }
0xad: {  	v11 =	vand.u32 $0x7F, v20;
	v14 =	vand.u32 $0x7F, v14;
	v13 =	vand.u32 $0xFFFFFE00, v13;
	v15 =	vld [tilespmem:s17+$0x10]  }
0xae: {  	v11 =	vor.u32 v11, v12;
	v17 =	vld [tilespmem:s17+$0xFFFFFFE0];
	v18 =	vand.u32 $0x7F, v4;
	v4 =	vshll.u32 v4, $0x2  }
0xaf: {  	v19 =	vor.u32 $0x80, v11;
	v14 =	vor.u32 v14, v13;
	v4 =	vand.u32 $0xFFFFFE00, v4;
	v12 =	vld [tilespmem:s17+$0xFFFFFFF0]  }
0xb0: {  	v21 =	vor.u32 $0x80, v14;
	v13 =	vor.u32 v18, v4;
	v18 =	vor.u32 $0x100, v11;
	v20 =	vld [tilespmem:s17+$0x0]  }
0xb1: {  	s18 =	sadd.s32 $0x40, s18;
	v24 =	vor.u32 $0x100, v14;
	v22 =	vor.u32 $0x80, v13;
	v23 =	vor.u32 $0x100, v13;
	v25 =	vld.idx.msk [tilespmem:v16+s16+$0x0], $0xffff  }
0xb2: {  	v27 =	vor.u32 $0x180, v11;
	v26 =	vor.u32 $0x180, v13;
	v4 =	vld [tilespmem:s18+$0x10];
	v28 =	vshll.u32 v15, $0x2  }
0xb3: {  	v29 =	vshll.u32 v17, $0x2;
	v30 =	vld.idx.msk [tilespmem:v11+s16+$0x0], $0xffff;
	v11 =	vand.u32 $0x7F, v15;
	v15 =	vand.u32 $0xFFFFFE00, v28  }
0xb4: {  	v28 =	vand.u32 $0xFFFFFE00, v29;
	v29 =	vshll.u32 v12, $0x2;
	v31 =	vld.idx.msk [tilespmem:v14+s16+$0x0], $0xffff;
	v15 =	vor.u32 v11, v15  }
0xb5: {  	v32 =	vld.idx.msk [tilespmem:v13+s16+$0x0], $0xffff;
	v11 =	vand.u32 $0xFFFFFE00, v29;
	v13 =	vshll.u32 v20, $0x2;
	v29 =	vor.u32 $0x80, v16  }
0xb6: {  	v17 =	vand.u32 $0x7F, v17;
	v12 =	vand.u32 $0x7F, v12;
	v33 =	vld [tilespmem:s18+$0xFFFFFFE0];
	v13 =	vand.u32 $0xFFFFFE00, v13  }
0xb7: {  	v17 =	vor.u32 v17, v28;
	v20 =	vand.u32 $0x7F, v20;
	v28 =	vld [tilespmem:s18+$0xFFFFFFF0];
	v25 =	vmul.f32 v25, v4  }
0xb8: {  	v34 =	vor.u32 $0x80, v17;
	v35 =	vor.u32 v12, v11;
	v20 =	vor.u32 v20, v13;
	v36 =	vld [tilespmem:s18+$0x0]  }
0xb9: {  	v12 =	vor.u32 $0x100, v17;
	v37 =	vor.u32 $0x80, v35;
	v38 =	vor.u32 $0x80, v20;
	[tilespmem:v15+s13+$0x0] =	vst.idx.add.f32.msk $0xffff, v25  }
0xba: {  	v14 =	vor.u32 $0x180, v14;
	v13 =	vor.u32 $0x100, v35;
	v11 =	vor.u32 $0x100, v20;
	v25 =	vld.idx.msk [tilespmem:v29+s16+$0x0], $0xffff  }
0xbb: {  	v39 =	vor.u32 $0x180, v35;
	v29 =	vmul.f32 v32, v33;
	v32 =	vor.u32 $0x180, v17;
	v40 =	vld.idx.msk [tilespmem:v5+s19+$0x0], $0xffff;
	v5 =	vmovc v26  }
0xbc: {  	v26 =	vmul.f32 v30, v28;
	v30 =	vor.u32 $0x180, v20;
	v41 =	vld.idx.msk [tilespmem:v6+s19+$0x0], $0xffff;
	v6 =	vmov v27  }
0xbd: {  	v27 =	vor.u32 $0x80, v15;
	[tilespmem:v17+s13+$0x0] =	vst.idx.add.f32.msk $0xffff, v29;
	v17 =	vmul.f32 v31, v36  }
0xbe: {  	[tilespmem:v35+s13+$0x0] =	vst.idx.add.f32.msk $0xffff, v26;
	v26 =	vor.u32 $0x100, v16  }
0xbf: {  	[tilespmem:v20+s13+$0x0] =	vst.idx.add.f32.msk $0xffff, v17  }
0xc0: {  	v20 =	vmul.f32 v25, v4;
	v17 =	vld.idx.msk [tilespmem:v22+s16+$0x0], $0xffff  }
0xc1: {  	v22 =	vmul.f32 v40, v1;
	v1 =	vmov v33;
	v19 =	vld.idx.msk [tilespmem:v19+s16+$0x0], $0xffff  }
0xc2: {  	[tilespmem:v27+s13+$0x0] =	vst.idx.add.f32.msk $0xffff, v20;
	v20 =	vmul.f32 v41, v2;
	v2 =	vmov v28  }
0xc3: {  	v25 =	vld.idx.msk [tilespmem:v26+s16+$0x0], $0xffff  }
0xc4: {  	v21 =	vld.idx.msk [tilespmem:v21+s16+$0x0], $0xffff  }
0xc5: {  	v26 =	vld.idx.msk [tilespmem:v10+s19+$0x0], $0xffff;
	v10 =	vmov v14;
	s19 =	smov.u32 s16  }
0xc6: {  	v14 =	vmul.f32 v17, v1;
	v17 =	vor.u32 $0x100, v15;
	[tilespmem:v8+s13+$0x0] =	vst.idx.add.f32.msk $0xffff, v22;
	v8 =	vmov v32  }
0xc7: {  	v16 =	vor.u32 $0x180, v16;
	v19 =	vmul.f32 v19, v2;
	[tilespmem:v7+s13+$0x0] =	vst.idx.add.f32.msk $0xffff, v20;
	v7 =	vmov v39  }
0xc8: {  	[tilespmem:v34+s13+$0x0] =	vst.idx.add.f32.msk $0xffff, v14  }
0xc9: {  	v14 =	vmul.f32 v25, v4;
	[tilespmem:v37+s13+$0x0] =	vst.idx.add.f32.msk $0xffff, v19  }
0xca: {  	v20 =	vmul.f32 v21, v36;
	v19 =	vld.idx.msk [tilespmem:v23+s19+$0x0], $0xffff  }
0xcb: {  	v21 =	vmul.f32 v26, v3;
	v3 =	vmov v36;
	[tilespmem:v17+s13+$0x0] =	vst.idx.add.f32.msk $0xffff, v14  }
.Ltmp1:
0xcc: {  	v14 =	vld.idx.msk [tilespmem:v16+s19+$0x0], $0xffff;
	(pc) =	sbr.rel @p0 .LBB2_4-.Ltmp1, $4  }
0xcd: {  	[tilespmem:v38+s13+$0x0] =	vst.idx.add.f32.msk $0xffff, v20  }
0xce: {  	v16 =	vld.idx.msk [tilespmem:v18+s19+$0x0], $0xffff  }
0xcf: {  	v15 =	vor.u32 $0x180, v15;
	v17 =	vld.idx.msk [tilespmem:v24+s19+$0x0], $0xffff  }
0xd0: {  	s21 =	sadd.s32 $0x40, s21;
	v18 =	vmul.f32 v19, v1;
	[tilespmem:v9+s13+$0x0] =	vst.idx.add.f32.msk $0xffff, v21;
	v9 =	vmov v30  }
0xd1: {  	_ =	sdelay $0x3  }
0xd2: {  	[tilespmem:v12+s13+$0x0] =	vst.idx.add.f32.msk $0xffff, v18;
	v16 =	vmul.f32 v16, v2  }
0xd3: {  	v5 =	vld.idx.msk [tilespmem:v5+s19+$0x0], $0xffff;
	v17 =	vmul.f32 v17, v3  }
0xd4: {  	[tilespmem:v13+s13+$0x0] =	vst.idx.add.f32.msk $0xffff, v16  }
0xd5: {  	[tilespmem:v11+s13+$0x0] =	vst.idx.add.f32.msk $0xffff, v17  }
0xd6: {  	v6 =	vld.idx.msk [tilespmem:v6+s19+$0x0], $0xffff  }
0xd7: {  	v10 =	vld.idx.msk [tilespmem:v10+s19+$0x0], $0xffff;
	_ =	sdelay $0x1  }
0xd8: {  	v4 =	vmul.f32 v14, v4  }
0xd9: {  	v1 =	vmul.f32 v5, v1  }
0xda: {  	[tilespmem:v15+s13+$0x0] =	vst.idx.add.f32.msk $0xffff, v4;
	v2 =	vmul.f32 v6, v2  }
0xdb: {  	[tilespmem:v8+s13+$0x0] =	vst.idx.add.f32.msk $0xffff, v1;
	v1 =	vmul.f32 v10, v3  }
0xdc: {  	[tilespmem:v7+s13+$0x0] =	vst.idx.add.f32.msk $0xffff, v2  }
0xdd: {  	[tilespmem:v9+s13+$0x0] =	vst.idx.add.f32.msk $0xffff, v1  }
.LBB2_6:
0xde: {  	s17 =	sshra.s32 s16, $0x2  }
0xdf: {  	v1 =	vld [tilespmem:s17+$0x14B80];
	_ =	sdelay $0x4  }
0xe0: {  	v2 =	vshll.u32 v1, $0x2  }
0xe1: {  	v1 =	vand.u32 $0x7F, v1;
	v2 =	vand.u32 $0xFFFFFE00, v2  }
0xe2: {  	v3 =	vld [tilespmem:s17+$0x16B00];
	v1 =	vor.u32 v1, v2;
	_ =	sdelay $0x3  }
0xe3: {  	v2 =	vld [tilespmem:s17+$0x18A80]  }
0xe4: {  	v5 =	vshll.u32 v3, $0x2;
	v4 =	vld.idx.msk [tilespmem:v1+s1+$0x0], $0xffff  }
0xe5: {  	v3 =	vand.u32 $0x7F, v3;
	v5 =	vand.u32 $0xFFFFFE00, v5  }
0xe6: {  	v3 =	vor.u32 v3, v5  }
0xe7: {  	v61 =	vor.u32 $0x80, v1;
	_ =	sdelay $0x1  }
0xe8: {  	v4 =	vmul.f32 v4, v2;
	_ =	sdelay $0x1  }
0xe9: {  	[tilespmem:v3+s13+$0x0] =	vst.idx.add.f32.msk $0xffff, v4  }
0xea: {  	v4 =	vld.idx.msk [tilespmem:v61+s1+$0x0], $0xffff;
	_ =	sdelay $0x1  }
0xeb: {  	v62 =	vor.u32 $0x80, v3  }
0xec: {  	v6 =	vor.u32 $0x100, v1;
	_ =	sdelay $0x1  }
0xed: {  	v4 =	vmul.f32 v4, v2;
	_ =	sdelay $0x1  }
0xee: {  	[tilespmem:v62+s13+$0x0] =	vst.idx.add.f32.msk $0xffff, v4  }
0xef: {  	v4 =	vld.idx.msk [tilespmem:v6+s1+$0x0], $0xffff;
	_ =	sdelay $0x1  }
0xf0: {  	v63 =	vor.u32 $0x100, v3  }
0xf1: {  	v1 =	vor.u32 $0x180, v1;
	_ =	sdelay $0x1  }
0xf2: {  	v4 =	vmul.f32 v4, v2;
	_ =	sdelay $0x1  }
0xf3: {  	[tilespmem:v63+s13+$0x0] =	vst.idx.add.f32.msk $0xffff, v4  }
0xf4: {  	v1 =	vld.idx.msk [tilespmem:v1+s1+$0x0], $0xffff;
	_ =	sdelay $0x1  }
0xf5: {  	p0 =	sne.s32 s16, $0x40;
	v3 =	vor.u32 $0x180, v3  }
.Ltmp2:
0xf6: {  	_ = 	snop;
	(pc) =	sbr.rel @p0 .LBB2_6-.Ltmp2, $3  }
0xf7: {  	_ = 	snop  }
0xf8: {  	v1 =	vmul.f32 v1, v2;
	_ =	sdelay $0x1  }
0xf9: {  	s16 =	sadd.s32 $0x40, s16;
	[tilespmem:v3+s13+$0x0] =	vst.idx.add.f32.msk $0xffff, v1  }
0xfa: {  	s16 =	rddreg [dreg:$0x6]  }
0xfb: {  	[tilespmem:s5], [sflag:$0x1] =	stream.linear.gather [hbm4b:s16+s1], $0xFA0, $0x38;
	[tilespmem:$0x19A80] =	vst v63  }
0xfc: {  	s19 =	rddreg [dreg:$0x7]  }
0xfd: {  	[tilespmem:s6], [sflag:$0x1] =	stream.linear.gather [hbm4b:s19+s1], $0xFA0, $0x38;
	[tilespmem:$0x19A80] =	vst v63  }
0xfe: {  	s20 =	rddreg [dreg:$0x8]  }
0xff: {  	[tilespmem:s7], [sflag:$0x1] =	stream.linear.gather [hbm4b:s20+s1], $0xFA0, $0x38;
	[tilespmem:$0x19A80] =	vst v63  }
0x100: {  	_ =	swait.ge [sflag:s14], $0xFA0  }
0x101: {  	[sflag:s14] =	ssyncset.done $0x0  }
0x102: {  	[sflag:s14] =	ssyncadd.s32 $0xFFFFF060  }
0x103: {  	_ =	swait.ge [sflag:s14], $0xFA0  }
0x104: {  	[sflag:s14] =	ssyncset.done $0x0  }
0x105: {  	[sflag:s14] =	ssyncadd.s32 $0xFFFFF060  }
0x106: {  	_ =	swait.ge [sflag:s14], $0xFA0  }
0x107: {  	[sflag:s14] =	ssyncset.done $0x0  }
0x108: {  	s21 =	simm.s32 $0x14BD0;
	[sflag:s14] =	ssyncadd.s32 $0xFFFFF060  }
0x109: {  	v1 =	vld [tilespmem:s21+$0x0];
	_ =	sdelay $0x2  }
0x10a: {  	v2 =	vld [tilespmem:s21+$0xFFFFFFE0]  }
0x10b: {  	v3 =	vld [tilespmem:s21+$0xFFFFFFD0]  }
0x10c: {  	s17 =	simm.s32 $0x16B50;
	v4 =	vshll.u32 v1, $0x2  }
0x10d: {  	v6 =	vld [tilespmem:s17+$0x0];
	v1 =	vand.u32 $0x7F, v1;
	v4 =	vand.u32 $0xFFFFFE00, v4  }
0x10e: {  	v7 =	vld [tilespmem:s21+$0xFFFFFFF0];
	v5 =	vor.u32 v1, v4  }
0x10f: {  	v1 =	vshll.u32 v2, $0x2  }
0x110: {  	v8 =	vld [tilespmem:s17+$0xFFFFFFD0];
	v2 =	vand.u32 $0x7F, v2;
	v4 =	vshll.u32 v3, $0x2;
	v1 =	vand.u32 $0xFFFFFE00, v1  }
0x111: {  	s18 =	simm.s32 $0x18AD0;
	v10 =	vld [tilespmem:s17+$0xFFFFFFE0];
	v3 =	vand.u32 $0x7F, v3;
	v9 =	vor.u32 v2, v1;
	v1 =	vand.u32 $0xFFFFFE00, v4  }
0x112: {  	s16 =	simm.s32 $0x0;
	v4 =	vld [tilespmem:s18+$0x0];
	v11 =	vor.u32 v3, v1;
	v1 =	vshll.u32 v6, $0x2  }
0x113: {  	v2 =	vand.u32 $0x7F, v6;
	v6 =	vshll.u32 v7, $0x2;
	v1 =	vand.u32 $0xFFFFFE00, v1;
	v3 =	vld.idx.msk [tilespmem:v5+s16+$0x0], $0xffff  }
0x114: {  	v12 =	vld [tilespmem:s17+$0xFFFFFFF0];
	v7 =	vand.u32 $0x7F, v7;
	v15 =	vor.u32 v2, v1;
	v1 =	vand.u32 $0xFFFFFE00, v6  }
0x115: {  	v2 =	vshll.u32 v8, $0x2;
	v7 =	vor.u32 v7, v1;
	v1 =	vld [tilespmem:s18+$0xFFFFFFD0]  }
0x116: {  	v14 =	vor.u32 $0x80, v5;
	v16 =	vand.u32 $0xFFFFFE00, v2;
	v2 =	vld [tilespmem:s18+$0xFFFFFFE0]  }
0x117: {  	v6 =	vld.idx.msk [tilespmem:v11+s16+$0x0], $0xffff  }
0x118: {  	v17 =	vshll.u32 v10, $0x2;
	v8 =	vand.u32 $0x7F, v8;
	v13 =	vld.idx.msk [tilespmem:v9+s16+$0x0], $0xffff;
	v3 =	vmul.f32 v3, v4  }
0x119: {  	v10 =	vand.u32 $0x7F, v10;
	v17 =	vand.u32 $0xFFFFFE00, v17;
	v8 =	vor.u32 v8, v16  }
0x11a: {  	v16 =	vor.u32 v10, v17;
	[tilespmem:v15+s13+$0x0] =	vst.idx.add.f32.msk $0xffff, v3  }
0x11b: {  	v10 =	vor.u32 $0x80, v11;
	v14 =	vld.idx.msk [tilespmem:v14+s16+$0x0], $0xffff  }
0x11c: {  	v17 =	vor.u32 $0x80, v9;
	v18 =	vld.idx.msk [tilespmem:v7+s16+$0x0], $0xffff;
	v6 =	vmul.f32 v6, v1  }
0x11d: {  	v19 =	vshll.u32 v12, $0x2;
	v20 =	vor.u32 $0x80, v15;
	v3 =	vld [tilespmem:s18+$0xFFFFFFF0];
	v13 =	vmul.f32 v13, v2  }
0x11e: {  	v12 =	vand.u32 $0x7F, v12;
	v19 =	vand.u32 $0xFFFFFE00, v19;
	[tilespmem:v8+s13+$0x0] =	vst.idx.add.f32.msk $0xffff, v6;
	v6 =	vor.u32 $0x100, v5  }
0x11f: {  	v19 =	vor.u32 v12, v19;
	[tilespmem:v16+s13+$0x0] =	vst.idx.add.f32.msk $0xffff, v13  }
0x120: {  	v12 =	vor.u32 $0x80, v7;
	v10 =	vld.idx.msk [tilespmem:v10+s16+$0x0], $0xffff;
	v13 =	vmul.f32 v14, v4  }
0x121: {  	v14 =	vld.idx.msk [tilespmem:v17+s16+$0x0], $0xffff  }
0x122: {  	v18 =	vmul.f32 v18, v3;
	v17 =	vor.u32 $0x80, v8;
	[tilespmem:v20+s13+$0x0] =	vst.idx.add.f32.msk $0xffff, v13  }
0x123: {  	v13 =	vor.u32 $0x80, v16;
	v6 =	vld.idx.msk [tilespmem:v6+s16+$0x0], $0xffff  }
0x124: {  	[tilespmem:v19+s13+$0x0] =	vst.idx.add.f32.msk $0xffff, v18;
	v20 =	vor.u32 $0x100, v11  }
0x125: {  	v18 =	vor.u32 $0x100, v15;
	v12 =	vld.idx.msk [tilespmem:v12+s16+$0x0], $0xffff;
	v10 =	vmul.f32 v10, v1  }
0x126: {  	v21 =	vor.u32 $0x180, v5;
	v14 =	vmul.f32 v14, v2  }
0x127: {  	v22 =	vor.u32 $0x80, v19;
	[tilespmem:v17+s13+$0x0] =	vst.idx.add.f32.msk $0xffff, v10  }
0x128: {  	v17 =	vor.u32 $0x100, v9;
	[tilespmem:v13+s13+$0x0] =	vst.idx.add.f32.msk $0xffff, v14;
	v5 =	vmul.f32 v6, v4  }
0x129: {  	v23 =	vor.u32 $0x100, v7;
	v20 =	vld.idx.msk [tilespmem:v20+s16+$0x0], $0xffff  }
0x12a: {  	v10 =	vmul.f32 v12, v3;
	[tilespmem:v18+s13+$0x0] =	vst.idx.add.f32.msk $0xffff, v5  }
0x12b: {  	v15 =	vor.u32 $0x180, v15;
	v12 =	vor.u32 $0x100, v8;
	v14 =	vld.idx.msk [tilespmem:v21+s16+$0x0], $0xffff  }
0x12c: {  	v13 =	vor.u32 $0x100, v16;
	v8 =	vor.u32 $0x180, v8;
	v6 =	vor.u32 $0x180, v9;
	[tilespmem:v22+s13+$0x0] =	vst.idx.add.f32.msk $0xffff, v10  }
0x12d: {  	v9 =	vor.u32 $0x180, v19;
	v10 =	vor.u32 $0x180, v7;
	v7 =	vor.u32 $0x180, v16;
	v16 =	vld.idx.msk [tilespmem:v17+s16+$0x0], $0xffff  }
0x12e: {  	s19 =	simm.s32 $0x0;
	s20 =	simm.s32 $0x0;
	s21 =	simm.s32 $0x14C10;
	v5 =	vor.u32 $0x180, v11;
	v11 =	vor.u32 $0x100, v19;
	v17 =	vld.idx.msk [tilespmem:v23+s16+$0x0], $0xffff;
	v18 =	vmul.f32 v20, v1  }
.LBB2_8:
0x12f: {  	v19 =	vld [tilespmem:s21+$0x0];
	s20 =	sadd.s32 $0x4, s20  }
0x130: {  	v4 =	vmul.f32 v14, v4;
	v20 =	vld [tilespmem:s21+$0xFFFFFFE0];
	p0 =	slt.u32 s20, $0xF4  }
0x131: {  	v14 =	vld [tilespmem:s21+$0xFFFFFFF0]  }
0x132: {  	v16 =	vmul.f32 v16, v2;
	[tilespmem:v15+s13+$0x0] =	vst.idx.add.f32.msk $0xffff, v4  }
0x133: {  	v15 =	vmul.f32 v17, v3;
	v4 =	vld [tilespmem:s21+$0xFFFFFFD0]  }
0x134: {  	v17 =	vshll.u32 v19, $0x2;
	[tilespmem:v12+s13+$0x0] =	vst.idx.add.f32.msk $0xffff, v18  }
0x135: {  	v18 =	vand.u32 $0x7F, v19;
	v12 =	vshll.u32 v20, $0x2;
	v17 =	vand.u32 $0xFFFFFE00, v17;
	[tilespmem:v13+s13+$0x0] =	vst.idx.add.f32.msk $0xffff, v16  }
0x136: {  	s17 =	sadd.s32 $0x40, s17;
	v12 =	vand.u32 $0xFFFFFE00, v12;
	v13 =	vshll.u32 v14, $0x2;
	v16 =	vor.u32 v18, v17;
	[tilespmem:v11+s13+$0x0] =	vst.idx.add.f32.msk $0xffff, v15  }
0x137: {  	v11 =	vand.u32 $0x7F, v20;
	v14 =	vand.u32 $0x7F, v14;
	v13 =	vand.u32 $0xFFFFFE00, v13;
	v15 =	vld [tilespmem:s17+$0x0]  }
0x138: {  	v11 =	vor.u32 v11, v12;
	v17 =	vld [tilespmem:s17+$0xFFFFFFD0];
	v18 =	vand.u32 $0x7F, v4;
	v4 =	vshll.u32 v4, $0x2  }
0x139: {  	v19 =	vor.u32 $0x80, v11;
	v14 =	vor.u32 v14, v13;
	v4 =	vand.u32 $0xFFFFFE00, v4;
	v12 =	vld [tilespmem:s17+$0xFFFFFFE0]  }
0x13a: {  	v21 =	vor.u32 $0x80, v14;
	v13 =	vor.u32 v18, v4;
	v18 =	vor.u32 $0x100, v11;
	v20 =	vld [tilespmem:s17+$0xFFFFFFF0]  }
0x13b: {  	s18 =	sadd.s32 $0x40, s18;
	v24 =	vor.u32 $0x100, v14;
	v22 =	vor.u32 $0x80, v13;
	v23 =	vor.u32 $0x100, v13;
	v25 =	vld.idx.msk [tilespmem:v16+s16+$0x0], $0xffff  }
0x13c: {  	v27 =	vor.u32 $0x180, v11;
	v26 =	vor.u32 $0x180, v13;
	v4 =	vld [tilespmem:s18+$0x0];
	v28 =	vshll.u32 v15, $0x2  }
0x13d: {  	v29 =	vshll.u32 v17, $0x2;
	v30 =	vld.idx.msk [tilespmem:v11+s16+$0x0], $0xffff;
	v11 =	vand.u32 $0x7F, v15;
	v15 =	vand.u32 $0xFFFFFE00, v28  }
0x13e: {  	v28 =	vand.u32 $0xFFFFFE00, v29;
	v29 =	vshll.u32 v12, $0x2;
	v31 =	vld.idx.msk [tilespmem:v14+s16+$0x0], $0xffff;
	v15 =	vor.u32 v11, v15  }
0x13f: {  	v32 =	vld.idx.msk [tilespmem:v13+s16+$0x0], $0xffff;
	v11 =	vand.u32 $0xFFFFFE00, v29;
	v13 =	vshll.u32 v20, $0x2;
	v29 =	vor.u32 $0x80, v16  }
0x140: {  	v17 =	vand.u32 $0x7F, v17;
	v12 =	vand.u32 $0x7F, v12;
	v33 =	vld [tilespmem:s18+$0xFFFFFFD0];
	v13 =	vand.u32 $0xFFFFFE00, v13  }
0x141: {  	v17 =	vor.u32 v17, v28;
	v20 =	vand.u32 $0x7F, v20;
	v28 =	vld [tilespmem:s18+$0xFFFFFFE0];
	v25 =	vmul.f32 v25, v4  }
0x142: {  	v34 =	vor.u32 $0x80, v17;
	v35 =	vor.u32 v12, v11;
	v20 =	vor.u32 v20, v13;
	v36 =	vld [tilespmem:s18+$0xFFFFFFF0]  }
0x143: {  	v12 =	vor.u32 $0x100, v17;
	v37 =	vor.u32 $0x80, v35;
	v38 =	vor.u32 $0x80, v20;
	[tilespmem:v15+s13+$0x0] =	vst.idx.add.f32.msk $0xffff, v25  }
0x144: {  	v14 =	vor.u32 $0x180, v14;
	v13 =	vor.u32 $0x100, v35;
	v11 =	vor.u32 $0x100, v20;
	v25 =	vld.idx.msk [tilespmem:v29+s16+$0x0], $0xffff  }
0x145: {  	v39 =	vor.u32 $0x180, v35;
	v29 =	vmul.f32 v32, v33;
	v32 =	vor.u32 $0x180, v17;
	v40 =	vld.idx.msk [tilespmem:v5+s19+$0x0], $0xffff;
	v5 =	vmovc v26  }
0x146: {  	v26 =	vmul.f32 v30, v28;
	v30 =	vor.u32 $0x180, v20;
	v41 =	vld.idx.msk [tilespmem:v6+s19+$0x0], $0xffff;
	v6 =	vmov v27  }
0x147: {  	v27 =	vor.u32 $0x80, v15;
	[tilespmem:v17+s13+$0x0] =	vst.idx.add.f32.msk $0xffff, v29;
	v17 =	vmul.f32 v31, v36  }
0x148: {  	[tilespmem:v35+s13+$0x0] =	vst.idx.add.f32.msk $0xffff, v26;
	v26 =	vor.u32 $0x100, v16  }
0x149: {  	[tilespmem:v20+s13+$0x0] =	vst.idx.add.f32.msk $0xffff, v17  }
0x14a: {  	v20 =	vmul.f32 v25, v4;
	v17 =	vld.idx.msk [tilespmem:v22+s16+$0x0], $0xffff  }
0x14b: {  	v22 =	vmul.f32 v40, v1;
	v1 =	vmov v33;
	v19 =	vld.idx.msk [tilespmem:v19+s16+$0x0], $0xffff  }
0x14c: {  	[tilespmem:v27+s13+$0x0] =	vst.idx.add.f32.msk $0xffff, v20;
	v20 =	vmul.f32 v41, v2;
	v2 =	vmov v28  }
0x14d: {  	v25 =	vld.idx.msk [tilespmem:v26+s16+$0x0], $0xffff  }
0x14e: {  	v21 =	vld.idx.msk [tilespmem:v21+s16+$0x0], $0xffff  }
0x14f: {  	v26 =	vld.idx.msk [tilespmem:v10+s19+$0x0], $0xffff;
	v10 =	vmov v14;
	s19 =	smov.u32 s16  }
0x150: {  	v14 =	vmul.f32 v17, v1;
	v17 =	vor.u32 $0x100, v15;
	[tilespmem:v8+s13+$0x0] =	vst.idx.add.f32.msk $0xffff, v22;
	v8 =	vmov v32  }
0x151: {  	v16 =	vor.u32 $0x180, v16;
	v19 =	vmul.f32 v19, v2;
	[tilespmem:v7+s13+$0x0] =	vst.idx.add.f32.msk $0xffff, v20;
	v7 =	vmov v39  }
0x152: {  	[tilespmem:v34+s13+$0x0] =	vst.idx.add.f32.msk $0xffff, v14  }
0x153: {  	v14 =	vmul.f32 v25, v4;
	[tilespmem:v37+s13+$0x0] =	vst.idx.add.f32.msk $0xffff, v19  }
0x154: {  	v20 =	vmul.f32 v21, v36;
	v19 =	vld.idx.msk [tilespmem:v23+s19+$0x0], $0xffff  }
0x155: {  	v21 =	vmul.f32 v26, v3;
	v3 =	vmov v36;
	[tilespmem:v17+s13+$0x0] =	vst.idx.add.f32.msk $0xffff, v14  }
.Ltmp3:
0x156: {  	v14 =	vld.idx.msk [tilespmem:v16+s19+$0x0], $0xffff;
	(pc) =	sbr.rel @p0 .LBB2_8-.Ltmp3, $4  }
0x157: {  	[tilespmem:v38+s13+$0x0] =	vst.idx.add.f32.msk $0xffff, v20  }
0x158: {  	v16 =	vld.idx.msk [tilespmem:v18+s19+$0x0], $0xffff  }
0x159: {  	v15 =	vor.u32 $0x180, v15;
	v17 =	vld.idx.msk [tilespmem:v24+s19+$0x0], $0xffff  }
0x15a: {  	s21 =	sadd.s32 $0x40, s21;
	v18 =	vmul.f32 v19, v1;
	[tilespmem:v9+s13+$0x0] =	vst.idx.add.f32.msk $0xffff, v21;
	v9 =	vmov v30  }
0x15b: {  	_ =	sdelay $0x3  }
0x15c: {  	[tilespmem:v12+s13+$0x0] =	vst.idx.add.f32.msk $0xffff, v18;
	v16 =	vmul.f32 v16, v2  }
0x15d: {  	v5 =	vld.idx.msk [tilespmem:v5+s19+$0x0], $0xffff;
	v17 =	vmul.f32 v17, v3  }
0x15e: {  	[tilespmem:v13+s13+$0x0] =	vst.idx.add.f32.msk $0xffff, v16  }
0x15f: {  	[tilespmem:v11+s13+$0x0] =	vst.idx.add.f32.msk $0xffff, v17  }
0x160: {  	v6 =	vld.idx.msk [tilespmem:v6+s19+$0x0], $0xffff  }
0x161: {  	v10 =	vld.idx.msk [tilespmem:v10+s19+$0x0], $0xffff;
	_ =	sdelay $0x1  }
0x162: {  	v4 =	vmul.f32 v14, v4  }
0x163: {  	v1 =	vmul.f32 v5, v1  }
0x164: {  	[tilespmem:v15+s13+$0x0] =	vst.idx.add.f32.msk $0xffff, v4;
	v2 =	vmul.f32 v6, v2  }
0x165: {  	[tilespmem:v8+s13+$0x0] =	vst.idx.add.f32.msk $0xffff, v1;
	v1 =	vmul.f32 v10, v3  }
0x166: {  	[tilespmem:v7+s13+$0x0] =	vst.idx.add.f32.msk $0xffff, v2  }
0x167: {  	[tilespmem:v9+s13+$0x0] =	vst.idx.add.f32.msk $0xffff, v1  }
.LBB2_10:
0x168: {  	s17 =	sshra.s32 s16, $0x2  }
0x169: {  	v1 =	vld [tilespmem:s17+$0x15B20];
	_ =	sdelay $0x4  }
0x16a: {  	v2 =	vshll.u32 v1, $0x2  }
0x16b: {  	v1 =	vand.u32 $0x7F, v1;
	v2 =	vand.u32 $0xFFFFFE00, v2  }
0x16c: {  	v3 =	vld [tilespmem:s17+$0x17AA0];
	v1 =	vor.u32 v1, v2;
	_ =	sdelay $0x3  }
0x16d: {  	v2 =	vld [tilespmem:s17+$0x19A20]  }
0x16e: {  	v5 =	vshll.u32 v3, $0x2;
	v4 =	vld.idx.msk [tilespmem:v1+s1+$0x0], $0xffff  }
0x16f: {  	v3 =	vand.u32 $0x7F, v3;
	v5 =	vand.u32 $0xFFFFFE00, v5  }
0x170: {  	v3 =	vor.u32 v3, v5  }
0x171: {  	v61 =	vor.u32 $0x80, v1;
	_ =	sdelay $0x1  }
0x172: {  	v4 =	vmul.f32 v4, v2;
	_ =	sdelay $0x1  }
0x173: {  	[tilespmem:v3+s13+$0x0] =	vst.idx.add.f32.msk $0xffff, v4  }
0x174: {  	v4 =	vld.idx.msk [tilespmem:v61+s1+$0x0], $0xffff;
	_ =	sdelay $0x1  }
0x175: {  	v62 =	vor.u32 $0x80, v3  }
0x176: {  	v6 =	vor.u32 $0x100, v1;
	_ =	sdelay $0x1  }
0x177: {  	v4 =	vmul.f32 v4, v2;
	_ =	sdelay $0x1  }
0x178: {  	[tilespmem:v62+s13+$0x0] =	vst.idx.add.f32.msk $0xffff, v4  }
0x179: {  	v4 =	vld.idx.msk [tilespmem:v6+s1+$0x0], $0xffff;
	_ =	sdelay $0x1  }
0x17a: {  	v63 =	vor.u32 $0x100, v3  }
0x17b: {  	v1 =	vor.u32 $0x180, v1;
	_ =	sdelay $0x1  }
0x17c: {  	v4 =	vmul.f32 v4, v2;
	_ =	sdelay $0x1  }
0x17d: {  	[tilespmem:v63+s13+$0x0] =	vst.idx.add.f32.msk $0xffff, v4  }
0x17e: {  	v1 =	vld.idx.msk [tilespmem:v1+s1+$0x0], $0xffff;
	_ =	sdelay $0x1  }
0x17f: {  	p0 =	sne.s32 s16, $0x40;
	v3 =	vor.u32 $0x180, v3  }
.Ltmp4:
0x180: {  	_ = 	snop;
	(pc) =	sbr.rel @p0 .LBB2_10-.Ltmp4, $3  }
0x181: {  	_ = 	snop  }
0x182: {  	v1 =	vmul.f32 v1, v2;
	_ =	sdelay $0x1  }
0x183: {  	s16 =	sadd.s32 $0x40, s16;
	[tilespmem:v3+s13+$0x0] =	vst.idx.add.f32.msk $0xffff, v1  }
0x184: {  	s16 =	rddreg [dreg:$0x9]  }
0x185: {  	[tilespmem:s9], [sflag:$0x2] =	stream.linear.gather [hbm4b:s16+s1], $0xFA0, $0x38;
	[tilespmem:$0x19A80] =	vst v63  }
0x186: {  	s19 =	rddreg [dreg:$0xa]  }
0x187: {  	[tilespmem:s10], [sflag:$0x2] =	stream.linear.gather [hbm4b:s19+s1], $0xFA0, $0x38;
	[tilespmem:$0x19A80] =	vst v63  }
0x188: {  	s20 =	rddreg [dreg:$0xb]  }
0x189: {  	[tilespmem:s11], [sflag:$0x2] =	stream.linear.gather [hbm4b:s20+s1], $0xFA0, $0x38;
	[tilespmem:$0x19A80] =	vst v63  }
0x18a: {  	_ =	swait.ge [sflag:s12], $0xFA0  }
0x18b: {  	[sflag:s12] =	ssyncset.done $0x0  }
0x18c: {  	[sflag:s12] =	ssyncadd.s32 $0xFFFFF060  }
0x18d: {  	_ =	swait.ge [sflag:s12], $0xFA0  }
0x18e: {  	[sflag:s12] =	ssyncset.done $0x0  }
0x18f: {  	[sflag:s12] =	ssyncadd.s32 $0xFFFFF060  }
0x190: {  	_ =	swait.ge [sflag:s12], $0xFA0  }
0x191: {  	[sflag:s12] =	ssyncset.done $0x0  }
0x192: {  	s21 =	simm.s32 $0x13C20;
	[sflag:s12] =	ssyncadd.s32 $0xFFFFF060  }
0x193: {  	v1 =	vld [tilespmem:s21+$0x10];
	_ =	sdelay $0x2  }
0x194: {  	v2 =	vld [tilespmem:s21+$0xFFFFFFF0]  }
0x195: {  	v3 =	vld [tilespmem:s21+$0xFFFFFFE0]  }
0x196: {  	s17 =	simm.s32 $0x15BA0;
	v4 =	vshll.u32 v1, $0x2  }
0x197: {  	v6 =	vld [tilespmem:s17+$0x10];
	v1 =	vand.u32 $0x7F, v1;
	v4 =	vand.u32 $0xFFFFFE00, v4  }
0x198: {  	v7 =	vld [tilespmem:s21+$0x0];
	v5 =	vor.u32 v1, v4  }
0x199: {  	v1 =	vshll.u32 v2, $0x2  }
0x19a: {  	v8 =	vld [tilespmem:s17+$0xFFFFFFE0];
	v2 =	vand.u32 $0x7F, v2;
	v4 =	vshll.u32 v3, $0x2;
	v1 =	vand.u32 $0xFFFFFE00, v1  }
0x19b: {  	s18 =	simm.s32 $0x17B20;
	v10 =	vld [tilespmem:s17+$0xFFFFFFF0];
	v3 =	vand.u32 $0x7F, v3;
	v9 =	vor.u32 v2, v1;
	v1 =	vand.u32 $0xFFFFFE00, v4  }
0x19c: {  	s16 =	simm.s32 $0x0;
	v4 =	vld [tilespmem:s18+$0x10];
	v11 =	vor.u32 v3, v1;
	v1 =	vshll.u32 v6, $0x2  }
0x19d: {  	v2 =	vand.u32 $0x7F, v6;
	v6 =	vshll.u32 v7, $0x2;
	v1 =	vand.u32 $0xFFFFFE00, v1;
	v3 =	vld.idx.msk [tilespmem:v5+s16+$0x0], $0xffff  }
0x19e: {  	v12 =	vld [tilespmem:s17+$0x0];
	v7 =	vand.u32 $0x7F, v7;
	v15 =	vor.u32 v2, v1;
	v1 =	vand.u32 $0xFFFFFE00, v6  }
0x19f: {  	v2 =	vshll.u32 v8, $0x2;
	v7 =	vor.u32 v7, v1;
	v1 =	vld [tilespmem:s18+$0xFFFFFFE0]  }
0x1a0: {  	v14 =	vor.u32 $0x80, v5;
	v16 =	vand.u32 $0xFFFFFE00, v2;
	v2 =	vld [tilespmem:s18+$0xFFFFFFF0]  }
0x1a1: {  	v6 =	vld.idx.msk [tilespmem:v11+s16+$0x0], $0xffff  }
0x1a2: {  	v17 =	vshll.u32 v10, $0x2;
	v8 =	vand.u32 $0x7F, v8;
	v13 =	vld.idx.msk [tilespmem:v9+s16+$0x0], $0xffff;
	v3 =	vmul.f32 v3, v4  }
0x1a3: {  	v10 =	vand.u32 $0x7F, v10;
	v17 =	vand.u32 $0xFFFFFE00, v17;
	v8 =	vor.u32 v8, v16  }
0x1a4: {  	v16 =	vor.u32 v10, v17;
	[tilespmem:v15+s13+$0x0] =	vst.idx.add.f32.msk $0xffff, v3  }
0x1a5: {  	v10 =	vor.u32 $0x80, v11;
	v14 =	vld.idx.msk [tilespmem:v14+s16+$0x0], $0xffff  }
0x1a6: {  	v17 =	vor.u32 $0x80, v9;
	v18 =	vld.idx.msk [tilespmem:v7+s16+$0x0], $0xffff;
	v6 =	vmul.f32 v6, v1  }
0x1a7: {  	v19 =	vshll.u32 v12, $0x2;
	v20 =	vor.u32 $0x80, v15;
	v3 =	vld [tilespmem:s18+$0x0];
	v13 =	vmul.f32 v13, v2  }
0x1a8: {  	v12 =	vand.u32 $0x7F, v12;
	v19 =	vand.u32 $0xFFFFFE00, v19;
	[tilespmem:v8+s13+$0x0] =	vst.idx.add.f32.msk $0xffff, v6;
	v6 =	vor.u32 $0x100, v5  }
0x1a9: {  	v19 =	vor.u32 v12, v19;
	[tilespmem:v16+s13+$0x0] =	vst.idx.add.f32.msk $0xffff, v13  }
0x1aa: {  	v12 =	vor.u32 $0x80, v7;
	v10 =	vld.idx.msk [tilespmem:v10+s16+$0x0], $0xffff;
	v13 =	vmul.f32 v14, v4  }
0x1ab: {  	v14 =	vld.idx.msk [tilespmem:v17+s16+$0x0], $0xffff  }
0x1ac: {  	v18 =	vmul.f32 v18, v3;
	v17 =	vor.u32 $0x80, v8;
	[tilespmem:v20+s13+$0x0] =	vst.idx.add.f32.msk $0xffff, v13  }
0x1ad: {  	v13 =	vor.u32 $0x80, v16;
	v6 =	vld.idx.msk [tilespmem:v6+s16+$0x0], $0xffff  }
0x1ae: {  	[tilespmem:v19+s13+$0x0] =	vst.idx.add.f32.msk $0xffff, v18;
	v20 =	vor.u32 $0x100, v11  }
0x1af: {  	v18 =	vor.u32 $0x100, v15;
	v12 =	vld.idx.msk [tilespmem:v12+s16+$0x0], $0xffff;
	v10 =	vmul.f32 v10, v1  }
0x1b0: {  	v21 =	vor.u32 $0x180, v5;
	v14 =	vmul.f32 v14, v2  }
0x1b1: {  	v22 =	vor.u32 $0x80, v19;
	[tilespmem:v17+s13+$0x0] =	vst.idx.add.f32.msk $0xffff, v10  }
0x1b2: {  	v17 =	vor.u32 $0x100, v9;
	[tilespmem:v13+s13+$0x0] =	vst.idx.add.f32.msk $0xffff, v14;
	v5 =	vmul.f32 v6, v4  }
0x1b3: {  	v23 =	vor.u32 $0x100, v7;
	v20 =	vld.idx.msk [tilespmem:v20+s16+$0x0], $0xffff  }
0x1b4: {  	v10 =	vmul.f32 v12, v3;
	[tilespmem:v18+s13+$0x0] =	vst.idx.add.f32.msk $0xffff, v5  }
0x1b5: {  	v15 =	vor.u32 $0x180, v15;
	v12 =	vor.u32 $0x100, v8;
	v14 =	vld.idx.msk [tilespmem:v21+s16+$0x0], $0xffff  }
0x1b6: {  	v13 =	vor.u32 $0x100, v16;
	v8 =	vor.u32 $0x180, v8;
	v6 =	vor.u32 $0x180, v9;
	[tilespmem:v22+s13+$0x0] =	vst.idx.add.f32.msk $0xffff, v10  }
0x1b7: {  	v9 =	vor.u32 $0x180, v19;
	v10 =	vor.u32 $0x180, v7;
	v7 =	vor.u32 $0x180, v16;
	v16 =	vld.idx.msk [tilespmem:v17+s16+$0x0], $0xffff  }
0x1b8: {  	s19 =	simm.s32 $0x0;
	s20 =	simm.s32 $0x0;
	s21 =	simm.s32 $0x13C60;
	v5 =	vor.u32 $0x180, v11;
	v11 =	vor.u32 $0x100, v19;
	v17 =	vld.idx.msk [tilespmem:v23+s16+$0x0], $0xffff;
	v18 =	vmul.f32 v20, v1  }
.LBB2_12:
0x1b9: {  	v19 =	vld [tilespmem:s21+$0x10];
	s20 =	sadd.s32 $0x4, s20  }
0x1ba: {  	v4 =	vmul.f32 v14, v4;
	v20 =	vld [tilespmem:s21+$0xFFFFFFF0];
	p0 =	slt.u32 s20, $0xF4  }
0x1bb: {  	v14 =	vld [tilespmem:s21+$0x0]  }
0x1bc: {  	v16 =	vmul.f32 v16, v2;
	[tilespmem:v15+s13+$0x0] =	vst.idx.add.f32.msk $0xffff, v4  }
0x1bd: {  	v15 =	vmul.f32 v17, v3;
	v4 =	vld [tilespmem:s21+$0xFFFFFFE0]  }
0x1be: {  	v17 =	vshll.u32 v19, $0x2;
	[tilespmem:v12+s13+$0x0] =	vst.idx.add.f32.msk $0xffff, v18  }
0x1bf: {  	v18 =	vand.u32 $0x7F, v19;
	v12 =	vshll.u32 v20, $0x2;
	v17 =	vand.u32 $0xFFFFFE00, v17;
	[tilespmem:v13+s13+$0x0] =	vst.idx.add.f32.msk $0xffff, v16  }
0x1c0: {  	s17 =	sadd.s32 $0x40, s17;
	v12 =	vand.u32 $0xFFFFFE00, v12;
	v13 =	vshll.u32 v14, $0x2;
	v16 =	vor.u32 v18, v17;
	[tilespmem:v11+s13+$0x0] =	vst.idx.add.f32.msk $0xffff, v15  }
0x1c1: {  	v11 =	vand.u32 $0x7F, v20;
	v14 =	vand.u32 $0x7F, v14;
	v13 =	vand.u32 $0xFFFFFE00, v13;
	v15 =	vld [tilespmem:s17+$0x10]  }
0x1c2: {  	v11 =	vor.u32 v11, v12;
	v17 =	vld [tilespmem:s17+$0xFFFFFFE0];
	v18 =	vand.u32 $0x7F, v4;
	v4 =	vshll.u32 v4, $0x2  }
0x1c3: {  	v19 =	vor.u32 $0x80, v11;
	v14 =	vor.u32 v14, v13;
	v4 =	vand.u32 $0xFFFFFE00, v4;
	v12 =	vld [tilespmem:s17+$0xFFFFFFF0]  }
0x1c4: {  	v21 =	vor.u32 $0x80, v14;
	v13 =	vor.u32 v18, v4;
	v18 =	vor.u32 $0x100, v11;
	v20 =	vld [tilespmem:s17+$0x0]  }
0x1c5: {  	s18 =	sadd.s32 $0x40, s18;
	v24 =	vor.u32 $0x100, v14;
	v22 =	vor.u32 $0x80, v13;
	v23 =	vor.u32 $0x100, v13;
	v25 =	vld.idx.msk [tilespmem:v16+s16+$0x0], $0xffff  }
0x1c6: {  	v27 =	vor.u32 $0x180, v11;
	v26 =	vor.u32 $0x180, v13;
	v4 =	vld [tilespmem:s18+$0x10];
	v28 =	vshll.u32 v15, $0x2  }
0x1c7: {  	v29 =	vshll.u32 v17, $0x2;
	v30 =	vld.idx.msk [tilespmem:v11+s16+$0x0], $0xffff;
	v11 =	vand.u32 $0x7F, v15;
	v15 =	vand.u32 $0xFFFFFE00, v28  }
0x1c8: {  	v28 =	vand.u32 $0xFFFFFE00, v29;
	v29 =	vshll.u32 v12, $0x2;
	v31 =	vld.idx.msk [tilespmem:v14+s16+$0x0], $0xffff;
	v15 =	vor.u32 v11, v15  }
0x1c9: {  	v32 =	vld.idx.msk [tilespmem:v13+s16+$0x0], $0xffff;
	v11 =	vand.u32 $0xFFFFFE00, v29;
	v13 =	vshll.u32 v20, $0x2;
	v29 =	vor.u32 $0x80, v16  }
0x1ca: {  	v17 =	vand.u32 $0x7F, v17;
	v12 =	vand.u32 $0x7F, v12;
	v33 =	vld [tilespmem:s18+$0xFFFFFFE0];
	v13 =	vand.u32 $0xFFFFFE00, v13  }
0x1cb: {  	v17 =	vor.u32 v17, v28;
	v20 =	vand.u32 $0x7F, v20;
	v28 =	vld [tilespmem:s18+$0xFFFFFFF0];
	v25 =	vmul.f32 v25, v4  }
0x1cc: {  	v34 =	vor.u32 $0x80, v17;
	v35 =	vor.u32 v12, v11;
	v20 =	vor.u32 v20, v13;
	v36 =	vld [tilespmem:s18+$0x0]  }
0x1cd: {  	v12 =	vor.u32 $0x100, v17;
	v37 =	vor.u32 $0x80, v35;
	v38 =	vor.u32 $0x80, v20;
	[tilespmem:v15+s13+$0x0] =	vst.idx.add.f32.msk $0xffff, v25  }
0x1ce: {  	v14 =	vor.u32 $0x180, v14;
	v13 =	vor.u32 $0x100, v35;
	v11 =	vor.u32 $0x100, v20;
	v25 =	vld.idx.msk [tilespmem:v29+s16+$0x0], $0xffff  }
0x1cf: {  	v39 =	vor.u32 $0x180, v35;
	v29 =	vmul.f32 v32, v33;
	v32 =	vor.u32 $0x180, v17;
	v40 =	vld.idx.msk [tilespmem:v5+s19+$0x0], $0xffff;
	v5 =	vmovc v26  }
0x1d0: {  	v26 =	vmul.f32 v30, v28;
	v30 =	vor.u32 $0x180, v20;
	v41 =	vld.idx.msk [tilespmem:v6+s19+$0x0], $0xffff;
	v6 =	vmov v27  }
0x1d1: {  	v27 =	vor.u32 $0x80, v15;
	[tilespmem:v17+s13+$0x0] =	vst.idx.add.f32.msk $0xffff, v29;
	v17 =	vmul.f32 v31, v36  }
0x1d2: {  	[tilespmem:v35+s13+$0x0] =	vst.idx.add.f32.msk $0xffff, v26;
	v26 =	vor.u32 $0x100, v16  }
0x1d3: {  	[tilespmem:v20+s13+$0x0] =	vst.idx.add.f32.msk $0xffff, v17  }
0x1d4: {  	v20 =	vmul.f32 v25, v4;
	v17 =	vld.idx.msk [tilespmem:v22+s16+$0x0], $0xffff  }
0x1d5: {  	v22 =	vmul.f32 v40, v1;
	v1 =	vmov v33;
	v19 =	vld.idx.msk [tilespmem:v19+s16+$0x0], $0xffff  }
0x1d6: {  	[tilespmem:v27+s13+$0x0] =	vst.idx.add.f32.msk $0xffff, v20;
	v20 =	vmul.f32 v41, v2;
	v2 =	vmov v28  }
0x1d7: {  	v25 =	vld.idx.msk [tilespmem:v26+s16+$0x0], $0xffff  }
0x1d8: {  	v21 =	vld.idx.msk [tilespmem:v21+s16+$0x0], $0xffff  }
0x1d9: {  	v26 =	vld.idx.msk [tilespmem:v10+s19+$0x0], $0xffff;
	v10 =	vmov v14;
	s19 =	smov.u32 s16  }
0x1da: {  	v14 =	vmul.f32 v17, v1;
	v17 =	vor.u32 $0x100, v15;
	[tilespmem:v8+s13+$0x0] =	vst.idx.add.f32.msk $0xffff, v22;
	v8 =	vmov v32  }
0x1db: {  	v16 =	vor.u32 $0x180, v16;
	v19 =	vmul.f32 v19, v2;
	[tilespmem:v7+s13+$0x0] =	vst.idx.add.f32.msk $0xffff, v20;
	v7 =	vmov v39  }
0x1dc: {  	[tilespmem:v34+s13+$0x0] =	vst.idx.add.f32.msk $0xffff, v14  }
0x1dd: {  	v14 =	vmul.f32 v25, v4;
	[tilespmem:v37+s13+$0x0] =	vst.idx.add.f32.msk $0xffff, v19  }
0x1de: {  	v20 =	vmul.f32 v21, v36;
	v19 =	vld.idx.msk [tilespmem:v23+s19+$0x0], $0xffff  }
0x1df: {  	v21 =	vmul.f32 v26, v3;
	v3 =	vmov v36;
	[tilespmem:v17+s13+$0x0] =	vst.idx.add.f32.msk $0xffff, v14  }
.Ltmp5:
0x1e0: {  	v14 =	vld.idx.msk [tilespmem:v16+s19+$0x0], $0xffff;
	(pc) =	sbr.rel @p0 .LBB2_12-.Ltmp5, $4  }
0x1e1: {  	[tilespmem:v38+s13+$0x0] =	vst.idx.add.f32.msk $0xffff, v20  }
0x1e2: {  	v16 =	vld.idx.msk [tilespmem:v18+s19+$0x0], $0xffff  }
0x1e3: {  	v15 =	vor.u32 $0x180, v15;
	v17 =	vld.idx.msk [tilespmem:v24+s19+$0x0], $0xffff  }
0x1e4: {  	s21 =	sadd.s32 $0x40, s21;
	v18 =	vmul.f32 v19, v1;
	[tilespmem:v9+s13+$0x0] =	vst.idx.add.f32.msk $0xffff, v21;
	v9 =	vmov v30  }
0x1e5: {  	_ =	sdelay $0x3  }
0x1e6: {  	[tilespmem:v12+s13+$0x0] =	vst.idx.add.f32.msk $0xffff, v18;
	v16 =	vmul.f32 v16, v2  }
0x1e7: {  	v5 =	vld.idx.msk [tilespmem:v5+s19+$0x0], $0xffff;
	v17 =	vmul.f32 v17, v3  }
0x1e8: {  	[tilespmem:v13+s13+$0x0] =	vst.idx.add.f32.msk $0xffff, v16  }
0x1e9: {  	[tilespmem:v11+s13+$0x0] =	vst.idx.add.f32.msk $0xffff, v17  }
0x1ea: {  	v6 =	vld.idx.msk [tilespmem:v6+s19+$0x0], $0xffff  }
0x1eb: {  	v10 =	vld.idx.msk [tilespmem:v10+s19+$0x0], $0xffff;
	_ =	sdelay $0x1  }
0x1ec: {  	v4 =	vmul.f32 v14, v4  }
0x1ed: {  	v1 =	vmul.f32 v5, v1  }
0x1ee: {  	[tilespmem:v15+s13+$0x0] =	vst.idx.add.f32.msk $0xffff, v4;
	v2 =	vmul.f32 v6, v2  }
0x1ef: {  	[tilespmem:v8+s13+$0x0] =	vst.idx.add.f32.msk $0xffff, v1;
	v1 =	vmul.f32 v10, v3  }
0x1f0: {  	[tilespmem:v7+s13+$0x0] =	vst.idx.add.f32.msk $0xffff, v2  }
0x1f1: {  	[tilespmem:v9+s13+$0x0] =	vst.idx.add.f32.msk $0xffff, v1  }
.LBB2_14:
0x1f2: {  	s17 =	sshra.s32 s16, $0x2  }
0x1f3: {  	v1 =	vld [tilespmem:s17+$0x14B80];
	_ =	sdelay $0x4  }
0x1f4: {  	v2 =	vshll.u32 v1, $0x2  }
0x1f5: {  	v1 =	vand.u32 $0x7F, v1;
	v2 =	vand.u32 $0xFFFFFE00, v2  }
0x1f6: {  	v3 =	vld [tilespmem:s17+$0x16B00];
	v1 =	vor.u32 v1, v2;
	_ =	sdelay $0x3  }
0x1f7: {  	v2 =	vld [tilespmem:s17+$0x18A80]  }
0x1f8: {  	v5 =	vshll.u32 v3, $0x2;
	v4 =	vld.idx.msk [tilespmem:v1+s1+$0x0], $0xffff  }
0x1f9: {  	v3 =	vand.u32 $0x7F, v3;
	v5 =	vand.u32 $0xFFFFFE00, v5  }
0x1fa: {  	v3 =	vor.u32 v3, v5  }
0x1fb: {  	v61 =	vor.u32 $0x80, v1;
	_ =	sdelay $0x1  }
0x1fc: {  	v4 =	vmul.f32 v4, v2;
	_ =	sdelay $0x1  }
0x1fd: {  	[tilespmem:v3+s13+$0x0] =	vst.idx.add.f32.msk $0xffff, v4  }
0x1fe: {  	v4 =	vld.idx.msk [tilespmem:v61+s1+$0x0], $0xffff;
	_ =	sdelay $0x1  }
0x1ff: {  	v62 =	vor.u32 $0x80, v3  }
0x200: {  	v6 =	vor.u32 $0x100, v1;
	_ =	sdelay $0x1  }
0x201: {  	v4 =	vmul.f32 v4, v2;
	_ =	sdelay $0x1  }
0x202: {  	[tilespmem:v62+s13+$0x0] =	vst.idx.add.f32.msk $0xffff, v4  }
0x203: {  	v4 =	vld.idx.msk [tilespmem:v6+s1+$0x0], $0xffff;
	_ =	sdelay $0x1  }
0x204: {  	v63 =	vor.u32 $0x100, v3  }
0x205: {  	v1 =	vor.u32 $0x180, v1;
	_ =	sdelay $0x1  }
0x206: {  	v4 =	vmul.f32 v4, v2;
	_ =	sdelay $0x1  }
0x207: {  	[tilespmem:v63+s13+$0x0] =	vst.idx.add.f32.msk $0xffff, v4  }
0x208: {  	v1 =	vld.idx.msk [tilespmem:v1+s1+$0x0], $0xffff;
	_ =	sdelay $0x1  }
0x209: {  	p0 =	sne.s32 s16, $0x40;
	v3 =	vor.u32 $0x180, v3  }
.Ltmp6:
0x20a: {  	_ = 	snop;
	(pc) =	sbr.rel @p0 .LBB2_14-.Ltmp6, $3  }
0x20b: {  	_ = 	snop  }
0x20c: {  	v1 =	vmul.f32 v1, v2;
	_ =	sdelay $0x1  }
0x20d: {  	s16 =	sadd.s32 $0x40, s16;
	[tilespmem:v3+s13+$0x0] =	vst.idx.add.f32.msk $0xffff, v1  }
0x20e: {  	s16 =	rddreg [dreg:$0xc]  }
0x20f: {  	[tilespmem:s5], [sflag:$0x1] =	stream.linear.gather [hbm4b:s16+s1], $0xFA0, $0x38;
	[tilespmem:$0x19A80] =	vst v63  }
0x210: {  	s19 =	rddreg [dreg:$0xd]  }
0x211: {  	[tilespmem:s6], [sflag:$0x1] =	stream.linear.gather [hbm4b:s19+s1], $0xFA0, $0x38;
	[tilespmem:$0x19A80] =	vst v63  }
0x212: {  	s20 =	rddreg [dreg:$0xe]  }
0x213: {  	[tilespmem:s7], [sflag:$0x1] =	stream.linear.gather [hbm4b:s20+s1], $0xFA0, $0x38;
	[tilespmem:$0x19A80] =	vst v63  }
0x214: {  	_ =	swait.ge [sflag:s14], $0xFA0  }
0x215: {  	[sflag:s14] =	ssyncset.done $0x0  }
0x216: {  	[sflag:s14] =	ssyncadd.s32 $0xFFFFF060  }
0x217: {  	_ =	swait.ge [sflag:s14], $0xFA0  }
0x218: {  	[sflag:s14] =	ssyncset.done $0x0  }
0x219: {  	[sflag:s14] =	ssyncadd.s32 $0xFFFFF060  }
0x21a: {  	_ =	swait.ge [sflag:s14], $0xFA0  }
0x21b: {  	[sflag:s14] =	ssyncset.done $0x0  }
0x21c: {  	s21 =	simm.s32 $0x14BD0;
	[sflag:s14] =	ssyncadd.s32 $0xFFFFF060  }
0x21d: {  	v1 =	vld [tilespmem:s21+$0x0];
	_ =	sdelay $0x2  }
0x21e: {  	v2 =	vld [tilespmem:s21+$0xFFFFFFE0]  }
0x21f: {  	v3 =	vld [tilespmem:s21+$0xFFFFFFD0]  }
0x220: {  	s17 =	simm.s32 $0x16B50;
	v4 =	vshll.u32 v1, $0x2  }
0x221: {  	v6 =	vld [tilespmem:s17+$0x0];
	v1 =	vand.u32 $0x7F, v1;
	v4 =	vand.u32 $0xFFFFFE00, v4  }
0x222: {  	v7 =	vld [tilespmem:s21+$0xFFFFFFF0];
	v5 =	vor.u32 v1, v4  }
0x223: {  	v1 =	vshll.u32 v2, $0x2  }
0x224: {  	v8 =	vld [tilespmem:s17+$0xFFFFFFD0];
	v2 =	vand.u32 $0x7F, v2;
	v4 =	vshll.u32 v3, $0x2;
	v1 =	vand.u32 $0xFFFFFE00, v1  }
0x225: {  	s18 =	simm.s32 $0x18AD0;
	v10 =	vld [tilespmem:s17+$0xFFFFFFE0];
	v3 =	vand.u32 $0x7F, v3;
	v9 =	vor.u32 v2, v1;
	v1 =	vand.u32 $0xFFFFFE00, v4  }
0x226: {  	s16 =	simm.s32 $0x0;
	v4 =	vld [tilespmem:s18+$0x0];
	v11 =	vor.u32 v3, v1;
	v1 =	vshll.u32 v6, $0x2  }
0x227: {  	v2 =	vand.u32 $0x7F, v6;
	v6 =	vshll.u32 v7, $0x2;
	v1 =	vand.u32 $0xFFFFFE00, v1;
	v3 =	vld.idx.msk [tilespmem:v5+s16+$0x0], $0xffff  }
0x228: {  	v12 =	vld [tilespmem:s17+$0xFFFFFFF0];
	v7 =	vand.u32 $0x7F, v7;
	v15 =	vor.u32 v2, v1;
	v1 =	vand.u32 $0xFFFFFE00, v6  }
0x229: {  	v2 =	vshll.u32 v8, $0x2;
	v7 =	vor.u32 v7, v1;
	v1 =	vld [tilespmem:s18+$0xFFFFFFD0]  }
0x22a: {  	v14 =	vor.u32 $0x80, v5;
	v16 =	vand.u32 $0xFFFFFE00, v2;
	v2 =	vld [tilespmem:s18+$0xFFFFFFE0]  }
0x22b: {  	v6 =	vld.idx.msk [tilespmem:v11+s16+$0x0], $0xffff  }
0x22c: {  	v17 =	vshll.u32 v10, $0x2;
	v8 =	vand.u32 $0x7F, v8;
	v13 =	vld.idx.msk [tilespmem:v9+s16+$0x0], $0xffff;
	v3 =	vmul.f32 v3, v4  }
0x22d: {  	v10 =	vand.u32 $0x7F, v10;
	v17 =	vand.u32 $0xFFFFFE00, v17;
	v8 =	vor.u32 v8, v16  }
0x22e: {  	v16 =	vor.u32 v10, v17;
	[tilespmem:v15+s13+$0x0] =	vst.idx.add.f32.msk $0xffff, v3  }
0x22f: {  	v10 =	vor.u32 $0x80, v11;
	v14 =	vld.idx.msk [tilespmem:v14+s16+$0x0], $0xffff  }
0x230: {  	v17 =	vor.u32 $0x80, v9;
	v18 =	vld.idx.msk [tilespmem:v7+s16+$0x0], $0xffff;
	v6 =	vmul.f32 v6, v1  }
0x231: {  	v19 =	vshll.u32 v12, $0x2;
	v20 =	vor.u32 $0x80, v15;
	v3 =	vld [tilespmem:s18+$0xFFFFFFF0];
	v13 =	vmul.f32 v13, v2  }
0x232: {  	v12 =	vand.u32 $0x7F, v12;
	v19 =	vand.u32 $0xFFFFFE00, v19;
	[tilespmem:v8+s13+$0x0] =	vst.idx.add.f32.msk $0xffff, v6;
	v6 =	vor.u32 $0x100, v5  }
0x233: {  	v19 =	vor.u32 v12, v19;
	[tilespmem:v16+s13+$0x0] =	vst.idx.add.f32.msk $0xffff, v13  }
0x234: {  	v12 =	vor.u32 $0x80, v7;
	v10 =	vld.idx.msk [tilespmem:v10+s16+$0x0], $0xffff;
	v13 =	vmul.f32 v14, v4  }
0x235: {  	v14 =	vld.idx.msk [tilespmem:v17+s16+$0x0], $0xffff  }
0x236: {  	v18 =	vmul.f32 v18, v3;
	v17 =	vor.u32 $0x80, v8;
	[tilespmem:v20+s13+$0x0] =	vst.idx.add.f32.msk $0xffff, v13  }
0x237: {  	v13 =	vor.u32 $0x80, v16;
	v6 =	vld.idx.msk [tilespmem:v6+s16+$0x0], $0xffff  }
0x238: {  	[tilespmem:v19+s13+$0x0] =	vst.idx.add.f32.msk $0xffff, v18;
	v20 =	vor.u32 $0x100, v11  }
0x239: {  	v18 =	vor.u32 $0x100, v15;
	v12 =	vld.idx.msk [tilespmem:v12+s16+$0x0], $0xffff;
	v10 =	vmul.f32 v10, v1  }
0x23a: {  	v21 =	vor.u32 $0x180, v5;
	v14 =	vmul.f32 v14, v2  }
0x23b: {  	v22 =	vor.u32 $0x80, v19;
	[tilespmem:v17+s13+$0x0] =	vst.idx.add.f32.msk $0xffff, v10  }
0x23c: {  	v17 =	vor.u32 $0x100, v9;
	[tilespmem:v13+s13+$0x0] =	vst.idx.add.f32.msk $0xffff, v14;
	v5 =	vmul.f32 v6, v4  }
0x23d: {  	v23 =	vor.u32 $0x100, v7;
	v20 =	vld.idx.msk [tilespmem:v20+s16+$0x0], $0xffff  }
0x23e: {  	v10 =	vmul.f32 v12, v3;
	[tilespmem:v18+s13+$0x0] =	vst.idx.add.f32.msk $0xffff, v5  }
0x23f: {  	v15 =	vor.u32 $0x180, v15;
	v12 =	vor.u32 $0x100, v8;
	v14 =	vld.idx.msk [tilespmem:v21+s16+$0x0], $0xffff  }
0x240: {  	v13 =	vor.u32 $0x100, v16;
	v8 =	vor.u32 $0x180, v8;
	v6 =	vor.u32 $0x180, v9;
	[tilespmem:v22+s13+$0x0] =	vst.idx.add.f32.msk $0xffff, v10  }
0x241: {  	v9 =	vor.u32 $0x180, v19;
	v10 =	vor.u32 $0x180, v7;
	v7 =	vor.u32 $0x180, v16;
	v16 =	vld.idx.msk [tilespmem:v17+s16+$0x0], $0xffff  }
0x242: {  	s19 =	simm.s32 $0x0;
	s20 =	simm.s32 $0x0;
	s21 =	simm.s32 $0x14C10;
	v5 =	vor.u32 $0x180, v11;
	v11 =	vor.u32 $0x100, v19;
	v17 =	vld.idx.msk [tilespmem:v23+s16+$0x0], $0xffff;
	v18 =	vmul.f32 v20, v1  }
.LBB2_16:
0x243: {  	v19 =	vld [tilespmem:s21+$0x0];
	s20 =	sadd.s32 $0x4, s20  }
0x244: {  	v4 =	vmul.f32 v14, v4;
	v20 =	vld [tilespmem:s21+$0xFFFFFFE0];
	p0 =	slt.u32 s20, $0xF4  }
0x245: {  	v14 =	vld [tilespmem:s21+$0xFFFFFFF0]  }
0x246: {  	v16 =	vmul.f32 v16, v2;
	[tilespmem:v15+s13+$0x0] =	vst.idx.add.f32.msk $0xffff, v4  }
0x247: {  	v15 =	vmul.f32 v17, v3;
	v4 =	vld [tilespmem:s21+$0xFFFFFFD0]  }
0x248: {  	v17 =	vshll.u32 v19, $0x2;
	[tilespmem:v12+s13+$0x0] =	vst.idx.add.f32.msk $0xffff, v18  }
0x249: {  	v18 =	vand.u32 $0x7F, v19;
	v12 =	vshll.u32 v20, $0x2;
	v17 =	vand.u32 $0xFFFFFE00, v17;
	[tilespmem:v13+s13+$0x0] =	vst.idx.add.f32.msk $0xffff, v16  }
0x24a: {  	s17 =	sadd.s32 $0x40, s17;
	v12 =	vand.u32 $0xFFFFFE00, v12;
	v13 =	vshll.u32 v14, $0x2;
	v16 =	vor.u32 v18, v17;
	[tilespmem:v11+s13+$0x0] =	vst.idx.add.f32.msk $0xffff, v15  }
0x24b: {  	v11 =	vand.u32 $0x7F, v20;
	v14 =	vand.u32 $0x7F, v14;
	v13 =	vand.u32 $0xFFFFFE00, v13;
	v15 =	vld [tilespmem:s17+$0x0]  }
0x24c: {  	v11 =	vor.u32 v11, v12;
	v17 =	vld [tilespmem:s17+$0xFFFFFFD0];
	v18 =	vand.u32 $0x7F, v4;
	v4 =	vshll.u32 v4, $0x2  }
0x24d: {  	v19 =	vor.u32 $0x80, v11;
	v14 =	vor.u32 v14, v13;
	v4 =	vand.u32 $0xFFFFFE00, v4;
	v12 =	vld [tilespmem:s17+$0xFFFFFFE0]  }
0x24e: {  	v21 =	vor.u32 $0x80, v14;
	v13 =	vor.u32 v18, v4;
	v18 =	vor.u32 $0x100, v11;
	v20 =	vld [tilespmem:s17+$0xFFFFFFF0]  }
0x24f: {  	s18 =	sadd.s32 $0x40, s18;
	v24 =	vor.u32 $0x100, v14;
	v22 =	vor.u32 $0x80, v13;
	v23 =	vor.u32 $0x100, v13;
	v25 =	vld.idx.msk [tilespmem:v16+s16+$0x0], $0xffff  }
0x250: {  	v27 =	vor.u32 $0x180, v11;
	v26 =	vor.u32 $0x180, v13;
	v4 =	vld [tilespmem:s18+$0x0];
	v28 =	vshll.u32 v15, $0x2  }
0x251: {  	v29 =	vshll.u32 v17, $0x2;
	v30 =	vld.idx.msk [tilespmem:v11+s16+$0x0], $0xffff;
	v11 =	vand.u32 $0x7F, v15;
	v15 =	vand.u32 $0xFFFFFE00, v28  }
0x252: {  	v28 =	vand.u32 $0xFFFFFE00, v29;
	v29 =	vshll.u32 v12, $0x2;
	v31 =	vld.idx.msk [tilespmem:v14+s16+$0x0], $0xffff;
	v15 =	vor.u32 v11, v15  }
0x253: {  	v32 =	vld.idx.msk [tilespmem:v13+s16+$0x0], $0xffff;
	v11 =	vand.u32 $0xFFFFFE00, v29;
	v13 =	vshll.u32 v20, $0x2;
	v29 =	vor.u32 $0x80, v16  }
0x254: {  	v17 =	vand.u32 $0x7F, v17;
	v12 =	vand.u32 $0x7F, v12;
	v33 =	vld [tilespmem:s18+$0xFFFFFFD0];
	v13 =	vand.u32 $0xFFFFFE00, v13  }
0x255: {  	v17 =	vor.u32 v17, v28;
	v20 =	vand.u32 $0x7F, v20;
	v28 =	vld [tilespmem:s18+$0xFFFFFFE0];
	v25 =	vmul.f32 v25, v4  }
0x256: {  	v34 =	vor.u32 $0x80, v17;
	v35 =	vor.u32 v12, v11;
	v20 =	vor.u32 v20, v13;
	v36 =	vld [tilespmem:s18+$0xFFFFFFF0]  }
0x257: {  	v12 =	vor.u32 $0x100, v17;
	v37 =	vor.u32 $0x80, v35;
	v38 =	vor.u32 $0x80, v20;
	[tilespmem:v15+s13+$0x0] =	vst.idx.add.f32.msk $0xffff, v25  }
0x258: {  	v14 =	vor.u32 $0x180, v14;
	v13 =	vor.u32 $0x100, v35;
	v11 =	vor.u32 $0x100, v20;
	v25 =	vld.idx.msk [tilespmem:v29+s16+$0x0], $0xffff  }
0x259: {  	v39 =	vor.u32 $0x180, v35;
	v29 =	vmul.f32 v32, v33;
	v32 =	vor.u32 $0x180, v17;
	v40 =	vld.idx.msk [tilespmem:v5+s19+$0x0], $0xffff;
	v5 =	vmovc v26  }
0x25a: {  	v26 =	vmul.f32 v30, v28;
	v30 =	vor.u32 $0x180, v20;
	v41 =	vld.idx.msk [tilespmem:v6+s19+$0x0], $0xffff;
	v6 =	vmov v27  }
0x25b: {  	v27 =	vor.u32 $0x80, v15;
	[tilespmem:v17+s13+$0x0] =	vst.idx.add.f32.msk $0xffff, v29;
	v17 =	vmul.f32 v31, v36  }
0x25c: {  	[tilespmem:v35+s13+$0x0] =	vst.idx.add.f32.msk $0xffff, v26;
	v26 =	vor.u32 $0x100, v16  }
0x25d: {  	[tilespmem:v20+s13+$0x0] =	vst.idx.add.f32.msk $0xffff, v17  }
0x25e: {  	v20 =	vmul.f32 v25, v4;
	v17 =	vld.idx.msk [tilespmem:v22+s16+$0x0], $0xffff  }
0x25f: {  	v22 =	vmul.f32 v40, v1;
	v1 =	vmov v33;
	v19 =	vld.idx.msk [tilespmem:v19+s16+$0x0], $0xffff  }
0x260: {  	[tilespmem:v27+s13+$0x0] =	vst.idx.add.f32.msk $0xffff, v20;
	v20 =	vmul.f32 v41, v2;
	v2 =	vmov v28  }
0x261: {  	v25 =	vld.idx.msk [tilespmem:v26+s16+$0x0], $0xffff  }
0x262: {  	v21 =	vld.idx.msk [tilespmem:v21+s16+$0x0], $0xffff  }
0x263: {  	v26 =	vld.idx.msk [tilespmem:v10+s19+$0x0], $0xffff;
	v10 =	vmov v14;
	s19 =	smov.u32 s16  }
0x264: {  	v14 =	vmul.f32 v17, v1;
	v17 =	vor.u32 $0x100, v15;
	[tilespmem:v8+s13+$0x0] =	vst.idx.add.f32.msk $0xffff, v22;
	v8 =	vmov v32  }
0x265: {  	v16 =	vor.u32 $0x180, v16;
	v19 =	vmul.f32 v19, v2;
	[tilespmem:v7+s13+$0x0] =	vst.idx.add.f32.msk $0xffff, v20;
	v7 =	vmov v39  }
0x266: {  	[tilespmem:v34+s13+$0x0] =	vst.idx.add.f32.msk $0xffff, v14  }
0x267: {  	v14 =	vmul.f32 v25, v4;
	[tilespmem:v37+s13+$0x0] =	vst.idx.add.f32.msk $0xffff, v19  }
0x268: {  	v20 =	vmul.f32 v21, v36;
	v19 =	vld.idx.msk [tilespmem:v23+s19+$0x0], $0xffff  }
0x269: {  	v21 =	vmul.f32 v26, v3;
	v3 =	vmov v36;
	[tilespmem:v17+s13+$0x0] =	vst.idx.add.f32.msk $0xffff, v14  }
.Ltmp7:
0x26a: {  	v14 =	vld.idx.msk [tilespmem:v16+s19+$0x0], $0xffff;
	(pc) =	sbr.rel @p0 .LBB2_16-.Ltmp7, $4  }
0x26b: {  	[tilespmem:v38+s13+$0x0] =	vst.idx.add.f32.msk $0xffff, v20  }
0x26c: {  	v16 =	vld.idx.msk [tilespmem:v18+s19+$0x0], $0xffff  }
0x26d: {  	v15 =	vor.u32 $0x180, v15;
	v17 =	vld.idx.msk [tilespmem:v24+s19+$0x0], $0xffff  }
0x26e: {  	s21 =	sadd.s32 $0x40, s21;
	v18 =	vmul.f32 v19, v1;
	[tilespmem:v9+s13+$0x0] =	vst.idx.add.f32.msk $0xffff, v21;
	v9 =	vmov v30  }
0x26f: {  	_ =	sdelay $0x3  }
0x270: {  	[tilespmem:v12+s13+$0x0] =	vst.idx.add.f32.msk $0xffff, v18;
	v16 =	vmul.f32 v16, v2  }
0x271: {  	v5 =	vld.idx.msk [tilespmem:v5+s19+$0x0], $0xffff;
	v17 =	vmul.f32 v17, v3  }
0x272: {  	[tilespmem:v13+s13+$0x0] =	vst.idx.add.f32.msk $0xffff, v16  }
0x273: {  	[tilespmem:v11+s13+$0x0] =	vst.idx.add.f32.msk $0xffff, v17  }
0x274: {  	v6 =	vld.idx.msk [tilespmem:v6+s19+$0x0], $0xffff  }
0x275: {  	v10 =	vld.idx.msk [tilespmem:v10+s19+$0x0], $0xffff;
	_ =	sdelay $0x1  }
0x276: {  	v4 =	vmul.f32 v14, v4  }
0x277: {  	v1 =	vmul.f32 v5, v1  }
0x278: {  	[tilespmem:v15+s13+$0x0] =	vst.idx.add.f32.msk $0xffff, v4;
	v2 =	vmul.f32 v6, v2  }
0x279: {  	[tilespmem:v8+s13+$0x0] =	vst.idx.add.f32.msk $0xffff, v1;
	v1 =	vmul.f32 v10, v3  }
0x27a: {  	[tilespmem:v7+s13+$0x0] =	vst.idx.add.f32.msk $0xffff, v2  }
0x27b: {  	[tilespmem:v9+s13+$0x0] =	vst.idx.add.f32.msk $0xffff, v1  }
.LBB2_18:
0x27c: {  	s17 =	sshra.s32 s16, $0x2  }
0x27d: {  	v1 =	vld [tilespmem:s17+$0x15B20];
	_ =	sdelay $0x4  }
0x27e: {  	v2 =	vshll.u32 v1, $0x2  }
0x27f: {  	v1 =	vand.u32 $0x7F, v1;
	v2 =	vand.u32 $0xFFFFFE00, v2  }
0x280: {  	v3 =	vld [tilespmem:s17+$0x17AA0];
	v1 =	vor.u32 v1, v2;
	_ =	sdelay $0x3  }
0x281: {  	v2 =	vld [tilespmem:s17+$0x19A20]  }
0x282: {  	v5 =	vshll.u32 v3, $0x2;
	v4 =	vld.idx.msk [tilespmem:v1+s1+$0x0], $0xffff  }
0x283: {  	v3 =	vand.u32 $0x7F, v3;
	v5 =	vand.u32 $0xFFFFFE00, v5  }
0x284: {  	v3 =	vor.u32 v3, v5  }
0x285: {  	v61 =	vor.u32 $0x80, v1;
	_ =	sdelay $0x1  }
0x286: {  	v4 =	vmul.f32 v4, v2;
	_ =	sdelay $0x1  }
0x287: {  	[tilespmem:v3+s13+$0x0] =	vst.idx.add.f32.msk $0xffff, v4  }
0x288: {  	v4 =	vld.idx.msk [tilespmem:v61+s1+$0x0], $0xffff;
	_ =	sdelay $0x1  }
0x289: {  	v62 =	vor.u32 $0x80, v3  }
0x28a: {  	v6 =	vor.u32 $0x100, v1;
	_ =	sdelay $0x1  }
0x28b: {  	v4 =	vmul.f32 v4, v2;
	_ =	sdelay $0x1  }
0x28c: {  	[tilespmem:v62+s13+$0x0] =	vst.idx.add.f32.msk $0xffff, v4  }
0x28d: {  	v4 =	vld.idx.msk [tilespmem:v6+s1+$0x0], $0xffff;
	_ =	sdelay $0x1  }
0x28e: {  	v63 =	vor.u32 $0x100, v3  }
0x28f: {  	v1 =	vor.u32 $0x180, v1;
	_ =	sdelay $0x1  }
0x290: {  	v4 =	vmul.f32 v4, v2;
	_ =	sdelay $0x1  }
0x291: {  	[tilespmem:v63+s13+$0x0] =	vst.idx.add.f32.msk $0xffff, v4  }
0x292: {  	v1 =	vld.idx.msk [tilespmem:v1+s1+$0x0], $0xffff;
	_ =	sdelay $0x1  }
0x293: {  	p0 =	sne.s32 s16, $0x40;
	v3 =	vor.u32 $0x180, v3  }
.Ltmp8:
0x294: {  	_ = 	snop;
	(pc) =	sbr.rel @p0 .LBB2_18-.Ltmp8, $3  }
0x295: {  	_ = 	snop  }
0x296: {  	v1 =	vmul.f32 v1, v2;
	_ =	sdelay $0x1  }
0x297: {  	s16 =	sadd.s32 $0x40, s16;
	[tilespmem:v3+s13+$0x0] =	vst.idx.add.f32.msk $0xffff, v1  }
0x298: {  	s16 =	rddreg [dreg:$0xf]  }
0x299: {  	[tilespmem:s9], [sflag:$0x2] =	stream.linear.gather [hbm4b:s16+s1], $0xFA0, $0x38;
	[tilespmem:$0x19A80] =	vst v63  }
0x29a: {  	s19 =	rddreg [dreg:$0x10]  }
0x29b: {  	[tilespmem:s10], [sflag:$0x2] =	stream.linear.gather [hbm4b:s19+s1], $0xFA0, $0x38;
	[tilespmem:$0x19A80] =	vst v63  }
0x29c: {  	s20 =	rddreg [dreg:$0x11]  }
0x29d: {  	[tilespmem:s11], [sflag:$0x2] =	stream.linear.gather [hbm4b:s20+s1], $0xFA0, $0x38;
	[tilespmem:$0x19A80] =	vst v63  }
0x29e: {  	_ =	swait.ge [sflag:s12], $0xFA0  }
0x29f: {  	[sflag:s12] =	ssyncset.done $0x0  }
0x2a0: {  	[sflag:s12] =	ssyncadd.s32 $0xFFFFF060  }
0x2a1: {  	_ =	swait.ge [sflag:s12], $0xFA0  }
0x2a2: {  	[sflag:s12] =	ssyncset.done $0x0  }
0x2a3: {  	[sflag:s12] =	ssyncadd.s32 $0xFFFFF060  }
0x2a4: {  	_ =	swait.ge [sflag:s12], $0xFA0  }
0x2a5: {  	[sflag:s12] =	ssyncset.done $0x0  }
0x2a6: {  	s21 =	simm.s32 $0x13C20;
	[sflag:s12] =	ssyncadd.s32 $0xFFFFF060  }
0x2a7: {  	v1 =	vld [tilespmem:s21+$0x10];
	_ =	sdelay $0x2  }
0x2a8: {  	v2 =	vld [tilespmem:s21+$0xFFFFFFF0]  }
0x2a9: {  	v3 =	vld [tilespmem:s21+$0xFFFFFFE0]  }
0x2aa: {  	s17 =	simm.s32 $0x15BA0;
	v4 =	vshll.u32 v1, $0x2  }
0x2ab: {  	v6 =	vld [tilespmem:s17+$0x10];
	v1 =	vand.u32 $0x7F, v1;
	v4 =	vand.u32 $0xFFFFFE00, v4  }
0x2ac: {  	v7 =	vld [tilespmem:s21+$0x0];
	v5 =	vor.u32 v1, v4  }
0x2ad: {  	v1 =	vshll.u32 v2, $0x2  }
0x2ae: {  	v8 =	vld [tilespmem:s17+$0xFFFFFFE0];
	v2 =	vand.u32 $0x7F, v2;
	v4 =	vshll.u32 v3, $0x2;
	v1 =	vand.u32 $0xFFFFFE00, v1  }
0x2af: {  	s18 =	simm.s32 $0x17B20;
	v10 =	vld [tilespmem:s17+$0xFFFFFFF0];
	v3 =	vand.u32 $0x7F, v3;
	v9 =	vor.u32 v2, v1;
	v1 =	vand.u32 $0xFFFFFE00, v4  }
0x2b0: {  	s16 =	simm.s32 $0x0;
	v4 =	vld [tilespmem:s18+$0x10];
	v11 =	vor.u32 v3, v1;
	v1 =	vshll.u32 v6, $0x2  }
0x2b1: {  	v2 =	vand.u32 $0x7F, v6;
	v6 =	vshll.u32 v7, $0x2;
	v1 =	vand.u32 $0xFFFFFE00, v1;
	v3 =	vld.idx.msk [tilespmem:v5+s16+$0x0], $0xffff  }
0x2b2: {  	v12 =	vld [tilespmem:s17+$0x0];
	v7 =	vand.u32 $0x7F, v7;
	v15 =	vor.u32 v2, v1;
	v1 =	vand.u32 $0xFFFFFE00, v6  }
0x2b3: {  	v2 =	vshll.u32 v8, $0x2;
	v7 =	vor.u32 v7, v1;
	v1 =	vld [tilespmem:s18+$0xFFFFFFE0]  }
0x2b4: {  	v14 =	vor.u32 $0x80, v5;
	v16 =	vand.u32 $0xFFFFFE00, v2;
	v2 =	vld [tilespmem:s18+$0xFFFFFFF0]  }
0x2b5: {  	v6 =	vld.idx.msk [tilespmem:v11+s16+$0x0], $0xffff  }
0x2b6: {  	v17 =	vshll.u32 v10, $0x2;
	v8 =	vand.u32 $0x7F, v8;
	v13 =	vld.idx.msk [tilespmem:v9+s16+$0x0], $0xffff;
	v3 =	vmul.f32 v3, v4  }
0x2b7: {  	v10 =	vand.u32 $0x7F, v10;
	v17 =	vand.u32 $0xFFFFFE00, v17;
	v8 =	vor.u32 v8, v16  }
0x2b8: {  	v16 =	vor.u32 v10, v17;
	[tilespmem:v15+s13+$0x0] =	vst.idx.add.f32.msk $0xffff, v3  }
0x2b9: {  	v10 =	vor.u32 $0x80, v11;
	v14 =	vld.idx.msk [tilespmem:v14+s16+$0x0], $0xffff  }
0x2ba: {  	v17 =	vor.u32 $0x80, v9;
	v18 =	vld.idx.msk [tilespmem:v7+s16+$0x0], $0xffff;
	v6 =	vmul.f32 v6, v1  }
0x2bb: {  	v19 =	vshll.u32 v12, $0x2;
	v20 =	vor.u32 $0x80, v15;
	v3 =	vld [tilespmem:s18+$0x0];
	v13 =	vmul.f32 v13, v2  }
0x2bc: {  	v12 =	vand.u32 $0x7F, v12;
	v19 =	vand.u32 $0xFFFFFE00, v19;
	[tilespmem:v8+s13+$0x0] =	vst.idx.add.f32.msk $0xffff, v6;
	v6 =	vor.u32 $0x100, v5  }
0x2bd: {  	v19 =	vor.u32 v12, v19;
	[tilespmem:v16+s13+$0x0] =	vst.idx.add.f32.msk $0xffff, v13  }
0x2be: {  	v12 =	vor.u32 $0x80, v7;
	v10 =	vld.idx.msk [tilespmem:v10+s16+$0x0], $0xffff;
	v13 =	vmul.f32 v14, v4  }
0x2bf: {  	v14 =	vld.idx.msk [tilespmem:v17+s16+$0x0], $0xffff  }
0x2c0: {  	v18 =	vmul.f32 v18, v3;
	v17 =	vor.u32 $0x80, v8;
	[tilespmem:v20+s13+$0x0] =	vst.idx.add.f32.msk $0xffff, v13  }
0x2c1: {  	v13 =	vor.u32 $0x80, v16;
	v6 =	vld.idx.msk [tilespmem:v6+s16+$0x0], $0xffff  }
0x2c2: {  	[tilespmem:v19+s13+$0x0] =	vst.idx.add.f32.msk $0xffff, v18;
	v20 =	vor.u32 $0x100, v11  }
0x2c3: {  	v18 =	vor.u32 $0x100, v15;
	v12 =	vld.idx.msk [tilespmem:v12+s16+$0x0], $0xffff;
	v10 =	vmul.f32 v10, v1  }
0x2c4: {  	v21 =	vor.u32 $0x180, v5;
	v14 =	vmul.f32 v14, v2  }
0x2c5: {  	v22 =	vor.u32 $0x80, v19;
	[tilespmem:v17+s13+$0x0] =	vst.idx.add.f32.msk $0xffff, v10  }
0x2c6: {  	v17 =	vor.u32 $0x100, v9;
	[tilespmem:v13+s13+$0x0] =	vst.idx.add.f32.msk $0xffff, v14;
	v5 =	vmul.f32 v6, v4  }
0x2c7: {  	v23 =	vor.u32 $0x100, v7;
	v20 =	vld.idx.msk [tilespmem:v20+s16+$0x0], $0xffff  }
0x2c8: {  	v10 =	vmul.f32 v12, v3;
	[tilespmem:v18+s13+$0x0] =	vst.idx.add.f32.msk $0xffff, v5  }
0x2c9: {  	v15 =	vor.u32 $0x180, v15;
	v12 =	vor.u32 $0x100, v8;
	v14 =	vld.idx.msk [tilespmem:v21+s16+$0x0], $0xffff  }
0x2ca: {  	v13 =	vor.u32 $0x100, v16;
	v8 =	vor.u32 $0x180, v8;
	v6 =	vor.u32 $0x180, v9;
	[tilespmem:v22+s13+$0x0] =	vst.idx.add.f32.msk $0xffff, v10  }
0x2cb: {  	v9 =	vor.u32 $0x180, v19;
	v10 =	vor.u32 $0x180, v7;
	v7 =	vor.u32 $0x180, v16;
	v16 =	vld.idx.msk [tilespmem:v17+s16+$0x0], $0xffff  }
0x2cc: {  	s19 =	simm.s32 $0x0;
	s20 =	simm.s32 $0x0;
	s21 =	simm.s32 $0x13C60;
	v5 =	vor.u32 $0x180, v11;
	v11 =	vor.u32 $0x100, v19;
	v17 =	vld.idx.msk [tilespmem:v23+s16+$0x0], $0xffff;
	v18 =	vmul.f32 v20, v1  }
.LBB2_20:
0x2cd: {  	v19 =	vld [tilespmem:s21+$0x10];
	s20 =	sadd.s32 $0x4, s20  }
0x2ce: {  	v4 =	vmul.f32 v14, v4;
	v20 =	vld [tilespmem:s21+$0xFFFFFFF0];
	p0 =	slt.u32 s20, $0xF4  }
0x2cf: {  	v14 =	vld [tilespmem:s21+$0x0]  }
0x2d0: {  	v16 =	vmul.f32 v16, v2;
	[tilespmem:v15+s13+$0x0] =	vst.idx.add.f32.msk $0xffff, v4  }
0x2d1: {  	v15 =	vmul.f32 v17, v3;
	v4 =	vld [tilespmem:s21+$0xFFFFFFE0]  }
0x2d2: {  	v17 =	vshll.u32 v19, $0x2;
	[tilespmem:v12+s13+$0x0] =	vst.idx.add.f32.msk $0xffff, v18  }
0x2d3: {  	v18 =	vand.u32 $0x7F, v19;
	v12 =	vshll.u32 v20, $0x2;
	v17 =	vand.u32 $0xFFFFFE00, v17;
	[tilespmem:v13+s13+$0x0] =	vst.idx.add.f32.msk $0xffff, v16  }
0x2d4: {  	s17 =	sadd.s32 $0x40, s17;
	v12 =	vand.u32 $0xFFFFFE00, v12;
	v13 =	vshll.u32 v14, $0x2;
	v16 =	vor.u32 v18, v17;
	[tilespmem:v11+s13+$0x0] =	vst.idx.add.f32.msk $0xffff, v15  }
0x2d5: {  	v11 =	vand.u32 $0x7F, v20;
	v14 =	vand.u32 $0x7F, v14;
	v13 =	vand.u32 $0xFFFFFE00, v13;
	v15 =	vld [tilespmem:s17+$0x10]  }
0x2d6: {  	v11 =	vor.u32 v11, v12;
	v17 =	vld [tilespmem:s17+$0xFFFFFFE0];
	v18 =	vand.u32 $0x7F, v4;
	v4 =	vshll.u32 v4, $0x2  }
0x2d7: {  	v19 =	vor.u32 $0x80, v11;
	v14 =	vor.u32 v14, v13;
	v4 =	vand.u32 $0xFFFFFE00, v4;
	v12 =	vld [tilespmem:s17+$0xFFFFFFF0]  }
0x2d8: {  	v21 =	vor.u32 $0x80, v14;
	v13 =	vor.u32 v18, v4;
	v18 =	vor.u32 $0x100, v11;
	v20 =	vld [tilespmem:s17+$0x0]  }
0x2d9: {  	s18 =	sadd.s32 $0x40, s18;
	v24 =	vor.u32 $0x100, v14;
	v22 =	vor.u32 $0x80, v13;
	v23 =	vor.u32 $0x100, v13;
	v25 =	vld.idx.msk [tilespmem:v16+s16+$0x0], $0xffff  }
0x2da: {  	v27 =	vor.u32 $0x180, v11;
	v26 =	vor.u32 $0x180, v13;
	v4 =	vld [tilespmem:s18+$0x10];
	v28 =	vshll.u32 v15, $0x2  }
0x2db: {  	v29 =	vshll.u32 v17, $0x2;
	v30 =	vld.idx.msk [tilespmem:v11+s16+$0x0], $0xffff;
	v11 =	vand.u32 $0x7F, v15;
	v15 =	vand.u32 $0xFFFFFE00, v28  }
0x2dc: {  	v28 =	vand.u32 $0xFFFFFE00, v29;
	v29 =	vshll.u32 v12, $0x2;
	v31 =	vld.idx.msk [tilespmem:v14+s16+$0x0], $0xffff;
	v15 =	vor.u32 v11, v15  }
0x2dd: {  	v32 =	vld.idx.msk [tilespmem:v13+s16+$0x0], $0xffff;
	v11 =	vand.u32 $0xFFFFFE00, v29;
	v13 =	vshll.u32 v20, $0x2;
	v29 =	vor.u32 $0x80, v16  }
0x2de: {  	v17 =	vand.u32 $0x7F, v17;
	v12 =	vand.u32 $0x7F, v12;
	v33 =	vld [tilespmem:s18+$0xFFFFFFE0];
	v13 =	vand.u32 $0xFFFFFE00, v13  }
0x2df: {  	v17 =	vor.u32 v17, v28;
	v20 =	vand.u32 $0x7F, v20;
	v28 =	vld [tilespmem:s18+$0xFFFFFFF0];
	v25 =	vmul.f32 v25, v4  }
0x2e0: {  	v34 =	vor.u32 $0x80, v17;
	v35 =	vor.u32 v12, v11;
	v20 =	vor.u32 v20, v13;
	v36 =	vld [tilespmem:s18+$0x0]  }
0x2e1: {  	v12 =	vor.u32 $0x100, v17;
	v37 =	vor.u32 $0x80, v35;
	v38 =	vor.u32 $0x80, v20;
	[tilespmem:v15+s13+$0x0] =	vst.idx.add.f32.msk $0xffff, v25  }
0x2e2: {  	v14 =	vor.u32 $0x180, v14;
	v13 =	vor.u32 $0x100, v35;
	v11 =	vor.u32 $0x100, v20;
	v25 =	vld.idx.msk [tilespmem:v29+s16+$0x0], $0xffff  }
0x2e3: {  	v39 =	vor.u32 $0x180, v35;
	v29 =	vmul.f32 v32, v33;
	v32 =	vor.u32 $0x180, v17;
	v40 =	vld.idx.msk [tilespmem:v5+s19+$0x0], $0xffff;
	v5 =	vmovc v26  }
0x2e4: {  	v26 =	vmul.f32 v30, v28;
	v30 =	vor.u32 $0x180, v20;
	v41 =	vld.idx.msk [tilespmem:v6+s19+$0x0], $0xffff;
	v6 =	vmov v27  }
0x2e5: {  	v27 =	vor.u32 $0x80, v15;
	[tilespmem:v17+s13+$0x0] =	vst.idx.add.f32.msk $0xffff, v29;
	v17 =	vmul.f32 v31, v36  }
0x2e6: {  	[tilespmem:v35+s13+$0x0] =	vst.idx.add.f32.msk $0xffff, v26;
	v26 =	vor.u32 $0x100, v16  }
0x2e7: {  	[tilespmem:v20+s13+$0x0] =	vst.idx.add.f32.msk $0xffff, v17  }
0x2e8: {  	v20 =	vmul.f32 v25, v4;
	v17 =	vld.idx.msk [tilespmem:v22+s16+$0x0], $0xffff  }
0x2e9: {  	v22 =	vmul.f32 v40, v1;
	v1 =	vmov v33;
	v19 =	vld.idx.msk [tilespmem:v19+s16+$0x0], $0xffff  }
0x2ea: {  	[tilespmem:v27+s13+$0x0] =	vst.idx.add.f32.msk $0xffff, v20;
	v20 =	vmul.f32 v41, v2;
	v2 =	vmov v28  }
0x2eb: {  	v25 =	vld.idx.msk [tilespmem:v26+s16+$0x0], $0xffff  }
0x2ec: {  	v21 =	vld.idx.msk [tilespmem:v21+s16+$0x0], $0xffff  }
0x2ed: {  	v26 =	vld.idx.msk [tilespmem:v10+s19+$0x0], $0xffff;
	v10 =	vmov v14;
	s19 =	smov.u32 s16  }
0x2ee: {  	v14 =	vmul.f32 v17, v1;
	v17 =	vor.u32 $0x100, v15;
	[tilespmem:v8+s13+$0x0] =	vst.idx.add.f32.msk $0xffff, v22;
	v8 =	vmov v32  }
0x2ef: {  	v16 =	vor.u32 $0x180, v16;
	v19 =	vmul.f32 v19, v2;
	[tilespmem:v7+s13+$0x0] =	vst.idx.add.f32.msk $0xffff, v20;
	v7 =	vmov v39  }
0x2f0: {  	[tilespmem:v34+s13+$0x0] =	vst.idx.add.f32.msk $0xffff, v14  }
0x2f1: {  	v14 =	vmul.f32 v25, v4;
	[tilespmem:v37+s13+$0x0] =	vst.idx.add.f32.msk $0xffff, v19  }
0x2f2: {  	v20 =	vmul.f32 v21, v36;
	v19 =	vld.idx.msk [tilespmem:v23+s19+$0x0], $0xffff  }
0x2f3: {  	v21 =	vmul.f32 v26, v3;
	v3 =	vmov v36;
	[tilespmem:v17+s13+$0x0] =	vst.idx.add.f32.msk $0xffff, v14  }
.Ltmp9:
0x2f4: {  	v14 =	vld.idx.msk [tilespmem:v16+s19+$0x0], $0xffff;
	(pc) =	sbr.rel @p0 .LBB2_20-.Ltmp9, $4  }
0x2f5: {  	[tilespmem:v38+s13+$0x0] =	vst.idx.add.f32.msk $0xffff, v20  }
0x2f6: {  	v16 =	vld.idx.msk [tilespmem:v18+s19+$0x0], $0xffff  }
0x2f7: {  	v15 =	vor.u32 $0x180, v15;
	v17 =	vld.idx.msk [tilespmem:v24+s19+$0x0], $0xffff  }
0x2f8: {  	s21 =	sadd.s32 $0x40, s21;
	v18 =	vmul.f32 v19, v1;
	[tilespmem:v9+s13+$0x0] =	vst.idx.add.f32.msk $0xffff, v21;
	v9 =	vmov v30  }
0x2f9: {  	_ =	sdelay $0x3  }
0x2fa: {  	[tilespmem:v12+s13+$0x0] =	vst.idx.add.f32.msk $0xffff, v18;
	v16 =	vmul.f32 v16, v2  }
0x2fb: {  	v5 =	vld.idx.msk [tilespmem:v5+s19+$0x0], $0xffff;
	v17 =	vmul.f32 v17, v3  }
0x2fc: {  	[tilespmem:v13+s13+$0x0] =	vst.idx.add.f32.msk $0xffff, v16  }
0x2fd: {  	[tilespmem:v11+s13+$0x0] =	vst.idx.add.f32.msk $0xffff, v17  }
0x2fe: {  	v6 =	vld.idx.msk [tilespmem:v6+s19+$0x0], $0xffff  }
0x2ff: {  	v10 =	vld.idx.msk [tilespmem:v10+s19+$0x0], $0xffff;
	_ =	sdelay $0x1  }
0x300: {  	v4 =	vmul.f32 v14, v4  }
0x301: {  	v1 =	vmul.f32 v5, v1  }
0x302: {  	[tilespmem:v15+s13+$0x0] =	vst.idx.add.f32.msk $0xffff, v4;
	v2 =	vmul.f32 v6, v2  }
0x303: {  	[tilespmem:v8+s13+$0x0] =	vst.idx.add.f32.msk $0xffff, v1;
	v1 =	vmul.f32 v10, v3  }
0x304: {  	[tilespmem:v7+s13+$0x0] =	vst.idx.add.f32.msk $0xffff, v2  }
0x305: {  	[tilespmem:v9+s13+$0x0] =	vst.idx.add.f32.msk $0xffff, v1  }
.LBB2_22:
0x306: {  	s17 =	sshra.s32 s16, $0x2  }
0x307: {  	v1 =	vld [tilespmem:s17+$0x14B80];
	_ =	sdelay $0x4  }
0x308: {  	v2 =	vshll.u32 v1, $0x2  }
0x309: {  	v1 =	vand.u32 $0x7F, v1;
	v2 =	vand.u32 $0xFFFFFE00, v2  }
0x30a: {  	v3 =	vld [tilespmem:s17+$0x16B00];
	v1 =	vor.u32 v1, v2;
	_ =	sdelay $0x3  }
0x30b: {  	v2 =	vld [tilespmem:s17+$0x18A80]  }
0x30c: {  	v5 =	vshll.u32 v3, $0x2;
	v4 =	vld.idx.msk [tilespmem:v1+s1+$0x0], $0xffff  }
0x30d: {  	v3 =	vand.u32 $0x7F, v3;
	v5 =	vand.u32 $0xFFFFFE00, v5  }
0x30e: {  	v3 =	vor.u32 v3, v5  }
0x30f: {  	v61 =	vor.u32 $0x80, v1;
	_ =	sdelay $0x1  }
0x310: {  	v4 =	vmul.f32 v4, v2;
	_ =	sdelay $0x1  }
0x311: {  	[tilespmem:v3+s13+$0x0] =	vst.idx.add.f32.msk $0xffff, v4  }
0x312: {  	v4 =	vld.idx.msk [tilespmem:v61+s1+$0x0], $0xffff;
	_ =	sdelay $0x1  }
0x313: {  	v62 =	vor.u32 $0x80, v3  }
0x314: {  	v6 =	vor.u32 $0x100, v1;
	_ =	sdelay $0x1  }
0x315: {  	v4 =	vmul.f32 v4, v2;
	_ =	sdelay $0x1  }
0x316: {  	[tilespmem:v62+s13+$0x0] =	vst.idx.add.f32.msk $0xffff, v4  }
0x317: {  	v4 =	vld.idx.msk [tilespmem:v6+s1+$0x0], $0xffff;
	_ =	sdelay $0x1  }
0x318: {  	v63 =	vor.u32 $0x100, v3  }
0x319: {  	v1 =	vor.u32 $0x180, v1;
	_ =	sdelay $0x1  }
0x31a: {  	v4 =	vmul.f32 v4, v2;
	_ =	sdelay $0x1  }
0x31b: {  	[tilespmem:v63+s13+$0x0] =	vst.idx.add.f32.msk $0xffff, v4  }
0x31c: {  	v1 =	vld.idx.msk [tilespmem:v1+s1+$0x0], $0xffff;
	_ =	sdelay $0x1  }
0x31d: {  	p0 =	sne.s32 s16, $0x40;
	v3 =	vor.u32 $0x180, v3  }
.Ltmp10:
0x31e: {  	_ = 	snop;
	(pc) =	sbr.rel @p0 .LBB2_22-.Ltmp10, $3  }
0x31f: {  	_ = 	snop  }
0x320: {  	v1 =	vmul.f32 v1, v2;
	_ =	sdelay $0x1  }
0x321: {  	s16 =	sadd.s32 $0x40, s16;
	[tilespmem:v3+s13+$0x0] =	vst.idx.add.f32.msk $0xffff, v1  }
0x322: {  	s16 =	rddreg [dreg:$0x12]  }
0x323: {  	[tilespmem:s5], [sflag:$0x1] =	stream.linear.gather [hbm4b:s16+s1], $0xFA0, $0x38;
	[tilespmem:$0x19A80] =	vst v63  }
0x324: {  	s19 =	rddreg [dreg:$0x13]  }
0x325: {  	[tilespmem:s6], [sflag:$0x1] =	stream.linear.gather [hbm4b:s19+s1], $0xFA0, $0x38;
	[tilespmem:$0x19A80] =	vst v63  }
0x326: {  	s20 =	rddreg [dreg:$0x14]  }
0x327: {  	[tilespmem:s7], [sflag:$0x1] =	stream.linear.gather [hbm4b:s20+s1], $0xFA0, $0x38;
	[tilespmem:$0x19A80] =	vst v63  }
0x328: {  	_ =	swait.ge [sflag:s14], $0xFA0  }
0x329: {  	[sflag:s14] =	ssyncset.done $0x0  }
0x32a: {  	[sflag:s14] =	ssyncadd.s32 $0xFFFFF060  }
0x32b: {  	_ =	swait.ge [sflag:s14], $0xFA0  }
0x32c: {  	[sflag:s14] =	ssyncset.done $0x0  }
0x32d: {  	[sflag:s14] =	ssyncadd.s32 $0xFFFFF060  }
0x32e: {  	_ =	swait.ge [sflag:s14], $0xFA0  }
0x32f: {  	[sflag:s14] =	ssyncset.done $0x0  }
0x330: {  	s21 =	simm.s32 $0x14BD0;
	[sflag:s14] =	ssyncadd.s32 $0xFFFFF060  }
0x331: {  	v1 =	vld [tilespmem:s21+$0x0];
	_ =	sdelay $0x2  }
0x332: {  	v2 =	vld [tilespmem:s21+$0xFFFFFFE0]  }
0x333: {  	v3 =	vld [tilespmem:s21+$0xFFFFFFD0]  }
0x334: {  	s17 =	simm.s32 $0x16B50;
	v4 =	vshll.u32 v1, $0x2  }
0x335: {  	v6 =	vld [tilespmem:s17+$0x0];
	v1 =	vand.u32 $0x7F, v1;
	v4 =	vand.u32 $0xFFFFFE00, v4  }
0x336: {  	v7 =	vld [tilespmem:s21+$0xFFFFFFF0];
	v5 =	vor.u32 v1, v4  }
0x337: {  	v1 =	vshll.u32 v2, $0x2  }
0x338: {  	v8 =	vld [tilespmem:s17+$0xFFFFFFD0];
	v2 =	vand.u32 $0x7F, v2;
	v4 =	vshll.u32 v3, $0x2;
	v1 =	vand.u32 $0xFFFFFE00, v1  }
0x339: {  	s18 =	simm.s32 $0x18AD0;
	v10 =	vld [tilespmem:s17+$0xFFFFFFE0];
	v3 =	vand.u32 $0x7F, v3;
	v9 =	vor.u32 v2, v1;
	v1 =	vand.u32 $0xFFFFFE00, v4  }
0x33a: {  	s16 =	simm.s32 $0x0;
	v4 =	vld [tilespmem:s18+$0x0];
	v11 =	vor.u32 v3, v1;
	v1 =	vshll.u32 v6, $0x2  }
0x33b: {  	v2 =	vand.u32 $0x7F, v6;
	v6 =	vshll.u32 v7, $0x2;
	v1 =	vand.u32 $0xFFFFFE00, v1;
	v3 =	vld.idx.msk [tilespmem:v5+s16+$0x0], $0xffff  }
0x33c: {  	v12 =	vld [tilespmem:s17+$0xFFFFFFF0];
	v7 =	vand.u32 $0x7F, v7;
	v15 =	vor.u32 v2, v1;
	v1 =	vand.u32 $0xFFFFFE00, v6  }
0x33d: {  	v2 =	vshll.u32 v8, $0x2;
	v7 =	vor.u32 v7, v1;
	v1 =	vld [tilespmem:s18+$0xFFFFFFD0]  }
0x33e: {  	v14 =	vor.u32 $0x80, v5;
	v16 =	vand.u32 $0xFFFFFE00, v2;
	v2 =	vld [tilespmem:s18+$0xFFFFFFE0]  }
0x33f: {  	v6 =	vld.idx.msk [tilespmem:v11+s16+$0x0], $0xffff  }
0x340: {  	v17 =	vshll.u32 v10, $0x2;
	v8 =	vand.u32 $0x7F, v8;
	v13 =	vld.idx.msk [tilespmem:v9+s16+$0x0], $0xffff;
	v3 =	vmul.f32 v3, v4  }
0x341: {  	v10 =	vand.u32 $0x7F, v10;
	v17 =	vand.u32 $0xFFFFFE00, v17;
	v8 =	vor.u32 v8, v16  }
0x342: {  	v16 =	vor.u32 v10, v17;
	[tilespmem:v15+s13+$0x0] =	vst.idx.add.f32.msk $0xffff, v3  }
0x343: {  	v10 =	vor.u32 $0x80, v11;
	v14 =	vld.idx.msk [tilespmem:v14+s16+$0x0], $0xffff  }
0x344: {  	v17 =	vor.u32 $0x80, v9;
	v18 =	vld.idx.msk [tilespmem:v7+s16+$0x0], $0xffff;
	v6 =	vmul.f32 v6, v1  }
0x345: {  	v19 =	vshll.u32 v12, $0x2;
	v20 =	vor.u32 $0x80, v15;
	v3 =	vld [tilespmem:s18+$0xFFFFFFF0];
	v13 =	vmul.f32 v13, v2  }
0x346: {  	v12 =	vand.u32 $0x7F, v12;
	v19 =	vand.u32 $0xFFFFFE00, v19;
	[tilespmem:v8+s13+$0x0] =	vst.idx.add.f32.msk $0xffff, v6;
	v6 =	vor.u32 $0x100, v5  }
0x347: {  	v19 =	vor.u32 v12, v19;
	[tilespmem:v16+s13+$0x0] =	vst.idx.add.f32.msk $0xffff, v13  }
0x348: {  	v12 =	vor.u32 $0x80, v7;
	v10 =	vld.idx.msk [tilespmem:v10+s16+$0x0], $0xffff;
	v13 =	vmul.f32 v14, v4  }
0x349: {  	v14 =	vld.idx.msk [tilespmem:v17+s16+$0x0], $0xffff  }
0x34a: {  	v18 =	vmul.f32 v18, v3;
	v17 =	vor.u32 $0x80, v8;
	[tilespmem:v20+s13+$0x0] =	vst.idx.add.f32.msk $0xffff, v13  }
0x34b: {  	v13 =	vor.u32 $0x80, v16;
	v6 =	vld.idx.msk [tilespmem:v6+s16+$0x0], $0xffff  }
0x34c: {  	[tilespmem:v19+s13+$0x0] =	vst.idx.add.f32.msk $0xffff, v18;
	v20 =	vor.u32 $0x100, v11  }
0x34d: {  	v18 =	vor.u32 $0x100, v15;
	v12 =	vld.idx.msk [tilespmem:v12+s16+$0x0], $0xffff;
	v10 =	vmul.f32 v10, v1  }
0x34e: {  	v21 =	vor.u32 $0x180, v5;
	v14 =	vmul.f32 v14, v2  }
0x34f: {  	v22 =	vor.u32 $0x80, v19;
	[tilespmem:v17+s13+$0x0] =	vst.idx.add.f32.msk $0xffff, v10  }
0x350: {  	v17 =	vor.u32 $0x100, v9;
	[tilespmem:v13+s13+$0x0] =	vst.idx.add.f32.msk $0xffff, v14;
	v5 =	vmul.f32 v6, v4  }
0x351: {  	v23 =	vor.u32 $0x100, v7;
	v20 =	vld.idx.msk [tilespmem:v20+s16+$0x0], $0xffff  }
0x352: {  	v10 =	vmul.f32 v12, v3;
	[tilespmem:v18+s13+$0x0] =	vst.idx.add.f32.msk $0xffff, v5  }
0x353: {  	v15 =	vor.u32 $0x180, v15;
	v12 =	vor.u32 $0x100, v8;
	v14 =	vld.idx.msk [tilespmem:v21+s16+$0x0], $0xffff  }
0x354: {  	v13 =	vor.u32 $0x100, v16;
	v8 =	vor.u32 $0x180, v8;
	v6 =	vor.u32 $0x180, v9;
	[tilespmem:v22+s13+$0x0] =	vst.idx.add.f32.msk $0xffff, v10  }
0x355: {  	v9 =	vor.u32 $0x180, v19;
	v10 =	vor.u32 $0x180, v7;
	v7 =	vor.u32 $0x180, v16;
	v16 =	vld.idx.msk [tilespmem:v17+s16+$0x0], $0xffff  }
0x356: {  	s19 =	simm.s32 $0x0;
	s20 =	simm.s32 $0x0;
	s21 =	simm.s32 $0x14C10;
	v5 =	vor.u32 $0x180, v11;
	v11 =	vor.u32 $0x100, v19;
	v17 =	vld.idx.msk [tilespmem:v23+s16+$0x0], $0xffff;
	v18 =	vmul.f32 v20, v1  }
.LBB2_24:
0x357: {  	v19 =	vld [tilespmem:s21+$0x0];
	s20 =	sadd.s32 $0x4, s20  }
0x358: {  	v4 =	vmul.f32 v14, v4;
	v20 =	vld [tilespmem:s21+$0xFFFFFFE0];
	p0 =	slt.u32 s20, $0xF4  }
0x359: {  	v14 =	vld [tilespmem:s21+$0xFFFFFFF0]  }
0x35a: {  	v16 =	vmul.f32 v16, v2;
	[tilespmem:v15+s13+$0x0] =	vst.idx.add.f32.msk $0xffff, v4  }
0x35b: {  	v15 =	vmul.f32 v17, v3;
	v4 =	vld [tilespmem:s21+$0xFFFFFFD0]  }
0x35c: {  	v17 =	vshll.u32 v19, $0x2;
	[tilespmem:v12+s13+$0x0] =	vst.idx.add.f32.msk $0xffff, v18  }
0x35d: {  	v18 =	vand.u32 $0x7F, v19;
	v12 =	vshll.u32 v20, $0x2;
	v17 =	vand.u32 $0xFFFFFE00, v17;
	[tilespmem:v13+s13+$0x0] =	vst.idx.add.f32.msk $0xffff, v16  }
0x35e: {  	s17 =	sadd.s32 $0x40, s17;
	v12 =	vand.u32 $0xFFFFFE00, v12;
	v13 =	vshll.u32 v14, $0x2;
	v16 =	vor.u32 v18, v17;
	[tilespmem:v11+s13+$0x0] =	vst.idx.add.f32.msk $0xffff, v15  }
0x35f: {  	v11 =	vand.u32 $0x7F, v20;
	v14 =	vand.u32 $0x7F, v14;
	v13 =	vand.u32 $0xFFFFFE00, v13;
	v15 =	vld [tilespmem:s17+$0x0]  }
0x360: {  	v11 =	vor.u32 v11, v12;
	v17 =	vld [tilespmem:s17+$0xFFFFFFD0];
	v18 =	vand.u32 $0x7F, v4;
	v4 =	vshll.u32 v4, $0x2  }
0x361: {  	v19 =	vor.u32 $0x80, v11;
	v14 =	vor.u32 v14, v13;
	v4 =	vand.u32 $0xFFFFFE00, v4;
	v12 =	vld [tilespmem:s17+$0xFFFFFFE0]  }
0x362: {  	v21 =	vor.u32 $0x80, v14;
	v13 =	vor.u32 v18, v4;
	v18 =	vor.u32 $0x100, v11;
	v20 =	vld [tilespmem:s17+$0xFFFFFFF0]  }
0x363: {  	s18 =	sadd.s32 $0x40, s18;
	v24 =	vor.u32 $0x100, v14;
	v22 =	vor.u32 $0x80, v13;
	v23 =	vor.u32 $0x100, v13;
	v25 =	vld.idx.msk [tilespmem:v16+s16+$0x0], $0xffff  }
0x364: {  	v27 =	vor.u32 $0x180, v11;
	v26 =	vor.u32 $0x180, v13;
	v4 =	vld [tilespmem:s18+$0x0];
	v28 =	vshll.u32 v15, $0x2  }
0x365: {  	v29 =	vshll.u32 v17, $0x2;
	v30 =	vld.idx.msk [tilespmem:v11+s16+$0x0], $0xffff;
	v11 =	vand.u32 $0x7F, v15;
	v15 =	vand.u32 $0xFFFFFE00, v28  }
0x366: {  	v28 =	vand.u32 $0xFFFFFE00, v29;
	v29 =	vshll.u32 v12, $0x2;
	v31 =	vld.idx.msk [tilespmem:v14+s16+$0x0], $0xffff;
	v15 =	vor.u32 v11, v15  }
0x367: {  	v32 =	vld.idx.msk [tilespmem:v13+s16+$0x0], $0xffff;
	v11 =	vand.u32 $0xFFFFFE00, v29;
	v13 =	vshll.u32 v20, $0x2;
	v29 =	vor.u32 $0x80, v16  }
0x368: {  	v17 =	vand.u32 $0x7F, v17;
	v12 =	vand.u32 $0x7F, v12;
	v33 =	vld [tilespmem:s18+$0xFFFFFFD0];
	v13 =	vand.u32 $0xFFFFFE00, v13  }
0x369: {  	v17 =	vor.u32 v17, v28;
	v20 =	vand.u32 $0x7F, v20;
	v28 =	vld [tilespmem:s18+$0xFFFFFFE0];
	v25 =	vmul.f32 v25, v4  }
0x36a: {  	v34 =	vor.u32 $0x80, v17;
	v35 =	vor.u32 v12, v11;
	v20 =	vor.u32 v20, v13;
	v36 =	vld [tilespmem:s18+$0xFFFFFFF0]  }
0x36b: {  	v12 =	vor.u32 $0x100, v17;
	v37 =	vor.u32 $0x80, v35;
	v38 =	vor.u32 $0x80, v20;
	[tilespmem:v15+s13+$0x0] =	vst.idx.add.f32.msk $0xffff, v25  }
0x36c: {  	v14 =	vor.u32 $0x180, v14;
	v13 =	vor.u32 $0x100, v35;
	v11 =	vor.u32 $0x100, v20;
	v25 =	vld.idx.msk [tilespmem:v29+s16+$0x0], $0xffff  }
0x36d: {  	v39 =	vor.u32 $0x180, v35;
	v29 =	vmul.f32 v32, v33;
	v32 =	vor.u32 $0x180, v17;
	v40 =	vld.idx.msk [tilespmem:v5+s19+$0x0], $0xffff;
	v5 =	vmovc v26  }
0x36e: {  	v26 =	vmul.f32 v30, v28;
	v30 =	vor.u32 $0x180, v20;
	v41 =	vld.idx.msk [tilespmem:v6+s19+$0x0], $0xffff;
	v6 =	vmov v27  }
0x36f: {  	v27 =	vor.u32 $0x80, v15;
	[tilespmem:v17+s13+$0x0] =	vst.idx.add.f32.msk $0xffff, v29;
	v17 =	vmul.f32 v31, v36  }
0x370: {  	[tilespmem:v35+s13+$0x0] =	vst.idx.add.f32.msk $0xffff, v26;
	v26 =	vor.u32 $0x100, v16  }
0x371: {  	[tilespmem:v20+s13+$0x0] =	vst.idx.add.f32.msk $0xffff, v17  }
0x372: {  	v20 =	vmul.f32 v25, v4;
	v17 =	vld.idx.msk [tilespmem:v22+s16+$0x0], $0xffff  }
0x373: {  	v22 =	vmul.f32 v40, v1;
	v1 =	vmov v33;
	v19 =	vld.idx.msk [tilespmem:v19+s16+$0x0], $0xffff  }
0x374: {  	[tilespmem:v27+s13+$0x0] =	vst.idx.add.f32.msk $0xffff, v20;
	v20 =	vmul.f32 v41, v2;
	v2 =	vmov v28  }
0x375: {  	v25 =	vld.idx.msk [tilespmem:v26+s16+$0x0], $0xffff  }
0x376: {  	v21 =	vld.idx.msk [tilespmem:v21+s16+$0x0], $0xffff  }
0x377: {  	v26 =	vld.idx.msk [tilespmem:v10+s19+$0x0], $0xffff;
	v10 =	vmov v14;
	s19 =	smov.u32 s16  }
0x378: {  	v14 =	vmul.f32 v17, v1;
	v17 =	vor.u32 $0x100, v15;
	[tilespmem:v8+s13+$0x0] =	vst.idx.add.f32.msk $0xffff, v22;
	v8 =	vmov v32  }
0x379: {  	v16 =	vor.u32 $0x180, v16;
	v19 =	vmul.f32 v19, v2;
	[tilespmem:v7+s13+$0x0] =	vst.idx.add.f32.msk $0xffff, v20;
	v7 =	vmov v39  }
0x37a: {  	[tilespmem:v34+s13+$0x0] =	vst.idx.add.f32.msk $0xffff, v14  }
0x37b: {  	v14 =	vmul.f32 v25, v4;
	[tilespmem:v37+s13+$0x0] =	vst.idx.add.f32.msk $0xffff, v19  }
0x37c: {  	v20 =	vmul.f32 v21, v36;
	v19 =	vld.idx.msk [tilespmem:v23+s19+$0x0], $0xffff  }
0x37d: {  	v21 =	vmul.f32 v26, v3;
	v3 =	vmov v36;
	[tilespmem:v17+s13+$0x0] =	vst.idx.add.f32.msk $0xffff, v14  }
.Ltmp11:
0x37e: {  	v14 =	vld.idx.msk [tilespmem:v16+s19+$0x0], $0xffff;
	(pc) =	sbr.rel @p0 .LBB2_24-.Ltmp11, $4  }
0x37f: {  	[tilespmem:v38+s13+$0x0] =	vst.idx.add.f32.msk $0xffff, v20  }
0x380: {  	v16 =	vld.idx.msk [tilespmem:v18+s19+$0x0], $0xffff  }
0x381: {  	v15 =	vor.u32 $0x180, v15;
	v17 =	vld.idx.msk [tilespmem:v24+s19+$0x0], $0xffff  }
0x382: {  	s21 =	sadd.s32 $0x40, s21;
	v18 =	vmul.f32 v19, v1;
	[tilespmem:v9+s13+$0x0] =	vst.idx.add.f32.msk $0xffff, v21;
	v9 =	vmov v30  }
0x383: {  	_ =	sdelay $0x3  }
0x384: {  	[tilespmem:v12+s13+$0x0] =	vst.idx.add.f32.msk $0xffff, v18;
	v16 =	vmul.f32 v16, v2  }
0x385: {  	v5 =	vld.idx.msk [tilespmem:v5+s19+$0x0], $0xffff;
	v17 =	vmul.f32 v17, v3  }
0x386: {  	[tilespmem:v13+s13+$0x0] =	vst.idx.add.f32.msk $0xffff, v16  }
0x387: {  	[tilespmem:v11+s13+$0x0] =	vst.idx.add.f32.msk $0xffff, v17  }
0x388: {  	v6 =	vld.idx.msk [tilespmem:v6+s19+$0x0], $0xffff  }
0x389: {  	v10 =	vld.idx.msk [tilespmem:v10+s19+$0x0], $0xffff;
	_ =	sdelay $0x1  }
0x38a: {  	v4 =	vmul.f32 v14, v4  }
0x38b: {  	v1 =	vmul.f32 v5, v1  }
0x38c: {  	[tilespmem:v15+s13+$0x0] =	vst.idx.add.f32.msk $0xffff, v4;
	v2 =	vmul.f32 v6, v2  }
0x38d: {  	[tilespmem:v8+s13+$0x0] =	vst.idx.add.f32.msk $0xffff, v1;
	v1 =	vmul.f32 v10, v3  }
0x38e: {  	[tilespmem:v7+s13+$0x0] =	vst.idx.add.f32.msk $0xffff, v2  }
0x38f: {  	[tilespmem:v9+s13+$0x0] =	vst.idx.add.f32.msk $0xffff, v1  }
.LBB2_26:
0x390: {  	s17 =	sshra.s32 s16, $0x2  }
0x391: {  	v1 =	vld [tilespmem:s17+$0x15B20];
	_ =	sdelay $0x4  }
0x392: {  	v2 =	vshll.u32 v1, $0x2  }
0x393: {  	v1 =	vand.u32 $0x7F, v1;
	v2 =	vand.u32 $0xFFFFFE00, v2  }
0x394: {  	v3 =	vld [tilespmem:s17+$0x17AA0];
	v1 =	vor.u32 v1, v2;
	_ =	sdelay $0x3  }
0x395: {  	v2 =	vld [tilespmem:s17+$0x19A20]  }
0x396: {  	v5 =	vshll.u32 v3, $0x2;
	v4 =	vld.idx.msk [tilespmem:v1+s1+$0x0], $0xffff  }
0x397: {  	v3 =	vand.u32 $0x7F, v3;
	v5 =	vand.u32 $0xFFFFFE00, v5  }
0x398: {  	v3 =	vor.u32 v3, v5  }
0x399: {  	v61 =	vor.u32 $0x80, v1;
	_ =	sdelay $0x1  }
0x39a: {  	v4 =	vmul.f32 v4, v2;
	_ =	sdelay $0x1  }
0x39b: {  	[tilespmem:v3+s13+$0x0] =	vst.idx.add.f32.msk $0xffff, v4  }
0x39c: {  	v4 =	vld.idx.msk [tilespmem:v61+s1+$0x0], $0xffff;
	_ =	sdelay $0x1  }
0x39d: {  	v62 =	vor.u32 $0x80, v3  }
0x39e: {  	v6 =	vor.u32 $0x100, v1;
	_ =	sdelay $0x1  }
0x39f: {  	v4 =	vmul.f32 v4, v2;
	_ =	sdelay $0x1  }
0x3a0: {  	[tilespmem:v62+s13+$0x0] =	vst.idx.add.f32.msk $0xffff, v4  }
0x3a1: {  	v4 =	vld.idx.msk [tilespmem:v6+s1+$0x0], $0xffff;
	_ =	sdelay $0x1  }
0x3a2: {  	v63 =	vor.u32 $0x100, v3  }
0x3a3: {  	v1 =	vor.u32 $0x180, v1;
	_ =	sdelay $0x1  }
0x3a4: {  	v4 =	vmul.f32 v4, v2;
	_ =	sdelay $0x1  }
0x3a5: {  	[tilespmem:v63+s13+$0x0] =	vst.idx.add.f32.msk $0xffff, v4  }
0x3a6: {  	v1 =	vld.idx.msk [tilespmem:v1+s1+$0x0], $0xffff;
	_ =	sdelay $0x1  }
0x3a7: {  	p0 =	sne.s32 s16, $0x40;
	v3 =	vor.u32 $0x180, v3  }
.Ltmp12:
0x3a8: {  	_ = 	snop;
	(pc) =	sbr.rel @p0 .LBB2_26-.Ltmp12, $3  }
0x3a9: {  	_ = 	snop  }
0x3aa: {  	v1 =	vmul.f32 v1, v2;
	_ =	sdelay $0x1  }
0x3ab: {  	s16 =	sadd.s32 $0x40, s16;
	[tilespmem:v3+s13+$0x0] =	vst.idx.add.f32.msk $0xffff, v1  }
0x3ac: {  	s16 =	rddreg [dreg:$0x15]  }
0x3ad: {  	[tilespmem:s9], [sflag:$0x2] =	stream.linear.gather [hbm4b:s16+s1], $0xFA0, $0x38;
	[tilespmem:$0x19A80] =	vst v63  }
0x3ae: {  	s20 =	rddreg [dreg:$0x16]  }
0x3af: {  	[tilespmem:s10], [sflag:$0x2] =	stream.linear.gather [hbm4b:s20+s1], $0xFA0, $0x38;
	[tilespmem:$0x19A80] =	vst v63  }
0x3b0: {  	_ = 	snop  }
0x3b1: {  	[tilespmem:s11], [sflag:$0x2] =	stream.linear.gather [hbm4b:s22+s1], $0xFA0, $0x38;
	[tilespmem:$0x19A80] =	vst v63  }
0x3b2: {  	_ =	swait.ge [sflag:s12], $0xFA0  }
0x3b3: {  	[sflag:s12] =	ssyncset.done $0x0  }
0x3b4: {  	[sflag:s12] =	ssyncadd.s32 $0xFFFFF060  }
0x3b5: {  	_ =	swait.ge [sflag:s12], $0xFA0  }
0x3b6: {  	[sflag:s12] =	ssyncset.done $0x0  }
0x3b7: {  	[sflag:s12] =	ssyncadd.s32 $0xFFFFF060  }
0x3b8: {  	_ =	swait.ge [sflag:s12], $0xFA0  }
0x3b9: {  	[sflag:s12] =	ssyncset.done $0x0  }
0x3ba: {  	s21 =	simm.s32 $0x13C20;
	[sflag:s12] =	ssyncadd.s32 $0xFFFFF060  }
0x3bb: {  	v1 =	vld [tilespmem:s21+$0x10];
	_ =	sdelay $0x2  }
0x3bc: {  	v2 =	vld [tilespmem:s21+$0xFFFFFFF0]  }
0x3bd: {  	v3 =	vld [tilespmem:s21+$0xFFFFFFE0]  }
0x3be: {  	s17 =	simm.s32 $0x15BA0;
	v4 =	vshll.u32 v1, $0x2  }
0x3bf: {  	v6 =	vld [tilespmem:s17+$0x10];
	v1 =	vand.u32 $0x7F, v1;
	v4 =	vand.u32 $0xFFFFFE00, v4  }
0x3c0: {  	v7 =	vld [tilespmem:s21+$0x0];
	v5 =	vor.u32 v1, v4  }
0x3c1: {  	v1 =	vshll.u32 v2, $0x2  }
0x3c2: {  	v8 =	vld [tilespmem:s17+$0xFFFFFFE0];
	v2 =	vand.u32 $0x7F, v2;
	v4 =	vshll.u32 v3, $0x2;
	v1 =	vand.u32 $0xFFFFFE00, v1  }
0x3c3: {  	s18 =	simm.s32 $0x17B20;
	v10 =	vld [tilespmem:s17+$0xFFFFFFF0];
	v3 =	vand.u32 $0x7F, v3;
	v9 =	vor.u32 v2, v1;
	v1 =	vand.u32 $0xFFFFFE00, v4  }
0x3c4: {  	s16 =	simm.s32 $0x0;
	v4 =	vld [tilespmem:s18+$0x10];
	v11 =	vor.u32 v3, v1;
	v1 =	vshll.u32 v6, $0x2  }
0x3c5: {  	v2 =	vand.u32 $0x7F, v6;
	v6 =	vshll.u32 v7, $0x2;
	v1 =	vand.u32 $0xFFFFFE00, v1;
	v3 =	vld.idx.msk [tilespmem:v5+s16+$0x0], $0xffff  }
0x3c6: {  	v12 =	vld [tilespmem:s17+$0x0];
	v7 =	vand.u32 $0x7F, v7;
	v15 =	vor.u32 v2, v1;
	v1 =	vand.u32 $0xFFFFFE00, v6  }
0x3c7: {  	v2 =	vshll.u32 v8, $0x2;
	v7 =	vor.u32 v7, v1;
	v1 =	vld [tilespmem:s18+$0xFFFFFFE0]  }
0x3c8: {  	v14 =	vor.u32 $0x80, v5;
	v16 =	vand.u32 $0xFFFFFE00, v2;
	v2 =	vld [tilespmem:s18+$0xFFFFFFF0]  }
0x3c9: {  	v6 =	vld.idx.msk [tilespmem:v11+s16+$0x0], $0xffff  }
0x3ca: {  	v17 =	vshll.u32 v10, $0x2;
	v8 =	vand.u32 $0x7F, v8;
	v13 =	vld.idx.msk [tilespmem:v9+s16+$0x0], $0xffff;
	v3 =	vmul.f32 v3, v4  }
0x3cb: {  	v10 =	vand.u32 $0x7F, v10;
	v17 =	vand.u32 $0xFFFFFE00, v17;
	v8 =	vor.u32 v8, v16  }
0x3cc: {  	v16 =	vor.u32 v10, v17;
	[tilespmem:v15+s13+$0x0] =	vst.idx.add.f32.msk $0xffff, v3  }
0x3cd: {  	v10 =	vor.u32 $0x80, v11;
	v14 =	vld.idx.msk [tilespmem:v14+s16+$0x0], $0xffff  }
0x3ce: {  	v17 =	vor.u32 $0x80, v9;
	v18 =	vld.idx.msk [tilespmem:v7+s16+$0x0], $0xffff;
	v6 =	vmul.f32 v6, v1  }
0x3cf: {  	v19 =	vshll.u32 v12, $0x2;
	v20 =	vor.u32 $0x80, v15;
	v3 =	vld [tilespmem:s18+$0x0];
	v13 =	vmul.f32 v13, v2  }
0x3d0: {  	v12 =	vand.u32 $0x7F, v12;
	v19 =	vand.u32 $0xFFFFFE00, v19;
	[tilespmem:v8+s13+$0x0] =	vst.idx.add.f32.msk $0xffff, v6;
	v6 =	vor.u32 $0x100, v5  }
0x3d1: {  	v19 =	vor.u32 v12, v19;
	[tilespmem:v16+s13+$0x0] =	vst.idx.add.f32.msk $0xffff, v13  }
0x3d2: {  	v12 =	vor.u32 $0x80, v7;
	v10 =	vld.idx.msk [tilespmem:v10+s16+$0x0], $0xffff;
	v13 =	vmul.f32 v14, v4  }
0x3d3: {  	v14 =	vld.idx.msk [tilespmem:v17+s16+$0x0], $0xffff  }
0x3d4: {  	v18 =	vmul.f32 v18, v3;
	v17 =	vor.u32 $0x80, v8;
	[tilespmem:v20+s13+$0x0] =	vst.idx.add.f32.msk $0xffff, v13  }
0x3d5: {  	v13 =	vor.u32 $0x80, v16;
	v6 =	vld.idx.msk [tilespmem:v6+s16+$0x0], $0xffff  }
0x3d6: {  	[tilespmem:v19+s13+$0x0] =	vst.idx.add.f32.msk $0xffff, v18;
	v20 =	vor.u32 $0x100, v11  }
0x3d7: {  	v18 =	vor.u32 $0x100, v15;
	v12 =	vld.idx.msk [tilespmem:v12+s16+$0x0], $0xffff;
	v10 =	vmul.f32 v10, v1  }
0x3d8: {  	v21 =	vor.u32 $0x180, v5;
	v14 =	vmul.f32 v14, v2  }
0x3d9: {  	v22 =	vor.u32 $0x80, v19;
	[tilespmem:v17+s13+$0x0] =	vst.idx.add.f32.msk $0xffff, v10  }
0x3da: {  	v17 =	vor.u32 $0x100, v9;
	[tilespmem:v13+s13+$0x0] =	vst.idx.add.f32.msk $0xffff, v14;
	v5 =	vmul.f32 v6, v4  }
0x3db: {  	v23 =	vor.u32 $0x100, v7;
	v20 =	vld.idx.msk [tilespmem:v20+s16+$0x0], $0xffff  }
0x3dc: {  	v10 =	vmul.f32 v12, v3;
	[tilespmem:v18+s13+$0x0] =	vst.idx.add.f32.msk $0xffff, v5  }
0x3dd: {  	v15 =	vor.u32 $0x180, v15;
	v12 =	vor.u32 $0x100, v8;
	v14 =	vld.idx.msk [tilespmem:v21+s16+$0x0], $0xffff  }
0x3de: {  	v13 =	vor.u32 $0x100, v16;
	v8 =	vor.u32 $0x180, v8;
	v6 =	vor.u32 $0x180, v9;
	[tilespmem:v22+s13+$0x0] =	vst.idx.add.f32.msk $0xffff, v10  }
0x3df: {  	v9 =	vor.u32 $0x180, v19;
	v10 =	vor.u32 $0x180, v7;
	v7 =	vor.u32 $0x180, v16;
	v16 =	vld.idx.msk [tilespmem:v17+s16+$0x0], $0xffff  }
0x3e0: {  	s19 =	simm.s32 $0x0;
	s20 =	simm.s32 $0x0;
	s21 =	simm.s32 $0x13C60;
	v5 =	vor.u32 $0x180, v11;
	v11 =	vor.u32 $0x100, v19;
	v17 =	vld.idx.msk [tilespmem:v23+s16+$0x0], $0xffff;
	v18 =	vmul.f32 v20, v1  }
.LBB2_28:
0x3e1: {  	v19 =	vld [tilespmem:s21+$0x10];
	s20 =	sadd.s32 $0x4, s20  }
0x3e2: {  	v4 =	vmul.f32 v14, v4;
	v20 =	vld [tilespmem:s21+$0xFFFFFFF0];
	p0 =	slt.u32 s20, $0xF4  }
0x3e3: {  	v14 =	vld [tilespmem:s21+$0x0]  }
0x3e4: {  	v16 =	vmul.f32 v16, v2;
	[tilespmem:v15+s13+$0x0] =	vst.idx.add.f32.msk $0xffff, v4  }
0x3e5: {  	v15 =	vmul.f32 v17, v3;
	v4 =	vld [tilespmem:s21+$0xFFFFFFE0]  }
0x3e6: {  	v17 =	vshll.u32 v19, $0x2;
	[tilespmem:v12+s13+$0x0] =	vst.idx.add.f32.msk $0xffff, v18  }
0x3e7: {  	v18 =	vand.u32 $0x7F, v19;
	v12 =	vshll.u32 v20, $0x2;
	v17 =	vand.u32 $0xFFFFFE00, v17;
	[tilespmem:v13+s13+$0x0] =	vst.idx.add.f32.msk $0xffff, v16  }
0x3e8: {  	s17 =	sadd.s32 $0x40, s17;
	v12 =	vand.u32 $0xFFFFFE00, v12;
	v13 =	vshll.u32 v14, $0x2;
	v16 =	vor.u32 v18, v17;
	[tilespmem:v11+s13+$0x0] =	vst.idx.add.f32.msk $0xffff, v15  }
0x3e9: {  	v11 =	vand.u32 $0x7F, v20;
	v14 =	vand.u32 $0x7F, v14;
	v13 =	vand.u32 $0xFFFFFE00, v13;
	v15 =	vld [tilespmem:s17+$0x10]  }
0x3ea: {  	v11 =	vor.u32 v11, v12;
	v17 =	vld [tilespmem:s17+$0xFFFFFFE0];
	v18 =	vand.u32 $0x7F, v4;
	v4 =	vshll.u32 v4, $0x2  }
0x3eb: {  	v19 =	vor.u32 $0x80, v11;
	v14 =	vor.u32 v14, v13;
	v4 =	vand.u32 $0xFFFFFE00, v4;
	v12 =	vld [tilespmem:s17+$0xFFFFFFF0]  }
0x3ec: {  	v21 =	vor.u32 $0x80, v14;
	v13 =	vor.u32 v18, v4;
	v18 =	vor.u32 $0x100, v11;
	v20 =	vld [tilespmem:s17+$0x0]  }
0x3ed: {  	s18 =	sadd.s32 $0x40, s18;
	v24 =	vor.u32 $0x100, v14;
	v22 =	vor.u32 $0x80, v13;
	v23 =	vor.u32 $0x100, v13;
	v25 =	vld.idx.msk [tilespmem:v16+s16+$0x0], $0xffff  }
0x3ee: {  	v27 =	vor.u32 $0x180, v11;
	v26 =	vor.u32 $0x180, v13;
	v4 =	vld [tilespmem:s18+$0x10];
	v28 =	vshll.u32 v15, $0x2  }
0x3ef: {  	v29 =	vshll.u32 v17, $0x2;
	v30 =	vld.idx.msk [tilespmem:v11+s16+$0x0], $0xffff;
	v11 =	vand.u32 $0x7F, v15;
	v15 =	vand.u32 $0xFFFFFE00, v28  }
0x3f0: {  	v28 =	vand.u32 $0xFFFFFE00, v29;
	v29 =	vshll.u32 v12, $0x2;
	v31 =	vld.idx.msk [tilespmem:v14+s16+$0x0], $0xffff;
	v15 =	vor.u32 v11, v15  }
0x3f1: {  	v32 =	vld.idx.msk [tilespmem:v13+s16+$0x0], $0xffff;
	v11 =	vand.u32 $0xFFFFFE00, v29;
	v13 =	vshll.u32 v20, $0x2;
	v29 =	vor.u32 $0x80, v16  }
0x3f2: {  	v17 =	vand.u32 $0x7F, v17;
	v12 =	vand.u32 $0x7F, v12;
	v33 =	vld [tilespmem:s18+$0xFFFFFFE0];
	v13 =	vand.u32 $0xFFFFFE00, v13  }
0x3f3: {  	v17 =	vor.u32 v17, v28;
	v20 =	vand.u32 $0x7F, v20;
	v28 =	vld [tilespmem:s18+$0xFFFFFFF0];
	v25 =	vmul.f32 v25, v4  }
0x3f4: {  	v34 =	vor.u32 $0x80, v17;
	v35 =	vor.u32 v12, v11;
	v20 =	vor.u32 v20, v13;
	v36 =	vld [tilespmem:s18+$0x0]  }
0x3f5: {  	v12 =	vor.u32 $0x100, v17;
	v37 =	vor.u32 $0x80, v35;
	v38 =	vor.u32 $0x80, v20;
	[tilespmem:v15+s13+$0x0] =	vst.idx.add.f32.msk $0xffff, v25  }
0x3f6: {  	v14 =	vor.u32 $0x180, v14;
	v13 =	vor.u32 $0x100, v35;
	v11 =	vor.u32 $0x100, v20;
	v25 =	vld.idx.msk [tilespmem:v29+s16+$0x0], $0xffff  }
0x3f7: {  	v39 =	vor.u32 $0x180, v35;
	v29 =	vmul.f32 v32, v33;
	v32 =	vor.u32 $0x180, v17;
	v40 =	vld.idx.msk [tilespmem:v5+s19+$0x0], $0xffff;
	v5 =	vmovc v26  }
0x3f8: {  	v26 =	vmul.f32 v30, v28;
	v30 =	vor.u32 $0x180, v20;
	v41 =	vld.idx.msk [tilespmem:v6+s19+$0x0], $0xffff;
	v6 =	vmov v27  }
0x3f9: {  	v27 =	vor.u32 $0x80, v15;
	[tilespmem:v17+s13+$0x0] =	vst.idx.add.f32.msk $0xffff, v29;
	v17 =	vmul.f32 v31, v36  }
0x3fa: {  	[tilespmem:v35+s13+$0x0] =	vst.idx.add.f32.msk $0xffff, v26;
	v26 =	vor.u32 $0x100, v16  }
0x3fb: {  	[tilespmem:v20+s13+$0x0] =	vst.idx.add.f32.msk $0xffff, v17  }
0x3fc: {  	v20 =	vmul.f32 v25, v4;
	v17 =	vld.idx.msk [tilespmem:v22+s16+$0x0], $0xffff  }
0x3fd: {  	v22 =	vmul.f32 v40, v1;
	v1 =	vmov v33;
	v19 =	vld.idx.msk [tilespmem:v19+s16+$0x0], $0xffff  }
0x3fe: {  	[tilespmem:v27+s13+$0x0] =	vst.idx.add.f32.msk $0xffff, v20;
	v20 =	vmul.f32 v41, v2;
	v2 =	vmov v28  }
0x3ff: {  	v25 =	vld.idx.msk [tilespmem:v26+s16+$0x0], $0xffff  }
0x400: {  	v21 =	vld.idx.msk [tilespmem:v21+s16+$0x0], $0xffff  }
0x401: {  	v26 =	vld.idx.msk [tilespmem:v10+s19+$0x0], $0xffff;
	v10 =	vmov v14;
	s19 =	smov.u32 s16  }
0x402: {  	v14 =	vmul.f32 v17, v1;
	v17 =	vor.u32 $0x100, v15;
	[tilespmem:v8+s13+$0x0] =	vst.idx.add.f32.msk $0xffff, v22;
	v8 =	vmov v32  }
0x403: {  	v16 =	vor.u32 $0x180, v16;
	v19 =	vmul.f32 v19, v2;
	[tilespmem:v7+s13+$0x0] =	vst.idx.add.f32.msk $0xffff, v20;
	v7 =	vmov v39  }
0x404: {  	[tilespmem:v34+s13+$0x0] =	vst.idx.add.f32.msk $0xffff, v14  }
0x405: {  	v14 =	vmul.f32 v25, v4;
	[tilespmem:v37+s13+$0x0] =	vst.idx.add.f32.msk $0xffff, v19  }
0x406: {  	v20 =	vmul.f32 v21, v36;
	v19 =	vld.idx.msk [tilespmem:v23+s19+$0x0], $0xffff  }
0x407: {  	v21 =	vmul.f32 v26, v3;
	v3 =	vmov v36;
	[tilespmem:v17+s13+$0x0] =	vst.idx.add.f32.msk $0xffff, v14  }
.Ltmp13:
0x408: {  	v14 =	vld.idx.msk [tilespmem:v16+s19+$0x0], $0xffff;
	(pc) =	sbr.rel @p0 .LBB2_28-.Ltmp13, $4  }
0x409: {  	[tilespmem:v38+s13+$0x0] =	vst.idx.add.f32.msk $0xffff, v20  }
0x40a: {  	v16 =	vld.idx.msk [tilespmem:v18+s19+$0x0], $0xffff  }
0x40b: {  	v15 =	vor.u32 $0x180, v15;
	v17 =	vld.idx.msk [tilespmem:v24+s19+$0x0], $0xffff  }
0x40c: {  	s21 =	sadd.s32 $0x40, s21;
	v18 =	vmul.f32 v19, v1;
	[tilespmem:v9+s13+$0x0] =	vst.idx.add.f32.msk $0xffff, v21;
	v9 =	vmov v30  }
0x40d: {  	_ =	sdelay $0x3  }
0x40e: {  	[tilespmem:v12+s13+$0x0] =	vst.idx.add.f32.msk $0xffff, v18;
	v16 =	vmul.f32 v16, v2  }
0x40f: {  	v5 =	vld.idx.msk [tilespmem:v5+s19+$0x0], $0xffff;
	v17 =	vmul.f32 v17, v3  }
0x410: {  	[tilespmem:v13+s13+$0x0] =	vst.idx.add.f32.msk $0xffff, v16  }
0x411: {  	[tilespmem:v11+s13+$0x0] =	vst.idx.add.f32.msk $0xffff, v17  }
0x412: {  	v6 =	vld.idx.msk [tilespmem:v6+s19+$0x0], $0xffff  }
0x413: {  	v10 =	vld.idx.msk [tilespmem:v10+s19+$0x0], $0xffff;
	_ =	sdelay $0x1  }
0x414: {  	v4 =	vmul.f32 v14, v4  }
0x415: {  	v1 =	vmul.f32 v5, v1  }
0x416: {  	[tilespmem:v15+s13+$0x0] =	vst.idx.add.f32.msk $0xffff, v4;
	v2 =	vmul.f32 v6, v2  }
0x417: {  	[tilespmem:v8+s13+$0x0] =	vst.idx.add.f32.msk $0xffff, v1;
	v1 =	vmul.f32 v10, v3  }
0x418: {  	[tilespmem:v7+s13+$0x0] =	vst.idx.add.f32.msk $0xffff, v2  }
0x419: {  	[tilespmem:v9+s13+$0x0] =	vst.idx.add.f32.msk $0xffff, v1  }
.LBB2_30:
0x41a: {  	s17 =	sshra.s32 s16, $0x2  }
0x41b: {  	v1 =	vld [tilespmem:s17+$0x14B80];
	_ =	sdelay $0x4  }
0x41c: {  	v2 =	vshll.u32 v1, $0x2  }
0x41d: {  	v1 =	vand.u32 $0x7F, v1;
	v2 =	vand.u32 $0xFFFFFE00, v2  }
0x41e: {  	v3 =	vld [tilespmem:s17+$0x16B00];
	v1 =	vor.u32 v1, v2;
	_ =	sdelay $0x3  }
0x41f: {  	v2 =	vld [tilespmem:s17+$0x18A80]  }
0x420: {  	v5 =	vshll.u32 v3, $0x2;
	v4 =	vld.idx.msk [tilespmem:v1+s1+$0x0], $0xffff  }
0x421: {  	v3 =	vand.u32 $0x7F, v3;
	v5 =	vand.u32 $0xFFFFFE00, v5  }
0x422: {  	v3 =	vor.u32 v3, v5  }
0x423: {  	v61 =	vor.u32 $0x80, v1;
	_ =	sdelay $0x1  }
0x424: {  	v4 =	vmul.f32 v4, v2;
	_ =	sdelay $0x1  }
0x425: {  	[tilespmem:v3+s13+$0x0] =	vst.idx.add.f32.msk $0xffff, v4  }
0x426: {  	v4 =	vld.idx.msk [tilespmem:v61+s1+$0x0], $0xffff;
	_ =	sdelay $0x1  }
0x427: {  	v62 =	vor.u32 $0x80, v3  }
0x428: {  	v6 =	vor.u32 $0x100, v1;
	_ =	sdelay $0x1  }
0x429: {  	v4 =	vmul.f32 v4, v2;
	_ =	sdelay $0x1  }
0x42a: {  	[tilespmem:v62+s13+$0x0] =	vst.idx.add.f32.msk $0xffff, v4  }
0x42b: {  	v4 =	vld.idx.msk [tilespmem:v6+s1+$0x0], $0xffff;
	_ =	sdelay $0x1  }
0x42c: {  	v63 =	vor.u32 $0x100, v3  }
0x42d: {  	v1 =	vor.u32 $0x180, v1;
	_ =	sdelay $0x1  }
0x42e: {  	v4 =	vmul.f32 v4, v2;
	_ =	sdelay $0x1  }
0x42f: {  	[tilespmem:v63+s13+$0x0] =	vst.idx.add.f32.msk $0xffff, v4  }
0x430: {  	v1 =	vld.idx.msk [tilespmem:v1+s1+$0x0], $0xffff;
	_ =	sdelay $0x1  }
0x431: {  	p0 =	sne.s32 s16, $0x40;
	v3 =	vor.u32 $0x180, v3  }
.Ltmp14:
0x432: {  	_ = 	snop;
	(pc) =	sbr.rel @p0 .LBB2_30-.Ltmp14, $3  }
0x433: {  	_ = 	snop  }
0x434: {  	v1 =	vmul.f32 v1, v2;
	_ =	sdelay $0x1  }
0x435: {  	s16 =	sadd.s32 $0x40, s16;
	[tilespmem:v3+s13+$0x0] =	vst.idx.add.f32.msk $0xffff, v1  }
0x436: {  	[tilespmem:s5], [sflag:$0x1] =	stream.linear.gather [hbm4b:s28+s1], $0xFA0, $0x38;
	[tilespmem:$0x19A80] =	vst v63  }
0x437: {  	_ = 	snop  }
0x438: {  	[tilespmem:s6], [sflag:$0x1] =	stream.linear.gather [hbm4b:s29+s1], $0xFA0, $0x38;
	[tilespmem:$0x19A80] =	vst v63  }
0x439: {  	_ = 	snop  }
0x43a: {  	[tilespmem:s7], [sflag:$0x1] =	stream.linear.gather [hbm4b:s30+s1], $0xFA0, $0x38;
	[tilespmem:$0x19A80] =	vst v63  }
0x43b: {  	_ =	swait.ge [sflag:s14], $0xFA0  }
0x43c: {  	[sflag:s14] =	ssyncset.done $0x0  }
0x43d: {  	[sflag:s14] =	ssyncadd.s32 $0xFFFFF060  }
0x43e: {  	_ =	swait.ge [sflag:s14], $0xFA0  }
0x43f: {  	[sflag:s14] =	ssyncset.done $0x0  }
0x440: {  	[sflag:s14] =	ssyncadd.s32 $0xFFFFF060  }
0x441: {  	_ =	swait.ge [sflag:s14], $0xFA0  }
0x442: {  	[sflag:s14] =	ssyncset.done $0x0  }
0x443: {  	s16 =	simm.s32 $0x14BD0;
	[sflag:s14] =	ssyncadd.s32 $0xFFFFF060  }
0x444: {  	v1 =	vld [tilespmem:s16+$0x0];
	_ =	sdelay $0x2  }
0x445: {  	v2 =	vld [tilespmem:s16+$0xFFFFFFE0]  }
0x446: {  	v3 =	vld [tilespmem:s16+$0xFFFFFFD0]  }
0x447: {  	s17 =	simm.s32 $0x16B50;
	v4 =	vshll.u32 v1, $0x2  }
0x448: {  	v6 =	vld [tilespmem:s17+$0x0];
	v1 =	vand.u32 $0x7F, v1;
	v4 =	vand.u32 $0xFFFFFE00, v4  }
0x449: {  	v7 =	vld [tilespmem:s16+$0xFFFFFFF0];
	v5 =	vor.u32 v1, v4  }
0x44a: {  	v1 =	vshll.u32 v2, $0x2  }
0x44b: {  	v8 =	vld [tilespmem:s17+$0xFFFFFFD0];
	v2 =	vand.u32 $0x7F, v2;
	v4 =	vshll.u32 v3, $0x2;
	v1 =	vand.u32 $0xFFFFFE00, v1  }
0x44c: {  	s18 =	simm.s32 $0x18AD0;
	v10 =	vld [tilespmem:s17+$0xFFFFFFE0];
	v3 =	vand.u32 $0x7F, v3;
	v9 =	vor.u32 v2, v1;
	v1 =	vand.u32 $0xFFFFFE00, v4  }
0x44d: {  	s16 =	simm.s32 $0x0;
	v4 =	vld [tilespmem:s18+$0x0];
	v11 =	vor.u32 v3, v1;
	v1 =	vshll.u32 v6, $0x2  }
0x44e: {  	v2 =	vand.u32 $0x7F, v6;
	v6 =	vshll.u32 v7, $0x2;
	v1 =	vand.u32 $0xFFFFFE00, v1;
	v3 =	vld.idx.msk [tilespmem:v5+s16+$0x0], $0xffff  }
0x44f: {  	v12 =	vld [tilespmem:s17+$0xFFFFFFF0];
	v7 =	vand.u32 $0x7F, v7;
	v15 =	vor.u32 v2, v1;
	v1 =	vand.u32 $0xFFFFFE00, v6  }
0x450: {  	v2 =	vshll.u32 v8, $0x2;
	v7 =	vor.u32 v7, v1;
	v1 =	vld [tilespmem:s18+$0xFFFFFFD0]  }
0x451: {  	v14 =	vor.u32 $0x80, v5;
	v16 =	vand.u32 $0xFFFFFE00, v2;
	v2 =	vld [tilespmem:s18+$0xFFFFFFE0]  }
0x452: {  	v6 =	vld.idx.msk [tilespmem:v11+s16+$0x0], $0xffff  }
0x453: {  	v17 =	vshll.u32 v10, $0x2;
	v8 =	vand.u32 $0x7F, v8;
	v13 =	vld.idx.msk [tilespmem:v9+s16+$0x0], $0xffff;
	v3 =	vmul.f32 v3, v4  }
0x454: {  	v10 =	vand.u32 $0x7F, v10;
	v17 =	vand.u32 $0xFFFFFE00, v17;
	v8 =	vor.u32 v8, v16  }
0x455: {  	v16 =	vor.u32 v10, v17;
	[tilespmem:v15+s13+$0x0] =	vst.idx.add.f32.msk $0xffff, v3  }
0x456: {  	v10 =	vor.u32 $0x80, v11;
	v14 =	vld.idx.msk [tilespmem:v14+s16+$0x0], $0xffff  }
0x457: {  	v17 =	vor.u32 $0x80, v9;
	v18 =	vld.idx.msk [tilespmem:v7+s16+$0x0], $0xffff;
	v6 =	vmul.f32 v6, v1  }
0x458: {  	v19 =	vshll.u32 v12, $0x2;
	v20 =	vor.u32 $0x80, v15;
	v3 =	vld [tilespmem:s18+$0xFFFFFFF0];
	v13 =	vmul.f32 v13, v2  }
0x459: {  	v12 =	vand.u32 $0x7F, v12;
	v19 =	vand.u32 $0xFFFFFE00, v19;
	[tilespmem:v8+s13+$0x0] =	vst.idx.add.f32.msk $0xffff, v6;
	v6 =	vor.u32 $0x100, v5  }
0x45a: {  	v19 =	vor.u32 v12, v19;
	[tilespmem:v16+s13+$0x0] =	vst.idx.add.f32.msk $0xffff, v13  }
0x45b: {  	v12 =	vor.u32 $0x80, v7;
	v10 =	vld.idx.msk [tilespmem:v10+s16+$0x0], $0xffff;
	v13 =	vmul.f32 v14, v4  }
0x45c: {  	v14 =	vld.idx.msk [tilespmem:v17+s16+$0x0], $0xffff  }
0x45d: {  	v18 =	vmul.f32 v18, v3;
	v17 =	vor.u32 $0x80, v8;
	[tilespmem:v20+s13+$0x0] =	vst.idx.add.f32.msk $0xffff, v13  }
0x45e: {  	v13 =	vor.u32 $0x80, v16;
	v6 =	vld.idx.msk [tilespmem:v6+s16+$0x0], $0xffff  }
0x45f: {  	[tilespmem:v19+s13+$0x0] =	vst.idx.add.f32.msk $0xffff, v18;
	v20 =	vor.u32 $0x100, v11  }
0x460: {  	v18 =	vor.u32 $0x100, v15;
	v12 =	vld.idx.msk [tilespmem:v12+s16+$0x0], $0xffff;
	v10 =	vmul.f32 v10, v1  }
0x461: {  	v21 =	vor.u32 $0x180, v5;
	v14 =	vmul.f32 v14, v2  }
0x462: {  	v22 =	vor.u32 $0x80, v19;
	[tilespmem:v17+s13+$0x0] =	vst.idx.add.f32.msk $0xffff, v10  }
0x463: {  	v17 =	vor.u32 $0x100, v9;
	[tilespmem:v13+s13+$0x0] =	vst.idx.add.f32.msk $0xffff, v14;
	v5 =	vmul.f32 v6, v4  }
0x464: {  	v23 =	vor.u32 $0x100, v7;
	v20 =	vld.idx.msk [tilespmem:v20+s16+$0x0], $0xffff  }
0x465: {  	v10 =	vmul.f32 v12, v3;
	[tilespmem:v18+s13+$0x0] =	vst.idx.add.f32.msk $0xffff, v5  }
0x466: {  	v15 =	vor.u32 $0x180, v15;
	v12 =	vor.u32 $0x100, v8;
	v14 =	vld.idx.msk [tilespmem:v21+s16+$0x0], $0xffff  }
0x467: {  	v13 =	vor.u32 $0x100, v16;
	v8 =	vor.u32 $0x180, v8;
	v6 =	vor.u32 $0x180, v9;
	[tilespmem:v22+s13+$0x0] =	vst.idx.add.f32.msk $0xffff, v10  }
0x468: {  	v9 =	vor.u32 $0x180, v19;
	v10 =	vor.u32 $0x180, v7;
	v7 =	vor.u32 $0x180, v16;
	v16 =	vld.idx.msk [tilespmem:v17+s16+$0x0], $0xffff  }
0x469: {  	s20 =	simm.s32 $0x0;
	s21 =	simm.s32 $0x14C10;
	s19 =	simm.s32 $0x0;
	v5 =	vor.u32 $0x180, v11;
	v11 =	vor.u32 $0x100, v19;
	v17 =	vld.idx.msk [tilespmem:v23+s16+$0x0], $0xffff;
	v18 =	vmul.f32 v20, v1  }
.LBB2_32:
0x46a: {  	v19 =	vld [tilespmem:s21+$0x0];
	s20 =	sadd.s32 $0x4, s20  }
0x46b: {  	v4 =	vmul.f32 v14, v4;
	v20 =	vld [tilespmem:s21+$0xFFFFFFE0];
	p0 =	slt.u32 s20, $0xF4  }
0x46c: {  	v14 =	vld [tilespmem:s21+$0xFFFFFFF0]  }
0x46d: {  	v16 =	vmul.f32 v16, v2;
	[tilespmem:v15+s13+$0x0] =	vst.idx.add.f32.msk $0xffff, v4  }
0x46e: {  	v15 =	vmul.f32 v17, v3;
	v4 =	vld [tilespmem:s21+$0xFFFFFFD0]  }
0x46f: {  	v17 =	vshll.u32 v19, $0x2;
	[tilespmem:v12+s13+$0x0] =	vst.idx.add.f32.msk $0xffff, v18  }
0x470: {  	v18 =	vand.u32 $0x7F, v19;
	v12 =	vshll.u32 v20, $0x2;
	v17 =	vand.u32 $0xFFFFFE00, v17;
	[tilespmem:v13+s13+$0x0] =	vst.idx.add.f32.msk $0xffff, v16  }
0x471: {  	s17 =	sadd.s32 $0x40, s17;
	v12 =	vand.u32 $0xFFFFFE00, v12;
	v13 =	vshll.u32 v14, $0x2;
	v16 =	vor.u32 v18, v17;
	[tilespmem:v11+s13+$0x0] =	vst.idx.add.f32.msk $0xffff, v15  }
0x472: {  	v11 =	vand.u32 $0x7F, v20;
	v14 =	vand.u32 $0x7F, v14;
	v13 =	vand.u32 $0xFFFFFE00, v13;
	v15 =	vld [tilespmem:s17+$0x0]  }
0x473: {  	v11 =	vor.u32 v11, v12;
	v17 =	vld [tilespmem:s17+$0xFFFFFFD0];
	v18 =	vand.u32 $0x7F, v4;
	v4 =	vshll.u32 v4, $0x2  }
0x474: {  	v19 =	vor.u32 $0x80, v11;
	v14 =	vor.u32 v14, v13;
	v4 =	vand.u32 $0xFFFFFE00, v4;
	v12 =	vld [tilespmem:s17+$0xFFFFFFE0]  }
0x475: {  	v21 =	vor.u32 $0x80, v14;
	v13 =	vor.u32 v18, v4;
	v18 =	vor.u32 $0x100, v11;
	v20 =	vld [tilespmem:s17+$0xFFFFFFF0]  }
0x476: {  	s18 =	sadd.s32 $0x40, s18;
	v24 =	vor.u32 $0x100, v14;
	v22 =	vor.u32 $0x80, v13;
	v23 =	vor.u32 $0x100, v13;
	v25 =	vld.idx.msk [tilespmem:v16+s16+$0x0], $0xffff  }
0x477: {  	v27 =	vor.u32 $0x180, v11;
	v26 =	vor.u32 $0x180, v13;
	v4 =	vld [tilespmem:s18+$0x0];
	v28 =	vshll.u32 v15, $0x2  }
0x478: {  	v29 =	vshll.u32 v17, $0x2;
	v30 =	vld.idx.msk [tilespmem:v11+s16+$0x0], $0xffff;
	v11 =	vand.u32 $0x7F, v15;
	v15 =	vand.u32 $0xFFFFFE00, v28  }
0x479: {  	v28 =	vand.u32 $0xFFFFFE00, v29;
	v29 =	vshll.u32 v12, $0x2;
	v31 =	vld.idx.msk [tilespmem:v14+s16+$0x0], $0xffff;
	v15 =	vor.u32 v11, v15  }
0x47a: {  	v32 =	vld.idx.msk [tilespmem:v13+s16+$0x0], $0xffff;
	v11 =	vand.u32 $0xFFFFFE00, v29;
	v13 =	vshll.u32 v20, $0x2;
	v29 =	vor.u32 $0x80, v16  }
0x47b: {  	v17 =	vand.u32 $0x7F, v17;
	v12 =	vand.u32 $0x7F, v12;
	v33 =	vld [tilespmem:s18+$0xFFFFFFD0];
	v13 =	vand.u32 $0xFFFFFE00, v13  }
0x47c: {  	v17 =	vor.u32 v17, v28;
	v20 =	vand.u32 $0x7F, v20;
	v28 =	vld [tilespmem:s18+$0xFFFFFFE0];
	v25 =	vmul.f32 v25, v4  }
0x47d: {  	v34 =	vor.u32 $0x80, v17;
	v35 =	vor.u32 v12, v11;
	v20 =	vor.u32 v20, v13;
	v36 =	vld [tilespmem:s18+$0xFFFFFFF0]  }
0x47e: {  	v12 =	vor.u32 $0x100, v17;
	v37 =	vor.u32 $0x80, v35;
	v38 =	vor.u32 $0x80, v20;
	[tilespmem:v15+s13+$0x0] =	vst.idx.add.f32.msk $0xffff, v25  }
0x47f: {  	v14 =	vor.u32 $0x180, v14;
	v13 =	vor.u32 $0x100, v35;
	v11 =	vor.u32 $0x100, v20;
	v25 =	vld.idx.msk [tilespmem:v29+s16+$0x0], $0xffff  }
0x480: {  	v39 =	vor.u32 $0x180, v35;
	v29 =	vmul.f32 v32, v33;
	v32 =	vor.u32 $0x180, v17;
	v40 =	vld.idx.msk [tilespmem:v5+s19+$0x0], $0xffff;
	v5 =	vmovc v26  }
0x481: {  	v26 =	vmul.f32 v30, v28;
	v30 =	vor.u32 $0x180, v20;
	v41 =	vld.idx.msk [tilespmem:v6+s19+$0x0], $0xffff;
	v6 =	vmov v27  }
0x482: {  	v27 =	vor.u32 $0x80, v15;
	[tilespmem:v17+s13+$0x0] =	vst.idx.add.f32.msk $0xffff, v29;
	v17 =	vmul.f32 v31, v36  }
0x483: {  	[tilespmem:v35+s13+$0x0] =	vst.idx.add.f32.msk $0xffff, v26;
	v26 =	vor.u32 $0x100, v16  }
0x484: {  	[tilespmem:v20+s13+$0x0] =	vst.idx.add.f32.msk $0xffff, v17  }
0x485: {  	v20 =	vmul.f32 v25, v4;
	v17 =	vld.idx.msk [tilespmem:v22+s16+$0x0], $0xffff  }
0x486: {  	v22 =	vmul.f32 v40, v1;
	v1 =	vmov v33;
	v19 =	vld.idx.msk [tilespmem:v19+s16+$0x0], $0xffff  }
0x487: {  	[tilespmem:v27+s13+$0x0] =	vst.idx.add.f32.msk $0xffff, v20;
	v20 =	vmul.f32 v41, v2;
	v2 =	vmov v28  }
0x488: {  	v25 =	vld.idx.msk [tilespmem:v26+s16+$0x0], $0xffff  }
0x489: {  	v21 =	vld.idx.msk [tilespmem:v21+s16+$0x0], $0xffff  }
0x48a: {  	v26 =	vld.idx.msk [tilespmem:v10+s19+$0x0], $0xffff;
	v10 =	vmov v14;
	s19 =	smov.u32 s16  }
0x48b: {  	v14 =	vmul.f32 v17, v1;
	v17 =	vor.u32 $0x100, v15;
	[tilespmem:v8+s13+$0x0] =	vst.idx.add.f32.msk $0xffff, v22;
	v8 =	vmov v32  }
0x48c: {  	v16 =	vor.u32 $0x180, v16;
	v19 =	vmul.f32 v19, v2;
	[tilespmem:v7+s13+$0x0] =	vst.idx.add.f32.msk $0xffff, v20;
	v7 =	vmov v39  }
0x48d: {  	[tilespmem:v34+s13+$0x0] =	vst.idx.add.f32.msk $0xffff, v14  }
0x48e: {  	v14 =	vmul.f32 v25, v4;
	[tilespmem:v37+s13+$0x0] =	vst.idx.add.f32.msk $0xffff, v19  }
0x48f: {  	v20 =	vmul.f32 v21, v36;
	v19 =	vld.idx.msk [tilespmem:v23+s19+$0x0], $0xffff  }
0x490: {  	v21 =	vmul.f32 v26, v3;
	v3 =	vmov v36;
	[tilespmem:v17+s13+$0x0] =	vst.idx.add.f32.msk $0xffff, v14  }
.Ltmp15:
0x491: {  	v14 =	vld.idx.msk [tilespmem:v16+s19+$0x0], $0xffff;
	(pc) =	sbr.rel @p0 .LBB2_32-.Ltmp15, $4  }
0x492: {  	[tilespmem:v38+s13+$0x0] =	vst.idx.add.f32.msk $0xffff, v20  }
0x493: {  	v16 =	vld.idx.msk [tilespmem:v18+s19+$0x0], $0xffff  }
0x494: {  	v15 =	vor.u32 $0x180, v15;
	v17 =	vld.idx.msk [tilespmem:v24+s19+$0x0], $0xffff  }
0x495: {  	s21 =	sadd.s32 $0x40, s21;
	v18 =	vmul.f32 v19, v1;
	[tilespmem:v9+s13+$0x0] =	vst.idx.add.f32.msk $0xffff, v21;
	v9 =	vmov v30  }
0x496: {  	_ =	sdelay $0x3  }
0x497: {  	[tilespmem:v12+s13+$0x0] =	vst.idx.add.f32.msk $0xffff, v18;
	v16 =	vmul.f32 v16, v2  }
0x498: {  	v5 =	vld.idx.msk [tilespmem:v5+s19+$0x0], $0xffff;
	v17 =	vmul.f32 v17, v3  }
0x499: {  	[tilespmem:v13+s13+$0x0] =	vst.idx.add.f32.msk $0xffff, v16  }
0x49a: {  	[tilespmem:v11+s13+$0x0] =	vst.idx.add.f32.msk $0xffff, v17  }
0x49b: {  	v6 =	vld.idx.msk [tilespmem:v6+s19+$0x0], $0xffff  }
0x49c: {  	v10 =	vld.idx.msk [tilespmem:v10+s19+$0x0], $0xffff;
	_ =	sdelay $0x1  }
0x49d: {  	v4 =	vmul.f32 v14, v4  }
0x49e: {  	v1 =	vmul.f32 v5, v1  }
0x49f: {  	[tilespmem:v15+s13+$0x0] =	vst.idx.add.f32.msk $0xffff, v4;
	v2 =	vmul.f32 v6, v2  }
0x4a0: {  	[tilespmem:v8+s13+$0x0] =	vst.idx.add.f32.msk $0xffff, v1;
	v1 =	vmul.f32 v10, v3  }
0x4a1: {  	[tilespmem:v7+s13+$0x0] =	vst.idx.add.f32.msk $0xffff, v2  }
0x4a2: {  	[tilespmem:v9+s13+$0x0] =	vst.idx.add.f32.msk $0xffff, v1  }
.LBB2_34:
0x4a3: {  	s17 =	sshra.s32 s16, $0x2  }
0x4a4: {  	v1 =	vld [tilespmem:s17+$0x15B20];
	_ =	sdelay $0x4  }
0x4a5: {  	v2 =	vshll.u32 v1, $0x2  }
0x4a6: {  	v1 =	vand.u32 $0x7F, v1;
	v2 =	vand.u32 $0xFFFFFE00, v2  }
0x4a7: {  	v3 =	vld [tilespmem:s17+$0x17AA0];
	v1 =	vor.u32 v1, v2;
	_ =	sdelay $0x3  }
0x4a8: {  	v2 =	vld [tilespmem:s17+$0x19A20]  }
0x4a9: {  	v5 =	vshll.u32 v3, $0x2;
	v4 =	vld.idx.msk [tilespmem:v1+s1+$0x0], $0xffff  }
0x4aa: {  	v3 =	vand.u32 $0x7F, v3;
	v5 =	vand.u32 $0xFFFFFE00, v5  }
0x4ab: {  	v3 =	vor.u32 v3, v5  }
0x4ac: {  	v61 =	vor.u32 $0x80, v1;
	_ =	sdelay $0x1  }
0x4ad: {  	v4 =	vmul.f32 v4, v2;
	_ =	sdelay $0x1  }
0x4ae: {  	[tilespmem:v3+s13+$0x0] =	vst.idx.add.f32.msk $0xffff, v4  }
0x4af: {  	v4 =	vld.idx.msk [tilespmem:v61+s1+$0x0], $0xffff;
	_ =	sdelay $0x1  }
0x4b0: {  	v62 =	vor.u32 $0x80, v3  }
0x4b1: {  	v6 =	vor.u32 $0x100, v1;
	_ =	sdelay $0x1  }
0x4b2: {  	v4 =	vmul.f32 v4, v2;
	_ =	sdelay $0x1  }
0x4b3: {  	[tilespmem:v62+s13+$0x0] =	vst.idx.add.f32.msk $0xffff, v4  }
0x4b4: {  	v4 =	vld.idx.msk [tilespmem:v6+s1+$0x0], $0xffff;
	_ =	sdelay $0x1  }
0x4b5: {  	v63 =	vor.u32 $0x100, v3  }
0x4b6: {  	v1 =	vor.u32 $0x180, v1;
	_ =	sdelay $0x1  }
0x4b7: {  	v4 =	vmul.f32 v4, v2;
	_ =	sdelay $0x1  }
0x4b8: {  	[tilespmem:v63+s13+$0x0] =	vst.idx.add.f32.msk $0xffff, v4  }
0x4b9: {  	v1 =	vld.idx.msk [tilespmem:v1+s1+$0x0], $0xffff;
	_ =	sdelay $0x1  }
0x4ba: {  	p0 =	sne.s32 s16, $0x40;
	v3 =	vor.u32 $0x180, v3  }
.Ltmp16:
0x4bb: {  	_ = 	snop;
	(pc) =	sbr.rel @p0 .LBB2_34-.Ltmp16, $3  }
0x4bc: {  	_ = 	snop  }
0x4bd: {  	v1 =	vmul.f32 v1, v2;
	_ =	sdelay $0x1  }
0x4be: {  	s16 =	sadd.s32 $0x40, s16;
	[tilespmem:v3+s13+$0x0] =	vst.idx.add.f32.msk $0xffff, v1  }
0x4bf: {  	[tilespmem:s9], [sflag:$0x2] =	stream.linear.gather [hbm4b:s31+s1], $0xFA0, $0x38;
	[tilespmem:$0x19A80] =	vst v63  }
0x4c0: {  	_ = 	snop  }
0x4c1: {  	[tilespmem:s10], [sflag:$0x2] =	stream.linear.gather [hbm4b:s26+s1], $0xFA0, $0x38;
	[tilespmem:$0x19A80] =	vst v63  }
0x4c2: {  	_ = 	snop  }
0x4c3: {  	[tilespmem:s11], [sflag:$0x2] =	stream.linear.gather [hbm4b:s0+s1], $0xFA0, $0x38;
	[tilespmem:$0x19A80] =	vst v63  }
0x4c4: {  	_ =	swait.ge [sflag:s12], $0xFA0  }
0x4c5: {  	[sflag:s12] =	ssyncset.done $0x0  }
0x4c6: {  	[sflag:s12] =	ssyncadd.s32 $0xFFFFF060  }
0x4c7: {  	_ =	swait.ge [sflag:s12], $0xFA0  }
0x4c8: {  	[sflag:s12] =	ssyncset.done $0x0  }
0x4c9: {  	[sflag:s12] =	ssyncadd.s32 $0xFFFFF060  }
0x4ca: {  	_ =	swait.ge [sflag:s12], $0xFA0  }
0x4cb: {  	[sflag:s12] =	ssyncset.done $0x0  }
0x4cc: {  	s16 =	simm.s32 $0x13C20;
	[sflag:s12] =	ssyncadd.s32 $0xFFFFF060  }
0x4cd: {  	v1 =	vld [tilespmem:s16+$0x10];
	_ =	sdelay $0x2  }
0x4ce: {  	v2 =	vld [tilespmem:s16+$0xFFFFFFF0]  }
0x4cf: {  	v3 =	vld [tilespmem:s16+$0xFFFFFFE0]  }
0x4d0: {  	s17 =	simm.s32 $0x15BA0;
	v4 =	vshll.u32 v1, $0x2  }
0x4d1: {  	v6 =	vld [tilespmem:s17+$0x10];
	v1 =	vand.u32 $0x7F, v1;
	v4 =	vand.u32 $0xFFFFFE00, v4  }
0x4d2: {  	v7 =	vld [tilespmem:s16+$0x0];
	v5 =	vor.u32 v1, v4  }
0x4d3: {  	v1 =	vshll.u32 v2, $0x2  }
0x4d4: {  	v8 =	vld [tilespmem:s17+$0xFFFFFFE0];
	v2 =	vand.u32 $0x7F, v2;
	v4 =	vshll.u32 v3, $0x2;
	v1 =	vand.u32 $0xFFFFFE00, v1  }
0x4d5: {  	s18 =	simm.s32 $0x17B20;
	v10 =	vld [tilespmem:s17+$0xFFFFFFF0];
	v3 =	vand.u32 $0x7F, v3;
	v9 =	vor.u32 v2, v1;
	v1 =	vand.u32 $0xFFFFFE00, v4  }
0x4d6: {  	s16 =	simm.s32 $0x0;
	v4 =	vld [tilespmem:s18+$0x10];
	v11 =	vor.u32 v3, v1;
	v1 =	vshll.u32 v6, $0x2  }
0x4d7: {  	v2 =	vand.u32 $0x7F, v6;
	v6 =	vshll.u32 v7, $0x2;
	v1 =	vand.u32 $0xFFFFFE00, v1;
	v3 =	vld.idx.msk [tilespmem:v5+s16+$0x0], $0xffff  }
0x4d8: {  	v12 =	vld [tilespmem:s17+$0x0];
	v7 =	vand.u32 $0x7F, v7;
	v15 =	vor.u32 v2, v1;
	v1 =	vand.u32 $0xFFFFFE00, v6  }
0x4d9: {  	v2 =	vshll.u32 v8, $0x2;
	v7 =	vor.u32 v7, v1;
	v1 =	vld [tilespmem:s18+$0xFFFFFFE0]  }
0x4da: {  	v14 =	vor.u32 $0x80, v5;
	v16 =	vand.u32 $0xFFFFFE00, v2;
	v2 =	vld [tilespmem:s18+$0xFFFFFFF0]  }
0x4db: {  	v6 =	vld.idx.msk [tilespmem:v11+s16+$0x0], $0xffff  }
0x4dc: {  	v17 =	vshll.u32 v10, $0x2;
	v8 =	vand.u32 $0x7F, v8;
	v13 =	vld.idx.msk [tilespmem:v9+s16+$0x0], $0xffff;
	v3 =	vmul.f32 v3, v4  }
0x4dd: {  	v10 =	vand.u32 $0x7F, v10;
	v17 =	vand.u32 $0xFFFFFE00, v17;
	v8 =	vor.u32 v8, v16  }
0x4de: {  	v16 =	vor.u32 v10, v17;
	[tilespmem:v15+s13+$0x0] =	vst.idx.add.f32.msk $0xffff, v3  }
0x4df: {  	v10 =	vor.u32 $0x80, v11;
	v14 =	vld.idx.msk [tilespmem:v14+s16+$0x0], $0xffff  }
0x4e0: {  	v17 =	vor.u32 $0x80, v9;
	v18 =	vld.idx.msk [tilespmem:v7+s16+$0x0], $0xffff;
	v6 =	vmul.f32 v6, v1  }
0x4e1: {  	v19 =	vshll.u32 v12, $0x2;
	v20 =	vor.u32 $0x80, v15;
	v3 =	vld [tilespmem:s18+$0x0];
	v13 =	vmul.f32 v13, v2  }
0x4e2: {  	v12 =	vand.u32 $0x7F, v12;
	v19 =	vand.u32 $0xFFFFFE00, v19;
	[tilespmem:v8+s13+$0x0] =	vst.idx.add.f32.msk $0xffff, v6;
	v6 =	vor.u32 $0x100, v5  }
0x4e3: {  	v19 =	vor.u32 v12, v19;
	[tilespmem:v16+s13+$0x0] =	vst.idx.add.f32.msk $0xffff, v13  }
0x4e4: {  	v12 =	vor.u32 $0x80, v7;
	v10 =	vld.idx.msk [tilespmem:v10+s16+$0x0], $0xffff;
	v13 =	vmul.f32 v14, v4  }
0x4e5: {  	v14 =	vld.idx.msk [tilespmem:v17+s16+$0x0], $0xffff  }
0x4e6: {  	v18 =	vmul.f32 v18, v3;
	v17 =	vor.u32 $0x80, v8;
	[tilespmem:v20+s13+$0x0] =	vst.idx.add.f32.msk $0xffff, v13  }
0x4e7: {  	v13 =	vor.u32 $0x80, v16;
	v6 =	vld.idx.msk [tilespmem:v6+s16+$0x0], $0xffff  }
0x4e8: {  	[tilespmem:v19+s13+$0x0] =	vst.idx.add.f32.msk $0xffff, v18;
	v20 =	vor.u32 $0x100, v11  }
0x4e9: {  	v18 =	vor.u32 $0x100, v15;
	v12 =	vld.idx.msk [tilespmem:v12+s16+$0x0], $0xffff;
	v10 =	vmul.f32 v10, v1  }
0x4ea: {  	v21 =	vor.u32 $0x180, v5;
	v14 =	vmul.f32 v14, v2  }
0x4eb: {  	v22 =	vor.u32 $0x80, v19;
	[tilespmem:v17+s13+$0x0] =	vst.idx.add.f32.msk $0xffff, v10  }
0x4ec: {  	v17 =	vor.u32 $0x100, v9;
	[tilespmem:v13+s13+$0x0] =	vst.idx.add.f32.msk $0xffff, v14;
	v5 =	vmul.f32 v6, v4  }
0x4ed: {  	v23 =	vor.u32 $0x100, v7;
	v20 =	vld.idx.msk [tilespmem:v20+s16+$0x0], $0xffff  }
0x4ee: {  	v10 =	vmul.f32 v12, v3;
	[tilespmem:v18+s13+$0x0] =	vst.idx.add.f32.msk $0xffff, v5  }
0x4ef: {  	v15 =	vor.u32 $0x180, v15;
	v12 =	vor.u32 $0x100, v8;
	v14 =	vld.idx.msk [tilespmem:v21+s16+$0x0], $0xffff  }
0x4f0: {  	v13 =	vor.u32 $0x100, v16;
	v8 =	vor.u32 $0x180, v8;
	v6 =	vor.u32 $0x180, v9;
	[tilespmem:v22+s13+$0x0] =	vst.idx.add.f32.msk $0xffff, v10  }
0x4f1: {  	v9 =	vor.u32 $0x180, v19;
	v10 =	vor.u32 $0x180, v7;
	v7 =	vor.u32 $0x180, v16;
	v16 =	vld.idx.msk [tilespmem:v17+s16+$0x0], $0xffff  }
0x4f2: {  	s20 =	simm.s32 $0x0;
	s21 =	simm.s32 $0x13C60;
	s19 =	simm.s32 $0x0;
	v5 =	vor.u32 $0x180, v11;
	v11 =	vor.u32 $0x100, v19;
	v17 =	vld.idx.msk [tilespmem:v23+s16+$0x0], $0xffff;
	v18 =	vmul.f32 v20, v1  }
.LBB2_36:
0x4f3: {  	v19 =	vld [tilespmem:s21+$0x10];
	s20 =	sadd.s32 $0x4, s20  }
0x4f4: {  	v4 =	vmul.f32 v14, v4;
	v20 =	vld [tilespmem:s21+$0xFFFFFFF0];
	p0 =	slt.u32 s20, $0xF4  }
0x4f5: {  	v14 =	vld [tilespmem:s21+$0x0]  }
0x4f6: {  	v16 =	vmul.f32 v16, v2;
	[tilespmem:v15+s13+$0x0] =	vst.idx.add.f32.msk $0xffff, v4  }
0x4f7: {  	v15 =	vmul.f32 v17, v3;
	v4 =	vld [tilespmem:s21+$0xFFFFFFE0]  }
0x4f8: {  	v17 =	vshll.u32 v19, $0x2;
	[tilespmem:v12+s13+$0x0] =	vst.idx.add.f32.msk $0xffff, v18  }
0x4f9: {  	v18 =	vand.u32 $0x7F, v19;
	v12 =	vshll.u32 v20, $0x2;
	v17 =	vand.u32 $0xFFFFFE00, v17;
	[tilespmem:v13+s13+$0x0] =	vst.idx.add.f32.msk $0xffff, v16  }
0x4fa: {  	s17 =	sadd.s32 $0x40, s17;
	v12 =	vand.u32 $0xFFFFFE00, v12;
	v13 =	vshll.u32 v14, $0x2;
	v16 =	vor.u32 v18, v17;
	[tilespmem:v11+s13+$0x0] =	vst.idx.add.f32.msk $0xffff, v15  }
0x4fb: {  	v11 =	vand.u32 $0x7F, v20;
	v14 =	vand.u32 $0x7F, v14;
	v13 =	vand.u32 $0xFFFFFE00, v13;
	v15 =	vld [tilespmem:s17+$0x10]  }
0x4fc: {  	v11 =	vor.u32 v11, v12;
	v17 =	vld [tilespmem:s17+$0xFFFFFFE0];
	v18 =	vand.u32 $0x7F, v4;
	v4 =	vshll.u32 v4, $0x2  }
0x4fd: {  	v19 =	vor.u32 $0x80, v11;
	v14 =	vor.u32 v14, v13;
	v4 =	vand.u32 $0xFFFFFE00, v4;
	v12 =	vld [tilespmem:s17+$0xFFFFFFF0]  }
0x4fe: {  	v21 =	vor.u32 $0x80, v14;
	v13 =	vor.u32 v18, v4;
	v18 =	vor.u32 $0x100, v11;
	v20 =	vld [tilespmem:s17+$0x0]  }
0x4ff: {  	s18 =	sadd.s32 $0x40, s18;
	v24 =	vor.u32 $0x100, v14;
	v22 =	vor.u32 $0x80, v13;
	v23 =	vor.u32 $0x100, v13;
	v25 =	vld.idx.msk [tilespmem:v16+s16+$0x0], $0xffff  }
0x500: {  	v27 =	vor.u32 $0x180, v11;
	v26 =	vor.u32 $0x180, v13;
	v4 =	vld [tilespmem:s18+$0x10];
	v28 =	vshll.u32 v15, $0x2  }
0x501: {  	v29 =	vshll.u32 v17, $0x2;
	v30 =	vld.idx.msk [tilespmem:v11+s16+$0x0], $0xffff;
	v11 =	vand.u32 $0x7F, v15;
	v15 =	vand.u32 $0xFFFFFE00, v28  }
0x502: {  	v28 =	vand.u32 $0xFFFFFE00, v29;
	v29 =	vshll.u32 v12, $0x2;
	v31 =	vld.idx.msk [tilespmem:v14+s16+$0x0], $0xffff;
	v15 =	vor.u32 v11, v15  }
0x503: {  	v32 =	vld.idx.msk [tilespmem:v13+s16+$0x0], $0xffff;
	v11 =	vand.u32 $0xFFFFFE00, v29;
	v13 =	vshll.u32 v20, $0x2;
	v29 =	vor.u32 $0x80, v16  }
0x504: {  	v17 =	vand.u32 $0x7F, v17;
	v12 =	vand.u32 $0x7F, v12;
	v33 =	vld [tilespmem:s18+$0xFFFFFFE0];
	v13 =	vand.u32 $0xFFFFFE00, v13  }
0x505: {  	v17 =	vor.u32 v17, v28;
	v20 =	vand.u32 $0x7F, v20;
	v28 =	vld [tilespmem:s18+$0xFFFFFFF0];
	v25 =	vmul.f32 v25, v4  }
0x506: {  	v34 =	vor.u32 $0x80, v17;
	v35 =	vor.u32 v12, v11;
	v20 =	vor.u32 v20, v13;
	v36 =	vld [tilespmem:s18+$0x0]  }
0x507: {  	v12 =	vor.u32 $0x100, v17;
	v37 =	vor.u32 $0x80, v35;
	v38 =	vor.u32 $0x80, v20;
	[tilespmem:v15+s13+$0x0] =	vst.idx.add.f32.msk $0xffff, v25  }
0x508: {  	v14 =	vor.u32 $0x180, v14;
	v13 =	vor.u32 $0x100, v35;
	v11 =	vor.u32 $0x100, v20;
	v25 =	vld.idx.msk [tilespmem:v29+s16+$0x0], $0xffff  }
0x509: {  	v39 =	vor.u32 $0x180, v35;
	v29 =	vmul.f32 v32, v33;
	v32 =	vor.u32 $0x180, v17;
	v40 =	vld.idx.msk [tilespmem:v5+s19+$0x0], $0xffff;
	v5 =	vmovc v26  }
0x50a: {  	v26 =	vmul.f32 v30, v28;
	v30 =	vor.u32 $0x180, v20;
	v41 =	vld.idx.msk [tilespmem:v6+s19+$0x0], $0xffff;
	v6 =	vmov v27  }
0x50b: {  	v27 =	vor.u32 $0x80, v15;
	[tilespmem:v17+s13+$0x0] =	vst.idx.add.f32.msk $0xffff, v29;
	v17 =	vmul.f32 v31, v36  }
0x50c: {  	[tilespmem:v35+s13+$0x0] =	vst.idx.add.f32.msk $0xffff, v26;
	v26 =	vor.u32 $0x100, v16  }
0x50d: {  	[tilespmem:v20+s13+$0x0] =	vst.idx.add.f32.msk $0xffff, v17  }
0x50e: {  	v20 =	vmul.f32 v25, v4;
	v17 =	vld.idx.msk [tilespmem:v22+s16+$0x0], $0xffff  }
0x50f: {  	v22 =	vmul.f32 v40, v1;
	v1 =	vmov v33;
	v19 =	vld.idx.msk [tilespmem:v19+s16+$0x0], $0xffff  }
0x510: {  	[tilespmem:v27+s13+$0x0] =	vst.idx.add.f32.msk $0xffff, v20;
	v20 =	vmul.f32 v41, v2;
	v2 =	vmov v28  }
0x511: {  	v25 =	vld.idx.msk [tilespmem:v26+s16+$0x0], $0xffff  }
0x512: {  	v21 =	vld.idx.msk [tilespmem:v21+s16+$0x0], $0xffff  }
0x513: {  	v26 =	vld.idx.msk [tilespmem:v10+s19+$0x0], $0xffff;
	v10 =	vmov v14;
	s19 =	smov.u32 s16  }
0x514: {  	v14 =	vmul.f32 v17, v1;
	v17 =	vor.u32 $0x100, v15;
	[tilespmem:v8+s13+$0x0] =	vst.idx.add.f32.msk $0xffff, v22;
	v8 =	vmov v32  }
0x515: {  	v16 =	vor.u32 $0x180, v16;
	v19 =	vmul.f32 v19, v2;
	[tilespmem:v7+s13+$0x0] =	vst.idx.add.f32.msk $0xffff, v20;
	v7 =	vmov v39  }
0x516: {  	[tilespmem:v34+s13+$0x0] =	vst.idx.add.f32.msk $0xffff, v14  }
0x517: {  	v14 =	vmul.f32 v25, v4;
	[tilespmem:v37+s13+$0x0] =	vst.idx.add.f32.msk $0xffff, v19  }
0x518: {  	v20 =	vmul.f32 v21, v36;
	v19 =	vld.idx.msk [tilespmem:v23+s19+$0x0], $0xffff  }
0x519: {  	v21 =	vmul.f32 v26, v3;
	v3 =	vmov v36;
	[tilespmem:v17+s13+$0x0] =	vst.idx.add.f32.msk $0xffff, v14  }
.Ltmp17:
0x51a: {  	v14 =	vld.idx.msk [tilespmem:v16+s19+$0x0], $0xffff;
	(pc) =	sbr.rel @p0 .LBB2_36-.Ltmp17, $4  }
0x51b: {  	[tilespmem:v38+s13+$0x0] =	vst.idx.add.f32.msk $0xffff, v20  }
0x51c: {  	v16 =	vld.idx.msk [tilespmem:v18+s19+$0x0], $0xffff  }
0x51d: {  	v15 =	vor.u32 $0x180, v15;
	v17 =	vld.idx.msk [tilespmem:v24+s19+$0x0], $0xffff  }
0x51e: {  	s21 =	sadd.s32 $0x40, s21;
	v18 =	vmul.f32 v19, v1;
	[tilespmem:v9+s13+$0x0] =	vst.idx.add.f32.msk $0xffff, v21;
	v9 =	vmov v30  }
0x51f: {  	_ =	sdelay $0x3  }
0x520: {  	[tilespmem:v12+s13+$0x0] =	vst.idx.add.f32.msk $0xffff, v18;
	v16 =	vmul.f32 v16, v2  }
0x521: {  	v5 =	vld.idx.msk [tilespmem:v5+s19+$0x0], $0xffff;
	v17 =	vmul.f32 v17, v3  }
0x522: {  	[tilespmem:v13+s13+$0x0] =	vst.idx.add.f32.msk $0xffff, v16  }
0x523: {  	[tilespmem:v11+s13+$0x0] =	vst.idx.add.f32.msk $0xffff, v17  }
0x524: {  	v6 =	vld.idx.msk [tilespmem:v6+s19+$0x0], $0xffff  }
0x525: {  	v10 =	vld.idx.msk [tilespmem:v10+s19+$0x0], $0xffff;
	_ =	sdelay $0x1  }
0x526: {  	v4 =	vmul.f32 v14, v4  }
0x527: {  	v1 =	vmul.f32 v5, v1  }
0x528: {  	[tilespmem:v15+s13+$0x0] =	vst.idx.add.f32.msk $0xffff, v4;
	v2 =	vmul.f32 v6, v2  }
0x529: {  	[tilespmem:v8+s13+$0x0] =	vst.idx.add.f32.msk $0xffff, v1;
	v1 =	vmul.f32 v10, v3  }
0x52a: {  	[tilespmem:v7+s13+$0x0] =	vst.idx.add.f32.msk $0xffff, v2  }
0x52b: {  	[tilespmem:v9+s13+$0x0] =	vst.idx.add.f32.msk $0xffff, v1  }
.LBB2_38:
0x52c: {  	s17 =	sshra.s32 s16, $0x2  }
0x52d: {  	v1 =	vld [tilespmem:s17+$0x14B80];
	_ =	sdelay $0x4  }
0x52e: {  	v2 =	vshll.u32 v1, $0x2  }
0x52f: {  	v1 =	vand.u32 $0x7F, v1;
	v2 =	vand.u32 $0xFFFFFE00, v2  }
0x530: {  	v3 =	vld [tilespmem:s17+$0x16B00];
	v1 =	vor.u32 v1, v2;
	_ =	sdelay $0x3  }
0x531: {  	v2 =	vld [tilespmem:s17+$0x18A80]  }
0x532: {  	v5 =	vshll.u32 v3, $0x2;
	v4 =	vld.idx.msk [tilespmem:v1+s1+$0x0], $0xffff  }
0x533: {  	v3 =	vand.u32 $0x7F, v3;
	v5 =	vand.u32 $0xFFFFFE00, v5  }
0x534: {  	v3 =	vor.u32 v3, v5  }
0x535: {  	v61 =	vor.u32 $0x80, v1;
	_ =	sdelay $0x1  }
0x536: {  	v4 =	vmul.f32 v4, v2;
	_ =	sdelay $0x1  }
0x537: {  	[tilespmem:v3+s13+$0x0] =	vst.idx.add.f32.msk $0xffff, v4  }
0x538: {  	v4 =	vld.idx.msk [tilespmem:v61+s1+$0x0], $0xffff;
	_ =	sdelay $0x1  }
0x539: {  	v62 =	vor.u32 $0x80, v3  }
0x53a: {  	v6 =	vor.u32 $0x100, v1;
	_ =	sdelay $0x1  }
0x53b: {  	v4 =	vmul.f32 v4, v2;
	_ =	sdelay $0x1  }
0x53c: {  	[tilespmem:v62+s13+$0x0] =	vst.idx.add.f32.msk $0xffff, v4  }
0x53d: {  	v4 =	vld.idx.msk [tilespmem:v6+s1+$0x0], $0xffff;
	_ =	sdelay $0x1  }
0x53e: {  	v63 =	vor.u32 $0x100, v3  }
0x53f: {  	v1 =	vor.u32 $0x180, v1;
	_ =	sdelay $0x1  }
0x540: {  	v4 =	vmul.f32 v4, v2;
	_ =	sdelay $0x1  }
0x541: {  	[tilespmem:v63+s13+$0x0] =	vst.idx.add.f32.msk $0xffff, v4  }
0x542: {  	v1 =	vld.idx.msk [tilespmem:v1+s1+$0x0], $0xffff;
	_ =	sdelay $0x1  }
0x543: {  	p0 =	sne.s32 s16, $0x40;
	v3 =	vor.u32 $0x180, v3  }
.Ltmp18:
0x544: {  	_ = 	snop;
	(pc) =	sbr.rel @p0 .LBB2_38-.Ltmp18, $3  }
0x545: {  	_ = 	snop  }
0x546: {  	v1 =	vmul.f32 v1, v2;
	_ =	sdelay $0x1  }
0x547: {  	s16 =	sadd.s32 $0x40, s16;
	[tilespmem:v3+s13+$0x0] =	vst.idx.add.f32.msk $0xffff, v1  }
0x548: {  	_ =	swait.ge [sflag:s14], $0xFA0  }
0x549: {  	[sflag:s14] =	ssyncset.done $0x0  }
0x54a: {  	[sflag:s14] =	ssyncadd.s32 $0xFFFFF060  }
0x54b: {  	_ =	swait.ge [sflag:s14], $0xFA0  }
0x54c: {  	[sflag:s14] =	ssyncset.done $0x0  }
0x54d: {  	[sflag:s14] =	ssyncadd.s32 $0xFFFFF060  }
0x54e: {  	_ =	swait.ge [sflag:s14], $0xFA0  }
0x54f: {  	[sflag:s14] =	ssyncset.done $0x0  }
0x550: {  	s16 =	simm.s32 $0x14BD0;
	[sflag:s14] =	ssyncadd.s32 $0xFFFFF060  }
0x551: {  	v1 =	vld [tilespmem:s16+$0x0];
	_ =	sdelay $0x2  }
0x552: {  	v2 =	vld [tilespmem:s16+$0xFFFFFFE0]  }
0x553: {  	v3 =	vld [tilespmem:s16+$0xFFFFFFD0]  }
0x554: {  	s17 =	simm.s32 $0x16B50;
	v4 =	vshll.u32 v1, $0x2  }
0x555: {  	v6 =	vld [tilespmem:s17+$0x0];
	v1 =	vand.u32 $0x7F, v1;
	v4 =	vand.u32 $0xFFFFFE00, v4  }
0x556: {  	v7 =	vld [tilespmem:s16+$0xFFFFFFF0];
	v5 =	vor.u32 v1, v4  }
0x557: {  	v1 =	vshll.u32 v2, $0x2  }
0x558: {  	v8 =	vld [tilespmem:s17+$0xFFFFFFD0];
	v2 =	vand.u32 $0x7F, v2;
	v4 =	vshll.u32 v3, $0x2;
	v1 =	vand.u32 $0xFFFFFE00, v1  }
0x559: {  	s18 =	simm.s32 $0x18AD0;
	v10 =	vld [tilespmem:s17+$0xFFFFFFE0];
	v3 =	vand.u32 $0x7F, v3;
	v9 =	vor.u32 v2, v1;
	v1 =	vand.u32 $0xFFFFFE00, v4  }
0x55a: {  	s16 =	simm.s32 $0x0;
	v4 =	vld [tilespmem:s18+$0x0];
	v11 =	vor.u32 v3, v1;
	v1 =	vshll.u32 v6, $0x2  }
0x55b: {  	v2 =	vand.u32 $0x7F, v6;
	v6 =	vshll.u32 v7, $0x2;
	v1 =	vand.u32 $0xFFFFFE00, v1;
	v3 =	vld.idx.msk [tilespmem:v5+s16+$0x0], $0xffff  }
0x55c: {  	v12 =	vld [tilespmem:s17+$0xFFFFFFF0];
	v7 =	vand.u32 $0x7F, v7;
	v15 =	vor.u32 v2, v1;
	v1 =	vand.u32 $0xFFFFFE00, v6  }
0x55d: {  	v2 =	vshll.u32 v8, $0x2;
	v7 =	vor.u32 v7, v1;
	v1 =	vld [tilespmem:s18+$0xFFFFFFD0]  }
0x55e: {  	v14 =	vor.u32 $0x80, v5;
	v16 =	vand.u32 $0xFFFFFE00, v2;
	v2 =	vld [tilespmem:s18+$0xFFFFFFE0]  }
0x55f: {  	v6 =	vld.idx.msk [tilespmem:v11+s16+$0x0], $0xffff  }
0x560: {  	v17 =	vshll.u32 v10, $0x2;
	v8 =	vand.u32 $0x7F, v8;
	v13 =	vld.idx.msk [tilespmem:v9+s16+$0x0], $0xffff;
	v3 =	vmul.f32 v3, v4  }
0x561: {  	v10 =	vand.u32 $0x7F, v10;
	v17 =	vand.u32 $0xFFFFFE00, v17;
	v8 =	vor.u32 v8, v16  }
0x562: {  	v16 =	vor.u32 v10, v17;
	[tilespmem:v15+s13+$0x0] =	vst.idx.add.f32.msk $0xffff, v3  }
0x563: {  	v10 =	vor.u32 $0x80, v11;
	v14 =	vld.idx.msk [tilespmem:v14+s16+$0x0], $0xffff  }
0x564: {  	v17 =	vor.u32 $0x80, v9;
	v18 =	vld.idx.msk [tilespmem:v7+s16+$0x0], $0xffff;
	v6 =	vmul.f32 v6, v1  }
0x565: {  	v19 =	vshll.u32 v12, $0x2;
	v20 =	vor.u32 $0x80, v15;
	v3 =	vld [tilespmem:s18+$0xFFFFFFF0];
	v13 =	vmul.f32 v13, v2  }
0x566: {  	v12 =	vand.u32 $0x7F, v12;
	v19 =	vand.u32 $0xFFFFFE00, v19;
	[tilespmem:v8+s13+$0x0] =	vst.idx.add.f32.msk $0xffff, v6;
	v6 =	vor.u32 $0x100, v5  }
0x567: {  	v19 =	vor.u32 v12, v19;
	[tilespmem:v16+s13+$0x0] =	vst.idx.add.f32.msk $0xffff, v13  }
0x568: {  	v12 =	vor.u32 $0x80, v7;
	v10 =	vld.idx.msk [tilespmem:v10+s16+$0x0], $0xffff;
	v13 =	vmul.f32 v14, v4  }
0x569: {  	v14 =	vld.idx.msk [tilespmem:v17+s16+$0x0], $0xffff  }
0x56a: {  	v18 =	vmul.f32 v18, v3;
	v17 =	vor.u32 $0x80, v8;
	[tilespmem:v20+s13+$0x0] =	vst.idx.add.f32.msk $0xffff, v13  }
0x56b: {  	v13 =	vor.u32 $0x80, v16;
	v6 =	vld.idx.msk [tilespmem:v6+s16+$0x0], $0xffff  }
0x56c: {  	[tilespmem:v19+s13+$0x0] =	vst.idx.add.f32.msk $0xffff, v18;
	v20 =	vor.u32 $0x100, v11  }
0x56d: {  	v18 =	vor.u32 $0x100, v15;
	v12 =	vld.idx.msk [tilespmem:v12+s16+$0x0], $0xffff;
	v10 =	vmul.f32 v10, v1  }
0x56e: {  	v21 =	vor.u32 $0x180, v5;
	v14 =	vmul.f32 v14, v2  }
0x56f: {  	v22 =	vor.u32 $0x80, v19;
	[tilespmem:v17+s13+$0x0] =	vst.idx.add.f32.msk $0xffff, v10  }
0x570: {  	v17 =	vor.u32 $0x100, v9;
	[tilespmem:v13+s13+$0x0] =	vst.idx.add.f32.msk $0xffff, v14;
	v5 =	vmul.f32 v6, v4  }
0x571: {  	v23 =	vor.u32 $0x100, v7;
	v20 =	vld.idx.msk [tilespmem:v20+s16+$0x0], $0xffff  }
0x572: {  	v10 =	vmul.f32 v12, v3;
	[tilespmem:v18+s13+$0x0] =	vst.idx.add.f32.msk $0xffff, v5  }
0x573: {  	v15 =	vor.u32 $0x180, v15;
	v12 =	vor.u32 $0x100, v8;
	v14 =	vld.idx.msk [tilespmem:v21+s16+$0x0], $0xffff  }
0x574: {  	v13 =	vor.u32 $0x100, v16;
	v8 =	vor.u32 $0x180, v8;
	v6 =	vor.u32 $0x180, v9;
	[tilespmem:v22+s13+$0x0] =	vst.idx.add.f32.msk $0xffff, v10  }
0x575: {  	v9 =	vor.u32 $0x180, v19;
	v10 =	vor.u32 $0x180, v7;
	v7 =	vor.u32 $0x180, v16;
	v16 =	vld.idx.msk [tilespmem:v17+s16+$0x0], $0xffff  }
0x576: {  	s20 =	simm.s32 $0x0;
	s21 =	simm.s32 $0x14C10;
	s19 =	simm.s32 $0x0;
	v5 =	vor.u32 $0x180, v11;
	v11 =	vor.u32 $0x100, v19;
	v17 =	vld.idx.msk [tilespmem:v23+s16+$0x0], $0xffff;
	v18 =	vmul.f32 v20, v1  }
.LBB2_40:
0x577: {  	v19 =	vld [tilespmem:s21+$0x0];
	s20 =	sadd.s32 $0x4, s20  }
0x578: {  	v4 =	vmul.f32 v14, v4;
	v20 =	vld [tilespmem:s21+$0xFFFFFFE0];
	p0 =	slt.u32 s20, $0xF4  }
0x579: {  	v14 =	vld [tilespmem:s21+$0xFFFFFFF0]  }
0x57a: {  	v16 =	vmul.f32 v16, v2;
	[tilespmem:v15+s13+$0x0] =	vst.idx.add.f32.msk $0xffff, v4  }
0x57b: {  	v15 =	vmul.f32 v17, v3;
	v4 =	vld [tilespmem:s21+$0xFFFFFFD0]  }
0x57c: {  	v17 =	vshll.u32 v19, $0x2;
	[tilespmem:v12+s13+$0x0] =	vst.idx.add.f32.msk $0xffff, v18  }
0x57d: {  	v18 =	vand.u32 $0x7F, v19;
	v12 =	vshll.u32 v20, $0x2;
	v17 =	vand.u32 $0xFFFFFE00, v17;
	[tilespmem:v13+s13+$0x0] =	vst.idx.add.f32.msk $0xffff, v16  }
0x57e: {  	s17 =	sadd.s32 $0x40, s17;
	v12 =	vand.u32 $0xFFFFFE00, v12;
	v13 =	vshll.u32 v14, $0x2;
	v16 =	vor.u32 v18, v17;
	[tilespmem:v11+s13+$0x0] =	vst.idx.add.f32.msk $0xffff, v15  }
0x57f: {  	v11 =	vand.u32 $0x7F, v20;
	v14 =	vand.u32 $0x7F, v14;
	v13 =	vand.u32 $0xFFFFFE00, v13;
	v15 =	vld [tilespmem:s17+$0x0]  }
0x580: {  	v11 =	vor.u32 v11, v12;
	v17 =	vld [tilespmem:s17+$0xFFFFFFD0];
	v18 =	vand.u32 $0x7F, v4;
	v4 =	vshll.u32 v4, $0x2  }
0x581: {  	v19 =	vor.u32 $0x80, v11;
	v14 =	vor.u32 v14, v13;
	v4 =	vand.u32 $0xFFFFFE00, v4;
	v12 =	vld [tilespmem:s17+$0xFFFFFFE0]  }
0x582: {  	v21 =	vor.u32 $0x80, v14;
	v13 =	vor.u32 v18, v4;
	v18 =	vor.u32 $0x100, v11;
	v20 =	vld [tilespmem:s17+$0xFFFFFFF0]  }
0x583: {  	s18 =	sadd.s32 $0x40, s18;
	v24 =	vor.u32 $0x100, v14;
	v22 =	vor.u32 $0x80, v13;
	v23 =	vor.u32 $0x100, v13;
	v25 =	vld.idx.msk [tilespmem:v16+s16+$0x0], $0xffff  }
0x584: {  	v27 =	vor.u32 $0x180, v11;
	v26 =	vor.u32 $0x180, v13;
	v4 =	vld [tilespmem:s18+$0x0];
	v28 =	vshll.u32 v15, $0x2  }
0x585: {  	v29 =	vshll.u32 v17, $0x2;
	v30 =	vld.idx.msk [tilespmem:v11+s16+$0x0], $0xffff;
	v11 =	vand.u32 $0x7F, v15;
	v15 =	vand.u32 $0xFFFFFE00, v28  }
0x586: {  	v28 =	vand.u32 $0xFFFFFE00, v29;
	v29 =	vshll.u32 v12, $0x2;
	v31 =	vld.idx.msk [tilespmem:v14+s16+$0x0], $0xffff;
	v15 =	vor.u32 v11, v15  }
0x587: {  	v32 =	vld.idx.msk [tilespmem:v13+s16+$0x0], $0xffff;
	v11 =	vand.u32 $0xFFFFFE00, v29;
	v13 =	vshll.u32 v20, $0x2;
	v29 =	vor.u32 $0x80, v16  }
0x588: {  	v17 =	vand.u32 $0x7F, v17;
	v12 =	vand.u32 $0x7F, v12;
	v33 =	vld [tilespmem:s18+$0xFFFFFFD0];
	v13 =	vand.u32 $0xFFFFFE00, v13  }
0x589: {  	v17 =	vor.u32 v17, v28;
	v20 =	vand.u32 $0x7F, v20;
	v28 =	vld [tilespmem:s18+$0xFFFFFFE0];
	v25 =	vmul.f32 v25, v4  }
0x58a: {  	v34 =	vor.u32 $0x80, v17;
	v35 =	vor.u32 v12, v11;
	v20 =	vor.u32 v20, v13;
	v36 =	vld [tilespmem:s18+$0xFFFFFFF0]  }
0x58b: {  	v12 =	vor.u32 $0x100, v17;
	v37 =	vor.u32 $0x80, v35;
	v38 =	vor.u32 $0x80, v20;
	[tilespmem:v15+s13+$0x0] =	vst.idx.add.f32.msk $0xffff, v25  }
0x58c: {  	v14 =	vor.u32 $0x180, v14;
	v13 =	vor.u32 $0x100, v35;
	v11 =	vor.u32 $0x100, v20;
	v25 =	vld.idx.msk [tilespmem:v29+s16+$0x0], $0xffff  }
0x58d: {  	v39 =	vor.u32 $0x180, v35;
	v29 =	vmul.f32 v32, v33;
	v32 =	vor.u32 $0x180, v17;
	v40 =	vld.idx.msk [tilespmem:v5+s19+$0x0], $0xffff;
	v5 =	vmovc v26  }
0x58e: {  	v26 =	vmul.f32 v30, v28;
	v30 =	vor.u32 $0x180, v20;
	v41 =	vld.idx.msk [tilespmem:v6+s19+$0x0], $0xffff;
	v6 =	vmov v27  }
0x58f: {  	v27 =	vor.u32 $0x80, v15;
	[tilespmem:v17+s13+$0x0] =	vst.idx.add.f32.msk $0xffff, v29;
	v17 =	vmul.f32 v31, v36  }
0x590: {  	[tilespmem:v35+s13+$0x0] =	vst.idx.add.f32.msk $0xffff, v26;
	v26 =	vor.u32 $0x100, v16  }
0x591: {  	[tilespmem:v20+s13+$0x0] =	vst.idx.add.f32.msk $0xffff, v17  }
0x592: {  	v20 =	vmul.f32 v25, v4;
	v17 =	vld.idx.msk [tilespmem:v22+s16+$0x0], $0xffff  }
0x593: {  	v22 =	vmul.f32 v40, v1;
	v1 =	vmov v33;
	v19 =	vld.idx.msk [tilespmem:v19+s16+$0x0], $0xffff  }
0x594: {  	[tilespmem:v27+s13+$0x0] =	vst.idx.add.f32.msk $0xffff, v20;
	v20 =	vmul.f32 v41, v2;
	v2 =	vmov v28  }
0x595: {  	v25 =	vld.idx.msk [tilespmem:v26+s16+$0x0], $0xffff  }
0x596: {  	v21 =	vld.idx.msk [tilespmem:v21+s16+$0x0], $0xffff  }
0x597: {  	v26 =	vld.idx.msk [tilespmem:v10+s19+$0x0], $0xffff;
	v10 =	vmov v14;
	s19 =	smov.u32 s16  }
0x598: {  	v14 =	vmul.f32 v17, v1;
	v17 =	vor.u32 $0x100, v15;
	[tilespmem:v8+s13+$0x0] =	vst.idx.add.f32.msk $0xffff, v22;
	v8 =	vmov v32  }
0x599: {  	v16 =	vor.u32 $0x180, v16;
	v19 =	vmul.f32 v19, v2;
	[tilespmem:v7+s13+$0x0] =	vst.idx.add.f32.msk $0xffff, v20;
	v7 =	vmov v39  }
0x59a: {  	[tilespmem:v34+s13+$0x0] =	vst.idx.add.f32.msk $0xffff, v14  }
0x59b: {  	v14 =	vmul.f32 v25, v4;
	[tilespmem:v37+s13+$0x0] =	vst.idx.add.f32.msk $0xffff, v19  }
0x59c: {  	v20 =	vmul.f32 v21, v36;
	v19 =	vld.idx.msk [tilespmem:v23+s19+$0x0], $0xffff  }
0x59d: {  	v21 =	vmul.f32 v26, v3;
	v3 =	vmov v36;
	[tilespmem:v17+s13+$0x0] =	vst.idx.add.f32.msk $0xffff, v14  }
.Ltmp19:
0x59e: {  	v14 =	vld.idx.msk [tilespmem:v16+s19+$0x0], $0xffff;
	(pc) =	sbr.rel @p0 .LBB2_40-.Ltmp19, $4  }
0x59f: {  	[tilespmem:v38+s13+$0x0] =	vst.idx.add.f32.msk $0xffff, v20  }
0x5a0: {  	v16 =	vld.idx.msk [tilespmem:v18+s19+$0x0], $0xffff  }
0x5a1: {  	v15 =	vor.u32 $0x180, v15;
	v17 =	vld.idx.msk [tilespmem:v24+s19+$0x0], $0xffff  }
0x5a2: {  	s21 =	sadd.s32 $0x40, s21;
	v18 =	vmul.f32 v19, v1;
	[tilespmem:v9+s13+$0x0] =	vst.idx.add.f32.msk $0xffff, v21;
	v9 =	vmov v30  }
0x5a3: {  	_ =	sdelay $0x3  }
0x5a4: {  	[tilespmem:v12+s13+$0x0] =	vst.idx.add.f32.msk $0xffff, v18;
	v16 =	vmul.f32 v16, v2  }
0x5a5: {  	v5 =	vld.idx.msk [tilespmem:v5+s19+$0x0], $0xffff;
	v17 =	vmul.f32 v17, v3  }
0x5a6: {  	[tilespmem:v13+s13+$0x0] =	vst.idx.add.f32.msk $0xffff, v16  }
0x5a7: {  	[tilespmem:v11+s13+$0x0] =	vst.idx.add.f32.msk $0xffff, v17  }
0x5a8: {  	v6 =	vld.idx.msk [tilespmem:v6+s19+$0x0], $0xffff  }
0x5a9: {  	v10 =	vld.idx.msk [tilespmem:v10+s19+$0x0], $0xffff;
	_ =	sdelay $0x1  }
0x5aa: {  	v4 =	vmul.f32 v14, v4  }
0x5ab: {  	v1 =	vmul.f32 v5, v1  }
0x5ac: {  	[tilespmem:v15+s13+$0x0] =	vst.idx.add.f32.msk $0xffff, v4;
	v2 =	vmul.f32 v6, v2  }
0x5ad: {  	[tilespmem:v8+s13+$0x0] =	vst.idx.add.f32.msk $0xffff, v1;
	v1 =	vmul.f32 v10, v3  }
0x5ae: {  	[tilespmem:v7+s13+$0x0] =	vst.idx.add.f32.msk $0xffff, v2  }
0x5af: {  	[tilespmem:v9+s13+$0x0] =	vst.idx.add.f32.msk $0xffff, v1  }
.LBB2_42:
0x5b0: {  	s17 =	sshra.s32 s16, $0x2  }
0x5b1: {  	v1 =	vld [tilespmem:s17+$0x15B20];
	_ =	sdelay $0x4  }
0x5b2: {  	v2 =	vshll.u32 v1, $0x2  }
0x5b3: {  	v1 =	vand.u32 $0x7F, v1;
	v2 =	vand.u32 $0xFFFFFE00, v2  }
0x5b4: {  	v3 =	vld [tilespmem:s17+$0x17AA0];
	v1 =	vor.u32 v1, v2;
	_ =	sdelay $0x3  }
0x5b5: {  	v2 =	vld [tilespmem:s17+$0x19A20]  }
0x5b6: {  	v5 =	vshll.u32 v3, $0x2;
	v4 =	vld.idx.msk [tilespmem:v1+s1+$0x0], $0xffff  }
0x5b7: {  	v3 =	vand.u32 $0x7F, v3;
	v5 =	vand.u32 $0xFFFFFE00, v5  }
0x5b8: {  	v3 =	vor.u32 v3, v5  }
0x5b9: {  	v61 =	vor.u32 $0x80, v1;
	_ =	sdelay $0x1  }
0x5ba: {  	v4 =	vmul.f32 v4, v2;
	_ =	sdelay $0x1  }
0x5bb: {  	[tilespmem:v3+s13+$0x0] =	vst.idx.add.f32.msk $0xffff, v4  }
0x5bc: {  	v4 =	vld.idx.msk [tilespmem:v61+s1+$0x0], $0xffff;
	_ =	sdelay $0x1  }
0x5bd: {  	v62 =	vor.u32 $0x80, v3  }
0x5be: {  	v6 =	vor.u32 $0x100, v1;
	_ =	sdelay $0x1  }
0x5bf: {  	v4 =	vmul.f32 v4, v2;
	_ =	sdelay $0x1  }
0x5c0: {  	[tilespmem:v62+s13+$0x0] =	vst.idx.add.f32.msk $0xffff, v4  }
0x5c1: {  	v4 =	vld.idx.msk [tilespmem:v6+s1+$0x0], $0xffff;
	_ =	sdelay $0x1  }
0x5c2: {  	v63 =	vor.u32 $0x100, v3  }
0x5c3: {  	v1 =	vor.u32 $0x180, v1;
	_ =	sdelay $0x1  }
0x5c4: {  	v4 =	vmul.f32 v4, v2;
	_ =	sdelay $0x1  }
0x5c5: {  	[tilespmem:v63+s13+$0x0] =	vst.idx.add.f32.msk $0xffff, v4  }
0x5c6: {  	v1 =	vld.idx.msk [tilespmem:v1+s1+$0x0], $0xffff;
	_ =	sdelay $0x1  }
0x5c7: {  	p0 =	sne.s32 s16, $0x40;
	v3 =	vor.u32 $0x180, v3  }
.Ltmp20:
0x5c8: {  	_ = 	snop;
	(pc) =	sbr.rel @p0 .LBB2_42-.Ltmp20, $3  }
0x5c9: {  	_ = 	snop  }
0x5ca: {  	v1 =	vmul.f32 v1, v2;
	_ =	sdelay $0x1  }
0x5cb: {  	s16 =	sadd.s32 $0x40, s16;
	[tilespmem:v3+s13+$0x0] =	vst.idx.add.f32.msk $0xffff, v1  }
0x5cc: {  	s15 =	sadd.s32 $0x1, s15  }
0x5cd: {  	p0 =	sne.s32 s15, s4  }
.Ltmp21:
0x5ce: {  	_ = 	snop;
	(pc) =	sbr.rel @p0 .LBB2_1-.Ltmp21, $4  }
0x5cf: {  	[hbm4b:s3+s1] =	stream.linear.scatter [tilespmem:s13], [sflag:$0x3], $0x9E00, $0x38;
	[tilespmem:$0x19A80] =	vst v63  }
0x5d0: {  	_ =	swait.ge [sflag:s8], $0x9E00  }
0x5d1: {  	[sflag:s8] =	ssyncset.done $0x0  }
0x5d2: {  	[sflag:s8] =	ssyncadd.s32 $0xFFFF6200  }
0x5d3: {  	_ =	sfence.sel $0x180000  }
0x5d4: {  	[bflag:$0x0] =	sbarrier.arrive $0xFFFF  }
0x5d5: {  	_ =	strace $0x9000004A  }
0x5d6: {  	s0 =	stileid.u32;
	[bflag:$0x2] =	sbarrier.arrive $0xFFFF  }
0x5d7: {  	p0 =	sne.s32 s0, $0x0;
	s0 =	rddreg [dreg:$0x2]  }
0x5d8: {  	s0 =	sadd.s32 @!p0 $0x100000, s0  }
0x5d9: {  	[sflag:s0] =	ssyncadd.tile.s32 @!p0 $0x1;
	_ =	shalt  }
.Lfunc_end2:
_tile_overlayer_lowered:
.L_overlay_start_2:
0x5da: {  	(tag) =	ssettag $0x2  }
0x5db: {  	s0 =	rddreg [dreg:$0x0];
	s2 =	stileid.u32  }
0x5dc: {  	s1 =	rddreg [dreg:$0x1];
	p0 =	sne.s32 s2, $0x0  }
0x5dd: {  	s3 =	rddreg [dreg:$0x2];
	[bflag:$0x3] =	sbarrier.arrive $0xFFFF;
	s2 =	simm.s32 @!p0 $0x1C03  }
0x5de: {  	[timem:s3], [sflag:s2] =	dma.local @!p0 [hbm:s0], s1  }
0x5df: {  	s0 =	simm.s32 @!p0 $0x3  }
0x5e0: {  	_ =	swait.ge @!p0 [sflag:s0], s1  }
0x5e1: {  	s1 =	ssub.s32 @!p0 $0x0, s1;
	[sflag:s0] =	ssyncset.done @!p0 $0x0  }
0x5e2: {  	[sflag:s0] =	ssyncadd.s32 @!p0 s1  }
0x5e3: {  	[bflag:$0x3] =	sbarrier.arrive $0xFFFF  }
0x5e4: {  	_ =	shalt  }

// kernel: kernel.15.cloned.1.call-start
scs
__scs_entry_jumppad:
0x0: {  	(pc) =	sbr.rel $0x88, $3  }
0x1: {  	(tag) =	ssettag $0x0;
	lr =	simm.s32 $0x1  }
0x2: {  	[smem:$0x3F9A] =	sst lr;
	_ =	strace $0xD0000000  }
0x3: {  	_ = 	snop  }
0x4: {  	_ = 	snop  }
0x5: {  	_ = 	snop  }
0x6: {  	_ = 	snop  }
0x7: {  	_ = 	snop  }
__scs_overlays_trampoline_lowered:
0x8: {  	[smem:$0x3FA9] =	sst s0  }
0x9: {  	[smem:$0x3FAA] =	sst s1  }
0xa: {  	[smem:$0x3FAB] =	sst s2  }
0xb: {  	[smem:$0x3FAC] =	sst s3  }
0xc: {  	[smem:$0x3FAD] =	sst s4  }
0xd: {  	[smem:$0x3FAE] =	sst s5  }
0xe: {  	[smem:$0x3FAF] =	sst s6  }
0xf: {  	[smem:$0x3FB0] =	sst s7  }
0x10: {  	[smem:$0x3FB1] =	sst s8  }
0x11: {  	[smem:$0x3FB2] =	sst s9;
	s0 =	simm.s32 @!p0 $0x0  }
0x12: {  	s1 =	sld [smem:$0x3F98];
	s0 =	simm.s32 @p0 $0x1  }
0x13: {  	[smem:$0x3FB3] =	sst s0;
	s0 =	simm.s32 @!p1 $0x0  }
0x14: {  	s2 =	sld [smem:$0x3F97];
	s0 =	simm.s32 @p1 $0x1  }
0x15: {  	[smem:$0x3FB4] =	sst s0;
	s0 =	simm.s32 @!p2 $0x0  }
0x16: {  	s3 =	sld [smem:$0x3FDB];
	s0 =	simm.s32 @p2 $0x1  }
0x17: {  	s4 =	simm.s32 $0x1BF5;
	[smem:$0x3FB6] =	sst s0  }
0x18: {  	s0 =	sld [smem:$0x3F99];
	_ =	swait.ge [sflag:s4], $0x0  }
0x19: {  	s7 =	sld [smem:$0x3F9A]  }
0x1a: {  	s8 =	sadd.s32 $0xFFFFE003, lr  }
0x1b: {  	s9 =	sadd.s32 $0xFFFFFEF7, lr;
	s5 =	simm.s32 $0xFFFFFFFF;
	p2 =	slt.u32 s8, $0xFFFFF086  }
0x1c: {  	p1 =	slt.u32 s9, $0xF7A;
	s5 =	simm.s32 @!p2 $0x0  }
0x1d: {  	s5 =	simm.s32 @p1 $0x1;
	p0 =	seq.s32 s7, s2  }
0x1e: {  	s7 =	smul.u32 @!p0 $0xF7A, s2;
	p2 =	seq.s32 @!p0 s5, $0x0  }
0x1f: {  	s9 =	smul.u32 $0xF7A, s1;
	s8 =	simm.s32 @!p0 $0x1BF5;
	p2 =	por !p2, p0  }
0x20: {  	[sflag:s8] =	ssyncset.s32 @!p0 $0xFFFFF086;
	s6 =	sadd.s32 @!p0 s3, s7;
	s7 =	simm.s32 @!p0 $0x108  }
0x21: {  	s3 =	sadd.s32 s3, s9;
	s6 =	sadd.s32 @!p0 $0x88, s6;
	s7 =	simm.s32 @p2 $0x1082  }
0x22: {  	[simem:s7], [sflag:s8] =	dma.local @!p0 [hbm:s6], $0xF7A  }
0x23: {  	s9 =	sor.u32 $0xD0000000, s2;
	s6 =	simm.s32 $0x108;
	_ =	swait.ge @!p0 [sflag:s8], $0x0  }
0x24: {  	s3 =	sadd.s32 $0x88, s3;
	s6 =	simm.s32 @!p1 $0x1082;
	[sflag:s4] =	ssyncset.s32 $0xFFFFF086  }
0x25: {  	[simem:s6], [sflag:s4] =	dma.local [hbm:s3], $0xF7A  }
0x26: {  	[smem:$0x3F9A] =	sst s1;
	(tag) =	ssettag s2;
	_ =	strace s9  }
0x27: {  	s1 =	sld [smem:$0x3FAA]  }
0x28: {  	s2 =	sld [smem:$0x3FAB]  }
0x29: {  	s4 =	sld [smem:$0x3FAD]  }
0x2a: {  	p0 =	seq.s32 s5, $0x0;
	s5 =	sld [smem:$0x3FAE]  }
0x2b: {  	s6 =	sld [smem:$0x3FAF]  }
0x2c: {  	s7 =	sld [smem:$0x3FB0]  }
0x2d: {  	s3 =	simm.s32 $0x108;
	s8 =	sld [smem:$0x3FB1]  }
0x2e: {  	s3 =	simm.s32 @!p0 $0x1082;
	s9 =	sld [smem:$0x3FB2]  }
0x2f: {  	lr =	sadd.s32 s0, s3;
	s0 =	sld [smem:$0x3FA9]  }
0x30: {  	s3 =	sld [smem:$0x3FAC]  }
0x31: {  	[smem:$0x3FB5] =	sst s10  }
0x32: {  	s10 =	sld [smem:$0x3FB3];
	_ =	sdelay $0x3  }
0x33: {  	p0 =	seq.s32 s10, $0x1;
	s10 =	sld [smem:$0x3FB5];
	_ =	sdelay $0x3  }
0x34: {  	[smem:$0x3FB5] =	sst s10  }
0x35: {  	s10 =	sld [smem:$0x3FB4];
	_ =	sdelay $0x3  }
0x36: {  	p1 =	seq.s32 s10, $0x1;
	s10 =	sld [smem:$0x3FB5];
	_ =	sdelay $0x3  }
0x37: {  	[smem:$0x3FB5] =	sst s10  }
0x38: {  	s10 =	sld [smem:$0x3FB6]  }
0x39: {  	_ = 	snop;
	(pc) =	sbr.ind lr, $3  }
0x3a: {  	_ = 	snop  }
0x3b: {  	_ = 	snop  }
0x3c: {  	p2 =	seq.s32 s10, $0x1;
	s10 =	sld [smem:$0x3FB5]  }
0x3d: {  	_ =	shalt  }
0x3e: {  	_ =	shalt  }
0x3f: {  	_ =	shalt  }
0x40: {  	_ =	shalt  }
0x41: {  	_ =	shalt  }
0x42: {  	_ =	shalt  }
0x43: {  	_ =	shalt  }
0x44: {  	_ =	shalt  }
0x45: {  	_ =	shalt  }
0x46: {  	_ =	shalt  }
0x47: {  	_ =	shalt  }
0x48: {  	_ =	shalt  }
0x49: {  	_ =	shalt  }
0x4a: {  	_ =	shalt  }
0x4b: {  	_ =	shalt  }
0x4c: {  	_ =	shalt  }
0x4d: {  	_ =	shalt  }
0x4e: {  	_ =	shalt  }
0x4f: {  	_ =	shalt  }
0x50: {  	_ =	shalt  }
0x51: {  	_ =	shalt  }
0x52: {  	_ =	shalt  }
0x53: {  	_ =	shalt  }
0x54: {  	_ =	shalt  }
0x55: {  	_ =	shalt  }
0x56: {  	_ =	shalt  }
0x57: {  	_ =	shalt  }
0x58: {  	_ =	shalt  }
0x59: {  	_ =	shalt  }
0x5a: {  	_ =	shalt  }
0x5b: {  	_ =	shalt  }
0x5c: {  	_ =	shalt  }
0x5d: {  	_ =	shalt  }
0x5e: {  	_ =	shalt  }
0x5f: {  	_ =	shalt  }
0x60: {  	_ =	shalt  }
0x61: {  	_ =	shalt  }
0x62: {  	_ =	shalt  }
0x63: {  	_ =	shalt  }
0x64: {  	_ =	shalt  }
0x65: {  	_ =	shalt  }
0x66: {  	_ =	shalt  }
0x67: {  	_ =	shalt  }
0x68: {  	_ =	shalt  }
0x69: {  	_ =	shalt  }
0x6a: {  	_ =	shalt  }
0x6b: {  	_ =	shalt  }
0x6c: {  	_ =	shalt  }
0x6d: {  	_ =	shalt  }
0x6e: {  	_ =	shalt  }
0x6f: {  	_ =	shalt  }
0x70: {  	_ =	shalt  }
0x71: {  	_ =	shalt  }
0x72: {  	_ =	shalt  }
0x73: {  	_ =	shalt  }
0x74: {  	_ =	shalt  }
0x75: {  	_ =	shalt  }
0x76: {  	_ =	shalt  }
0x77: {  	_ =	shalt  }
0x78: {  	_ =	shalt  }
0x79: {  	_ =	shalt  }
0x7a: {  	_ =	shalt  }
0x7b: {  	_ =	shalt  }
0x7c: {  	_ =	shalt  }
0x7d: {  	_ =	shalt  }
0x7e: {  	_ =	shalt  }
0x7f: {  	_ =	shalt  }
0x80: {  	_ =	shalt  }
0x81: {  	_ =	shalt  }
0x82: {  	_ =	shalt  }
0x83: {  	_ =	shalt  }
0x84: {  	_ =	shalt  }
0x85: {  	_ =	shalt  }
0x86: {  	_ =	shalt  }
0x87: {  	_ =	shalt  }
.Lfunc_end0:
.L_simem_size_0:
called_computation.2_lowered:
.L_overlay_start_0:
0x88: {  	s2 =	sld [smem:$0x3FD9]  }
0x89: {  	s3 =	sld [smem:$0x3FFE];
	_ =	sdelay $0x1  }
0x8a: {  	s1 =	srdreg.scid  }
0x8b: {  	s0 =	sand.u32 $0x1, s1  }
0x8c: {  	s17 =	sshll.u32 s0, $0xA;
	s2 =	sadd.s32 s3, s2  }
0x8d: {  	s2 =	sadd.s32 s2, s17  }
0x8e: {  	[smem:$0x3FC1] =	sst s2  }
0x8f: {  	_ = 	snop  }
0x90: {  	s2 =	sld [smem:$0x3FC7]  }
0x91: {  	s18 =	sld [smem:$0x3FD0];
	(tm) =	ssettm $0x1  }
0x92: {  	s4 =	sld [smem:$0x3FFB];
	_ =	sdelay $0x3  }
0x93: {  	_ =	strace s4  }
0x94: {  	s4 =	sld [smem:$0x3FFC];
	_ =	sdelay $0x3  }
0x95: {  	_ =	strace s4  }
0x96: {  	s4 =	sld [smem:$0x3FFD];
	_ =	sdelay $0x3  }
0x97: {  	_ =	strace s4  }
0x98: {  	_ =	strace $0x8FFFFFFF  }
0x99: {  	s19 =	sld [smem:$0x3FDB];
	_ =	sdelay $0x1  }
0x9a: {  	s5 =	simm.s32 $_scs_section_size  }
0x9b: {  	s6 =	simm.s32 $_size__tile_overlayer_lowered;
	s7 =	simm.s32 $_tile_overlayer_lowered  }
0x9c: {  	s22 =	simm.s32 $0x1BFF;
	s21 =	sshll.u32 s7, $0x1;
	s4 =	sadd.s32 s5, s19  }
0x9d: {  	s8 =	simm.s32 $0x0;
	s20 =	sshll.u32 s6, $0x1;
	s6 =	sadd.s32 s21, s4  }
0x9e: {  	[timem:s8], [sflag:s22] =	dma.local [hbm:s6], s20  }
0x9f: {  	_ =	swait.ge [sflag:s22], s20  }
0xa0: {  	s5 =	ssub.s32 $0x0, s20;
	[sflag:s22] =	ssyncset.done $0x0  }
0xa1: {  	[sflag:s22] =	ssyncadd.s32 s5;
	_ =	sdelay $0x1  }
0xa2: {  	s23 =	simm.s32 $0x1B8B  }
0xa3: {  	_ =	swait.ge [sflag:s23], $0x1  }
0xa4: {  	[sflag:s23] =	ssyncset.done $0x0  }
0xa5: {  	s25 =	simm.s32 $0x1B8E;
	s24 =	sld [smem:$0x3FFE];
	[sflag:s23] =	ssyncadd.s32 $0xFFFFFFFF  }
0xa6: {  	s26 =	simm.s32 $execute0_lowered;
	[smem:$0x3FD2] =	sst s25  }
0xa7: {  	s6 =	sshll.u32 s26, $0x1;
	_ =	strace $0x8000004C;
	[dreg:$0x1] =	wrdreg $0xFFFFFFFF  }
0xa8: {  	s28 =	simm.s32 $_size_execute0_lowered;
	s4 =	sadd.s32 s4, s6;
	[dreg:$0x0] =	wrdreg $0x0  }
0xa9: {  	s6 =	sshll.u32 s28, $0x1;
	[dreg:$0x2] =	wrdreg s4  }
0xaa: {  	[dreg:$0x3] =	wrdreg s6  }
0xab: {  	[dreg:$0x4] =	wrdreg $0xC0  }
0xac: {  	_ =	task [dreg:s8], $0x5FFFF  }
0xad: {  	[dreg:$0x1] =	wrdreg $0xFFFFFFFF  }
0xae: {  	[dreg:$0x0] =	wrdreg $0x60  }
0xaf: {  	[dreg:$0x2] =	wrdreg s18  }
0xb0: {  	[dreg:$0x3] =	wrdreg s24  }
0xb1: {  	[dreg:$0x4] =	wrdreg s2  }
0xb2: {  	[dreg:$0x5] =	wrdreg $0x9  }
0xb3: {  	_ =	task.clear_ibuf [dreg:s8], $0x6FFFF;
	_ =	strace $0x9000004C  }
0xb4: {  	s29 =	simm.s32 $0x9;
	_ =	strace $0x8000004E  }
0xb5: {  	_ =	swait.ge [sflag:s29], $0x1  }
0xb6: {  	[sflag:s29] =	ssyncadd.s32 $0xFFFFFFFF  }
0xb7: {  	_ =	strace $0x9000004E  }
0xb8: {  	_ =	sfence  }
0xb9: {  	s30 =	sld [smem:$0x0];
	_ =	sdelay $0x2  }
0xba: {  	s31 =	sshll.u32 s1, $0xD;
	s1 =	sshrl.u32 s1, $0x2  }
0xbb: {  	s3 =	sand.u32 $0x4000, s31;
	s1 =	sadd.s32 s1, s30  }
0xbc: {  	s0 =	sor.u32 s3, s0;
	s1 =	sshll.u32 s1, $0x11  }
0xbd: {  	s0 =	sor.u32 s1, s0  }
0xbe: {  	s0 =	sadd.s32 $0x8F2B, s0  }
0xbf: {  	[sflag:s0] =	ssyncadd.remote.s32 $0x1  }
0xc0: {  	_ =	sfence.sel $0xFFFF  }
0xc1: {  	[dreg:$0x0] =	wrdreg $0xFFFFFFFF;
	(pc) =	sbr.abs _section_cstart, $3  }
0xc2: {  	[dreg:$0x1] =	wrdreg $0xFFFFFFFF  }
0xc3: {  	_ =	task.clear_ibuf [dreg:s8], $0x2FFFF;
	_ =	strace $0x9FFFFFFF  }
0xc4: {  	(tm) =	ssettm $0x7FFFFFFF  }
0xc5: {  	_ =	shalt  }
tec
execute0_lowered:
.L_overlay_start_1:
0x0: {  	(tag) =	ssettag $0x1  }
0x1: {  	s1 =	rddreg [dreg:$0x0];
	s2 =	srdreg.scid  }
0x2: {  	s0 =	stileid.u32;
	s4 =	rddreg [dreg:$0x1]  }
0x3: {  	s6 =	rddreg [dreg:$0x2];
	s3 =	simm.s32 $0x0;
	s11 =	simm.s32 $0xED00  }
0x4: {  	s12 =	simm.s32 $0x2;
	s5 =	sand.u32 $0x1, s2;
	s31 =	sshll.u32 s0, $0x1  }
0x5: {  	s13 =	simm.s32 $0x1;
	s14 =	simm.s32 $0x4F00;
	s7 =	sor.u32 s5, s31  }
0x6: {  	s15 =	simm.s32 $0x0;
	s5 =	ssub.s32 $0x2, s5;
	s8 =	smul.u32 $0x4E2, s7  }
0x7: {  	[smem:$0x7FF] =	sst s3;
	s7 =	smul.u32 $0x9E0, s7;
	s9 =	sshrl.u32 s5, $0x1  }
0x8: {  	s2 =	rddreg [dreg:$0x3];
	_ =	strace $0x8000004D;
	s9 =	ssub.s32 s5, s9  }
0x9: {  	s10 =	sadd.s32 s8, s4;
	s7 =	sadd.s32 s7, s4;
	s6 =	sadd.s32 s6, s8  }
0xa: {  	s8 =	smax.u32 s9, $0x1;
	s9 =	simm.s32 $0x9E00;
	s4 =	sadd.s32 $0x2400, s10  }
0xb: {  	v0 =	vimm.f32 $0.0e+00;
	s5 =	sadd.s32 $0xC200, s10;
	s7 =	sadd.s32 $0x16000, s7;
	s10 =	simm.s32 $0xC580  }
.LBB2_1:
0xc: {  	[tilespmem:s9], [sflag:$0x1] =	stream.linear.gather [hbm4b:s4+s3], $0x2710, $0x38;
	[tilespmem:$0x11480] =	vst v63  }
0xd: {  	_ = 	snop  }
0xe: {  	[tilespmem:s10], [sflag:$0x1] =	stream.linear.gather [hbm4b:s5+s3], $0x2710, $0x38;
	[tilespmem:$0x11480] =	vst v63  }
0xf: {  	_ = 	snop  }
0x10: {  	[tilespmem:s11], [sflag:$0x1] =	stream.linear.gather [hbm4b:s6+s3], $0x2710, $0x38;
	[tilespmem:$0x11480] =	vst v63  }
0x11: {  	_ = 	snop  }
0x12: {  	[tilespmem:s3], [sflag:$0x2] =	stream.linear.gather [hbm4b:s1+s3], $0x4F00, $0x38;
	[tilespmem:$0x11480] =	vst v63  }
0x13: {  	_ =	swait.ge [sflag:s12], $0x4F00  }
0x14: {  	[sflag:s12] =	ssyncset.done $0x0  }
0x15: {  	s16 =	simm.s32 $0x4F80;
	[sflag:s12] =	ssyncadd.s32 $0xFFFFB100  }
0x16: {  	[tilespmem:s16+$0xFFFFFF80] =	vst v0  }
0x17: {  	[tilespmem:s16+$0x70] =	vst v0  }
0x18: {  	[tilespmem:s16+$0xFFFFFFF0] =	vst v0  }
0x19: {  	[tilespmem:s16+$0x60] =	vst v0  }
0x1a: {  	[tilespmem:s16+$0xFFFFFFE0] =	vst v0  }
0x1b: {  	[tilespmem:s16+$0x50] =	vst v0  }
0x1c: {  	[tilespmem:s16+$0xFFFFFFD0] =	vst v0  }
0x1d: {  	[tilespmem:s16+$0x40] =	vst v0  }
0x1e: {  	[tilespmem:s16+$0xFFFFFFC0] =	vst v0  }
0x1f: {  	[tilespmem:s16+$0x30] =	vst v0  }
0x20: {  	[tilespmem:s16+$0xFFFFFFB0] =	vst v0  }
0x21: {  	[tilespmem:s16+$0x20] =	vst v0  }
0x22: {  	[tilespmem:s16+$0xFFFFFFA0] =	vst v0  }
0x23: {  	[tilespmem:s16+$0x10] =	vst v0  }
0x24: {  	s17 =	simm.s32 $0x0;
	[tilespmem:s16+$0xFFFFFF90] =	vst v0  }
.LBB2_2:
0x25: {  	s17 =	sadd.s32 $0x8, s17;
	[tilespmem:s16+$0x0] =	vst v0;
	s16 =	sadd.s32 $0x100, s16  }
0x26: {  	[tilespmem:s16+$0xFFFFFF80] =	vst v0;
	p0 =	slt.u32 s17, $0x268  }
0x27: {  	[tilespmem:s16+$0x70] =	vst v0  }
0x28: {  	[tilespmem:s16+$0xFFFFFFF0] =	vst v0  }
0x29: {  	[tilespmem:s16+$0x60] =	vst v0  }
0x2a: {  	[tilespmem:s16+$0xFFFFFFE0] =	vst v0  }
0x2b: {  	[tilespmem:s16+$0x50] =	vst v0  }
0x2c: {  	[tilespmem:s16+$0xFFFFFFD0] =	vst v0  }
0x2d: {  	[tilespmem:s16+$0x40] =	vst v0  }
0x2e: {  	[tilespmem:s16+$0xFFFFFFC0] =	vst v0  }
0x2f: {  	[tilespmem:s16+$0x30] =	vst v0  }
.Ltmp0:
0x30: {  	[tilespmem:s16+$0xFFFFFFB0] =	vst v0;
	(pc) =	sbr.rel @p0 .LBB2_2-.Ltmp0, $4  }
0x31: {  	[tilespmem:s16+$0x20] =	vst v0  }
0x32: {  	[tilespmem:s16+$0xFFFFFFA0] =	vst v0  }
0x33: {  	[tilespmem:s16+$0x10] =	vst v0  }
0x34: {  	[tilespmem:s16+$0xFFFFFF90] =	vst v0  }
0x35: {  	[tilespmem:s16+$0x0] =	vst v0  }
0x36: {  	[tilespmem:$0x9D00] =	vst v0  }
0x37: {  	[tilespmem:$0x9D80] =	vst v0  }
0x38: {  	_ =	swait.ge [sflag:s13], $0x2710  }
0x39: {  	[sflag:s13] =	ssyncset.done $0x0  }
0x3a: {  	[sflag:s13] =	ssyncadd.s32 $0xFFFFD8F0  }
0x3b: {  	_ =	swait.ge [sflag:s13], $0x2710  }
0x3c: {  	[sflag:s13] =	ssyncset.done $0x0  }
0x3d: {  	[sflag:s13] =	ssyncadd.s32 $0xFFFFD8F0  }
0x3e: {  	_ =	swait.ge [sflag:s13], $0x2710  }
0x3f: {  	[sflag:s13] =	ssyncset.done $0x0  }
0x40: {  	s17 =	simm.s32 $0x9E40;
	[sflag:s13] =	ssyncadd.s32 $0xFFFFD8F0  }
0x41: {  	v1 =	vld [tilespmem:s17+$0x30]  }
0x42: {  	v2 =	vld [tilespmem:s17+$0xFFFFFFD0]  }
0x43: {  	v3 =	vld [tilespmem:s17+$0xFFFFFFE0]  }
0x44: {  	v4 =	vld [tilespmem:s17+$0xFFFFFFF0]  }
0x45: {  	v5 =	vld [tilespmem:s17+$0x0]  }
0x46: {  	v6 =	vld [tilespmem:s17+$0x10]  }
0x47: {  	v8 =	vld [tilespmem:s17+$0x20]  }
0x48: {  	s16 =	simm.s32 $0xC5C0;
	v9 =	vld [tilespmem:s17+$0xFFFFFFC0]  }
0x49: {  	v36 =	vld [tilespmem:s16+$0x30]  }
0x4a: {  	v10 =	vld [tilespmem:s16+$0xFFFFFFC0]  }
0x4b: {  	v11 =	vld [tilespmem:s16+$0xFFFFFFD0]  }
0x4c: {  	v13 =	vld [tilespmem:s16+$0xFFFFFFE0]  }
0x4d: {  	v19 =	vld [tilespmem:s16+$0xFFFFFFF0]  }
0x4e: {  	v21 =	vld [tilespmem:s16+$0x0]  }
0x4f: {  	v38 =	vld [tilespmem:s16+$0x10];
	v7 =	vshll.u32 v1, $0x1  }
0x50: {  	s17 =	simm.s32 $0xED40;
	v39 =	vld [tilespmem:s16+$0x20];
	v1 =	vand.u32 $0x7F, v1;
	v12 =	vshll.u32 v2, $0x1;
	v14 =	vshll.u32 v3, $0x1  }
0x51: {  	v16 =	vld [tilespmem:s17+$0x30];
	v2 =	vand.u32 $0x7F, v2;
	v17 =	vshll.u32 v36, $0x1;
	v18 =	vshll.u32 v4, $0x1  }
0x52: {  	v40 =	vld [tilespmem:s17+$0xFFFFFFC0];
	v3 =	vand.u32 $0x7F, v3;
	v20 =	vshll.u32 v9, $0x1;
	v7 =	vand.u32 $0xFFFFFF00, v7  }
0x53: {  	v41 =	vld [tilespmem:s17+$0xFFFFFFD0];
	v9 =	vand.u32 $0x7F, v9;
	v22 =	vshll.u32 v5, $0x1;
	v1 =	vor.u32 v1, v7  }
0x54: {  	v50 =	vld [tilespmem:s17+$0xFFFFFFE0];
	v4 =	vand.u32 $0x7F, v4;
	v23 =	vshll.u32 v6, $0x1;
	v37 =	vand.u32 $0xFFFFFF00, v20  }
0x55: {  	v52 =	vld [tilespmem:s17+$0xFFFFFFF0];
	v5 =	vand.u32 $0x7F, v5;
	v12 =	vand.u32 $0xFFFFFF00, v12;
	v9 =	vor.u32 v9, v37  }
0x56: {  	v53 =	vld [tilespmem:s17+$0x0];
	v6 =	vand.u32 $0x7F, v6;
	v14 =	vand.u32 $0xFFFFFF00, v14;
	v2 =	vor.u32 v2, v12  }
0x57: {  	v54 =	vld [tilespmem:s17+$0x10];
	v46 =	vshll.u32 v10, $0x1;
	v18 =	vand.u32 $0xFFFFFF00, v18;
	v3 =	vor.u32 v3, v14  }
0x58: {  	v26 =	vshll.u32 v13, $0x1;
	v22 =	vand.u32 $0xFFFFFF00, v22;
	v4 =	vor.u32 v4, v18;
	v15 =	vld.idx.msk [tilespmem:v1+s3+$0x0], $0xffff  }
0x59: {  	v55 =	vld [tilespmem:s17+$0x20];
	v17 =	vand.u32 $0xFFFFFF00, v17;
	v7 =	vand.u32 $0x7F, v36;
	v5 =	vor.u32 v5, v22  }
0x5a: {  	v28 =	vshll.u32 v19, $0x1;
	v48 =	vshll.u32 v21, $0x1;
	v7 =	vor.u32 v7, v17;
	v43 =	vld.idx.msk [tilespmem:v9+s3+$0x0], $0xffff  }
0x5b: {  	v10 =	vand.u32 $0x7F, v10;
	v23 =	vand.u32 $0xFFFFFF00, v23;
	v1 =	vor.u32 $0x80, v1;
	v44 =	vld.idx.msk [tilespmem:v2+s3+$0x0], $0xffff  }
0x5c: {  	v13 =	vand.u32 $0x7F, v13;
	v6 =	vor.u32 v6, v23;
	v23 =	vand.u32 $0xFFFFFF00, v46;
	v45 =	vld.idx.msk [tilespmem:v3+s3+$0x0], $0xffff  }
0x5d: {  	v47 =	vand.u32 $0xFFFFFF00, v26;
	v10 =	vor.u32 v10, v23;
	v24 =	vld.idx.msk [tilespmem:v4+s3+$0x0], $0xffff;
	v15 =	vmul.f32 v15, v16  }
0x5e: {  	v19 =	vand.u32 $0x7F, v19;
	v28 =	vand.u32 $0xFFFFFF00, v28;
	v13 =	vor.u32 v13, v47;
	v27 =	vld.idx.msk [tilespmem:v5+s3+$0x0], $0xffff  }
0x5f: {  	v21 =	vand.u32 $0x7F, v21;
	v26 =	vand.u32 $0xFFFFFF00, v48;
	v19 =	vor.u32 v19, v28;
	[tilespmem:v7+s14+$0x0] =	vst.idx.add.f32.msk $0xffff, v15  }
0x60: {  	v21 =	vor.u32 v21, v26;
	v18 =	vmul.f32 v43, v40;
	v1 =	vld.idx.msk [tilespmem:v1+s3+$0x0], $0xffff  }
0x61: {  	v42 =	vshll.u32 v8, $0x1;
	v29 =	vld.idx.msk [tilespmem:v6+s3+$0x0], $0xffff;
	v9 =	vor.u32 $0x80, v9;
	v56 =	vmul.f32 v45, v50  }
0x62: {  	v8 =	vand.u32 $0x7F, v8;
	v57 =	vmul.f32 v24, v52;
	v7 =	vor.u32 $0x80, v7;
	[tilespmem:v10+s14+$0x0] =	vst.idx.add.f32.msk $0xffff, v18  }
0x63: {  	v3 =	vor.u32 $0x80, v3;
	v58 =	vmul.f32 v27, v53;
	v15 =	vand.u32 $0xFFFFFF00, v42;
	[tilespmem:v13+s14+$0x0] =	vst.idx.add.f32.msk $0xffff, v56  }
0x64: {  	v25 =	vshll.u32 v11, $0x1;
	[tilespmem:v19+s14+$0x0] =	vst.idx.add.f32.msk $0xffff, v57;
	v8 =	vor.u32 v8, v15  }
0x65: {  	v31 =	vshll.u32 v38, $0x1;
	v4 =	vor.u32 $0x80, v4;
	[tilespmem:v21+s14+$0x0] =	vst.idx.add.f32.msk $0xffff, v58;
	v1 =	vmul.f32 v1, v16  }
0x66: {  	v49 =	vand.u32 $0x7F, v11;
	v25 =	vand.u32 $0xFFFFFF00, v25;
	v5 =	vor.u32 $0x80, v5;
	v9 =	vld.idx.msk [tilespmem:v9+s3+$0x0], $0xffff  }
0x67: {  	v20 =	vand.u32 $0x7F, v38;
	[tilespmem:v7+s14+$0x0] =	vst.idx.add.f32.msk $0xffff, v1;
	v1 =	vand.u32 $0xFFFFFF00, v31;
	v7 =	vor.u32 v49, v25  }
0x68: {  	v51 =	vshll.u32 v39, $0x1;
	v3 =	vld.idx.msk [tilespmem:v3+s3+$0x0], $0xffff;
	v1 =	vor.u32 v20, v1  }
0x69: {  	v23 =	vand.u32 $0xFFFFFF00, v51;
	v2 =	vor.u32 $0x80, v2;
	v30 =	vld.idx.msk [tilespmem:v8+s3+$0x0], $0xffff  }
0x6a: {  	v17 =	vand.u32 $0x7F, v39;
	v6 =	vor.u32 $0x80, v6;
	v15 =	vmul.f32 v44, v41;
	v4 =	vld.idx.msk [tilespmem:v4+s3+$0x0], $0xffff  }
0x6b: {  	v17 =	vor.u32 v17, v23;
	v59 =	vmul.f32 v29, v54;
	v5 =	vld.idx.msk [tilespmem:v5+s3+$0x0], $0xffff  }
0x6c: {  	v8 =	vor.u32 $0x80, v8;
	[tilespmem:v7+s14+$0x0] =	vst.idx.add.f32.msk $0xffff, v15  }
0x6d: {  	v13 =	vor.u32 $0x80, v13;
	[tilespmem:v1+s14+$0x0] =	vst.idx.add.f32.msk $0xffff, v59  }
0x6e: {  	v10 =	vor.u32 $0x80, v10;
	v60 =	vmul.f32 v30, v55;
	v2 =	vld.idx.msk [tilespmem:v2+s3+$0x0], $0xffff  }
0x6f: {  	v62 =	vor.u32 $0x80, v21;
	v6 =	vld.idx.msk [tilespmem:v6+s3+$0x0], $0xffff  }
0x70: {  	v63 =	vor.u32 $0x80, v1;
	[tilespmem:v17+s14+$0x0] =	vst.idx.add.f32.msk $0xffff, v60;
	v7 =	vor.u32 $0x80, v7;
	v1 =	vmul.f32 v3, v50  }
0x71: {  	v9 =	vmul.f32 v9, v40;
	v8 =	vld.idx.msk [tilespmem:v8+s3+$0x0], $0xffff  }
0x72: {  	v61 =	vor.u32 $0x80, v19;
	[tilespmem:v13+s14+$0x0] =	vst.idx.add.f32.msk $0xffff, v1;
	v1 =	vmul.f32 v5, v53  }
0x73: {  	[tilespmem:v10+s14+$0x0] =	vst.idx.add.f32.msk $0xffff, v9;
	v2 =	vmul.f32 v2, v41  }
0x74: {  	[tilespmem:v62+s14+$0x0] =	vst.idx.add.f32.msk $0xffff, v1;
	v3 =	vmul.f32 v6, v54  }
0x75: {  	[tilespmem:v7+s14+$0x0] =	vst.idx.add.f32.msk $0xffff, v2;
	v2 =	vmul.f32 v4, v52  }
0x76: {  	[tilespmem:v63+s14+$0x0] =	vst.idx.add.f32.msk $0xffff, v3  }
0x77: {  	s18 =	simm.s32 $0x0;
	s19 =	simm.s32 $0x9EC0;
	v1 =	vor.u32 $0x80, v17;
	[tilespmem:v61+s14+$0x0] =	vst.idx.add.f32.msk $0xffff, v2;
	v2 =	vmul.f32 v8, v55  }
.LBB2_4:
0x78: {  	v3 =	vld [tilespmem:s19+$0x30];
	s18 =	sadd.s32 $0x8, s18  }
0x79: {  	v4 =	vld [tilespmem:s19+$0xFFFFFFD0];
	p0 =	slt.u32 s18, $0x268  }
0x7a: {  	v5 =	vld [tilespmem:s19+$0xFFFFFFE0]  }
0x7b: {  	v6 =	vld [tilespmem:s19+$0xFFFFFFF0]  }
0x7c: {  	v7 =	vld [tilespmem:s19+$0x0]  }
0x7d: {  	v8 =	vld [tilespmem:s19+$0x10];
	v9 =	vshll.u32 v3, $0x1  }
0x7e: {  	v3 =	vand.u32 $0x7F, v3;
	v10 =	vshll.u32 v4, $0x1;
	v11 =	vld [tilespmem:s19+$0x20];
	v9 =	vand.u32 $0xFFFFFF00, v9  }
0x7f: {  	s16 =	sadd.s32 $0x80, s16;
	v12 =	vld [tilespmem:s19+$0xFFFFFFC0];
	v10 =	vand.u32 $0xFFFFFF00, v10;
	v13 =	vshll.u32 v5, $0x1;
	v3 =	vor.u32 v3, v9  }
0x80: {  	v4 =	vand.u32 $0x7F, v4;
	v9 =	vand.u32 $0xFFFFFF00, v13;
	v13 =	vshll.u32 v6, $0x1;
	v14 =	vld [tilespmem:s16+$0x30]  }
0x81: {  	v5 =	vand.u32 $0x7F, v5;
	v15 =	vld [tilespmem:s16+$0xFFFFFFC0];
	v13 =	vand.u32 $0xFFFFFF00, v13;
	v16 =	vshll.u32 v7, $0x1  }
0x82: {  	v6 =	vand.u32 $0x7F, v6;
	v17 =	vld [tilespmem:s16+$0xFFFFFFD0];
	v16 =	vand.u32 $0xFFFFFF00, v16;
	v18 =	vshll.u32 v8, $0x1  }
0x83: {  	v7 =	vand.u32 $0x7F, v7;
	v19 =	vld [tilespmem:s16+$0xFFFFFFE0];
	v18 =	vand.u32 $0xFFFFFF00, v18;
	v20 =	vshll.u32 v11, $0x1  }
0x84: {  	s17 =	sadd.s32 $0x80, s17;
	v21 =	vand.u32 $0x7F, v12;
	v12 =	vshll.u32 v12, $0x1;
	v20 =	vand.u32 $0xFFFFFF00, v20;
	v22 =	vld.idx.msk [tilespmem:v3+s3+$0x0], $0xffff  }
0x85: {  	v8 =	vand.u32 $0x7F, v8;
	v12 =	vand.u32 $0xFFFFFF00, v12;
	v23 =	vld [tilespmem:s17+$0x30];
	v24 =	vshll.u32 v14, $0x1  }
0x86: {  	v11 =	vand.u32 $0x7F, v11;
	v14 =	vand.u32 $0x7F, v14;
	v25 =	vld [tilespmem:s16+$0xFFFFFFF0];
	v24 =	vand.u32 $0xFFFFFF00, v24  }
0x87: {  	v4 =	vor.u32 v4, v10;
	v12 =	vor.u32 v21, v12;
	v10 =	vld [tilespmem:s16+$0x0];
	v14 =	vor.u32 v14, v24  }
0x88: {  	v5 =	vor.u32 v5, v9;
	v6 =	vor.u32 v6, v13;
	v3 =	vor.u32 $0x80, v3;
	v9 =	vld [tilespmem:s16+$0x10]  }
0x89: {  	v7 =	vor.u32 v7, v16;
	v8 =	vor.u32 v8, v18;
	v11 =	vor.u32 v11, v20;
	v13 =	vld [tilespmem:s16+$0x20]  }
0x8a: {  	v18 =	vshll.u32 v15, $0x1;
	v20 =	vshll.u32 v17, $0x1;
	v16 =	vld [tilespmem:s17+$0xFFFFFFC0];
	v21 =	vmul.f32 v22, v23  }
0x8b: {  	v18 =	vand.u32 $0xFFFFFF00, v18;
	v24 =	vshll.u32 v19, $0x1;
	v22 =	vld [tilespmem:s17+$0xFFFFFFD0];
	v26 =	vshll.u32 v25, $0x1  }
0x8c: {  	v20 =	vand.u32 $0xFFFFFF00, v20;
	v24 =	vand.u32 $0xFFFFFF00, v24;
	v27 =	vshll.u32 v10, $0x1;
	[tilespmem:v14+s14+$0x0] =	vst.idx.add.f32.msk $0xffff, v21  }
0x8d: {  	v21 =	vand.u32 $0xFFFFFF00, v26;
	v26 =	vand.u32 $0xFFFFFF00, v27;
	v27 =	vshll.u32 v9, $0x1;
	v3 =	vld.idx.msk [tilespmem:v3+s3+$0x0], $0xffff  }
0x8e: {  	v15 =	vand.u32 $0x7F, v15;
	v28 =	vld.idx.msk [tilespmem:v12+s3+$0x0], $0xffff;
	v27 =	vand.u32 $0xFFFFFF00, v27;
	v29 =	vshll.u32 v13, $0x1  }
0x8f: {  	v17 =	vand.u32 $0x7F, v17;
	v19 =	vand.u32 $0x7F, v19;
	v30 =	vld.idx.msk [tilespmem:v4+s3+$0x0], $0xffff;
	v29 =	vand.u32 $0xFFFFFF00, v29  }
0x90: {  	v25 =	vand.u32 $0x7F, v25;
	v10 =	vand.u32 $0x7F, v10;
	v14 =	vor.u32 $0x80, v14;
	v31 =	vld.idx.msk [tilespmem:v5+s3+$0x0], $0xffff  }
0x91: {  	v15 =	vor.u32 v15, v18;
	v9 =	vand.u32 $0x7F, v9;
	v13 =	vand.u32 $0x7F, v13;
	v18 =	vld.idx.msk [tilespmem:v6+s3+$0x0], $0xffff  }
0x92: {  	v17 =	vor.u32 v17, v20;
	v19 =	vor.u32 v19, v24;
	v20 =	vor.u32 v25, v21;
	v21 =	vld.idx.msk [tilespmem:v7+s3+$0x0], $0xffff  }
0x93: {  	v10 =	vor.u32 v10, v26;
	v9 =	vor.u32 v9, v27;
	v3 =	vmul.f32 v3, v23;
	v24 =	vld.idx.msk [tilespmem:v8+s3+$0x0], $0xffff  }
0x94: {  	v12 =	vor.u32 $0x80, v12;
	v13 =	vor.u32 v13, v29;
	v23 =	vmul.f32 v28, v16;
	v25 =	vld.idx.msk [tilespmem:v11+s3+$0x0], $0xffff  }
0x95: {  	v4 =	vor.u32 $0x80, v4;
	v5 =	vor.u32 $0x80, v5;
	v26 =	vmul.f32 v30, v22;
	[tilespmem:v14+s14+$0x0] =	vst.idx.add.f32.msk $0xffff, v3  }
0x96: {  	v6 =	vor.u32 $0x80, v6;
	v7 =	vor.u32 $0x80, v7;
	v8 =	vor.u32 $0x80, v8;
	v3 =	vld [tilespmem:s17+$0xFFFFFFE0]  }
0x97: {  	v27 =	vor.u32 $0x80, v17;
	v11 =	vor.u32 $0x80, v11;
	v14 =	vor.u32 $0x80, v15;
	v28 =	vld [tilespmem:s17+$0xFFFFFFF0]  }
0x98: {  	v33 =	vor.u32 $0x80, v10;
	v29 =	vor.u32 $0x80, v19;
	v30 =	vor.u32 $0x80, v20;
	v32 =	vld [tilespmem:s17+$0x0]  }
0x99: {  	v35 =	vor.u32 $0x80, v9;
	v36 =	vor.u32 $0x80, v13;
	v34 =	vld [tilespmem:s17+$0x10]  }
0x9a: {  	v37 =	vld [tilespmem:s17+$0x20]  }
0x9b: {  	[tilespmem:v15+s14+$0x0] =	vst.idx.add.f32.msk $0xffff, v23;
	v15 =	vmul.f32 v31, v3  }
0x9c: {  	[tilespmem:v17+s14+$0x0] =	vst.idx.add.f32.msk $0xffff, v26;
	v17 =	vmul.f32 v18, v28  }
0x9d: {  	[tilespmem:v19+s14+$0x0] =	vst.idx.add.f32.msk $0xffff, v15;
	v15 =	vmul.f32 v21, v32  }
0x9e: {  	[tilespmem:v20+s14+$0x0] =	vst.idx.add.f32.msk $0xffff, v17;
	v17 =	vmul.f32 v24, v34  }
0x9f: {  	[tilespmem:v10+s14+$0x0] =	vst.idx.add.f32.msk $0xffff, v15;
	v10 =	vmul.f32 v25, v37  }
0xa0: {  	[tilespmem:v9+s14+$0x0] =	vst.idx.add.f32.msk $0xffff, v17  }
0xa1: {  	[tilespmem:v13+s14+$0x0] =	vst.idx.add.f32.msk $0xffff, v10  }
0xa2: {  	v9 =	vld.idx.msk [tilespmem:v12+s3+$0x0], $0xffff  }
0xa3: {  	v4 =	vld.idx.msk [tilespmem:v4+s3+$0x0], $0xffff  }
0xa4: {  	v5 =	vld.idx.msk [tilespmem:v5+s3+$0x0], $0xffff  }
0xa5: {  	v6 =	vld.idx.msk [tilespmem:v6+s3+$0x0], $0xffff  }
0xa6: {  	v7 =	vld.idx.msk [tilespmem:v7+s3+$0x0], $0xffff  }
0xa7: {  	v8 =	vld.idx.msk [tilespmem:v8+s3+$0x0], $0xffff  }
0xa8: {  	v9 =	vmul.f32 v9, v16;
	v10 =	vld.idx.msk [tilespmem:v11+s3+$0x0], $0xffff  }
0xa9: {  	v4 =	vmul.f32 v4, v22;
	[tilespmem:v1+s14+$0x0] =	vst.idx.add.f32.msk $0xffff, v2;
	v1 =	vmov v36  }
0xaa: {  	v2 =	vmul.f32 v5, v3;
	[tilespmem:v14+s14+$0x0] =	vst.idx.add.f32.msk $0xffff, v9  }
.Ltmp1:
0xab: {  	v3 =	vmul.f32 v6, v28;
	[tilespmem:v27+s14+$0x0] =	vst.idx.add.f32.msk $0xffff, v4;
	(pc) =	sbr.rel @p0 .LBB2_4-.Ltmp1, $4  }
0xac: {  	[tilespmem:v29+s14+$0x0] =	vst.idx.add.f32.msk $0xffff, v2;
	v2 =	vmul.f32 v7, v32  }
0xad: {  	[tilespmem:v30+s14+$0x0] =	vst.idx.add.f32.msk $0xffff, v3;
	v3 =	vmul.f32 v8, v34  }
0xae: {  	[tilespmem:v33+s14+$0x0] =	vst.idx.add.f32.msk $0xffff, v2;
	v2 =	vmul.f32 v10, v37  }
0xaf: {  	s19 =	sadd.s32 $0x80, s19;
	[tilespmem:v35+s14+$0x0] =	vst.idx.add.f32.msk $0xffff, v3  }
0xb0: {  	_ =	sdelay $0x3  }
0xb1: {  	[tilespmem:v1+s14+$0x0] =	vst.idx.add.f32.msk $0xffff, v2  }
0xb2: {  	v1 =	vld [tilespmem:$0xC500];
	_ =	sdelay $0x4  }
0xb3: {  	v2 =	vshll.u32 v1, $0x1  }
0xb4: {  	v1 =	vand.u32 $0x7F, v1;
	v2 =	vand.u32 $0xFFFFFF00, v2  }
0xb5: {  	v3 =	vld [tilespmem:$0xEC80];
	v1 =	vor.u32 v1, v2;
	_ =	sdelay $0x3  }
0xb6: {  	v2 =	vld [tilespmem:$0x11400]  }
0xb7: {  	v5 =	vshll.u32 v3, $0x1;
	v4 =	vld.idx.msk [tilespmem:v1+s3+$0x0], $0xffff  }
0xb8: {  	v3 =	vand.u32 $0x7F, v3;
	v5 =	vand.u32 $0xFFFFFF00, v5  }
0xb9: {  	v3 =	vor.u32 v3, v5  }
0xba: {  	v1 =	vor.u32 $0x80, v1;
	_ =	sdelay $0x1  }
0xbb: {  	v4 =	vmul.f32 v4, v2;
	_ =	sdelay $0x1  }
0xbc: {  	[tilespmem:v3+s14+$0x0] =	vst.idx.add.f32.msk $0xffff, v4  }
0xbd: {  	v1 =	vld.idx.msk [tilespmem:v1+s3+$0x0], $0xffff;
	_ =	sdelay $0x1  }
0xbe: {  	v3 =	vor.u32 $0x80, v3;
	_ =	sdelay $0x2  }
0xbf: {  	s15 =	sadd.s32 $0x1, s15;
	v1 =	vmul.f32 v1, v2  }
0xc0: {  	p0 =	sne.s32 s15, s8  }
.Ltmp2:
0xc1: {  	[tilespmem:v3+s14+$0x0] =	vst.idx.add.f32.msk $0xffff, v1;
	(pc) =	sbr.rel @p0 .LBB2_1-.Ltmp2, $4  }
0xc2: {  	[hbm4b:s7+s3] =	stream.linear.scatter [tilespmem:s14], [sflag:$0x2], $0x4F00, $0x38;
	[tilespmem:$0x11480] =	vst v63  }
0xc3: {  	_ =	swait.ge [sflag:s12], $0x4F00  }
0xc4: {  	[sflag:s12] =	ssyncset.done $0x0  }
0xc5: {  	[sflag:s12] =	ssyncadd.s32 $0xFFFFB100  }
0xc6: {  	_ =	sfence.sel $0x180000  }
0xc7: {  	[bflag:$0x0] =	sbarrier.arrive $0xFFFF  }
0xc8: {  	p0 =	sne.s32 s0, $0x0;
	_ =	strace $0x9000004D  }
0xc9: {  	s0 =	sadd.s32 @!p0 $0x100000, s2;
	[bflag:$0x2] =	sbarrier.arrive $0xFFFF  }
0xca: {  	[sflag:s0] =	ssyncadd.tile.s32 @!p0 $0x1;
	_ =	shalt  }
.Lfunc_end2:
_tile_overlayer_lowered:
.L_overlay_start_2:
0xcb: {  	(tag) =	ssettag $0x2  }
0xcc: {  	s0 =	rddreg [dreg:$0x0];
	s2 =	stileid.u32  }
0xcd: {  	s1 =	rddreg [dreg:$0x1];
	p0 =	sne.s32 s2, $0x0  }
0xce: {  	s3 =	rddreg [dreg:$0x2];
	[bflag:$0x3] =	sbarrier.arrive $0xFFFF;
	s2 =	simm.s32 @!p0 $0x1C02  }
0xcf: {  	[timem:s3], [sflag:s2] =	dma.local @!p0 [hbm:s0], s1  }
0xd0: {  	s0 =	simm.s32 @!p0 $0x2  }
0xd1: {  	_ =	swait.ge @!p0 [sflag:s0], s1  }
0xd2: {  	s1 =	ssub.s32 @!p0 $0x0, s1;
	[sflag:s0] =	ssyncset.done @!p0 $0x0  }
0xd3: {  	[sflag:s0] =	ssyncadd.s32 @!p0 s1  }
0xd4: {  	[bflag:$0x3] =	sbarrier.arrive $0xFFFF  }
0xd5: {  	_ =	shalt  }

// kernel: kernel.9.cloned.1.call-start
scs
__scs_entry_jumppad:
0x0: {  	(pc) =	sbr.rel $0x88, $3  }
0x1: {  	(tag) =	ssettag $0x0;
	lr =	simm.s32 $0x1  }
0x2: {  	[smem:$0x3F9A] =	sst lr;
	_ =	strace $0xD0000000  }
0x3: {  	_ = 	snop  }
0x4: {  	_ = 	snop  }
0x5: {  	_ = 	snop  }
0x6: {  	_ = 	snop  }
0x7: {  	_ = 	snop  }
__scs_overlays_trampoline_lowered:
0x8: {  	[smem:$0x3FA9] =	sst s0  }
0x9: {  	[smem:$0x3FAA] =	sst s1  }
0xa: {  	[smem:$0x3FAB] =	sst s2  }
0xb: {  	[smem:$0x3FAC] =	sst s3  }
0xc: {  	[smem:$0x3FAD] =	sst s4  }
0xd: {  	[smem:$0x3FAE] =	sst s5  }
0xe: {  	[smem:$0x3FAF] =	sst s6  }
0xf: {  	[smem:$0x3FB0] =	sst s7  }
0x10: {  	[smem:$0x3FB1] =	sst s8  }
0x11: {  	[smem:$0x3FB2] =	sst s9;
	s0 =	simm.s32 @!p0 $0x0  }
0x12: {  	s1 =	sld [smem:$0x3F98];
	s0 =	simm.s32 @p0 $0x1  }
0x13: {  	[smem:$0x3FB3] =	sst s0;
	s0 =	simm.s32 @!p1 $0x0  }
0x14: {  	s2 =	sld [smem:$0x3F97];
	s0 =	simm.s32 @p1 $0x1  }
0x15: {  	[smem:$0x3FB4] =	sst s0;
	s0 =	simm.s32 @!p2 $0x0  }
0x16: {  	s3 =	sld [smem:$0x3FDB];
	s0 =	simm.s32 @p2 $0x1  }
0x17: {  	s4 =	simm.s32 $0x1BF5;
	[smem:$0x3FB6] =	sst s0  }
0x18: {  	s0 =	sld [smem:$0x3F99];
	_ =	swait.ge [sflag:s4], $0x0  }
0x19: {  	s7 =	sld [smem:$0x3F9A]  }
0x1a: {  	s8 =	sadd.s32 $0xFFFFE003, lr  }
0x1b: {  	s9 =	sadd.s32 $0xFFFFFEF7, lr;
	s5 =	simm.s32 $0xFFFFFFFF;
	p2 =	slt.u32 s8, $0xFFFFF086  }
0x1c: {  	p1 =	slt.u32 s9, $0xF7A;
	s5 =	simm.s32 @!p2 $0x0  }
0x1d: {  	s5 =	simm.s32 @p1 $0x1;
	p0 =	seq.s32 s7, s2  }
0x1e: {  	s7 =	smul.u32 @!p0 $0xF7A, s2;
	p2 =	seq.s32 @!p0 s5, $0x0  }
0x1f: {  	s9 =	smul.u32 $0xF7A, s1;
	s8 =	simm.s32 @!p0 $0x1BF5;
	p2 =	por !p2, p0  }
0x20: {  	[sflag:s8] =	ssyncset.s32 @!p0 $0xFFFFF086;
	s6 =	sadd.s32 @!p0 s3, s7;
	s7 =	simm.s32 @!p0 $0x108  }
0x21: {  	s3 =	sadd.s32 s3, s9;
	s6 =	sadd.s32 @!p0 $0x88, s6;
	s7 =	simm.s32 @p2 $0x1082  }
0x22: {  	[simem:s7], [sflag:s8] =	dma.local @!p0 [hbm:s6], $0xF7A  }
0x23: {  	s9 =	sor.u32 $0xD0000000, s2;
	s6 =	simm.s32 $0x108;
	_ =	swait.ge @!p0 [sflag:s8], $0x0  }
0x24: {  	s3 =	sadd.s32 $0x88, s3;
	s6 =	simm.s32 @!p1 $0x1082;
	[sflag:s4] =	ssyncset.s32 $0xFFFFF086  }
0x25: {  	[simem:s6], [sflag:s4] =	dma.local [hbm:s3], $0xF7A  }
0x26: {  	[smem:$0x3F9A] =	sst s1;
	(tag) =	ssettag s2;
	_ =	strace s9  }
0x27: {  	s1 =	sld [smem:$0x3FAA]  }
0x28: {  	s2 =	sld [smem:$0x3FAB]  }
0x29: {  	s4 =	sld [smem:$0x3FAD]  }
0x2a: {  	p0 =	seq.s32 s5, $0x0;
	s5 =	sld [smem:$0x3FAE]  }
0x2b: {  	s6 =	sld [smem:$0x3FAF]  }
0x2c: {  	s7 =	sld [smem:$0x3FB0]  }
0x2d: {  	s3 =	simm.s32 $0x108;
	s8 =	sld [smem:$0x3FB1]  }
0x2e: {  	s3 =	simm.s32 @!p0 $0x1082;
	s9 =	sld [smem:$0x3FB2]  }
0x2f: {  	lr =	sadd.s32 s0, s3;
	s0 =	sld [smem:$0x3FA9]  }
0x30: {  	s3 =	sld [smem:$0x3FAC]  }
0x31: {  	[smem:$0x3FB5] =	sst s10  }
0x32: {  	s10 =	sld [smem:$0x3FB3];
	_ =	sdelay $0x3  }
0x33: {  	p0 =	seq.s32 s10, $0x1;
	s10 =	sld [smem:$0x3FB5];
	_ =	sdelay $0x3  }
0x34: {  	[smem:$0x3FB5] =	sst s10  }
0x35: {  	s10 =	sld [smem:$0x3FB4];
	_ =	sdelay $0x3  }
0x36: {  	p1 =	seq.s32 s10, $0x1;
	s10 =	sld [smem:$0x3FB5];
	_ =	sdelay $0x3  }
0x37: {  	[smem:$0x3FB5] =	sst s10  }
0x38: {  	s10 =	sld [smem:$0x3FB6]  }
0x39: {  	_ = 	snop;
	(pc) =	sbr.ind lr, $3  }
0x3a: {  	_ = 	snop  }
0x3b: {  	_ = 	snop  }
0x3c: {  	p2 =	seq.s32 s10, $0x1;
	s10 =	sld [smem:$0x3FB5]  }
0x3d: {  	_ =	shalt  }
0x3e: {  	_ =	shalt  }
0x3f: {  	_ =	shalt  }
0x40: {  	_ =	shalt  }
0x41: {  	_ =	shalt  }
0x42: {  	_ =	shalt  }
0x43: {  	_ =	shalt  }
0x44: {  	_ =	shalt  }
0x45: {  	_ =	shalt  }
0x46: {  	_ =	shalt  }
0x47: {  	_ =	shalt  }
0x48: {  	_ =	shalt  }
0x49: {  	_ =	shalt  }
0x4a: {  	_ =	shalt  }
0x4b: {  	_ =	shalt  }
0x4c: {  	_ =	shalt  }
0x4d: {  	_ =	shalt  }
0x4e: {  	_ =	shalt  }
0x4f: {  	_ =	shalt  }
0x50: {  	_ =	shalt  }
0x51: {  	_ =	shalt  }
0x52: {  	_ =	shalt  }
0x53: {  	_ =	shalt  }
0x54: {  	_ =	shalt  }
0x55: {  	_ =	shalt  }
0x56: {  	_ =	shalt  }
0x57: {  	_ =	shalt  }
0x58: {  	_ =	shalt  }
0x59: {  	_ =	shalt  }
0x5a: {  	_ =	shalt  }
0x5b: {  	_ =	shalt  }
0x5c: {  	_ =	shalt  }
0x5d: {  	_ =	shalt  }
0x5e: {  	_ =	shalt  }
0x5f: {  	_ =	shalt  }
0x60: {  	_ =	shalt  }
0x61: {  	_ =	shalt  }
0x62: {  	_ =	shalt  }
0x63: {  	_ =	shalt  }
0x64: {  	_ =	shalt  }
0x65: {  	_ =	shalt  }
0x66: {  	_ =	shalt  }
0x67: {  	_ =	shalt  }
0x68: {  	_ =	shalt  }
0x69: {  	_ =	shalt  }
0x6a: {  	_ =	shalt  }
0x6b: {  	_ =	shalt  }
0x6c: {  	_ =	shalt  }
0x6d: {  	_ =	shalt  }
0x6e: {  	_ =	shalt  }
0x6f: {  	_ =	shalt  }
0x70: {  	_ =	shalt  }
0x71: {  	_ =	shalt  }
0x72: {  	_ =	shalt  }
0x73: {  	_ =	shalt  }
0x74: {  	_ =	shalt  }
0x75: {  	_ =	shalt  }
0x76: {  	_ =	shalt  }
0x77: {  	_ =	shalt  }
0x78: {  	_ =	shalt  }
0x79: {  	_ =	shalt  }
0x7a: {  	_ =	shalt  }
0x7b: {  	_ =	shalt  }
0x7c: {  	_ =	shalt  }
0x7d: {  	_ =	shalt  }
0x7e: {  	_ =	shalt  }
0x7f: {  	_ =	shalt  }
0x80: {  	_ =	shalt  }
0x81: {  	_ =	shalt  }
0x82: {  	_ =	shalt  }
0x83: {  	_ =	shalt  }
0x84: {  	_ =	shalt  }
0x85: {  	_ =	shalt  }
0x86: {  	_ =	shalt  }
0x87: {  	_ =	shalt  }
.Lfunc_end0:
.L_simem_size_0:
called_computation_lowered:
.L_overlay_start_0:
0x88: {  	s2 =	sld [smem:$0x3FD9]  }
0x89: {  	s3 =	sld [smem:$0x3FFE];
	_ =	sdelay $0x1  }
0x8a: {  	s1 =	srdreg.scid  }
0x8b: {  	s0 =	sand.u32 $0x1, s1  }
0x8c: {  	s17 =	sshll.u32 s0, $0xA;
	s2 =	sadd.s32 s3, s2  }
0x8d: {  	s2 =	sadd.s32 s2, s17  }
0x8e: {  	[smem:$0x3FC1] =	sst s2  }
0x8f: {  	_ = 	snop  }
0x90: {  	s2 =	sld [smem:$0x3FC7];
	(tm) =	ssettm $0x1  }
0x91: {  	s18 =	sld [smem:$0x3FFB];
	_ =	sdelay $0x3  }
0x92: {  	_ =	strace s18  }
0x93: {  	s3 =	sld [smem:$0x3FFC];
	_ =	sdelay $0x3  }
0x94: {  	_ =	strace s3  }
0x95: {  	s3 =	sld [smem:$0x3FFD];
	_ =	sdelay $0x3  }
0x96: {  	_ =	strace s3  }
0x97: {  	_ =	strace $0x8FFFFFFF  }
0x98: {  	s19 =	sld [smem:$0x3FDB];
	_ =	sdelay $0x1  }
0x99: {  	s4 =	simm.s32 $_scs_section_size  }
0x9a: {  	s5 =	simm.s32 $_size__tile_overlayer_lowered;
	s6 =	simm.s32 $_tile_overlayer_lowered  }
0x9b: {  	s22 =	simm.s32 $0x1BFF;
	s21 =	sshll.u32 s6, $0x1;
	s3 =	sadd.s32 s4, s19  }
0x9c: {  	s7 =	simm.s32 $0x0;
	s20 =	sshll.u32 s5, $0x1;
	s5 =	sadd.s32 s21, s3  }
0x9d: {  	[timem:s7], [sflag:s22] =	dma.local [hbm:s5], s20  }
0x9e: {  	_ =	swait.ge [sflag:s22], s20  }
0x9f: {  	s4 =	ssub.s32 $0x0, s20;
	[sflag:s22] =	ssyncset.done $0x0  }
0xa0: {  	[sflag:s22] =	ssyncadd.s32 s4;
	_ =	sdelay $0x1  }
0xa1: {  	s23 =	simm.s32 $0x1B8B  }
0xa2: {  	_ =	swait.ge [sflag:s23], $0x1  }
0xa3: {  	[sflag:s23] =	ssyncset.done $0x0  }
0xa4: {  	s25 =	simm.s32 $0x1B8E;
	s24 =	sld [smem:$0x3FFE];
	[sflag:s23] =	ssyncadd.s32 $0xFFFFFFFF  }
0xa5: {  	s26 =	simm.s32 $execute0_lowered;
	[smem:$0x3FD2] =	sst s25  }
0xa6: {  	s5 =	sshll.u32 s26, $0x1;
	_ =	strace $0x80000046;
	[dreg:$0x1] =	wrdreg $0xFFFFFFFF  }
0xa7: {  	s28 =	simm.s32 $_size_execute0_lowered;
	s3 =	sadd.s32 s3, s5;
	[dreg:$0x0] =	wrdreg $0x0  }
0xa8: {  	s5 =	sshll.u32 s28, $0x1;
	[dreg:$0x2] =	wrdreg s3  }
0xa9: {  	[dreg:$0x3] =	wrdreg s5  }
0xaa: {  	[dreg:$0x4] =	wrdreg $0xC0  }
0xab: {  	_ =	task [dreg:s7], $0x5FFFF  }
0xac: {  	[dreg:$0x1] =	wrdreg $0xFFFFFFFF  }
0xad: {  	[dreg:$0x0] =	wrdreg $0x60  }
0xae: {  	[dreg:$0x2] =	wrdreg s24  }
0xaf: {  	[dreg:$0x3] =	wrdreg s2  }
0xb0: {  	[dreg:$0x4] =	wrdreg $0x9  }
0xb1: {  	_ =	task.clear_ibuf [dreg:s7], $0x5FFFF;
	_ =	strace $0x90000046  }
0xb2: {  	s29 =	simm.s32 $0x9;
	_ =	strace $0x80000048  }
0xb3: {  	_ =	swait.ge [sflag:s29], $0x1  }
0xb4: {  	[sflag:s29] =	ssyncadd.s32 $0xFFFFFFFF  }
0xb5: {  	_ =	strace $0x90000048  }
0xb6: {  	_ =	sfence  }
0xb7: {  	s30 =	sld [smem:$0x0];
	_ =	sdelay $0x2  }
0xb8: {  	s31 =	sshll.u32 s1, $0xD;
	s1 =	sshrl.u32 s1, $0x2  }
0xb9: {  	s3 =	sand.u32 $0x4000, s31;
	s1 =	sadd.s32 s1, s30  }
0xba: {  	s0 =	sor.u32 s3, s0;
	s1 =	sshll.u32 s1, $0x11  }
0xbb: {  	s0 =	sor.u32 s1, s0  }
0xbc: {  	s0 =	sadd.s32 $0x8F2B, s0  }
0xbd: {  	[sflag:s0] =	ssyncadd.remote.s32 $0x1  }
0xbe: {  	_ =	sfence.sel $0xFFFF  }
0xbf: {  	[dreg:$0x0] =	wrdreg $0xFFFFFFFF;
	(pc) =	sbr.abs _section_cstart, $3  }
0xc0: {  	[dreg:$0x1] =	wrdreg $0xFFFFFFFF  }
0xc1: {  	_ =	task.clear_ibuf [dreg:s7], $0x2FFFF;
	_ =	strace $0x9FFFFFFF  }
0xc2: {  	(tm) =	ssettm $0x7FFFFFFF  }
0xc3: {  	_ =	shalt  }
tec
execute0_lowered:
.L_overlay_start_1:
0x0: {  	(tag) =	ssettag $0x1  }
0x1: {  	s3 =	rddreg [dreg:$0x0]  }
0x2: {  	s1 =	srdreg.scid;
	s0 =	stileid.u32  }
0x3: {  	s4 =	rddreg [dreg:$0x1];
	s10 =	simm.s32 $0x80;
	s11 =	simm.s32 $0x400  }
0x4: {  	s12 =	simm.s32 $0x0;
	s5 =	sand.u32 $0x1, s1;
	s2 =	sshll.u32 s0, $0x1  }
0x5: {  	s1 =	rddreg [dreg:$0x2];
	s7 =	sshrl.u32 s0, $0x2;
	s6 =	sor.u32 s5, s2  }
0x6: {  	s2 =	simm.s32 $0x0;
	s7 =	smul.u32 $0x13C00, s7;
	s5 =	ssub.s32 $0x2, s5  }
0x7: {  	s8 =	sshll.u32 s6, $0x7;
	[smem:$0x7FF] =	sst s2;
	s6 =	smul.u32 $0x4E2, s6  }
0x8: {  	s9 =	sshrl.u32 s5, $0x1;
	s8 =	sand.u32 $0x380, s8;
	_ =	strace $0x80000047  }
0x9: {  	s9 =	ssub.s32 s5, s9;
	s7 =	sor.u32 s7, s8;
	s31 =	sadd.s32 s6, s3  }
0xa: {  	s4 =	sadd.s32 s4, s6;
	s6 =	smax.u32 s9, $0x1;
	s7 =	sshrl.u32 s7, $0x3  }
0xb: {  	s8 =	simm.s32 $0x2780;
	s9 =	simm.s32 $0x4F00;
	s7 =	sadd.s32 s7, s3  }
0xc: {  	v0 =	vimm.f32 $0.0e+00;
	s3 =	sadd.s32 $0xC200, s31;
	s5 =	sadd.s32 $0x16000, s7;
	s7 =	simm.s32 $0x1  }
.LBB2_1:
0xd: {  	[tilespmem:s2], [sflag:$0x1] =	stream.linear.gather [hbm4b:s3+s2], $0x2710, $0x38;
	[tilespmem:$0x7680] =	vst v63  }
0xe: {  	_ =	swait.ge [sflag:s7], $0x2710  }
0xf: {  	[sflag:s7] =	ssyncset.done $0x0  }
0x10: {  	[sflag:s7] =	ssyncadd.s32 $0xFFFFD8F0  }
0x11: {  	[tilespmem:s8], [sflag:$0x1] =	stream.linear.gather [hbm4b:s4+s2], $0x2710, $0x38;
	[tilespmem:$0x7680] =	vst v63  }
0x12: {  	_ =	swait.ge [sflag:s7], $0x2710  }
0x13: {  	[sflag:s7] =	ssyncset.done $0x0  }
0x14: {  	s13 =	simm.s32 $0x4F40;
	[sflag:s7] =	ssyncadd.s32 $0xFFFFD8F0  }
0x15: {  	[tilespmem:s13+$0xFFFFFFC0] =	vst v0  }
0x16: {  	[tilespmem:s13+$0x30] =	vst v0  }
0x17: {  	[tilespmem:s13+$0x20] =	vst v0  }
0x18: {  	[tilespmem:s13+$0x10] =	vst v0  }
0x19: {  	[tilespmem:s13+$0x0] =	vst v0  }
0x1a: {  	[tilespmem:s13+$0xFFFFFFF0] =	vst v0  }
0x1b: {  	s14 =	simm.s32 $0x0;
	[tilespmem:s13+$0xFFFFFFE0] =	vst v0  }
.LBB2_2:
0x1c: {  	s14 =	sadd.s32 $0x8, s14;
	[tilespmem:s13+$0xFFFFFFD0] =	vst v0;
	s13 =	sadd.s32 $0x80, s13  }
0x1d: {  	[tilespmem:s13+$0xFFFFFFC0] =	vst v0;
	p0 =	slt.u32 s14, $0x268  }
0x1e: {  	[tilespmem:s13+$0x30] =	vst v0  }
.Ltmp0:
0x1f: {  	[tilespmem:s13+$0x20] =	vst v0;
	(pc) =	sbr.rel @p0 .LBB2_2-.Ltmp0, $4  }
0x20: {  	[tilespmem:s13+$0x10] =	vst v0  }
0x21: {  	[tilespmem:s13+$0x0] =	vst v0  }
0x22: {  	[tilespmem:s13+$0xFFFFFFF0] =	vst v0  }
0x23: {  	[tilespmem:s13+$0xFFFFFFE0] =	vst v0  }
0x24: {  	[tilespmem:s13+$0xFFFFFFD0] =	vst v0  }
0x25: {  	s14 =	simm.s32 $0x40;
	[tilespmem:$0x7600] =	vst v0  }
0x26: {  	v1 =	vld [tilespmem:s14+$0x30]  }
0x27: {  	v2 =	vld [tilespmem:s14+$0xFFFFFFD0]  }
0x28: {  	s13 =	simm.s32 $0x27C0;
	v3 =	vld [tilespmem:s14+$0xFFFFFFE0]  }
0x29: {  	v4 =	vld [tilespmem:s13+$0x30]  }
0x2a: {  	v5 =	vld [tilespmem:s14+$0xFFFFFFF0]  }
0x2b: {  	v6 =	vld [tilespmem:s14+$0x0]  }
0x2c: {  	v7 =	vld [tilespmem:s14+$0x10]  }
0x2d: {  	v8 =	vld [tilespmem:s14+$0x20]  }
0x2e: {  	v63 =	vld [tilespmem:s13+$0xFFFFFFC0]  }
0x2f: {  	v9 =	vld [tilespmem:s13+$0xFFFFFFD0]  }
0x30: {  	v10 =	vld [tilespmem:s13+$0xFFFFFFE0]  }
0x31: {  	v11 =	vld [tilespmem:s13+$0xFFFFFFF0]  }
0x32: {  	v12 =	vld [tilespmem:s13+$0x0]  }
0x33: {  	v13 =	vld [tilespmem:s13+$0x10]  }
0x34: {  	[tilespmem:v1+s9+$0x0] =	vst.idx.add.f32.msk $0xffff, v4  }
0x35: {  	v1 =	vld [tilespmem:s14+$0xFFFFFFC0]  }
0x36: {  	v14 =	vld [tilespmem:s13+$0x20]  }
0x37: {  	[tilespmem:v2+s9+$0x0] =	vst.idx.add.f32.msk $0xffff, v9  }
0x38: {  	[tilespmem:v3+s9+$0x0] =	vst.idx.add.f32.msk $0xffff, v10  }
0x39: {  	[tilespmem:v5+s9+$0x0] =	vst.idx.add.f32.msk $0xffff, v11  }
0x3a: {  	[tilespmem:v6+s9+$0x0] =	vst.idx.add.f32.msk $0xffff, v12  }
0x3b: {  	[tilespmem:v7+s9+$0x0] =	vst.idx.add.f32.msk $0xffff, v13  }
0x3c: {  	[tilespmem:v8+s9+$0x0] =	vst.idx.add.f32.msk $0xffff, v14  }
0x3d: {  	s15 =	simm.s32 $0xC0;
	s14 =	simm.s32 $0x0;
	[tilespmem:v1+s9+$0x0] =	vst.idx.add.f32.msk $0xffff, v63  }
.LBB2_4:
0x3e: {  	v1 =	vld [tilespmem:s15+$0x30];
	s14 =	sadd.s32 $0x8, s14  }
0x3f: {  	v2 =	vld [tilespmem:s15+$0xFFFFFFD0];
	p0 =	slt.u32 s14, $0x268  }
0x40: {  	s13 =	sadd.s32 $0x80, s13;
	v3 =	vld [tilespmem:s15+$0xFFFFFFE0]  }
0x41: {  	v4 =	vld [tilespmem:s13+$0x30]  }
0x42: {  	v5 =	vld [tilespmem:s15+$0xFFFFFFF0]  }
0x43: {  	v6 =	vld [tilespmem:s15+$0x0]  }
0x44: {  	v7 =	vld [tilespmem:s15+$0x10]  }
0x45: {  	v8 =	vld [tilespmem:s15+$0x20]  }
0x46: {  	[tilespmem:v1+s9+$0x0] =	vst.idx.add.f32.msk $0xffff, v4  }
0x47: {  	v1 =	vld [tilespmem:s15+$0xFFFFFFC0]  }
0x48: {  	v4 =	vld [tilespmem:s13+$0xFFFFFFC0]  }
0x49: {  	v9 =	vld [tilespmem:s13+$0xFFFFFFD0]  }
0x4a: {  	v10 =	vld [tilespmem:s13+$0xFFFFFFE0]  }
0x4b: {  	v11 =	vld [tilespmem:s13+$0xFFFFFFF0]  }
0x4c: {  	v12 =	vld [tilespmem:s13+$0x0]  }
0x4d: {  	v13 =	vld [tilespmem:s13+$0x10]  }
0x4e: {  	v14 =	vld [tilespmem:s13+$0x20]  }
0x4f: {  	[tilespmem:v1+s9+$0x0] =	vst.idx.add.f32.msk $0xffff, v4  }
0x50: {  	[tilespmem:v2+s9+$0x0] =	vst.idx.add.f32.msk $0xffff, v9  }
.Ltmp1:
0x51: {  	[tilespmem:v3+s9+$0x0] =	vst.idx.add.f32.msk $0xffff, v10;
	(pc) =	sbr.rel @p0 .LBB2_4-.Ltmp1, $4  }
0x52: {  	[tilespmem:v5+s9+$0x0] =	vst.idx.add.f32.msk $0xffff, v11  }
0x53: {  	[tilespmem:v6+s9+$0x0] =	vst.idx.add.f32.msk $0xffff, v12  }
0x54: {  	[tilespmem:v7+s9+$0x0] =	vst.idx.add.f32.msk $0xffff, v13  }
0x55: {  	s15 =	sadd.s32 $0x80, s15;
	[tilespmem:v8+s9+$0x0] =	vst.idx.add.f32.msk $0xffff, v14  }
0x56: {  	v1 =	vld [tilespmem:$0x2700];
	_ =	sdelay $0x2  }
0x57: {  	v2 =	vld [tilespmem:$0x4E80];
	_ =	sdelay $0x2  }
0x58: {  	s12 =	sadd.s32 $0x1, s12  }
0x59: {  	p0 =	sne.s32 s12, s6  }
.Ltmp2:
0x5a: {  	[tilespmem:v1+s9+$0x0] =	vst.idx.add.f32.msk $0xffff, v2;
	(pc) =	sbr.rel @p0 .LBB2_1-.Ltmp2, $4  }
0x5b: {  	[hbm4b:s5+s10] =	stream.strided.scatter [tilespmem:s9], [sflag:$0x1], $0x2780, s11, s10, $0x38;
	[tilespmem:$0x7680] =	vst v63  }
0x5c: {  	_ =	swait.ge [sflag:s7], $0x2780  }
0x5d: {  	[sflag:s7] =	ssyncset.done $0x0  }
0x5e: {  	[sflag:s7] =	ssyncadd.s32 $0xFFFFD880  }
0x5f: {  	_ =	sfence.sel $0x180000  }
0x60: {  	[bflag:$0x0] =	sbarrier.arrive $0xFFFF  }
0x61: {  	p0 =	sne.s32 s0, $0x0;
	_ =	strace $0x90000047  }
0x62: {  	s0 =	sadd.s32 @!p0 $0x100000, s1;
	[bflag:$0x2] =	sbarrier.arrive $0xFFFF  }
0x63: {  	[sflag:s0] =	ssyncadd.tile.s32 @!p0 $0x1;
	_ =	shalt  }
.Lfunc_end2:
_tile_overlayer_lowered:
.L_overlay_start_2:
0x64: {  	(tag) =	ssettag $0x2  }
0x65: {  	s0 =	rddreg [dreg:$0x0];
	s2 =	stileid.u32  }
0x66: {  	s1 =	rddreg [dreg:$0x1];
	p0 =	sne.s32 s2, $0x0  }
0x67: {  	s3 =	rddreg [dreg:$0x2];
	[bflag:$0x3] =	sbarrier.arrive $0xFFFF;
	s2 =	simm.s32 @!p0 $0x1C01  }
0x68: {  	[timem:s3], [sflag:s2] =	dma.local @!p0 [hbm:s0], s1  }
0x69: {  	s0 =	simm.s32 @!p0 $0x1  }
0x6a: {  	_ =	swait.ge @!p0 [sflag:s0], s1  }
0x6b: {  	s1 =	ssub.s32 @!p0 $0x0, s1;
	[sflag:s0] =	ssyncset.done @!p0 $0x0  }
0x6c: {  	[sflag:s0] =	ssyncadd.s32 @!p0 s1  }
0x6d: {  	[bflag:$0x3] =	sbarrier.arrive $0xFFFF  }
0x6e: {  	_ =	shalt  }

</sc_bundles>
